<compile_context>
chip_gen: v7x
topology: tpu7x:2x2x1
jax: 0.10.2.dev20260603
libtpu: 0.0.44.dev20260713+nightly
codegen_flags: <defaults>
</compile_context>

<pallas_src>
import functools

import jax
import jax.numpy as jnp
from jax import lax
from jax.experimental import pallas as pl
from jax.experimental.pallas import tpu as pltpu
from jax.experimental.pallas import tpu_sc as plsc

_NC = 2
_NS = 16
_L = 16


def _sc_body(b, d, h, w, col_hbm, row_hbm, out_hbm, tbl_v, pat1, pat2, sem):
    d2 = d // 2
    sid = lax.axis_index("s")
    wid = sid * _NC + lax.axis_index("c")

    pltpu.sync_copy(col_hbm, tbl_v.at[pl.ds(0, w * d2)])
    pltpu.sync_copy(row_hbm, tbl_v.at[pl.ds(w * d2, h * d2)])

    rbase = w * d2 + wid * d2
    rvecs = [tbl_v[pl.ds(rbase + c * _L, _L)] for c in range(d2 // _L)]

    for ww in range(w):
        for c in range(d2 // _L):
            pat1[pl.ds(ww * d + c * _L, _L)] = tbl_v[pl.ds(ww * d2 + c * _L, _L)]
            pat1[pl.ds(ww * d + d2 + c * _L, _L)] = rvecs[c]

    local = [
        pltpu.make_async_copy(pat1.at[pl.ds(ww * d, d)], pat2.at[sid, ww], sem)
        for ww in range(w)
    ]
    for c in local:
        c.start()
    for c in local:
        c.wait()

    copies = [
        pltpu.make_async_copy(pat2.at[sid], out_hbm.at[bi, wid], sem)
        for bi in range(b)
    ]
    for c in copies:
        c.start()
    for c in copies:
        c.wait()


def kernel(tensor, row_embed, col_embed):
    b = tensor.shape[0]
    h, w = tensor.shape[-2], tensor.shape[-1]
    d2 = row_embed.shape[-1]
    d = 2 * d2
    mesh = plsc.VectorSubcoreMesh(core_axis_name="c", subcore_axis_name="s")
    sc_call = pl.kernel(
        functools.partial(_sc_body, b, d, h, w),
        out_type=jax.ShapeDtypeStruct((b, h, w, d), jnp.float32),
        mesh=mesh,
        scratch_types=[
            pltpu.VMEM(((w + h) * d2,), jnp.float32),
            pltpu.VMEM((w * d,), jnp.float32),
            pltpu.VMEM_SHARED((_NS, w, d), jnp.float32),
            pltpu.SemaphoreType.DMA,
        ],
    )
    out = sc_call(col_embed[:w].reshape(-1), row_embed[:h].reshape(-1))
    return jnp.transpose(out, (0, 3, 1, 2))

# --- scband reference (transcript-rebuilt; emitter-appended) ---
"""Pipeline reference for scband-position-embedding-learned-15607911154334 (READ-ONLY COPY).

The authoritative reference and input builder live on the scoring server;
editing this copy changes nothing except your own understanding.
"""

import jax, jax.numpy as jnp
import numpy as np

NUM_POS_FEATS = 256

def setup_inputs(seed: int = 0) -> dict:
    key = jax.random.key(seed)
    k1, k2, k3 = jax.random.split(key, 3)
    tensor = jax.random.normal(k1, (16, 768, 32, 32), dtype=jnp.float32)
    row_embed = jax.random.uniform(k2, (50, NUM_POS_FEATS // 2), dtype=jnp.float32)
    col_embed = jax.random.uniform(k3, (50, NUM_POS_FEATS // 2), dtype=jnp.float32)
    return {"tensor": tensor, "row_embed": row_embed, "col_embed": col_embed}

def reference(tensor, row_embed, col_embed):
    x = tensor
    b = x.shape[0]
    h, w = x.shape[-2], x.shape[-1]
    i = jnp.arange(w)
    j = jnp.arange(h)
    x_emb = jnp.take(col_embed, i, axis=0)  # [w, d/2]
    y_emb = jnp.take(row_embed, j, axis=0)  # [h, d/2]
    d2 = x_emb.shape[-1]
    x_part = jnp.broadcast_to(x_emb[None, :, :], (h, w, d2))
    y_part = jnp.broadcast_to(y_emb[:, None, :], (h, w, d2))
    pos = jnp.concatenate([x_part, y_part], axis=-1)  # [h, w, d]
    pos = jnp.transpose(pos, (2, 0, 1))  # [d, h, w]
    pos = jnp.tile(pos[None, :, :, :], (b, 1, 1, 1))  # [b, d, h, w]
    return pos

if __name__ == "__main__":
    import jax
    _d = setup_inputs()
    print(jax.jit(kernel)(*tuple(_d.values())))

</pallas_src>

<mosaic_0001>
#map = affine_map<(d0, d1) -> (0)>
#map1 = affine_map<(d0, d1) -> (0, 0, 0, 0)>
module attributes {stable_mosaic.version = 14 : i64} {
  func.func @_sc_body(%arg0: i32, %arg1: i32, %arg2: memref<4096xf32, #tpu.memory_space<hbm>>, %arg3: memref<4096xf32, #tpu.memory_space<hbm>>, %arg4: memref<16x32x32x256xf32, #tpu.memory_space<hbm>>, %arg5: memref<8192xf32, #tpu.memory_space<vmem>>, %arg6: memref<8192xf32, #tpu.memory_space<vmem>>, %arg7: memref<16x32x256xf32, #tpu.memory_space<vmem_shared>>, %arg8: memref<!tpu.dma_semaphore, #tpu.memory_space<semaphore_mem>>) attributes {dimension_semantics = [#tpu.dimension_semantics<core_parallel>, #tpu.dimension_semantics<subcore_parallel>], iteration_bounds = array<i64: 2, 16>, scalar_prefetch = 0 : i64, scratch_operands = 4 : i64, tpu.core_type = #tpu.core_type<sc_vector_subcore>, window_params = [{transform_indices = #map}, {transform_indices = #map}, {transform_indices = #map1}]} {
    %mul3A = arith.constant 2 : i32
    %mul3A_0 = arith.muli %arg1, %mul3A : i32
    %add3A = arith.addi %mul3A_0, %arg0 : i32
    "tpu.region"() ({
      %run_scoped3A = tpu.sem_alloc : memref<!tpu.dma_semaphore, #tpu.memory_space<semaphore_mem>>
      %dma_start3A_3849 = arith.constant 0 : i32
      %dma_start3A_3850 = tpu.memref_slice %arg5[%dma_start3A_3849] : memref<8192xf32, #tpu.memory_space<vmem>> -> memref<4096xf32, #tpu.memory_space<vmem>>
      %dma_start3A_3851 = arith.constant 0 : i32
      %dma_start3A_3852 = tpu.memref_slice %arg5[%dma_start3A_3851] : memref<8192xf32, #tpu.memory_space<vmem>> -> memref<4096xf32, #tpu.memory_space<vmem>>
      tpu.enqueue_dma source(%arg2 : memref<4096xf32, #tpu.memory_space<hbm>>) target(%dma_start3A_3852 : memref<4096xf32, #tpu.memory_space<vmem>>) target_semaphore(%run_scoped3A : memref<!tpu.dma_semaphore, #tpu.memory_space<semaphore_mem>>)
      %dma_wait3A_3853 = arith.constant 0 : i32
      %dma_wait3A_3854 = tpu.memref_slice %arg5[%dma_wait3A_3853] : memref<8192xf32, #tpu.memory_space<vmem>> -> memref<4096xf32, #tpu.memory_space<vmem>>
      %dma_wait3A_3855 = arith.constant 0 : i32
      %dma_wait3A_3856 = tpu.memref_slice %arg5[%dma_wait3A_3855] : memref<8192xf32, #tpu.memory_space<vmem>> -> memref<4096xf32, #tpu.memory_space<vmem>>
      tpu.wait_dma2 semaphore(%run_scoped3A : memref<!tpu.dma_semaphore, #tpu.memory_space<semaphore_mem>>) src(%arg2 : memref<4096xf32, #tpu.memory_space<hbm>>) dst(%dma_wait3A_3856 : memref<4096xf32, #tpu.memory_space<vmem>>)
      tpu.yield
    }) : () -> ()
    "tpu.region"() ({
      %run_scoped3A = tpu.sem_alloc : memref<!tpu.dma_semaphore, #tpu.memory_space<semaphore_mem>>
      %dma_start3A_3849 = arith.constant 4096 : i32
      %dma_start3A_3850 = tpu.memref_slice %arg5[%dma_start3A_3849] : memref<8192xf32, #tpu.memory_space<vmem>> -> memref<4096xf32, #tpu.memory_space<vmem>>
      %dma_start3A_3851 = arith.constant 4096 : i32
      %dma_start3A_3852 = tpu.memref_slice %arg5[%dma_start3A_3851] : memref<8192xf32, #tpu.memory_space<vmem>> -> memref<4096xf32, #tpu.memory_space<vmem>>
      tpu.enqueue_dma source(%arg3 : memref<4096xf32, #tpu.memory_space<hbm>>) target(%dma_start3A_3852 : memref<4096xf32, #tpu.memory_space<vmem>>) target_semaphore(%run_scoped3A : memref<!tpu.dma_semaphore, #tpu.memory_space<semaphore_mem>>)
      %dma_wait3A_3853 = arith.constant 4096 : i32
      %dma_wait3A_3854 = tpu.memref_slice %arg5[%dma_wait3A_3853] : memref<8192xf32, #tpu.memory_space<vmem>> -> memref<4096xf32, #tpu.memory_space<vmem>>
      %dma_wait3A_3855 = arith.constant 4096 : i32
      %dma_wait3A_3856 = tpu.memref_slice %arg5[%dma_wait3A_3855] : memref<8192xf32, #tpu.memory_space<vmem>> -> memref<4096xf32, #tpu.memory_space<vmem>>
      tpu.wait_dma2 semaphore(%run_scoped3A : memref<!tpu.dma_semaphore, #tpu.memory_space<semaphore_mem>>) src(%arg3 : memref<4096xf32, #tpu.memory_space<hbm>>) dst(%dma_wait3A_3856 : memref<4096xf32, #tpu.memory_space<vmem>>)
      tpu.yield
    }) : () -> ()
    %mul3A_1 = arith.constant 128 : i32
    %mul3A_2 = arith.muli %add3A, %mul3A_1 : i32
    %add3A_3 = arith.constant 4096 : i32
    %add3A_4 = arith.addi %add3A_3, %mul3A_2 : i32
    %add3A_5 = arith.constant 0 : i32
    %add3A_6 = arith.addi %add3A_4, %add3A_5 : i32
    %get3A = arith.index_cast %add3A_6 : i32 to index
    %get3A_7 = tpu.vector_load %arg5[%get3A] {strides = array<i32>} : memref<8192xf32, #tpu.memory_space<vmem>>, vector<16xf32>,
    %get3A_8 = vector.shape_cast %get3A_7 : vector<16xf32> to vector<16xf32>
    %add3A_9 = arith.constant 16 : i32
    %add3A_10 = arith.addi %add3A_4, %add3A_9 : i32
    %get3A_11 = arith.index_cast %add3A_10 : i32 to index
    %get3A_12 = tpu.vector_load %arg5[%get3A_11] {strides = array<i32>} : memref<8192xf32, #tpu.memory_space<vmem>>, vector<16xf32>,
    %get3A_13 = vector.shape_cast %get3A_12 : vector<16xf32> to vector<16xf32>
    %add3A_14 = arith.constant 32 : i32
    %add3A_15 = arith.addi %add3A_4, %add3A_14 : i32
    %get3A_16 = arith.index_cast %add3A_15 : i32 to index
    %get3A_17 = tpu.vector_load %arg5[%get3A_16] {strides = array<i32>} : memref<8192xf32, #tpu.memory_space<vmem>>, vector<16xf32>,
    %get3A_18 = vector.shape_cast %get3A_17 : vector<16xf32> to vector<16xf32>
    %add3A_19 = arith.constant 48 : i32
    %add3A_20 = arith.addi %add3A_4, %add3A_19 : i32
    %get3A_21 = arith.index_cast %add3A_20 : i32 to index
    %get3A_22 = tpu.vector_load %arg5[%get3A_21] {strides = array<i32>} : memref<8192xf32, #tpu.memory_space<vmem>>, vector<16xf32>,
    %get3A_23 = vector.shape_cast %get3A_22 : vector<16xf32> to vector<16xf32>
    %add3A_24 = arith.constant 64 : i32
    %add3A_25 = arith.addi %add3A_4, %add3A_24 : i32
    %get3A_26 = arith.index_cast %add3A_25 : i32 to index
    %get3A_27 = tpu.vector_load %arg5[%get3A_26] {strides = array<i32>} : memref<8192xf32, #tpu.memory_space<vmem>>, vector<16xf32>,
    %get3A_28 = vector.shape_cast %get3A_27 : vector<16xf32> to vector<16xf32>
    %add3A_29 = arith.constant 80 : i32
    %add3A_30 = arith.addi %add3A_4, %add3A_29 : i32
    %get3A_31 = arith.index_cast %add3A_30 : i32 to index
    %get3A_32 = tpu.vector_load %arg5[%get3A_31] {strides = array<i32>} : memref<8192xf32, #tpu.memory_space<vmem>>, vector<16xf32>,
    %get3A_33 = vector.shape_cast %get3A_32 : vector<16xf32> to vector<16xf32>
    %add3A_34 = arith.constant 96 : i32
    %add3A_35 = arith.addi %add3A_4, %add3A_34 : i32
    %get3A_36 = arith.index_cast %add3A_35 : i32 to index
    %get3A_37 = tpu.vector_load %arg5[%get3A_36] {strides = array<i32>} : memref<8192xf32, #tpu.memory_space<vmem>>, vector<16xf32>,
    %get3A_38 = vector.shape_cast %get3A_37 : vector<16xf32> to vector<16xf32>
    %add3A_39 = arith.constant 112 : i32
    %add3A_40 = arith.addi %add3A_4, %add3A_39 : i32
    %get3A_41 = arith.index_cast %add3A_40 : i32 to index
    %get3A_42 = tpu.vector_load %arg5[%get3A_41] {strides = array<i32>} : memref<8192xf32, #tpu.memory_space<vmem>>, vector<16xf32>,
    %get3A_43 = vector.shape_cast %get3A_42 : vector<16xf32> to vector<16xf32>
    %get3A_44 = arith.constant 0 : index
    %get3A_45 = tpu.vector_load %arg5[%get3A_44] {strides = array<i32>} : memref<8192xf32, #tpu.memory_space<vmem>>, vector<16xf32>,
    %get3A_46 = vector.shape_cast %get3A_45 : vector<16xf32> to vector<16xf32>
    %swap3A = arith.constant 0 : index
    %swap3A_47 = tpu.vector_load %arg6[%swap3A] {strides = array<i32>} : memref<8192xf32, #tpu.memory_space<vmem>>, vector<16xf32>,
    %swap3A_48 = vector.shape_cast %swap3A_47 : vector<16xf32> to vector<16xf32>
    %swap3A_49 = vector.shape_cast %get3A_46 : vector<16xf32> to vector<16xf32>
    tpu.vector_store %arg6[%swap3A], %swap3A_49 {strides = array<i32>} : memref<8192xf32, #tpu.memory_space<vmem>>, vector<16xf32>,
    %swap3A_50 = arith.constant 128 : index
    %swap3A_51 = tpu.vector_load %arg6[%swap3A_50] {strides = array<i32>} : memref<8192xf32, #tpu.memory_space<vmem>>, vector<16xf32>,
    %swap3A_52 = vector.shape_cast %swap3A_51 : vector<16xf32> to vector<16xf32>
    %swap3A_53 = vector.shape_cast %get3A_8 : vector<16xf32> to vector<16xf32>
    tpu.vector_store %arg6[%swap3A_50], %swap3A_53 {strides = array<i32>} : memref<8192xf32, #tpu.memory_space<vmem>>, vector<16xf32>,
    %get3A_54 = arith.constant 16 : index
    %get3A_55 = tpu.vector_load %arg5[%get3A_54] {strides = array<i32>} : memref<8192xf32, #tpu.memory_space<vmem>>, vector<16xf32>,
    %get3A_56 = vector.shape_cast %get3A_55 : vector<16xf32> to vector<16xf32>
    %swap3A_57 = arith.constant 16 : index
    %swap3A_58 = tpu.vector_load %arg6[%swap3A_57] {strides = array<i32>} : memref<8192xf32, #tpu.memory_space<vmem>>, vector<16xf32>,
    %swap3A_59 = vector.shape_cast %swap3A_58 : vector<16xf32> to vector<16xf32>
    %swap3A_60 = vector.shape_cast %get3A_56 : vector<16xf32> to vector<16xf32>
    tpu.vector_store %arg6[%swap3A_57], %swap3A_60 {strides = array<i32>} : memref<8192xf32, #tpu.memory_space<vmem>>, vector<16xf32>,
    %swap3A_61 = arith.constant 144 : index
    %swap3A_62 = tpu.vector_load %arg6[%swap3A_61] {strides = array<i32>} : memref<8192xf32, #tpu.memory_space<vmem>>, vector<16xf32>,
    %swap3A_63 = vector.shape_cast %swap3A_62 : vector<16xf32> to vector<16xf32>
    %swap3A_64 = vector.shape_cast %get3A_13 : vector<16xf32> to vector<16xf32>
    tpu.vector_store %arg6[%swap3A_61], %swap3A_64 {strides = array<i32>} : memref<8192xf32, #tpu.memory_space<vmem>>, vector<16xf32>,
    %get3A_65 = arith.constant 32 : index
    %get3A_66 = tpu.vector_load %arg5[%get3A_65] {strides = array<i32>} : memref<8192xf32, #tpu.memory_space<vmem>>, vector<16xf32>,
    %get3A_67 = vector.shape_cast %get3A_66 : vector<16xf32> to vector<16xf32>
    %swap3A_68 = arith.constant 32 : index
    %swap3A_69 = tpu.vector_load %arg6[%swap3A_68] {strides = array<i32>} : memref<8192xf32, #tpu.memory_space<vmem>>, vector<16xf32>,
    %swap3A_70 = vector.shape_cast %swap3A_69 : vector<16xf32> to vector<16xf32>
    %swap3A_71 = vector.shape_cast %get3A_67 : vector<16xf32> to vector<16xf32>
    tpu.vector_store %arg6[%swap3A_68], %swap3A_71 {strides = array<i32>} : memref<8192xf32, #tpu.memory_space<vmem>>, vector<16xf32>,
    %swap3A_72 = arith.constant 160 : index
    %swap3A_73 = tpu.vector_load %arg6[%swap3A_72] {strides = array<i32>} : memref<8192xf32, #tpu.memory_space<vmem>>, vector<16xf32>,
    %swap3A_74 = vector.shape_cast %swap3A_73 : vector<16xf32> to vector<16xf32>
    %swap3A_75 = vector.shape_cast %get3A_18 : vector<16xf32> to vector<16xf32>
    tpu.vector_store %arg6[%swap3A_72], %swap3A_75 {strides = array<i32>} : memref<8192xf32, #tpu.memory_space<vmem>>, vector<16xf32>,
    %get3A_76 = arith.constant 48 : index
    %get3A_77 = tpu.vector_load %arg5[%get3A_76] {strides = array<i32>} : memref<8192xf32, #tpu.memory_space<vmem>>, vector<16xf32>,
    %get3A_78 = vector.shape_cast %get3A_77 : vector<16xf32> to vector<16xf32>
    %swap3A_79 = arith.constant 48 : index
    %swap3A_80 = tpu.vector_load %arg6[%swap3A_79] {strides = array<i32>} : memref<8192xf32, #tpu.memory_space<vmem>>, vector<16xf32>,
    %swap3A_81 = vector.shape_cast %swap3A_80 : vector<16xf32> to vector<16xf32>
    %swap3A_82 = vector.shape_cast %get3A_78 : vector<16xf32> to vector<16xf32>
    tpu.vector_store %arg6[%swap3A_79], %swap3A_82 {strides = array<i32>} : memref<8192xf32, #tpu.memory_space<vmem>>, vector<16xf32>,
    %swap3A_83 = arith.constant 176 : index
    %swap3A_84 = tpu.vector_load %arg6[%swap3A_83] {strides = array<i32>} : memref<8192xf32, #tpu.memory_space<vmem>>, vector<16xf32>,
    %swap3A_85 = vector.shape_cast %swap3A_84 : vector<16xf32> to vector<16xf32>
    %swap3A_86 = vector.shape_cast %get3A_23 : vector<16xf32> to vector<16xf32>
    tpu.vector_store %arg6[%swap3A_83], %swap3A_86 {strides = array<i32>} : memref<8192xf32, #tpu.memory_space<vmem>>, vector<16xf32>,
    %get3A_87 = arith.constant 64 : index
    %get3A_88 = tpu.vector_load %arg5[%get3A_87] {strides = array<i32>} : memref<8192xf32, #tpu.memory_space<vmem>>, vector<16xf32>,
    %get3A_89 = vector.shape_cast %get3A_88 : vector<16xf32> to vector<16xf32>
    %swap3A_90 = arith.constant 64 : index
    %swap3A_91 = tpu.vector_load %arg6[%swap3A_90] {strides = array<i32>} : memref<8192xf32, #tpu.memory_space<vmem>>, vector<16xf32>,
    %swap3A_92 = vector.shape_cast %swap3A_91 : vector<16xf32> to vector<16xf32>
    %swap3A_93 = vector.shape_cast %get3A_89 : vector<16xf32> to vector<16xf32>
    tpu.vector_store %arg6[%swap3A_90], %swap3A_93 {strides = array<i32>} : memref<8192xf32, #tpu.memory_space<vmem>>, vector<16xf32>,
    %swap3A_94 = arith.constant 192 : index
    %swap3A_95 = tpu.vector_load %arg6[%swap3A_94] {strides = array<i32>} : memref<8192xf32, #tpu.memory_space<vmem>>, vector<16xf32>,
    %swap3A_96 = vector.shape_cast %swap3A_95 : vector<16xf32> to vector<16xf32>
    %swap3A_97 = vector.shape_cast %get3A_28 : vector<16xf32> to vector<16xf32>
    tpu.vector_store %arg6[%swap3A_94], %swap3A_97 {strides = array<i32>} : memref<8192xf32, #tpu.memory_space<vmem>>, vector<16xf32>,
    %get3A_98 = arith.constant 80 : index
    %get3A_99 = tpu.vector_load %arg5[%get3A_98] {strides = array<i32>} : memref<8192xf32, #tpu.memory_space<vmem>>, vector<16xf32>,
    %get3A_100 = vector.shape_cast %get3A_99 : vector<16xf32> to vector<16xf32>
    %swap3A_101 = arith.constant 80 : index
    %swap3A_102 = tpu.vector_load %arg6[%swap3A_101] {strides = array<i32>} : memref<8192xf32, #tpu.memory_space<vmem>>, vector<16xf32>,
    %swap3A_103 = vector.shape_cast %swap3A_102 : vector<16xf32> to vector<16xf32>
    %swap3A_104 = vector.shape_cast %get3A_100 : vector<16xf32> to vector<16xf32>
    tpu.vector_store %arg6[%swap3A_101], %swap3A_104 {strides = array<i32>} : memref<8192xf32, #tpu.memory_space<vmem>>, vector<16xf32>,
    %swap3A_105 = arith.constant 208 : index
    %swap3A_106 = tpu.vector_load %arg6[%swap3A_105] {strides = array<i32>} : memref<8192xf32, #tpu.memory_space<vmem>>, vector<16xf32>,
    %swap3A_107 = vector.shape_cast %swap3A_106 : vector<16xf32> to vector<16xf32>
    %swap3A_108 = vector.shape_cast %get3A_33 : vector<16xf32> to vector<16xf32>
    tpu.vector_store %arg6[%swap3A_105], %swap3A_108 {strides = array<i32>} : memref<8192xf32, #tpu.memory_space<vmem>>, vector<16xf32>,
    %get3A_109 = arith.constant 96 : index
    %get3A_110 = tpu.vector_load %arg5[%get3A_109] {strides = array<i32>} : memref<8192xf32, #tpu.memory_space<vmem>>, vector<16xf32>,
    %get3A_111 = vector.shape_cast %get3A_110 : vector<16xf32> to vector<16xf32>
    %swap3A_112 = arith.constant 96 : index
    %swap3A_113 = tpu.vector_load %arg6[%swap3A_112] {strides = array<i32>} : memref<8192xf32, #tpu.memory_space<vmem>>, vector<16xf32>,
    %swap3A_114 = vector.shape_cast %swap3A_113 : vector<16xf32> to vector<16xf32>
    %swap3A_115 = vector.shape_cast %get3A_111 : vector<16xf32> to vector<16xf32>
    tpu.vector_store %arg6[%swap3A_112], %swap3A_115 {strides = array<i32>} : memref<8192xf32, #tpu.memory_space<vmem>>, vector<16xf32>,
    %swap3A_116 = arith.constant 224 : index
    %swap3A_117 = tpu.vector_load %arg6[%swap3A_116] {strides = array<i32>} : memref<8192xf32, #tpu.memory_space<vmem>>, vector<16xf32>,
    %swap3A_118 = vector.shape_cast %swap3A_117 : vector<16xf32> to vector<16xf32>
    %swap3A_119 = vector.shape_cast %get3A_38 : vector<16xf32> to vector<16xf32>
    tpu.vector_store %arg6[%swap3A_116], %swap3A_119 {strides = array<i32>} : memref<8192xf32, #tpu.memory_space<vmem>>, vector<16xf32>,
    %get3A_120 = arith.constant 112 : index
    %get3A_121 = tpu.vector_load %arg5[%get3A_120] {strides = array<i32>} : memref<8192xf32, #tpu.memory_space<vmem>>, vector<16xf32>,
    %get3A_122 = vector.shape_cast %get3A_121 : vector<16xf32> to vector<16xf32>
    %swap3A_123 = arith.constant 112 : index
    %swap3A_124 = tpu.vector_load %arg6[%swap3A_123] {strides = array<i32>} : memref<8192xf32, #tpu.memory_space<vmem>>, vector<16xf32>,
    %swap3A_125 = vector.shape_cast %swap3A_124 : vector<16xf32> to vector<16xf32>
    %swap3A_126 = vector.shape_cast %get3A_122 : vector<16xf32> to vector<16xf32>
    tpu.vector_store %arg6[%swap3A_123], %swap3A_126 {strides = array<i32>} : memref<8192xf32, #tpu.memory_space<vmem>>, vector<16xf32>,
    %swap3A_127 = arith.constant 240 : index
    %swap3A_128 = tpu.vector_load %arg6[%swap3A_127] {strides = array<i32>} : memref<8192xf32, #tpu.memory_space<vmem>>, vector<16xf32>,
    %swap3A_129 = vector.shape_cast %swap3A_128 : vector<16xf32> to vector<16xf32>
    %swap3A_130 = vector.shape_cast %get3A_43 : vector<16xf32> to vector<16xf32>
    tpu.vector_store %arg6[%swap3A_127], %swap3A_130 {strides = array<i32>} : memref<8192xf32, #tpu.memory_space<vmem>>, vector<16xf32>,
    %get3A_131 = arith.constant 128 : index
    %get3A_132 = tpu.vector_load %arg5[%get3A_131] {strides = array<i32>} : memref<8192xf32, #tpu.memory_space<vmem>>, vector<16xf32>,
    %get3A_133 = vector.shape_cast %get3A_132 : vector<16xf32> to vector<16xf32>
    %swap3A_134 = arith.constant 256 : index
    %swap3A_135 = tpu.vector_load %arg6[%swap3A_134] {strides = array<i32>} : memref<8192xf32, #tpu.memory_space<vmem>>, vector<16xf32>,
    %swap3A_136 = vector.shape_cast %swap3A_135 : vector<16xf32> to vector<16xf32>
    %swap3A_137 = vector.shape_cast %get3A_133 : vector<16xf32> to vector<16xf32>
    tpu.vector_store %arg6[%swap3A_134], %swap3A_137 {strides = array<i32>} : memref<8192xf32, #tpu.memory_space<vmem>>, vector<16xf32>,
    %swap3A_138 = arith.constant 384 : index
    %swap3A_139 = tpu.vector_load %arg6[%swap3A_138] {strides = array<i32>} : memref<8192xf32, #tpu.memory_space<vmem>>, vector<16xf32>,
    %swap3A_140 = vector.shape_cast %swap3A_139 : vector<16xf32> to vector<16xf32>
    %swap3A_141 = vector.shape_cast %get3A_8 : vector<16xf32> to vector<16xf32>
    tpu.vector_store %arg6[%swap3A_138], %swap3A_141 {strides = array<i32>} : memref<8192xf32, #tpu.memory_space<vmem>>, vector<16xf32>,
    %get3A_142 = arith.constant 144 : index
    %get3A_143 = tpu.vector_load %arg5[%get3A_142] {strides = array<i32>} : memref<8192xf32, #tpu.memory_space<vmem>>, vector<16xf32>,
    %get3A_144 = vector.shape_cast %get3A_143 : vector<16xf32> to vector<16xf32>
    %swap3A_145 = arith.constant 272 : index
    %swap3A_146 = tpu.vector_load %arg6[%swap3A_145] {strides = array<i32>} : memref<8192xf32, #tpu.memory_space<vmem>>, vector<16xf32>,
    %swap3A_147 = vector.shape_cast %swap3A_146 : vector<16xf32> to vector<16xf32>
    %swap3A_148 = vector.shape_cast %get3A_144 : vector<16xf32> to vector<16xf32>
    tpu.vector_store %arg6[%swap3A_145], %swap3A_148 {strides = array<i32>} : memref<8192xf32, #tpu.memory_space<vmem>>, vector<16xf32>,
    %swap3A_149 = arith.constant 400 : index
    %swap3A_150 = tpu.vector_load %arg6[%swap3A_149] {strides = array<i32>} : memref<8192xf32, #tpu.memory_space<vmem>>, vector<16xf32>,
    %swap3A_151 = vector.shape_cast %swap3A_150 : vector<16xf32> to vector<16xf32>
    %swap3A_152 = vector.shape_cast %get3A_13 : vector<16xf32> to vector<16xf32>
    tpu.vector_store %arg6[%swap3A_149], %swap3A_152 {strides = array<i32>} : memref<8192xf32, #tpu.memory_space<vmem>>, vector<16xf32>,
    %get3A_153 = arith.constant 160 : index
    %get3A_154 = tpu.vector_load %arg5[%get3A_153] {strides = array<i32>} : memref<8192xf32, #tpu.memory_space<vmem>>, vector<16xf32>,
    %get3A_155 = vector.shape_cast %get3A_154 : vector<16xf32> to vector<16xf32>
    %swap3A_156 = arith.constant 288 : index
    %swap3A_157 = tpu.vector_load %arg6[%swap3A_156] {strides = array<i32>} : memref<8192xf32, #tpu.memory_space<vmem>>, vector<16xf32>,
    %swap3A_158 = vector.shape_cast %swap3A_157 : vector<16xf32> to vector<16xf32>
    %swap3A_159 = vector.shape_cast %get3A_155 : vector<16xf32> to vector<16xf32>
    tpu.vector_store %arg6[%swap3A_156], %swap3A_159 {strides = array<i32>} : memref<8192xf32, #tpu.memory_space<vmem>>, vector<16xf32>,
    %swap3A_160 = arith.constant 416 : index
    %swap3A_161 = tpu.vector_load %arg6[%swap3A_160] {strides = array<i32>} : memref<8192xf32, #tpu.memory_space<vmem>>, vector<16xf32>,
    %swap3A_162 = vector.shape_cast %swap3A_161 : vector<16xf32> to vector<16xf32>
    %swap3A_163 = vector.shape_cast %get3A_18 : vector<16xf32> to vector<16xf32>
    tpu.vector_store %arg6[%swap3A_160], %swap3A_163 {strides = array<i32>} : memref<8192xf32, #tpu.memory_space<vmem>>, vector<16xf32>,
    %get3A_164 = arith.constant 176 : index
    %get3A_165 = tpu.vector_load %arg5[%get3A_164] {strides = array<i32>} : memref<8192xf32, #tpu.memory_space<vmem>>, vector<16xf32>,
    %get3A_166 = vector.shape_cast %get3A_165 : vector<16xf32> to vector<16xf32>
    %swap3A_167 = arith.constant 304 : index
    %swap3A_168 = tpu.vector_load %arg6[%swap3A_167] {strides = array<i32>} : memref<8192xf32, #tpu.memory_space<vmem>>, vector<16xf32>,
    %swap3A_169 = vector.shape_cast %swap3A_168 : vector<16xf32> to vector<16xf32>
    %swap3A_170 = vector.shape_cast %get3A_166 : vector<16xf32> to vector<16xf32>
    tpu.vector_store %arg6[%swap3A_167], %swap3A_170 {strides = array<i32>} : memref<8192xf32, #tpu.memory_space<vmem>>, vector<16xf32>,
    %swap3A_171 = arith.constant 432 : index
    %swap3A_172 = tpu.vector_load %arg6[%swap3A_171] {strides = array<i32>} : memref<8192xf32, #tpu.memory_space<vmem>>, vector<16xf32>,
    %swap3A_173 = vector.shape_cast %swap3A_172 : vector<16xf32> to vector<16xf32>
    %swap3A_174 = vector.shape_cast %get3A_23 : vector<16xf32> to vector<16xf32>
    tpu.vector_store %arg6[%swap3A_171], %swap3A_174 {strides = array<i32>} : memref<8192xf32, #tpu.memory_space<vmem>>, vector<16xf32>,
    %get3A_175 = arith.constant 192 : index
    %get3A_176 = tpu.vector_load %arg5[%get3A_175] {strides = array<i32>} : memref<8192xf32, #tpu.memory_space<vmem>>, vector<16xf32>,
    %get3A_177 = vector.shape_cast %get3A_176 : vector<16xf32> to vector<16xf32>
    %swap3A_178 = arith.constant 320 : index
    %swap3A_179 = tpu.vector_load %arg6[%swap3A_178] {strides = array<i32>} : memref<8192xf32, #tpu.memory_space<vmem>>, vector<16xf32>,
    %swap3A_180 = vector.shape_cast %swap3A_179 : vector<16xf32> to vector<16xf32>
    %swap3A_181 = vector.shape_cast %get3A_177 : vector<16xf32> to vector<16xf32>
    tpu.vector_store %arg6[%swap3A_178], %swap3A_181 {strides = array<i32>} : memref<8192xf32, #tpu.memory_space<vmem>>, vector<16xf32>,
    %swap3A_182 = arith.constant 448 : index
    %swap3A_183 = tpu.vector_load %arg6[%swap3A_182] {strides = array<i32>} : memref<8192xf32, #tpu.memory_space<vmem>>, vector<16xf32>,
    %swap3A_184 = vector.shape_cast %swap3A_183 : vector<16xf32> to vector<16xf32>
    %swap3A_185 = vector.shape_cast %get3A_28 : vector<16xf32> to vector<16xf32>
    tpu.vector_store %arg6[%swap3A_182], %swap3A_185 {strides = array<i32>} : memref<8192xf32, #tpu.memory_space<vmem>>, vector<16xf32>,
    %get3A_186 = arith.constant 208 : index
    %get3A_187 = tpu.vector_load %arg5[%get3A_186] {strides = array<i32>} : memref<8192xf32, #tpu.memory_space<vmem>>, vector<16xf32>,
    %get3A_188 = vector.shape_cast %get3A_187 : vector<16xf32> to vector<16xf32>
    %swap3A_189 = arith.constant 336 : index
    %swap3A_190 = tpu.vector_load %arg6[%swap3A_189] {strides = array<i32>} : memref<8192xf32, #tpu.memory_space<vmem>>, vector<16xf32>,
    %swap3A_191 = vector.shape_cast %swap3A_190 : vector<16xf32> to vector<16xf32>
    %swap3A_192 = vector.shape_cast %get3A_188 : vector<16xf32> to vector<16xf32>
    tpu.vector_store %arg6[%swap3A_189], %swap3A_192 {strides = array<i32>} : memref<8192xf32, #tpu.memory_space<vmem>>, vector<16xf32>,
    %swap3A_193 = arith.constant 464 : index
    %swap3A_194 = tpu.vector_load %arg6[%swap3A_193] {strides = array<i32>} : memref<8192xf32, #tpu.memory_space<vmem>>, vector<16xf32>,
    %swap3A_195 = vector.shape_cast %swap3A_194 : vector<16xf32> to vector<16xf32>
    %swap3A_196 = vector.shape_cast %get3A_33 : vector<16xf32> to vector<16xf32>
    tpu.vector_store %arg6[%swap3A_193], %swap3A_196 {strides = array<i32>} : memref<8192xf32, #tpu.memory_space<vmem>>, vector<16xf32>,
    %get3A_197 = arith.constant 224 : index
    %get3A_198 = tpu.vector_load %arg5[%get3A_197] {strides = array<i32>} : memref<8192xf32, #tpu.memory_space<vmem>>, vector<16xf32>,
    %get3A_199 = vector.shape_cast %get3A_198 : vector<16xf32> to vector<16xf32>
    %swap3A_200 = arith.constant 352 : index
    %swap3A_201 = tpu.vector_load %arg6[%swap3A_200] {strides = array<i32>} : memref<8192xf32, #tpu.memory_space<vmem>>, vector<16xf32>,
    %swap3A_202 = vector.shape_cast %swap3A_201 : vector<16xf32> to vector<16xf32>
    %swap3A_203 = vector.shape_cast %get3A_199 : vector<16xf32> to vector<16xf32>
    tpu.vector_store %arg6[%swap3A_200], %swap3A_203 {strides = array<i32>} : memref<8192xf32, #tpu.memory_space<vmem>>, vector<16xf32>,
    %swap3A_204 = arith.constant 480 : index
    %swap3A_205 = tpu.vector_load %arg6[%swap3A_204] {strides = array<i32>} : memref<8192xf32, #tpu.memory_space<vmem>>, vector<16xf32>,
    %swap3A_206 = vector.shape_cast %swap3A_205 : vector<16xf32> to vector<16xf32>
    %swap3A_207 = vector.shape_cast %get3A_38 : vector<16xf32> to vector<16xf32>
    tpu.vector_store %arg6[%swap3A_204], %swap3A_207 {strides = array<i32>} : memref<8192xf32, #tpu.memory_space<vmem>>, vector<16xf32>,
    %get3A_208 = arith.constant 240 : index
    %get3A_209 = tpu.vector_load %arg5[%get3A_208] {strides = array<i32>} : memref<8192xf32, #tpu.memory_space<vmem>>, vector<16xf32>,
    %get3A_210 = vector.shape_cast %get3A_209 : vector<16xf32> to vector<16xf32>
    %swap3A_211 = arith.constant 368 : index
    %swap3A_212 = tpu.vector_load %arg6[%swap3A_211] {strides = array<i32>} : memref<8192xf32, #tpu.memory_space<vmem>>, vector<16xf32>,
    %swap3A_213 = vector.shape_cast %swap3A_212 : vector<16xf32> to vector<16xf32>
    %swap3A_214 = vector.shape_cast %get3A_210 : vector<16xf32> to vector<16xf32>
    tpu.vector_store %arg6[%swap3A_211], %swap3A_214 {strides = array<i32>} : memref<8192xf32, #tpu.memory_space<vmem>>, vector<16xf32>,
    %swap3A_215 = arith.constant 496 : index
    %swap3A_216 = tpu.vector_load %arg6[%swap3A_215] {strides = array<i32>} : memref<8192xf32, #tpu.memory_space<vmem>>, vector<16xf32>,
    %swap3A_217 = vector.shape_cast %swap3A_216 : vector<16xf32> to vector<16xf32>
    %swap3A_218 = vector.shape_cast %get3A_43 : vector<16xf32> to vector<16xf32>
    tpu.vector_store %arg6[%swap3A_215], %swap3A_218 {strides = array<i32>} : memref<8192xf32, #tpu.memory_space<vmem>>, vector<16xf32>,
    %get3A_219 = arith.constant 256 : index
    %get3A_220 = tpu.vector_load %arg5[%get3A_219] {strides = array<i32>} : memref<8192xf32, #tpu.memory_space<vmem>>, vector<16xf32>,
    %get3A_221 = vector.shape_cast %get3A_220 : vector<16xf32> to vector<16xf32>
    %swap3A_222 = arith.constant 512 : index
    %swap3A_223 = tpu.vector_load %arg6[%swap3A_222] {strides = array<i32>} : memref<8192xf32, #tpu.memory_space<vmem>>, vector<16xf32>,
    %swap3A_224 = vector.shape_cast %swap3A_223 : vector<16xf32> to vector<16xf32>
    %swap3A_225 = vector.shape_cast %get3A_221 : vector<16xf32> to vector<16xf32>
    tpu.vector_store %arg6[%swap3A_222], %swap3A_225 {strides = array<i32>} : memref<8192xf32, #tpu.memory_space<vmem>>, vector<16xf32>,
    %swap3A_226 = arith.constant 640 : index
    %swap3A_227 = tpu.vector_load %arg6[%swap3A_226] {strides = array<i32>} : memref<8192xf32, #tpu.memory_space<vmem>>, vector<16xf32>,
    %swap3A_228 = vector.shape_cast %swap3A_227 : vector<16xf32> to vector<16xf32>
    %swap3A_229 = vector.shape_cast %get3A_8 : vector<16xf32> to vector<16xf32>
    tpu.vector_store %arg6[%swap3A_226], %swap3A_229 {strides = array<i32>} : memref<8192xf32, #tpu.memory_space<vmem>>, vector<16xf32>,
    %get3A_230 = arith.constant 272 : index
    %get3A_231 = tpu.vector_load %arg5[%get3A_230] {strides = array<i32>} : memref<8192xf32, #tpu.memory_space<vmem>>, vector<16xf32>,
    %get3A_232 = vector.shape_cast %get3A_231 : vector<16xf32> to vector<16xf32>
    %swap3A_233 = arith.constant 528 : index
    %swap3A_234 = tpu.vector_load %arg6[%swap3A_233] {strides = array<i32>} : memref<8192xf32, #tpu.memory_space<vmem>>, vector<16xf32>,
    %swap3A_235 = vector.shape_cast %swap3A_234 : vector<16xf32> to vector<16xf32>
    %swap3A_236 = vector.shape_cast %get3A_232 : vector<16xf32> to vector<16xf32>
    tpu.vector_store %arg6[%swap3A_233], %swap3A_236 {strides = array<i32>} : memref<8192xf32, #tpu.memory_space<vmem>>, vector<16xf32>,
    %swap3A_237 = arith.constant 656 : index
    %swap3A_238 = tpu.vector_load %arg6[%swap3A_237] {strides = array<i32>} : memref<8192xf32, #tpu.memory_space<vmem>>, vector<16xf32>,
    %swap3A_239 = vector.shape_cast %swap3A_238 : vector<16xf32> to vector<16xf32>
    %swap3A_240 = vector.shape_cast %get3A_13 : vector<16xf32> to vector<16xf32>
    tpu.vector_store %arg6[%swap3A_237], %swap3A_240 {strides = array<i32>} : memref<8192xf32, #tpu.memory_space<vmem>>, vector<16xf32>,
    %get3A_241 = arith.constant 288 : index
    %get3A_242 = tpu.vector_load %arg5[%get3A_241] {strides = array<i32>} : memref<8192xf32, #tpu.memory_space<vmem>>, vector<16xf32>,
    %get3A_243 = vector.shape_cast %get3A_242 : vector<16xf32> to vector<16xf32>
    %swap3A_244 = arith.constant 544 : index
    %swap3A_245 = tpu.vector_load %arg6[%swap3A_244] {strides = array<i32>} : memref<8192xf32, #tpu.memory_space<vmem>>, vector<16xf32>,
    %swap3A_246 = vector.shape_cast %swap3A_245 : vector<16xf32> to vector<16xf32>
    %swap3A_247 = vector.shape_cast %get3A_243 : vector<16xf32> to vector<16xf32>
    tpu.vector_store %arg6[%swap3A_244], %swap3A_247 {strides = array<i32>} : memref<8192xf32, #tpu.memory_space<vmem>>, vector<16xf32>,
    %swap3A_248 = arith.constant 672 : index
    %swap3A_249 = tpu.vector_load %arg6[%swap3A_248] {strides = array<i32>} : memref<8192xf32, #tpu.memory_space<vmem>>, vector<16xf32>,
    %swap3A_250 = vector.shape_cast %swap3A_249 : vector<16xf32> to vector<16xf32>
    %swap3A_251 = vector.shape_cast %get3A_18 : vector<16xf32> to vector<16xf32>
    tpu.vector_store %arg6[%swap3A_248], %swap3A_251 {strides = array<i32>} : memref<8192xf32, #tpu.memory_space<vmem>>, vector<16xf32>,
    %get3A_252 = arith.constant 304 : index
    %get3A_253 = tpu.vector_load %arg5[%get3A_252] {strides = array<i32>} : memref<8192xf32, #tpu.memory_space<vmem>>, vector<16xf32>,
    %get3A_254 = vector.shape_cast %get3A_253 : vector<16xf32> to vector<16xf32>
    %swap3A_255 = arith.constant 560 : index
    %swap3A_256 = tpu.vector_load %arg6[%swap3A_255] {strides = array<i32>} : memref<8192xf32, #tpu.memory_space<vmem>>, vector<16xf32>,
    %swap3A_257 = vector.shape_cast %swap3A_256 : vector<16xf32> to vector<16xf32>
    %swap3A_258 = vector.shape_cast %get3A_254 : vector<16xf32> to vector<16xf32>
    tpu.vector_store %arg6[%swap3A_255], %swap3A_258 {strides = array<i32>} : memref<8192xf32, #tpu.memory_space<vmem>>, vector<16xf32>,
    %swap3A_259 = arith.constant 688 : index
    %swap3A_260 = tpu.vector_load %arg6[%swap3A_259] {strides = array<i32>} : memref<8192xf32, #tpu.memory_space<vmem>>, vector<16xf32>,
    %swap3A_261 = vector.shape_cast %swap3A_260 : vector<16xf32> to vector<16xf32>
    %swap3A_262 = vector.shape_cast %get3A_23 : vector<16xf32> to vector<16xf32>
    tpu.vector_store %arg6[%swap3A_259], %swap3A_262 {strides = array<i32>} : memref<8192xf32, #tpu.memory_space<vmem>>, vector<16xf32>,
    %get3A_263 = arith.constant 320 : index
    %get3A_264 = tpu.vector_load %arg5[%get3A_263] {strides = array<i32>} : memref<8192xf32, #tpu.memory_space<vmem>>, vector<16xf32>,
    %get3A_265 = vector.shape_cast %get3A_264 : vector<16xf32> to vector<16xf32>
    %swap3A_266 = arith.constant 576 : index
    %swap3A_267 = tpu.vector_load %arg6[%swap3A_266] {strides = array<i32>} : memref<8192xf32, #tpu.memory_space<vmem>>, vector<16xf32>,
    %swap3A_268 = vector.shape_cast %swap3A_267 : vector<16xf32> to vector<16xf32>
    %swap3A_269 = vector.shape_cast %get3A_265 : vector<16xf32> to vector<16xf32>
    tpu.vector_store %arg6[%swap3A_266], %swap3A_269 {strides = array<i32>} : memref<8192xf32, #tpu.memory_space<vmem>>, vector<16xf32>,
    %swap3A_270 = arith.constant 704 : index
    %swap3A_271 = tpu.vector_load %arg6[%swap3A_270] {strides = array<i32>} : memref<8192xf32, #tpu.memory_space<vmem>>, vector<16xf32>,
    %swap3A_272 = vector.shape_cast %swap3A_271 : vector<16xf32> to vector<16xf32>
    %swap3A_273 = vector.shape_cast %get3A_28 : vector<16xf32> to vector<16xf32>
    tpu.vector_store %arg6[%swap3A_270], %swap3A_273 {strides = array<i32>} : memref<8192xf32, #tpu.memory_space<vmem>>, vector<16xf32>,
    %get3A_274 = arith.constant 336 : index
    %get3A_275 = tpu.vector_load %arg5[%get3A_274] {strides = array<i32>} : memref<8192xf32, #tpu.memory_space<vmem>>, vector<16xf32>,
    %get3A_276 = vector.shape_cast %get3A_275 : vector<16xf32> to vector<16xf32>
    %swap3A_277 = arith.constant 592 : index
    %swap3A_278 = tpu.vector_load %arg6[%swap3A_277] {strides = array<i32>} : memref<8192xf32, #tpu.memory_space<vmem>>, vector<16xf32>,
    %swap3A_279 = vector.shape_cast %swap3A_278 : vector<16xf32> to vector<16xf32>
    %swap3A_280 = vector.shape_cast %get3A_276 : vector<16xf32> to vector<16xf32>
    tpu.vector_store %arg6[%swap3A_277], %swap3A_280 {strides = array<i32>} : memref<8192xf32, #tpu.memory_space<vmem>>, vector<16xf32>,
    %swap3A_281 = arith.constant 720 : index
    %swap3A_282 = tpu.vector_load %arg6[%swap3A_281] {strides = array<i32>} : memref<8192xf32, #tpu.memory_space<vmem>>, vector<16xf32>,
    %swap3A_283 = vector.shape_cast %swap3A_282 : vector<16xf32> to vector<16xf32>
    %swap3A_284 = vector.shape_cast %get3A_33 : vector<16xf32> to vector<16xf32>
    tpu.vector_store %arg6[%swap3A_281], %swap3A_284 {strides = array<i32>} : memref<8192xf32, #tpu.memory_space<vmem>>, vector<16xf32>,
    %get3A_285 = arith.constant 352 : index
    %get3A_286 = tpu.vector_load %arg5[%get3A_285] {strides = array<i32>} : memref<8192xf32, #tpu.memory_space<vmem>>, vector<16xf32>,
    %get3A_287 = vector.shape_cast %get3A_286 : vector<16xf32> to vector<16xf32>
    %swap3A_288 = arith.constant 608 : index
    %swap3A_289 = tpu.vector_load %arg6[%swap3A_288] {strides = array<i32>} : memref<8192xf32, #tpu.memory_space<vmem>>, vector<16xf32>,
    %swap3A_290 = vector.shape_cast %swap3A_289 : vector<16xf32> to vector<16xf32>
    %swap3A_291 = vector.shape_cast %get3A_287 : vector<16xf32> to vector<16xf32>
    tpu.vector_store %arg6[%swap3A_288], %swap3A_291 {strides = array<i32>} : memref<8192xf32, #tpu.memory_space<vmem>>, vector<16xf32>,
    %swap3A_292 = arith.constant 736 : index
    %swap3A_293 = tpu.vector_load %arg6[%swap3A_292] {strides = array<i32>} : memref<8192xf32, #tpu.memory_space<vmem>>, vector<16xf32>,
    %swap3A_294 = vector.shape_cast %swap3A_293 : vector<16xf32> to vector<16xf32>
    %swap3A_295 = vector.shape_cast %get3A_38 : vector<16xf32> to vector<16xf32>
    tpu.vector_store %arg6[%swap3A_292], %swap3A_295 {strides = array<i32>} : memref<8192xf32, #tpu.memory_space<vmem>>, vector<16xf32>,
    %get3A_296 = arith.constant 368 : index
    %get3A_297 = tpu.vector_load %arg5[%get3A_296] {strides = array<i32>} : memref<8192xf32, #tpu.memory_space<vmem>>, vector<16xf32>,
    %get3A_298 = vector.shape_cast %get3A_297 : vector<16xf32> to vector<16xf32>
    %swap3A_299 = arith.constant 624 : index
    %swap3A_300 = tpu.vector_load %arg6[%swap3A_299] {strides = array<i32>} : memref<8192xf32, #tpu.memory_space<vmem>>, vector<16xf32>,
    %swap3A_301 = vector.shape_cast %swap3A_300 : vector<16xf32> to vector<16xf32>
    %swap3A_302 = vector.shape_cast %get3A_298 : vector<16xf32> to vector<16xf32>
    tpu.vector_store %arg6[%swap3A_299], %swap3A_302 {strides = array<i32>} : memref<8192xf32, #tpu.memory_space<vmem>>, vector<16xf32>,
    %swap3A_303 = arith.constant 752 : index
    %swap3A_304 = tpu.vector_load %arg6[%swap3A_303] {strides = array<i32>} : memref<8192xf32, #tpu.memory_space<vmem>>, vector<16xf32>,
    %swap3A_305 = vector.shape_cast %swap3A_304 : vector<16xf32> to vector<16xf32>
    %swap3A_306 = vector.shape_cast %get3A_43 : vector<16xf32> to vector<16xf32>
    tpu.vector_store %arg6[%swap3A_303], %swap3A_306 {strides = array<i32>} : memref<8192xf32, #tpu.memory_space<vmem>>, vector<16xf32>,
    %get3A_307 = arith.constant 384 : index
    %get3A_308 = tpu.vector_load %arg5[%get3A_307] {strides = array<i32>} : memref<8192xf32, #tpu.memory_space<vmem>>, vector<16xf32>,
    %get3A_309 = vector.shape_cast %get3A_308 : vector<16xf32> to vector<16xf32>
    %swap3A_310 = arith.constant 768 : index
    %swap3A_311 = tpu.vector_load %arg6[%swap3A_310] {strides = array<i32>} : memref<8192xf32, #tpu.memory_space<vmem>>, vector<16xf32>,
    %swap3A_312 = vector.shape_cast %swap3A_311 : vector<16xf32> to vector<16xf32>
    %swap3A_313 = vector.shape_cast %get3A_309 : vector<16xf32> to vector<16xf32>
    tpu.vector_store %arg6[%swap3A_310], %swap3A_313 {strides = array<i32>} : memref<8192xf32, #tpu.memory_space<vmem>>, vector<16xf32>,
    %swap3A_314 = arith.constant 896 : index
    %swap3A_315 = tpu.vector_load %arg6[%swap3A_314] {strides = array<i32>} : memref<8192xf32, #tpu.memory_space<vmem>>, vector<16xf32>,
    %swap3A_316 = vector.shape_cast %swap3A_315 : vector<16xf32> to vector<16xf32>
    %swap3A_317 = vector.shape_cast %get3A_8 : vector<16xf32> to vector<16xf32>
    tpu.vector_store %arg6[%swap3A_314], %swap3A_317 {strides = array<i32>} : memref<8192xf32, #tpu.memory_space<vmem>>, vector<16xf32>,
    %get3A_318 = arith.constant 400 : index
    %get3A_319 = tpu.vector_load %arg5[%get3A_318] {strides = array<i32>} : memref<8192xf32, #tpu.memory_space<vmem>>, vector<16xf32>,
    %get3A_320 = vector.shape_cast %get3A_319 : vector<16xf32> to vector<16xf32>
    %swap3A_321 = arith.constant 784 : index
    %swap3A_322 = tpu.vector_load %arg6[%swap3A_321] {strides = array<i32>} : memref<8192xf32, #tpu.memory_space<vmem>>, vector<16xf32>,
    %swap3A_323 = vector.shape_cast %swap3A_322 : vector<16xf32> to vector<16xf32>
    %swap3A_324 = vector.shape_cast %get3A_320 : vector<16xf32> to vector<16xf32>
    tpu.vector_store %arg6[%swap3A_321], %swap3A_324 {strides = array<i32>} : memref<8192xf32, #tpu.memory_space<vmem>>, vector<16xf32>,
    %swap3A_325 = arith.constant 912 : index
    %swap3A_326 = tpu.vector_load %arg6[%swap3A_325] {strides = array<i32>} : memref<8192xf32, #tpu.memory_space<vmem>>, vector<16xf32>,
    %swap3A_327 = vector.shape_cast %swap3A_326 : vector<16xf32> to vector<16xf32>
    %swap3A_328 = vector.shape_cast %get3A_13 : vector<16xf32> to vector<16xf32>
    tpu.vector_store %arg6[%swap3A_325], %swap3A_328 {strides = array<i32>} : memref<8192xf32, #tpu.memory_space<vmem>>, vector<16xf32>,
    %get3A_329 = arith.constant 416 : index
    %get3A_330 = tpu.vector_load %arg5[%get3A_329] {strides = array<i32>} : memref<8192xf32, #tpu.memory_space<vmem>>, vector<16xf32>,
    %get3A_331 = vector.shape_cast %get3A_330 : vector<16xf32> to vector<16xf32>
    %swap3A_332 = arith.constant 800 : index
    %swap3A_333 = tpu.vector_load %arg6[%swap3A_332] {strides = array<i32>} : memref<8192xf32, #tpu.memory_space<vmem>>, vector<16xf32>,
    %swap3A_334 = vector.shape_cast %swap3A_333 : vector<16xf32> to vector<16xf32>
    %swap3A_335 = vector.shape_cast %get3A_331 : vector<16xf32> to vector<16xf32>
    tpu.vector_store %arg6[%swap3A_332], %swap3A_335 {strides = array<i32>} : memref<8192xf32, #tpu.memory_space<vmem>>, vector<16xf32>,
    %swap3A_336 = arith.constant 928 : index
    %swap3A_337 = tpu.vector_load %arg6[%swap3A_336] {strides = array<i32>} : memref<8192xf32, #tpu.memory_space<vmem>>, vector<16xf32>,
    %swap3A_338 = vector.shape_cast %swap3A_337 : vector<16xf32> to vector<16xf32>
    %swap3A_339 = vector.shape_cast %get3A_18 : vector<16xf32> to vector<16xf32>
    tpu.vector_store %arg6[%swap3A_336], %swap3A_339 {strides = array<i32>} : memref<8192xf32, #tpu.memory_space<vmem>>, vector<16xf32>,
    %get3A_340 = arith.constant 432 : index
    %get3A_341 = tpu.vector_load %arg5[%get3A_340] {strides = array<i32>} : memref<8192xf32, #tpu.memory_space<vmem>>, vector<16xf32>,
    %get3A_342 = vector.shape_cast %get3A_341 : vector<16xf32> to vector<16xf32>
    %swap3A_343 = arith.constant 816 : index
    %swap3A_344 = tpu.vector_load %arg6[%swap3A_343] {strides = array<i32>} : memref<8192xf32, #tpu.memory_space<vmem>>, vector<16xf32>,
    %swap3A_345 = vector.shape_cast %swap3A_344 : vector<16xf32> to vector<16xf32>
    %swap3A_346 = vector.shape_cast %get3A_342 : vector<16xf32> to vector<16xf32>
    tpu.vector_store %arg6[%swap3A_343], %swap3A_346 {strides = array<i32>} : memref<8192xf32, #tpu.memory_space<vmem>>, vector<16xf32>,
    %swap3A_347 = arith.constant 944 : index
    %swap3A_348 = tpu.vector_load %arg6[%swap3A_347] {strides = array<i32>} : memref<8192xf32, #tpu.memory_space<vmem>>, vector<16xf32>,
    %swap3A_349 = vector.shape_cast %swap3A_348 : vector<16xf32> to vector<16xf32>
    %swap3A_350 = vector.shape_cast %get3A_23 : vector<16xf32> to vector<16xf32>
    tpu.vector_store %arg6[%swap3A_347], %swap3A_350 {strides = array<i32>} : memref<8192xf32, #tpu.memory_space<vmem>>, vector<16xf32>,
    %get3A_351 = arith.constant 448 : index
    %get3A_352 = tpu.vector_load %arg5[%get3A_351] {strides = array<i32>} : memref<8192xf32, #tpu.memory_space<vmem>>, vector<16xf32>,
    %get3A_353 = vector.shape_cast %get3A_352 : vector<16xf32> to vector<16xf32>
    %swap3A_354 = arith.constant 832 : index
    %swap3A_355 = tpu.vector_load %arg6[%swap3A_354] {strides = array<i32>} : memref<8192xf32, #tpu.memory_space<vmem>>, vector<16xf32>,
    %swap3A_356 = vector.shape_cast %swap3A_355 : vector<16xf32> to vector<16xf32>
    %swap3A_357 = vector.shape_cast %get3A_353 : vector<16xf32> to vector<16xf32>
    tpu.vector_store %arg6[%swap3A_354], %swap3A_357 {strides = array<i32>} : memref<8192xf32, #tpu.memory_space<vmem>>, vector<16xf32>,
    %swap3A_358 = arith.constant 960 : index
    %swap3A_359 = tpu.vector_load %arg6[%swap3A_358] {strides = array<i32>} : memref<8192xf32, #tpu.memory_space<vmem>>, vector<16xf32>,
    %swap3A_360 = vector.shape_cast %swap3A_359 : vector<16xf32> to vector<16xf32>
    %swap3A_361 = vector.shape_cast %get3A_28 : vector<16xf32> to vector<16xf32>
    tpu.vector_store %arg6[%swap3A_358], %swap3A_361 {strides = array<i32>} : memref<8192xf32, #tpu.memory_space<vmem>>, vector<16xf32>,
    %get3A_362 = arith.constant 464 : index
    %get3A_363 = tpu.vector_load %arg5[%get3A_362] {strides = array<i32>} : memref<8192xf32, #tpu.memory_space<vmem>>, vector<16xf32>,
    %get3A_364 = vector.shape_cast %get3A_363 : vector<16xf32> to vector<16xf32>
    %swap3A_365 = arith.constant 848 : index
    %swap3A_366 = tpu.vector_load %arg6[%swap3A_365] {strides = array<i32>} : memref<8192xf32, #tpu.memory_space<vmem>>, vector<16xf32>,
    %swap3A_367 = vector.shape_cast %swap3A_366 : vector<16xf32> to vector<16xf32>
    %swap3A_368 = vector.shape_cast %get3A_364 : vector<16xf32> to vector<16xf32>
    tpu.vector_store %arg6[%swap3A_365], %swap3A_368 {strides = array<i32>} : memref<8192xf32, #tpu.memory_space<vmem>>, vector<16xf32>,
    %swap3A_369 = arith.constant 976 : index
    %swap3A_370 = tpu.vector_load %arg6[%swap3A_369] {strides = array<i32>} : memref<8192xf32, #tpu.memory_space<vmem>>, vector<16xf32>,
    %swap3A_371 = vector.shape_cast %swap3A_370 : vector<16xf32> to vector<16xf32>
    %swap3A_372 = vector.shape_cast %get3A_33 : vector<16xf32> to vector<16xf32>
    tpu.vector_store %arg6[%swap3A_369], %swap3A_372 {strides = array<i32>} : memref<8192xf32, #tpu.memory_space<vmem>>, vector<16xf32>,
    %get3A_373 = arith.constant 480 : index
    %get3A_374 = tpu.vector_load %arg5[%get3A_373] {strides = array<i32>} : memref<8192xf32, #tpu.memory_space<vmem>>, vector<16xf32>,
    %get3A_375 = vector.shape_cast %get3A_374 : vector<16xf32> to vector<16xf32>
    %swap3A_376 = arith.constant 864 : index
    %swap3A_377 = tpu.vector_load %arg6[%swap3A_376] {strides = array<i32>} : memref<8192xf32, #tpu.memory_space<vmem>>, vector<16xf32>,
    %swap3A_378 = vector.shape_cast %swap3A_377 : vector<16xf32> to vector<16xf32>
    %swap3A_379 = vector.shape_cast %get3A_375 : vector<16xf32> to vector<16xf32>
    tpu.vector_store %arg6[%swap3A_376], %swap3A_379 {strides = array<i32>} : memref<8192xf32, #tpu.memory_space<vmem>>, vector<16xf32>,
    %swap3A_380 = arith.constant 992 : index
    %swap3A_381 = tpu.vector_load %arg6[%swap3A_380] {strides = array<i32>} : memref<8192xf32, #tpu.memory_space<vmem>>, vector<16xf32>,
    %swap3A_382 = vector.shape_cast %swap3A_381 : vector<16xf32> to vector<16xf32>
    %swap3A_383 = vector.shape_cast %get3A_38 : vector<16xf32> to vector<16xf32>
    tpu.vector_store %arg6[%swap3A_380], %swap3A_383 {strides = array<i32>} : memref<8192xf32, #tpu.memory_space<vmem>>, vector<16xf32>,
    %get3A_384 = arith.constant 496 : index
    %get3A_385 = tpu.vector_load %arg5[%get3A_384] {strides = array<i32>} : memref<8192xf32, #tpu.memory_space<vmem>>, vector<16xf32>,
    %get3A_386 = vector.shape_cast %get3A_385 : vector<16xf32> to vector<16xf32>
    %swap3A_387 = arith.constant 880 : index
    %swap3A_388 = tpu.vector_load %arg6[%swap3A_387] {strides = array<i32>} : memref<8192xf32, #tpu.memory_space<vmem>>, vector<16xf32>,
    %swap3A_389 = vector.shape_cast %swap3A_388 : vector<16xf32> to vector<16xf32>
    %swap3A_390 = vector.shape_cast %get3A_386 : vector<16xf32> to vector<16xf32>
    tpu.vector_store %arg6[%swap3A_387], %swap3A_390 {strides = array<i32>} : memref<8192xf32, #tpu.memory_space<vmem>>, vector<16xf32>,
    %swap3A_391 = arith.constant 1008 : index
    %swap3A_392 = tpu.vector_load %arg6[%swap3A_391] {strides = array<i32>} : memref<8192xf32, #tpu.memory_space<vmem>>, vector<16xf32>,
    %swap3A_393 = vector.shape_cast %swap3A_392 : vector<16xf32> to vector<16xf32>
    %swap3A_394 = vector.shape_cast %get3A_43 : vector<16xf32> to vector<16xf32>
    tpu.vector_store %arg6[%swap3A_391], %swap3A_394 {strides = array<i32>} : memref<8192xf32, #tpu.memory_space<vmem>>, vector<16xf32>,
    %get3A_395 = arith.constant 512 : index
    %get3A_396 = tpu.vector_load %arg5[%get3A_395] {strides = array<i32>} : memref<8192xf32, #tpu.memory_space<vmem>>, vector<16xf32>,
    %get3A_397 = vector.shape_cast %get3A_396 : vector<16xf32> to vector<16xf32>
    %swap3A_398 = arith.constant 1024 : index
    %swap3A_399 = tpu.vector_load %arg6[%swap3A_398] {strides = array<i32>} : memref<8192xf32, #tpu.memory_space<vmem>>, vector<16xf32>,
    %swap3A_400 = vector.shape_cast %swap3A_399 : vector<16xf32> to vector<16xf32>
    %swap3A_401 = vector.shape_cast %get3A_397 : vector<16xf32> to vector<16xf32>
    tpu.vector_store %arg6[%swap3A_398], %swap3A_401 {strides = array<i32>} : memref<8192xf32, #tpu.memory_space<vmem>>, vector<16xf32>,
    %swap3A_402 = arith.constant 1152 : index
    %swap3A_403 = tpu.vector_load %arg6[%swap3A_402] {strides = array<i32>} : memref<8192xf32, #tpu.memory_space<vmem>>, vector<16xf32>,
    %swap3A_404 = vector.shape_cast %swap3A_403 : vector<16xf32> to vector<16xf32>
    %swap3A_405 = vector.shape_cast %get3A_8 : vector<16xf32> to vector<16xf32>
    tpu.vector_store %arg6[%swap3A_402], %swap3A_405 {strides = array<i32>} : memref<8192xf32, #tpu.memory_space<vmem>>, vector<16xf32>,
    %get3A_406 = arith.constant 528 : index
    %get3A_407 = tpu.vector_load %arg5[%get3A_406] {strides = array<i32>} : memref<8192xf32, #tpu.memory_space<vmem>>, vector<16xf32>,
    %get3A_408 = vector.shape_cast %get3A_407 : vector<16xf32> to vector<16xf32>
    %swap3A_409 = arith.constant 1040 : index
    %swap3A_410 = tpu.vector_load %arg6[%swap3A_409] {strides = array<i32>} : memref<8192xf32, #tpu.memory_space<vmem>>, vector<16xf32>,
    %swap3A_411 = vector.shape_cast %swap3A_410 : vector<16xf32> to vector<16xf32>
    %swap3A_412 = vector.shape_cast %get3A_408 : vector<16xf32> to vector<16xf32>
    tpu.vector_store %arg6[%swap3A_409], %swap3A_412 {strides = array<i32>} : memref<8192xf32, #tpu.memory_space<vmem>>, vector<16xf32>,
    %swap3A_413 = arith.constant 1168 : index
    %swap3A_414 = tpu.vector_load %arg6[%swap3A_413] {strides = array<i32>} : memref<8192xf32, #tpu.memory_space<vmem>>, vector<16xf32>,
    %swap3A_415 = vector.shape_cast %swap3A_414 : vector<16xf32> to vector<16xf32>
    %swap3A_416 = vector.shape_cast %get3A_13 : vector<16xf32> to vector<16xf32>
    tpu.vector_store %arg6[%swap3A_413], %swap3A_416 {strides = array<i32>} : memref<8192xf32, #tpu.memory_space<vmem>>, vector<16xf32>,
    %get3A_417 = arith.constant 544 : index
    %get3A_418 = tpu.vector_load %arg5[%get3A_417] {strides = array<i32>} : memref<8192xf32, #tpu.memory_space<vmem>>, vector<16xf32>,
    %get3A_419 = vector.shape_cast %get3A_418 : vector<16xf32> to vector<16xf32>
    %swap3A_420 = arith.constant 1056 : index
    %swap3A_421 = tpu.vector_load %arg6[%swap3A_420] {strides = array<i32>} : memref<8192xf32, #tpu.memory_space<vmem>>, vector<16xf32>,
    %swap3A_422 = vector.shape_cast %swap3A_421 : vector<16xf32> to vector<16xf32>
    %swap3A_423 = vector.shape_cast %get3A_419 : vector<16xf32> to vector<16xf32>
    tpu.vector_store %arg6[%swap3A_420], %swap3A_423 {strides = array<i32>} : memref<8192xf32, #tpu.memory_space<vmem>>, vector<16xf32>,
    %swap3A_424 = arith.constant 1184 : index
    %swap3A_425 = tpu.vector_load %arg6[%swap3A_424] {strides = array<i32>} : memref<8192xf32, #tpu.memory_space<vmem>>, vector<16xf32>,
    %swap3A_426 = vector.shape_cast %swap3A_425 : vector<16xf32> to vector<16xf32>
    %swap3A_427 = vector.shape_cast %get3A_18 : vector<16xf32> to vector<16xf32>
    tpu.vector_store %arg6[%swap3A_424], %swap3A_427 {strides = array<i32>} : memref<8192xf32, #tpu.memory_space<vmem>>, vector<16xf32>,
    %get3A_428 = arith.constant 560 : index
    %get3A_429 = tpu.vector_load %arg5[%get3A_428] {strides = array<i32>} : memref<8192xf32, #tpu.memory_space<vmem>>, vector<16xf32>,
    %get3A_430 = vector.shape_cast %get3A_429 : vector<16xf32> to vector<16xf32>
    %swap3A_431 = arith.constant 1072 : index
    %swap3A_432 = tpu.vector_load %arg6[%swap3A_431] {strides = array<i32>} : memref<8192xf32, #tpu.memory_space<vmem>>, vector<16xf32>,
    %swap3A_433 = vector.shape_cast %swap3A_432 : vector<16xf32> to vector<16xf32>
    %swap3A_434 = vector.shape_cast %get3A_430 : vector<16xf32> to vector<16xf32>
    tpu.vector_store %arg6[%swap3A_431], %swap3A_434 {strides = array<i32>} : memref<8192xf32, #tpu.memory_space<vmem>>, vector<16xf32>,
    %swap3A_435 = arith.constant 1200 : index
    %swap3A_436 = tpu.vector_load %arg6[%swap3A_435] {strides = array<i32>} : memref<8192xf32, #tpu.memory_space<vmem>>, vector<16xf32>,
    %swap3A_437 = vector.shape_cast %swap3A_436 : vector<16xf32> to vector<16xf32>
    %swap3A_438 = vector.shape_cast %get3A_23 : vector<16xf32> to vector<16xf32>
    tpu.vector_store %arg6[%swap3A_435], %swap3A_438 {strides = array<i32>} : memref<8192xf32, #tpu.memory_space<vmem>>, vector<16xf32>,
    %get3A_439 = arith.constant 576 : index
    %get3A_440 = tpu.vector_load %arg5[%get3A_439] {strides = array<i32>} : memref<8192xf32, #tpu.memory_space<vmem>>, vector<16xf32>,
    %get3A_441 = vector.shape_cast %get3A_440 : vector<16xf32> to vector<16xf32>
    %swap3A_442 = arith.constant 1088 : index
    %swap3A_443 = tpu.vector_load %arg6[%swap3A_442] {strides = array<i32>} : memref<8192xf32, #tpu.memory_space<vmem>>, vector<16xf32>,
    %swap3A_444 = vector.shape_cast %swap3A_443 : vector<16xf32> to vector<16xf32>
    %swap3A_445 = vector.shape_cast %get3A_441 : vector<16xf32> to vector<16xf32>
    tpu.vector_store %arg6[%swap3A_442], %swap3A_445 {strides = array<i32>} : memref<8192xf32, #tpu.memory_space<vmem>>, vector<16xf32>,
    %swap3A_446 = arith.constant 1216 : index
    %swap3A_447 = tpu.vector_load %arg6[%swap3A_446] {strides = array<i32>} : memref<8192xf32, #tpu.memory_space<vmem>>, vector<16xf32>,
    %swap3A_448 = vector.shape_cast %swap3A_447 : vector<16xf32> to vector<16xf32>
    %swap3A_449 = vector.shape_cast %get3A_28 : vector<16xf32> to vector<16xf32>
    tpu.vector_store %arg6[%swap3A_446], %swap3A_449 {strides = array<i32>} : memref<8192xf32, #tpu.memory_space<vmem>>, vector<16xf32>,
    %get3A_450 = arith.constant 592 : index
    %get3A_451 = tpu.vector_load %arg5[%get3A_450] {strides = array<i32>} : memref<8192xf32, #tpu.memory_space<vmem>>, vector<16xf32>,
    %get3A_452 = vector.shape_cast %get3A_451 : vector<16xf32> to vector<16xf32>
    %swap3A_453 = arith.constant 1104 : index
    %swap3A_454 = tpu.vector_load %arg6[%swap3A_453] {strides = array<i32>} : memref<8192xf32, #tpu.memory_space<vmem>>, vector<16xf32>,
    %swap3A_455 = vector.shape_cast %swap3A_454 : vector<16xf32> to vector<16xf32>
    %swap3A_456 = vector.shape_cast %get3A_452 : vector<16xf32> to vector<16xf32>
    tpu.vector_store %arg6[%swap3A_453], %swap3A_456 {strides = array<i32>} : memref<8192xf32, #tpu.memory_space<vmem>>, vector<16xf32>,
    %swap3A_457 = arith.constant 1232 : index
    %swap3A_458 = tpu.vector_load %arg6[%swap3A_457] {strides = array<i32>} : memref<8192xf32, #tpu.memory_space<vmem>>, vector<16xf32>,
    %swap3A_459 = vector.shape_cast %swap3A_458 : vector<16xf32> to vector<16xf32>
    %swap3A_460 = vector.shape_cast %get3A_33 : vector<16xf32> to vector<16xf32>
    tpu.vector_store %arg6[%swap3A_457], %swap3A_460 {strides = array<i32>} : memref<8192xf32, #tpu.memory_space<vmem>>, vector<16xf32>,
    %get3A_461 = arith.constant 608 : index
    %get3A_462 = tpu.vector_load %arg5[%get3A_461] {strides = array<i32>} : memref<8192xf32, #tpu.memory_space<vmem>>, vector<16xf32>,
    %get3A_463 = vector.shape_cast %get3A_462 : vector<16xf32> to vector<16xf32>
    %swap3A_464 = arith.constant 1120 : index
    %swap3A_465 = tpu.vector_load %arg6[%swap3A_464] {strides = array<i32>} : memref<8192xf32, #tpu.memory_space<vmem>>, vector<16xf32>,
    %swap3A_466 = vector.shape_cast %swap3A_465 : vector<16xf32> to vector<16xf32>
    %swap3A_467 = vector.shape_cast %get3A_463 : vector<16xf32> to vector<16xf32>
    tpu.vector_store %arg6[%swap3A_464], %swap3A_467 {strides = array<i32>} : memref<8192xf32, #tpu.memory_space<vmem>>, vector<16xf32>,
    %swap3A_468 = arith.constant 1248 : index
    %swap3A_469 = tpu.vector_load %arg6[%swap3A_468] {strides = array<i32>} : memref<8192xf32, #tpu.memory_space<vmem>>, vector<16xf32>,
    %swap3A_470 = vector.shape_cast %swap3A_469 : vector<16xf32> to vector<16xf32>
    %swap3A_471 = vector.shape_cast %get3A_38 : vector<16xf32> to vector<16xf32>
    tpu.vector_store %arg6[%swap3A_468], %swap3A_471 {strides = array<i32>} : memref<8192xf32, #tpu.memory_space<vmem>>, vector<16xf32>,
    %get3A_472 = arith.constant 624 : index
    %get3A_473 = tpu.vector_load %arg5[%get3A_472] {strides = array<i32>} : memref<8192xf32, #tpu.memory_space<vmem>>, vector<16xf32>,
    %get3A_474 = vector.shape_cast %get3A_473 : vector<16xf32> to vector<16xf32>
    %swap3A_475 = arith.constant 1136 : index
    %swap3A_476 = tpu.vector_load %arg6[%swap3A_475] {strides = array<i32>} : memref<8192xf32, #tpu.memory_space<vmem>>, vector<16xf32>,
    %swap3A_477 = vector.shape_cast %swap3A_476 : vector<16xf32> to vector<16xf32>
    %swap3A_478 = vector.shape_cast %get3A_474 : vector<16xf32> to vector<16xf32>
    tpu.vector_store %arg6[%swap3A_475], %swap3A_478 {strides = array<i32>} : memref<8192xf32, #tpu.memory_space<vmem>>, vector<16xf32>,
    %swap3A_479 = arith.constant 1264 : index
    %swap3A_480 = tpu.vector_load %arg6[%swap3A_479] {strides = array<i32>} : memref<8192xf32, #tpu.memory_space<vmem>>, vector<16xf32>,
    %swap3A_481 = vector.shape_cast %swap3A_480 : vector<16xf32> to vector<16xf32>
    %swap3A_482 = vector.shape_cast %get3A_43 : vector<16xf32> to vector<16xf32>
    tpu.vector_store %arg6[%swap3A_479], %swap3A_482 {strides = array<i32>} : memref<8192xf32, #tpu.memory_space<vmem>>, vector<16xf32>,
    %get3A_483 = arith.constant 640 : index
    %get3A_484 = tpu.vector_load %arg5[%get3A_483] {strides = array<i32>} : memref<8192xf32, #tpu.memory_space<vmem>>, vector<16xf32>,
    %get3A_485 = vector.shape_cast %get3A_484 : vector<16xf32> to vector<16xf32>
    %swap3A_486 = arith.constant 1280 : index
    %swap3A_487 = tpu.vector_load %arg6[%swap3A_486] {strides = array<i32>} : memref<8192xf32, #tpu.memory_space<vmem>>, vector<16xf32>,
    %swap3A_488 = vector.shape_cast %swap3A_487 : vector<16xf32> to vector<16xf32>
    %swap3A_489 = vector.shape_cast %get3A_485 : vector<16xf32> to vector<16xf32>
    tpu.vector_store %arg6[%swap3A_486], %swap3A_489 {strides = array<i32>} : memref<8192xf32, #tpu.memory_space<vmem>>, vector<16xf32>,
    %swap3A_490 = arith.constant 1408 : index
    %swap3A_491 = tpu.vector_load %arg6[%swap3A_490] {strides = array<i32>} : memref<8192xf32, #tpu.memory_space<vmem>>, vector<16xf32>,
    %swap3A_492 = vector.shape_cast %swap3A_491 : vector<16xf32> to vector<16xf32>
    %swap3A_493 = vector.shape_cast %get3A_8 : vector<16xf32> to vector<16xf32>
    tpu.vector_store %arg6[%swap3A_490], %swap3A_493 {strides = array<i32>} : memref<8192xf32, #tpu.memory_space<vmem>>, vector<16xf32>,
    %get3A_494 = arith.constant 656 : index
    %get3A_495 = tpu.vector_load %arg5[%get3A_494] {strides = array<i32>} : memref<8192xf32, #tpu.memory_space<vmem>>, vector<16xf32>,
    %get3A_496 = vector.shape_cast %get3A_495 : vector<16xf32> to vector<16xf32>
    %swap3A_497 = arith.constant 1296 : index
    %swap3A_498 = tpu.vector_load %arg6[%swap3A_497] {strides = array<i32>} : memref<8192xf32, #tpu.memory_space<vmem>>, vector<16xf32>,
    %swap3A_499 = vector.shape_cast %swap3A_498 : vector<16xf32> to vector<16xf32>
    %swap3A_500 = vector.shape_cast %get3A_496 : vector<16xf32> to vector<16xf32>
    tpu.vector_store %arg6[%swap3A_497], %swap3A_500 {strides = array<i32>} : memref<8192xf32, #tpu.memory_space<vmem>>, vector<16xf32>,
    %swap3A_501 = arith.constant 1424 : index
    %swap3A_502 = tpu.vector_load %arg6[%swap3A_501] {strides = array<i32>} : memref<8192xf32, #tpu.memory_space<vmem>>, vector<16xf32>,
    %swap3A_503 = vector.shape_cast %swap3A_502 : vector<16xf32> to vector<16xf32>
    %swap3A_504 = vector.shape_cast %get3A_13 : vector<16xf32> to vector<16xf32>
    tpu.vector_store %arg6[%swap3A_501], %swap3A_504 {strides = array<i32>} : memref<8192xf32, #tpu.memory_space<vmem>>, vector<16xf32>,
    %get3A_505 = arith.constant 672 : index
    %get3A_506 = tpu.vector_load %arg5[%get3A_505] {strides = array<i32>} : memref<8192xf32, #tpu.memory_space<vmem>>, vector<16xf32>,
    %get3A_507 = vector.shape_cast %get3A_506 : vector<16xf32> to vector<16xf32>
    %swap3A_508 = arith.constant 1312 : index
    %swap3A_509 = tpu.vector_load %arg6[%swap3A_508] {strides = array<i32>} : memref<8192xf32, #tpu.memory_space<vmem>>, vector<16xf32>,
    %swap3A_510 = vector.shape_cast %swap3A_509 : vector<16xf32> to vector<16xf32>
    %swap3A_511 = vector.shape_cast %get3A_507 : vector<16xf32> to vector<16xf32>
    tpu.vector_store %arg6[%swap3A_508], %swap3A_511 {strides = array<i32>} : memref<8192xf32, #tpu.memory_space<vmem>>, vector<16xf32>,
    %swap3A_512 = arith.constant 1440 : index
    %swap3A_513 = tpu.vector_load %arg6[%swap3A_512] {strides = array<i32>} : memref<8192xf32, #tpu.memory_space<vmem>>, vector<16xf32>,
    %swap3A_514 = vector.shape_cast %swap3A_513 : vector<16xf32> to vector<16xf32>
    %swap3A_515 = vector.shape_cast %get3A_18 : vector<16xf32> to vector<16xf32>
    tpu.vector_store %arg6[%swap3A_512], %swap3A_515 {strides = array<i32>} : memref<8192xf32, #tpu.memory_space<vmem>>, vector<16xf32>,
    %get3A_516 = arith.constant 688 : index
    %get3A_517 = tpu.vector_load %arg5[%get3A_516] {strides = array<i32>} : memref<8192xf32, #tpu.memory_space<vmem>>, vector<16xf32>,
    %get3A_518 = vector.shape_cast %get3A_517 : vector<16xf32> to vector<16xf32>
    %swap3A_519 = arith.constant 1328 : index
    %swap3A_520 = tpu.vector_load %arg6[%swap3A_519] {strides = array<i32>} : memref<8192xf32, #tpu.memory_space<vmem>>, vector<16xf32>,
    %swap3A_521 = vector.shape_cast %swap3A_520 : vector<16xf32> to vector<16xf32>
    %swap3A_522 = vector.shape_cast %get3A_518 : vector<16xf32> to vector<16xf32>
    tpu.vector_store %arg6[%swap3A_519], %swap3A_522 {strides = array<i32>} : memref<8192xf32, #tpu.memory_space<vmem>>, vector<16xf32>,
    %swap3A_523 = arith.constant 1456 : index
    %swap3A_524 = tpu.vector_load %arg6[%swap3A_523] {strides = array<i32>} : memref<8192xf32, #tpu.memory_space<vmem>>, vector<16xf32>,
    %swap3A_525 = vector.shape_cast %swap3A_524 : vector<16xf32> to vector<16xf32>
    %swap3A_526 = vector.shape_cast %get3A_23 : vector<16xf32> to vector<16xf32>
    tpu.vector_store %arg6[%swap3A_523], %swap3A_526 {strides = array<i32>} : memref<8192xf32, #tpu.memory_space<vmem>>, vector<16xf32>,
    %get3A_527 = arith.constant 704 : index
    %get3A_528 = tpu.vector_load %arg5[%get3A_527] {strides = array<i32>} : memref<8192xf32, #tpu.memory_space<vmem>>, vector<16xf32>,
    %get3A_529 = vector.shape_cast %get3A_528 : vector<16xf32> to vector<16xf32>
    %swap3A_530 = arith.constant 1344 : index
    %swap3A_531 = tpu.vector_load %arg6[%swap3A_530] {strides = array<i32>} : memref<8192xf32, #tpu.memory_space<vmem>>, vector<16xf32>,
    %swap3A_532 = vector.shape_cast %swap3A_531 : vector<16xf32> to vector<16xf32>
    %swap3A_533 = vector.shape_cast %get3A_529 : vector<16xf32> to vector<16xf32>
    tpu.vector_store %arg6[%swap3A_530], %swap3A_533 {strides = array<i32>} : memref<8192xf32, #tpu.memory_space<vmem>>, vector<16xf32>,
    %swap3A_534 = arith.constant 1472 : index
    %swap3A_535 = tpu.vector_load %arg6[%swap3A_534] {strides = array<i32>} : memref<8192xf32, #tpu.memory_space<vmem>>, vector<16xf32>,
    %swap3A_536 = vector.shape_cast %swap3A_535 : vector<16xf32> to vector<16xf32>
    %swap3A_537 = vector.shape_cast %get3A_28 : vector<16xf32> to vector<16xf32>
    tpu.vector_store %arg6[%swap3A_534], %swap3A_537 {strides = array<i32>} : memref<8192xf32, #tpu.memory_space<vmem>>, vector<16xf32>,
    %get3A_538 = arith.constant 720 : index
    %get3A_539 = tpu.vector_load %arg5[%get3A_538] {strides = array<i32>} : memref<8192xf32, #tpu.memory_space<vmem>>, vector<16xf32>,
    %get3A_540 = vector.shape_cast %get3A_539 : vector<16xf32> to vector<16xf32>
    %swap3A_541 = arith.constant 1360 : index
    %swap3A_542 = tpu.vector_load %arg6[%swap3A_541] {strides = array<i32>} : memref<8192xf32, #tpu.memory_space<vmem>>, vector<16xf32>,
    %swap3A_543 = vector.shape_cast %swap3A_542 : vector<16xf32> to vector<16xf32>
    %swap3A_544 = vector.shape_cast %get3A_540 : vector<16xf32> to vector<16xf32>
    tpu.vector_store %arg6[%swap3A_541], %swap3A_544 {strides = array<i32>} : memref<8192xf32, #tpu.memory_space<vmem>>, vector<16xf32>,
    %swap3A_545 = arith.constant 1488 : index
    %swap3A_546 = tpu.vector_load %arg6[%swap3A_545] {strides = array<i32>} : memref<8192xf32, #tpu.memory_space<vmem>>, vector<16xf32>,
    %swap3A_547 = vector.shape_cast %swap3A_546 : vector<16xf32> to vector<16xf32>
    %swap3A_548 = vector.shape_cast %get3A_33 : vector<16xf32> to vector<16xf32>
    tpu.vector_store %arg6[%swap3A_545], %swap3A_548 {strides = array<i32>} : memref<8192xf32, #tpu.memory_space<vmem>>, vector<16xf32>,
    %get3A_549 = arith.constant 736 : index
    %get3A_550 = tpu.vector_load %arg5[%get3A_549] {strides = array<i32>} : memref<8192xf32, #tpu.memory_space<vmem>>, vector<16xf32>,
    %get3A_551 = vector.shape_cast %get3A_550 : vector<16xf32> to vector<16xf32>
    %swap3A_552 = arith.constant 1376 : index
    %swap3A_553 = tpu.vector_load %arg6[%swap3A_552] {strides = array<i32>} : memref<8192xf32, #tpu.memory_space<vmem>>, vector<16xf32>,
    %swap3A_554 = vector.shape_cast %swap3A_553 : vector<16xf32> to vector<16xf32>
    %swap3A_555 = vector.shape_cast %get3A_551 : vector<16xf32> to vector<16xf32>
    tpu.vector_store %arg6[%swap3A_552], %swap3A_555 {strides = array<i32>} : memref<8192xf32, #tpu.memory_space<vmem>>, vector<16xf32>,
    %swap3A_556 = arith.constant 1504 : index
    %swap3A_557 = tpu.vector_load %arg6[%swap3A_556] {strides = array<i32>} : memref<8192xf32, #tpu.memory_space<vmem>>, vector<16xf32>,
    %swap3A_558 = vector.shape_cast %swap3A_557 : vector<16xf32> to vector<16xf32>
    %swap3A_559 = vector.shape_cast %get3A_38 : vector<16xf32> to vector<16xf32>
    tpu.vector_store %arg6[%swap3A_556], %swap3A_559 {strides = array<i32>} : memref<8192xf32, #tpu.memory_space<vmem>>, vector<16xf32>,
    %get3A_560 = arith.constant 752 : index
    %get3A_561 = tpu.vector_load %arg5[%get3A_560] {strides = array<i32>} : memref<8192xf32, #tpu.memory_space<vmem>>, vector<16xf32>,
    %get3A_562 = vector.shape_cast %get3A_561 : vector<16xf32> to vector<16xf32>
    %swap3A_563 = arith.constant 1392 : index
    %swap3A_564 = tpu.vector_load %arg6[%swap3A_563] {strides = array<i32>} : memref<8192xf32, #tpu.memory_space<vmem>>, vector<16xf32>,
    %swap3A_565 = vector.shape_cast %swap3A_564 : vector<16xf32> to vector<16xf32>
    %swap3A_566 = vector.shape_cast %get3A_562 : vector<16xf32> to vector<16xf32>
    tpu.vector_store %arg6[%swap3A_563], %swap3A_566 {strides = array<i32>} : memref<8192xf32, #tpu.memory_space<vmem>>, vector<16xf32>,
    %swap3A_567 = arith.constant 1520 : index
    %swap3A_568 = tpu.vector_load %arg6[%swap3A_567] {strides = array<i32>} : memref<8192xf32, #tpu.memory_space<vmem>>, vector<16xf32>,
    %swap3A_569 = vector.shape_cast %swap3A_568 : vector<16xf32> to vector<16xf32>
    %swap3A_570 = vector.shape_cast %get3A_43 : vector<16xf32> to vector<16xf32>
    tpu.vector_store %arg6[%swap3A_567], %swap3A_570 {strides = array<i32>} : memref<8192xf32, #tpu.memory_space<vmem>>, vector<16xf32>,
    %get3A_571 = arith.constant 768 : index
    %get3A_572 = tpu.vector_load %arg5[%get3A_571] {strides = array<i32>} : memref<8192xf32, #tpu.memory_space<vmem>>, vector<16xf32>,
    %get3A_573 = vector.shape_cast %get3A_572 : vector<16xf32> to vector<16xf32>
    %swap3A_574 = arith.constant 1536 : index
    %swap3A_575 = tpu.vector_load %arg6[%swap3A_574] {strides = array<i32>} : memref<8192xf32, #tpu.memory_space<vmem>>, vector<16xf32>,
    %swap3A_576 = vector.shape_cast %swap3A_575 : vector<16xf32> to vector<16xf32>
    %swap3A_577 = vector.shape_cast %get3A_573 : vector<16xf32> to vector<16xf32>
    tpu.vector_store %arg6[%swap3A_574], %swap3A_577 {strides = array<i32>} : memref<8192xf32, #tpu.memory_space<vmem>>, vector<16xf32>,
    %swap3A_578 = arith.constant 1664 : index
    %swap3A_579 = tpu.vector_load %arg6[%swap3A_578] {strides = array<i32>} : memref<8192xf32, #tpu.memory_space<vmem>>, vector<16xf32>,
    %swap3A_580 = vector.shape_cast %swap3A_579 : vector<16xf32> to vector<16xf32>
    %swap3A_581 = vector.shape_cast %get3A_8 : vector<16xf32> to vector<16xf32>
    tpu.vector_store %arg6[%swap3A_578], %swap3A_581 {strides = array<i32>} : memref<8192xf32, #tpu.memory_space<vmem>>, vector<16xf32>,
    %get3A_582 = arith.constant 784 : index
    %get3A_583 = tpu.vector_load %arg5[%get3A_582] {strides = array<i32>} : memref<8192xf32, #tpu.memory_space<vmem>>, vector<16xf32>,
    %get3A_584 = vector.shape_cast %get3A_583 : vector<16xf32> to vector<16xf32>
    %swap3A_585 = arith.constant 1552 : index
    %swap3A_586 = tpu.vector_load %arg6[%swap3A_585] {strides = array<i32>} : memref<8192xf32, #tpu.memory_space<vmem>>, vector<16xf32>,
    %swap3A_587 = vector.shape_cast %swap3A_586 : vector<16xf32> to vector<16xf32>
    %swap3A_588 = vector.shape_cast %get3A_584 : vector<16xf32> to vector<16xf32>
    tpu.vector_store %arg6[%swap3A_585], %swap3A_588 {strides = array<i32>} : memref<8192xf32, #tpu.memory_space<vmem>>, vector<16xf32>,
    %swap3A_589 = arith.constant 1680 : index
    %swap3A_590 = tpu.vector_load %arg6[%swap3A_589] {strides = array<i32>} : memref<8192xf32, #tpu.memory_space<vmem>>, vector<16xf32>,
    %swap3A_591 = vector.shape_cast %swap3A_590 : vector<16xf32> to vector<16xf32>
    %swap3A_592 = vector.shape_cast %get3A_13 : vector<16xf32> to vector<16xf32>
    tpu.vector_store %arg6[%swap3A_589], %swap3A_592 {strides = array<i32>} : memref<8192xf32, #tpu.memory_space<vmem>>, vector<16xf32>,
    %get3A_593 = arith.constant 800 : index
    %get3A_594 = tpu.vector_load %arg5[%get3A_593] {strides = array<i32>} : memref<8192xf32, #tpu.memory_space<vmem>>, vector<16xf32>,
    %get3A_595 = vector.shape_cast %get3A_594 : vector<16xf32> to vector<16xf32>
    %swap3A_596 = arith.constant 1568 : index
    %swap3A_597 = tpu.vector_load %arg6[%swap3A_596] {strides = array<i32>} : memref<8192xf32, #tpu.memory_space<vmem>>, vector<16xf32>,
    %swap3A_598 = vector.shape_cast %swap3A_597 : vector<16xf32> to vector<16xf32>
    %swap3A_599 = vector.shape_cast %get3A_595 : vector<16xf32> to vector<16xf32>
    tpu.vector_store %arg6[%swap3A_596], %swap3A_599 {strides = array<i32>} : memref<8192xf32, #tpu.memory_space<vmem>>, vector<16xf32>,
    %swap3A_600 = arith.constant 1696 : index
    %swap3A_601 = tpu.vector_load %arg6[%swap3A_600] {strides = array<i32>} : memref<8192xf32, #tpu.memory_space<vmem>>, vector<16xf32>,
    %swap3A_602 = vector.shape_cast %swap3A_601 : vector<16xf32> to vector<16xf32>
    %swap3A_603 = vector.shape_cast %get3A_18 : vector<16xf32> to vector<16xf32>
    tpu.vector_store %arg6[%swap3A_600], %swap3A_603 {strides = array<i32>} : memref<8192xf32, #tpu.memory_space<vmem>>, vector<16xf32>,
    %get3A_604 = arith.constant 816 : index
    %get3A_605 = tpu.vector_load %arg5[%get3A_604] {strides = array<i32>} : memref<8192xf32, #tpu.memory_space<vmem>>, vector<16xf32>,
    %get3A_606 = vector.shape_cast %get3A_605 : vector<16xf32> to vector<16xf32>
    %swap3A_607 = arith.constant 1584 : index
    %swap3A_608 = tpu.vector_load %arg6[%swap3A_607] {strides = array<i32>} : memref<8192xf32, #tpu.memory_space<vmem>>, vector<16xf32>,
    %swap3A_609 = vector.shape_cast %swap3A_608 : vector<16xf32> to vector<16xf32>
    %swap3A_610 = vector.shape_cast %get3A_606 : vector<16xf32> to vector<16xf32>
    tpu.vector_store %arg6[%swap3A_607], %swap3A_610 {strides = array<i32>} : memref<8192xf32, #tpu.memory_space<vmem>>, vector<16xf32>,
    %swap3A_611 = arith.constant 1712 : index
    %swap3A_612 = tpu.vector_load %arg6[%swap3A_611] {strides = array<i32>} : memref<8192xf32, #tpu.memory_space<vmem>>, vector<16xf32>,
    %swap3A_613 = vector.shape_cast %swap3A_612 : vector<16xf32> to vector<16xf32>
    %swap3A_614 = vector.shape_cast %get3A_23 : vector<16xf32> to vector<16xf32>
    tpu.vector_store %arg6[%swap3A_611], %swap3A_614 {strides = array<i32>} : memref<8192xf32, #tpu.memory_space<vmem>>, vector<16xf32>,
    %get3A_615 = arith.constant 832 : index
    %get3A_616 = tpu.vector_load %arg5[%get3A_615] {strides = array<i32>} : memref<8192xf32, #tpu.memory_space<vmem>>, vector<16xf32>,
    %get3A_617 = vector.shape_cast %get3A_616 : vector<16xf32> to vector<16xf32>
    %swap3A_618 = arith.constant 1600 : index
    %swap3A_619 = tpu.vector_load %arg6[%swap3A_618] {strides = array<i32>} : memref<8192xf32, #tpu.memory_space<vmem>>, vector<16xf32>,
    %swap3A_620 = vector.shape_cast %swap3A_619 : vector<16xf32> to vector<16xf32>
    %swap3A_621 = vector.shape_cast %get3A_617 : vector<16xf32> to vector<16xf32>
    tpu.vector_store %arg6[%swap3A_618], %swap3A_621 {strides = array<i32>} : memref<8192xf32, #tpu.memory_space<vmem>>, vector<16xf32>,
    %swap3A_622 = arith.constant 1728 : index
    %swap3A_623 = tpu.vector_load %arg6[%swap3A_622] {strides = array<i32>} : memref<8192xf32, #tpu.memory_space<vmem>>, vector<16xf32>,
    %swap3A_624 = vector.shape_cast %swap3A_623 : vector<16xf32> to vector<16xf32>
    %swap3A_625 = vector.shape_cast %get3A_28 : vector<16xf32> to vector<16xf32>
    tpu.vector_store %arg6[%swap3A_622], %swap3A_625 {strides = array<i32>} : memref<8192xf32, #tpu.memory_space<vmem>>, vector<16xf32>,
    %get3A_626 = arith.constant 848 : index
    %get3A_627 = tpu.vector_load %arg5[%get3A_626] {strides = array<i32>} : memref<8192xf32, #tpu.memory_space<vmem>>, vector<16xf32>,
    %get3A_628 = vector.shape_cast %get3A_627 : vector<16xf32> to vector<16xf32>
    %swap3A_629 = arith.constant 1616 : index
    %swap3A_630 = tpu.vector_load %arg6[%swap3A_629] {strides = array<i32>} : memref<8192xf32, #tpu.memory_space<vmem>>, vector<16xf32>,
    %swap3A_631 = vector.shape_cast %swap3A_630 : vector<16xf32> to vector<16xf32>
    %swap3A_632 = vector.shape_cast %get3A_628 : vector<16xf32> to vector<16xf32>
    tpu.vector_store %arg6[%swap3A_629], %swap3A_632 {strides = array<i32>} : memref<8192xf32, #tpu.memory_space<vmem>>, vector<16xf32>,
    %swap3A_633 = arith.constant 1744 : index
    %swap3A_634 = tpu.vector_load %arg6[%swap3A_633] {strides = array<i32>} : memref<8192xf32, #tpu.memory_space<vmem>>, vector<16xf32>,
    %swap3A_635 = vector.shape_cast %swap3A_634 : vector<16xf32> to vector<16xf32>
    %swap3A_636 = vector.shape_cast %get3A_33 : vector<16xf32> to vector<16xf32>
    tpu.vector_store %arg6[%swap3A_633], %swap3A_636 {strides = array<i32>} : memref<8192xf32, #tpu.memory_space<vmem>>, vector<16xf32>,
    %get3A_637 = arith.constant 864 : index
    %get3A_638 = tpu.vector_load %arg5[%get3A_637] {strides = array<i32>} : memref<8192xf32, #tpu.memory_space<vmem>>, vector<16xf32>,
    %get3A_639 = vector.shape_cast %get3A_638 : vector<16xf32> to vector<16xf32>
    %swap3A_640 = arith.constant 1632 : index
    %swap3A_641 = tpu.vector_load %arg6[%swap3A_640] {strides = array<i32>} : memref<8192xf32, #tpu.memory_space<vmem>>, vector<16xf32>,
    %swap3A_642 = vector.shape_cast %swap3A_641 : vector<16xf32> to vector<16xf32>
    %swap3A_643 = vector.shape_cast %get3A_639 : vector<16xf32> to vector<16xf32>
    tpu.vector_store %arg6[%swap3A_640], %swap3A_643 {strides = array<i32>} : memref<8192xf32, #tpu.memory_space<vmem>>, vector<16xf32>,
    %swap3A_644 = arith.constant 1760 : index
    %swap3A_645 = tpu.vector_load %arg6[%swap3A_644] {strides = array<i32>} : memref<8192xf32, #tpu.memory_space<vmem>>, vector<16xf32>,
    %swap3A_646 = vector.shape_cast %swap3A_645 : vector<16xf32> to vector<16xf32>
    %swap3A_647 = vector.shape_cast %get3A_38 : vector<16xf32> to vector<16xf32>
    tpu.vector_store %arg6[%swap3A_644], %swap3A_647 {strides = array<i32>} : memref<8192xf32, #tpu.memory_space<vmem>>, vector<16xf32>,
    %get3A_648 = arith.constant 880 : index
    %get3A_649 = tpu.vector_load %arg5[%get3A_648] {strides = array<i32>} : memref<8192xf32, #tpu.memory_space<vmem>>, vector<16xf32>,
    %get3A_650 = vector.shape_cast %get3A_649 : vector<16xf32> to vector<16xf32>
    %swap3A_651 = arith.constant 1648 : index
    %swap3A_652 = tpu.vector_load %arg6[%swap3A_651] {strides = array<i32>} : memref<8192xf32, #tpu.memory_space<vmem>>, vector<16xf32>,
    %swap3A_653 = vector.shape_cast %swap3A_652 : vector<16xf32> to vector<16xf32>
    %swap3A_654 = vector.shape_cast %get3A_650 : vector<16xf32> to vector<16xf32>
    tpu.vector_store %arg6[%swap3A_651], %swap3A_654 {strides = array<i32>} : memref<8192xf32, #tpu.memory_space<vmem>>, vector<16xf32>,
    %swap3A_655 = arith.constant 1776 : index
    %swap3A_656 = tpu.vector_load %arg6[%swap3A_655] {strides = array<i32>} : memref<8192xf32, #tpu.memory_space<vmem>>, vector<16xf32>,
    %swap3A_657 = vector.shape_cast %swap3A_656 : vector<16xf32> to vector<16xf32>
    %swap3A_658 = vector.shape_cast %get3A_43 : vector<16xf32> to vector<16xf32>
    tpu.vector_store %arg6[%swap3A_655], %swap3A_658 {strides = array<i32>} : memref<8192xf32, #tpu.memory_space<vmem>>, vector<16xf32>,
    %get3A_659 = arith.constant 896 : index
    %get3A_660 = tpu.vector_load %arg5[%get3A_659] {strides = array<i32>} : memref<8192xf32, #tpu.memory_space<vmem>>, vector<16xf32>,
    %get3A_661 = vector.shape_cast %get3A_660 : vector<16xf32> to vector<16xf32>
    %swap3A_662 = arith.constant 1792 : index
    %swap3A_663 = tpu.vector_load %arg6[%swap3A_662] {strides = array<i32>} : memref<8192xf32, #tpu.memory_space<vmem>>, vector<16xf32>,
    %swap3A_664 = vector.shape_cast %swap3A_663 : vector<16xf32> to vector<16xf32>
    %swap3A_665 = vector.shape_cast %get3A_661 : vector<16xf32> to vector<16xf32>
    tpu.vector_store %arg6[%swap3A_662], %swap3A_665 {strides = array<i32>} : memref<8192xf32, #tpu.memory_space<vmem>>, vector<16xf32>,
    %swap3A_666 = arith.constant 1920 : index
    %swap3A_667 = tpu.vector_load %arg6[%swap3A_666] {strides = array<i32>} : memref<8192xf32, #tpu.memory_space<vmem>>, vector<16xf32>,
    %swap3A_668 = vector.shape_cast %swap3A_667 : vector<16xf32> to vector<16xf32>
    %swap3A_669 = vector.shape_cast %get3A_8 : vector<16xf32> to vector<16xf32>
    tpu.vector_store %arg6[%swap3A_666], %swap3A_669 {strides = array<i32>} : memref<8192xf32, #tpu.memory_space<vmem>>, vector<16xf32>,
    %get3A_670 = arith.constant 912 : index
    %get3A_671 = tpu.vector_load %arg5[%get3A_670] {strides = array<i32>} : memref<8192xf32, #tpu.memory_space<vmem>>, vector<16xf32>,
    %get3A_672 = vector.shape_cast %get3A_671 : vector<16xf32> to vector<16xf32>
    %swap3A_673 = arith.constant 1808 : index
    %swap3A_674 = tpu.vector_load %arg6[%swap3A_673] {strides = array<i32>} : memref<8192xf32, #tpu.memory_space<vmem>>, vector<16xf32>,
    %swap3A_675 = vector.shape_cast %swap3A_674 : vector<16xf32> to vector<16xf32>
    %swap3A_676 = vector.shape_cast %get3A_672 : vector<16xf32> to vector<16xf32>
    tpu.vector_store %arg6[%swap3A_673], %swap3A_676 {strides = array<i32>} : memref<8192xf32, #tpu.memory_space<vmem>>, vector<16xf32>,
    %swap3A_677 = arith.constant 1936 : index
    %swap3A_678 = tpu.vector_load %arg6[%swap3A_677] {strides = array<i32>} : memref<8192xf32, #tpu.memory_space<vmem>>, vector<16xf32>,
    %swap3A_679 = vector.shape_cast %swap3A_678 : vector<16xf32> to vector<16xf32>
    %swap3A_680 = vector.shape_cast %get3A_13 : vector<16xf32> to vector<16xf32>
    tpu.vector_store %arg6[%swap3A_677], %swap3A_680 {strides = array<i32>} : memref<8192xf32, #tpu.memory_space<vmem>>, vector<16xf32>,
    %get3A_681 = arith.constant 928 : index
    %get3A_682 = tpu.vector_load %arg5[%get3A_681] {strides = array<i32>} : memref<8192xf32, #tpu.memory_space<vmem>>, vector<16xf32>,
    %get3A_683 = vector.shape_cast %get3A_682 : vector<16xf32> to vector<16xf32>
    %swap3A_684 = arith.constant 1824 : index
    %swap3A_685 = tpu.vector_load %arg6[%swap3A_684] {strides = array<i32>} : memref<8192xf32, #tpu.memory_space<vmem>>, vector<16xf32>,
    %swap3A_686 = vector.shape_cast %swap3A_685 : vector<16xf32> to vector<16xf32>
    %swap3A_687 = vector.shape_cast %get3A_683 : vector<16xf32> to vector<16xf32>
    tpu.vector_store %arg6[%swap3A_684], %swap3A_687 {strides = array<i32>} : memref<8192xf32, #tpu.memory_space<vmem>>, vector<16xf32>,
    %swap3A_688 = arith.constant 1952 : index
    %swap3A_689 = tpu.vector_load %arg6[%swap3A_688] {strides = array<i32>} : memref<8192xf32, #tpu.memory_space<vmem>>, vector<16xf32>,
    %swap3A_690 = vector.shape_cast %swap3A_689 : vector<16xf32> to vector<16xf32>
    %swap3A_691 = vector.shape_cast %get3A_18 : vector<16xf32> to vector<16xf32>
    tpu.vector_store %arg6[%swap3A_688], %swap3A_691 {strides = array<i32>} : memref<8192xf32, #tpu.memory_space<vmem>>, vector<16xf32>,
    %get3A_692 = arith.constant 944 : index
    %get3A_693 = tpu.vector_load %arg5[%get3A_692] {strides = array<i32>} : memref<8192xf32, #tpu.memory_space<vmem>>, vector<16xf32>,
    %get3A_694 = vector.shape_cast %get3A_693 : vector<16xf32> to vector<16xf32>
    %swap3A_695 = arith.constant 1840 : index
    %swap3A_696 = tpu.vector_load %arg6[%swap3A_695] {strides = array<i32>} : memref<8192xf32, #tpu.memory_space<vmem>>, vector<16xf32>,
    %swap3A_697 = vector.shape_cast %swap3A_696 : vector<16xf32> to vector<16xf32>
    %swap3A_698 = vector.shape_cast %get3A_694 : vector<16xf32> to vector<16xf32>
    tpu.vector_store %arg6[%swap3A_695], %swap3A_698 {strides = array<i32>} : memref<8192xf32, #tpu.memory_space<vmem>>, vector<16xf32>,
    %swap3A_699 = arith.constant 1968 : index
    %swap3A_700 = tpu.vector_load %arg6[%swap3A_699] {strides = array<i32>} : memref<8192xf32, #tpu.memory_space<vmem>>, vector<16xf32>,
    %swap3A_701 = vector.shape_cast %swap3A_700 : vector<16xf32> to vector<16xf32>
    %swap3A_702 = vector.shape_cast %get3A_23 : vector<16xf32> to vector<16xf32>
    tpu.vector_store %arg6[%swap3A_699], %swap3A_702 {strides = array<i32>} : memref<8192xf32, #tpu.memory_space<vmem>>, vector<16xf32>,
    %get3A_703 = arith.constant 960 : index
    %get3A_704 = tpu.vector_load %arg5[%get3A_703] {strides = array<i32>} : memref<8192xf32, #tpu.memory_space<vmem>>, vector<16xf32>,
    %get3A_705 = vector.shape_cast %get3A_704 : vector<16xf32> to vector<16xf32>
    %swap3A_706 = arith.constant 1856 : index
    %swap3A_707 = tpu.vector_load %arg6[%swap3A_706] {strides = array<i32>} : memref<8192xf32, #tpu.memory_space<vmem>>, vector<16xf32>,
    %swap3A_708 = vector.shape_cast %swap3A_707 : vector<16xf32> to vector<16xf32>
    %swap3A_709 = vector.shape_cast %get3A_705 : vector<16xf32> to vector<16xf32>
    tpu.vector_store %arg6[%swap3A_706], %swap3A_709 {strides = array<i32>} : memref<8192xf32, #tpu.memory_space<vmem>>, vector<16xf32>,
    %swap3A_710 = arith.constant 1984 : index
    %swap3A_711 = tpu.vector_load %arg6[%swap3A_710] {strides = array<i32>} : memref<8192xf32, #tpu.memory_space<vmem>>, vector<16xf32>,
    %swap3A_712 = vector.shape_cast %swap3A_711 : vector<16xf32> to vector<16xf32>
    %swap3A_713 = vector.shape_cast %get3A_28 : vector<16xf32> to vector<16xf32>
    tpu.vector_store %arg6[%swap3A_710], %swap3A_713 {strides = array<i32>} : memref<8192xf32, #tpu.memory_space<vmem>>, vector<16xf32>,
    %get3A_714 = arith.constant 976 : index
    %get3A_715 = tpu.vector_load %arg5[%get3A_714] {strides = array<i32>} : memref<8192xf32, #tpu.memory_space<vmem>>, vector<16xf32>,
    %get3A_716 = vector.shape_cast %get3A_715 : vector<16xf32> to vector<16xf32>
    %swap3A_717 = arith.constant 1872 : index
    %swap3A_718 = tpu.vector_load %arg6[%swap3A_717] {strides = array<i32>} : memref<8192xf32, #tpu.memory_space<vmem>>, vector<16xf32>,
    %swap3A_719 = vector.shape_cast %swap3A_718 : vector<16xf32> to vector<16xf32>
    %swap3A_720 = vector.shape_cast %get3A_716 : vector<16xf32> to vector<16xf32>
    tpu.vector_store %arg6[%swap3A_717], %swap3A_720 {strides = array<i32>} : memref<8192xf32, #tpu.memory_space<vmem>>, vector<16xf32>,
    %swap3A_721 = arith.constant 2000 : index
    %swap3A_722 = tpu.vector_load %arg6[%swap3A_721] {strides = array<i32>} : memref<8192xf32, #tpu.memory_space<vmem>>, vector<16xf32>,
    %swap3A_723 = vector.shape_cast %swap3A_722 : vector<16xf32> to vector<16xf32>
    %swap3A_724 = vector.shape_cast %get3A_33 : vector<16xf32> to vector<16xf32>
    tpu.vector_store %arg6[%swap3A_721], %swap3A_724 {strides = array<i32>} : memref<8192xf32, #tpu.memory_space<vmem>>, vector<16xf32>,
    %get3A_725 = arith.constant 992 : index
    %get3A_726 = tpu.vector_load %arg5[%get3A_725] {strides = array<i32>} : memref<8192xf32, #tpu.memory_space<vmem>>, vector<16xf32>,
    %get3A_727 = vector.shape_cast %get3A_726 : vector<16xf32> to vector<16xf32>
    %swap3A_728 = arith.constant 1888 : index
    %swap3A_729 = tpu.vector_load %arg6[%swap3A_728] {strides = array<i32>} : memref<8192xf32, #tpu.memory_space<vmem>>, vector<16xf32>,
    %swap3A_730 = vector.shape_cast %swap3A_729 : vector<16xf32> to vector<16xf32>
    %swap3A_731 = vector.shape_cast %get3A_727 : vector<16xf32> to vector<16xf32>
    tpu.vector_store %arg6[%swap3A_728], %swap3A_731 {strides = array<i32>} : memref<8192xf32, #tpu.memory_space<vmem>>, vector<16xf32>,
    %swap3A_732 = arith.constant 2016 : index
    %swap3A_733 = tpu.vector_load %arg6[%swap3A_732] {strides = array<i32>} : memref<8192xf32, #tpu.memory_space<vmem>>, vector<16xf32>,
    %swap3A_734 = vector.shape_cast %swap3A_733 : vector<16xf32> to vector<16xf32>
    %swap3A_735 = vector.shape_cast %get3A_38 : vector<16xf32> to vector<16xf32>
    tpu.vector_store %arg6[%swap3A_732], %swap3A_735 {strides = array<i32>} : memref<8192xf32, #tpu.memory_space<vmem>>, vector<16xf32>,
    %get3A_736 = arith.constant 1008 : index
    %get3A_737 = tpu.vector_load %arg5[%get3A_736] {strides = array<i32>} : memref<8192xf32, #tpu.memory_space<vmem>>, vector<16xf32>,
    %get3A_738 = vector.shape_cast %get3A_737 : vector<16xf32> to vector<16xf32>
    %swap3A_739 = arith.constant 1904 : index
    %swap3A_740 = tpu.vector_load %arg6[%swap3A_739] {strides = array<i32>} : memref<8192xf32, #tpu.memory_space<vmem>>, vector<16xf32>,
    %swap3A_741 = vector.shape_cast %swap3A_740 : vector<16xf32> to vector<16xf32>
    %swap3A_742 = vector.shape_cast %get3A_738 : vector<16xf32> to vector<16xf32>
    tpu.vector_store %arg6[%swap3A_739], %swap3A_742 {strides = array<i32>} : memref<8192xf32, #tpu.memory_space<vmem>>, vector<16xf32>,
    %swap3A_743 = arith.constant 2032 : index
    %swap3A_744 = tpu.vector_load %arg6[%swap3A_743] {strides = array<i32>} : memref<8192xf32, #tpu.memory_space<vmem>>, vector<16xf32>,
    %swap3A_745 = vector.shape_cast %swap3A_744 : vector<16xf32> to vector<16xf32>
    %swap3A_746 = vector.shape_cast %get3A_43 : vector<16xf32> to vector<16xf32>
    tpu.vector_store %arg6[%swap3A_743], %swap3A_746 {strides = array<i32>} : memref<8192xf32, #tpu.memory_space<vmem>>, vector<16xf32>,
    %get3A_747 = arith.constant 1024 : index
    %get3A_748 = tpu.vector_load %arg5[%get3A_747] {strides = array<i32>} : memref<8192xf32, #tpu.memory_space<vmem>>, vector<16xf32>,
    %get3A_749 = vector.shape_cast %get3A_748 : vector<16xf32> to vector<16xf32>
    %swap3A_750 = arith.constant 2048 : index
    %swap3A_751 = tpu.vector_load %arg6[%swap3A_750] {strides = array<i32>} : memref<8192xf32, #tpu.memory_space<vmem>>, vector<16xf32>,
    %swap3A_752 = vector.shape_cast %swap3A_751 : vector<16xf32> to vector<16xf32>
    %swap3A_753 = vector.shape_cast %get3A_749 : vector<16xf32> to vector<16xf32>
    tpu.vector_store %arg6[%swap3A_750], %swap3A_753 {strides = array<i32>} : memref<8192xf32, #tpu.memory_space<vmem>>, vector<16xf32>,
    %swap3A_754 = arith.constant 2176 : index
    %swap3A_755 = tpu.vector_load %arg6[%swap3A_754] {strides = array<i32>} : memref<8192xf32, #tpu.memory_space<vmem>>, vector<16xf32>,
    %swap3A_756 = vector.shape_cast %swap3A_755 : vector<16xf32> to vector<16xf32>
    %swap3A_757 = vector.shape_cast %get3A_8 : vector<16xf32> to vector<16xf32>
    tpu.vector_store %arg6[%swap3A_754], %swap3A_757 {strides = array<i32>} : memref<8192xf32, #tpu.memory_space<vmem>>, vector<16xf32>,
    %get3A_758 = arith.constant 1040 : index
    %get3A_759 = tpu.vector_load %arg5[%get3A_758] {strides = array<i32>} : memref<8192xf32, #tpu.memory_space<vmem>>, vector<16xf32>,
    %get3A_760 = vector.shape_cast %get3A_759 : vector<16xf32> to vector<16xf32>
    %swap3A_761 = arith.constant 2064 : index
    %swap3A_762 = tpu.vector_load %arg6[%swap3A_761] {strides = array<i32>} : memref<8192xf32, #tpu.memory_space<vmem>>, vector<16xf32>,
    %swap3A_763 = vector.shape_cast %swap3A_762 : vector<16xf32> to vector<16xf32>
    %swap3A_764 = vector.shape_cast %get3A_760 : vector<16xf32> to vector<16xf32>
    tpu.vector_store %arg6[%swap3A_761], %swap3A_764 {strides = array<i32>} : memref<8192xf32, #tpu.memory_space<vmem>>, vector<16xf32>,
    %swap3A_765 = arith.constant 2192 : index
    %swap3A_766 = tpu.vector_load %arg6[%swap3A_765] {strides = array<i32>} : memref<8192xf32, #tpu.memory_space<vmem>>, vector<16xf32>,
    %swap3A_767 = vector.shape_cast %swap3A_766 : vector<16xf32> to vector<16xf32>
    %swap3A_768 = vector.shape_cast %get3A_13 : vector<16xf32> to vector<16xf32>
    tpu.vector_store %arg6[%swap3A_765], %swap3A_768 {strides = array<i32>} : memref<8192xf32, #tpu.memory_space<vmem>>, vector<16xf32>,
    %get3A_769 = arith.constant 1056 : index
    %get3A_770 = tpu.vector_load %arg5[%get3A_769] {strides = array<i32>} : memref<8192xf32, #tpu.memory_space<vmem>>, vector<16xf32>,
    %get3A_771 = vector.shape_cast %get3A_770 : vector<16xf32> to vector<16xf32>
    %swap3A_772 = arith.constant 2080 : index
    %swap3A_773 = tpu.vector_load %arg6[%swap3A_772] {strides = array<i32>} : memref<8192xf32, #tpu.memory_space<vmem>>, vector<16xf32>,
    %swap3A_774 = vector.shape_cast %swap3A_773 : vector<16xf32> to vector<16xf32>
    %swap3A_775 = vector.shape_cast %get3A_771 : vector<16xf32> to vector<16xf32>
    tpu.vector_store %arg6[%swap3A_772], %swap3A_775 {strides = array<i32>} : memref<8192xf32, #tpu.memory_space<vmem>>, vector<16xf32>,
    %swap3A_776 = arith.constant 2208 : index
    %swap3A_777 = tpu.vector_load %arg6[%swap3A_776] {strides = array<i32>} : memref<8192xf32, #tpu.memory_space<vmem>>, vector<16xf32>,
    %swap3A_778 = vector.shape_cast %swap3A_777 : vector<16xf32> to vector<16xf32>
    %swap3A_779 = vector.shape_cast %get3A_18 : vector<16xf32> to vector<16xf32>
    tpu.vector_store %arg6[%swap3A_776], %swap3A_779 {strides = array<i32>} : memref<8192xf32, #tpu.memory_space<vmem>>, vector<16xf32>,
    %get3A_780 = arith.constant 1072 : index
    %get3A_781 = tpu.vector_load %arg5[%get3A_780] {strides = array<i32>} : memref<8192xf32, #tpu.memory_space<vmem>>, vector<16xf32>,
    %get3A_782 = vector.shape_cast %get3A_781 : vector<16xf32> to vector<16xf32>
    %swap3A_783 = arith.constant 2096 : index
    %swap3A_784 = tpu.vector_load %arg6[%swap3A_783] {strides = array<i32>} : memref<8192xf32, #tpu.memory_space<vmem>>, vector<16xf32>,
    %swap3A_785 = vector.shape_cast %swap3A_784 : vector<16xf32> to vector<16xf32>
    %swap3A_786 = vector.shape_cast %get3A_782 : vector<16xf32> to vector<16xf32>
    tpu.vector_store %arg6[%swap3A_783], %swap3A_786 {strides = array<i32>} : memref<8192xf32, #tpu.memory_space<vmem>>, vector<16xf32>,
    %swap3A_787 = arith.constant 2224 : index
    %swap3A_788 = tpu.vector_load %arg6[%swap3A_787] {strides = array<i32>} : memref<8192xf32, #tpu.memory_space<vmem>>, vector<16xf32>,
    %swap3A_789 = vector.shape_cast %swap3A_788 : vector<16xf32> to vector<16xf32>
    %swap3A_790 = vector.shape_cast %get3A_23 : vector<16xf32> to vector<16xf32>
    tpu.vector_store %arg6[%swap3A_787], %swap3A_790 {strides = array<i32>} : memref<8192xf32, #tpu.memory_space<vmem>>, vector<16xf32>,
    %get3A_791 = arith.constant 1088 : index
    %get3A_792 = tpu.vector_load %arg5[%get3A_791] {strides = array<i32>} : memref<8192xf32, #tpu.memory_space<vmem>>, vector<16xf32>,
    %get3A_793 = vector.shape_cast %get3A_792 : vector<16xf32> to vector<16xf32>
    %swap3A_794 = arith.constant 2112 : index
    %swap3A_795 = tpu.vector_load %arg6[%swap3A_794] {strides = array<i32>} : memref<8192xf32, #tpu.memory_space<vmem>>, vector<16xf32>,
    %swap3A_796 = vector.shape_cast %swap3A_795 : vector<16xf32> to vector<16xf32>
    %swap3A_797 = vector.shape_cast %get3A_793 : vector<16xf32> to vector<16xf32>
    tpu.vector_store %arg6[%swap3A_794], %swap3A_797 {strides = array<i32>} : memref<8192xf32, #tpu.memory_space<vmem>>, vector<16xf32>,
    %swap3A_798 = arith.constant 2240 : index
    %swap3A_799 = tpu.vector_load %arg6[%swap3A_798] {strides = array<i32>} : memref<8192xf32, #tpu.memory_space<vmem>>, vector<16xf32>,
    %swap3A_800 = vector.shape_cast %swap3A_799 : vector<16xf32> to vector<16xf32>
    %swap3A_801 = vector.shape_cast %get3A_28 : vector<16xf32> to vector<16xf32>
    tpu.vector_store %arg6[%swap3A_798], %swap3A_801 {strides = array<i32>} : memref<8192xf32, #tpu.memory_space<vmem>>, vector<16xf32>,
    %get3A_802 = arith.constant 1104 : index
    %get3A_803 = tpu.vector_load %arg5[%get3A_802] {strides = array<i32>} : memref<8192xf32, #tpu.memory_space<vmem>>, vector<16xf32>,
    %get3A_804 = vector.shape_cast %get3A_803 : vector<16xf32> to vector<16xf32>
    %swap3A_805 = arith.constant 2128 : index
    %swap3A_806 = tpu.vector_load %arg6[%swap3A_805] {strides = array<i32>} : memref<8192xf32, #tpu.memory_space<vmem>>, vector<16xf32>,
    %swap3A_807 = vector.shape_cast %swap3A_806 : vector<16xf32> to vector<16xf32>
    %swap3A_808 = vector.shape_cast %get3A_804 : vector<16xf32> to vector<16xf32>
    tpu.vector_store %arg6[%swap3A_805], %swap3A_808 {strides = array<i32>} : memref<8192xf32, #tpu.memory_space<vmem>>, vector<16xf32>,
    %swap3A_809 = arith.constant 2256 : index
    %swap3A_810 = tpu.vector_load %arg6[%swap3A_809] {strides = array<i32>} : memref<8192xf32, #tpu.memory_space<vmem>>, vector<16xf32>,
    %swap3A_811 = vector.shape_cast %swap3A_810 : vector<16xf32> to vector<16xf32>
    %swap3A_812 = vector.shape_cast %get3A_33 : vector<16xf32> to vector<16xf32>
    tpu.vector_store %arg6[%swap3A_809], %swap3A_812 {strides = array<i32>} : memref<8192xf32, #tpu.memory_space<vmem>>, vector<16xf32>,
    %get3A_813 = arith.constant 1120 : index
    %get3A_814 = tpu.vector_load %arg5[%get3A_813] {strides = array<i32>} : memref<8192xf32, #tpu.memory_space<vmem>>, vector<16xf32>,
    %get3A_815 = vector.shape_cast %get3A_814 : vector<16xf32> to vector<16xf32>
    %swap3A_816 = arith.constant 2144 : index
    %swap3A_817 = tpu.vector_load %arg6[%swap3A_816] {strides = array<i32>} : memref<8192xf32, #tpu.memory_space<vmem>>, vector<16xf32>,
    %swap3A_818 = vector.shape_cast %swap3A_817 : vector<16xf32> to vector<16xf32>
    %swap3A_819 = vector.shape_cast %get3A_815 : vector<16xf32> to vector<16xf32>
    tpu.vector_store %arg6[%swap3A_816], %swap3A_819 {strides = array<i32>} : memref<8192xf32, #tpu.memory_space<vmem>>, vector<16xf32>,
    %swap3A_820 = arith.constant 2272 : index
    %swap3A_821 = tpu.vector_load %arg6[%swap3A_820] {strides = array<i32>} : memref<8192xf32, #tpu.memory_space<vmem>>, vector<16xf32>,
    %swap3A_822 = vector.shape_cast %swap3A_821 : vector<16xf32> to vector<16xf32>
    %swap3A_823 = vector.shape_cast %get3A_38 : vector<16xf32> to vector<16xf32>
    tpu.vector_store %arg6[%swap3A_820], %swap3A_823 {strides = array<i32>} : memref<8192xf32, #tpu.memory_space<vmem>>, vector<16xf32>,
    %get3A_824 = arith.constant 1136 : index
    %get3A_825 = tpu.vector_load %arg5[%get3A_824] {strides = array<i32>} : memref<8192xf32, #tpu.memory_space<vmem>>, vector<16xf32>,
    %get3A_826 = vector.shape_cast %get3A_825 : vector<16xf32> to vector<16xf32>
    %swap3A_827 = arith.constant 2160 : index
    %swap3A_828 = tpu.vector_load %arg6[%swap3A_827] {strides = array<i32>} : memref<8192xf32, #tpu.memory_space<vmem>>, vector<16xf32>,
    %swap3A_829 = vector.shape_cast %swap3A_828 : vector<16xf32> to vector<16xf32>
    %swap3A_830 = vector.shape_cast %get3A_826 : vector<16xf32> to vector<16xf32>
    tpu.vector_store %arg6[%swap3A_827], %swap3A_830 {strides = array<i32>} : memref<8192xf32, #tpu.memory_space<vmem>>, vector<16xf32>,
    %swap3A_831 = arith.constant 2288 : index
    %swap3A_832 = tpu.vector_load %arg6[%swap3A_831] {strides = array<i32>} : memref<8192xf32, #tpu.memory_space<vmem>>, vector<16xf32>,
    %swap3A_833 = vector.shape_cast %swap3A_832 : vector<16xf32> to vector<16xf32>
    %swap3A_834 = vector.shape_cast %get3A_43 : vector<16xf32> to vector<16xf32>
    tpu.vector_store %arg6[%swap3A_831], %swap3A_834 {strides = array<i32>} : memref<8192xf32, #tpu.memory_space<vmem>>, vector<16xf32>,
    %get3A_835 = arith.constant 1152 : index
    %get3A_836 = tpu.vector_load %arg5[%get3A_835] {strides = array<i32>} : memref<8192xf32, #tpu.memory_space<vmem>>, vector<16xf32>,
    %get3A_837 = vector.shape_cast %get3A_836 : vector<16xf32> to vector<16xf32>
    %swap3A_838 = arith.constant 2304 : index
    %swap3A_839 = tpu.vector_load %arg6[%swap3A_838] {strides = array<i32>} : memref<8192xf32, #tpu.memory_space<vmem>>, vector<16xf32>,
    %swap3A_840 = vector.shape_cast %swap3A_839 : vector<16xf32> to vector<16xf32>
    %swap3A_841 = vector.shape_cast %get3A_837 : vector<16xf32> to vector<16xf32>
    tpu.vector_store %arg6[%swap3A_838], %swap3A_841 {strides = array<i32>} : memref<8192xf32, #tpu.memory_space<vmem>>, vector<16xf32>,
    %swap3A_842 = arith.constant 2432 : index
    %swap3A_843 = tpu.vector_load %arg6[%swap3A_842] {strides = array<i32>} : memref<8192xf32, #tpu.memory_space<vmem>>, vector<16xf32>,
    %swap3A_844 = vector.shape_cast %swap3A_843 : vector<16xf32> to vector<16xf32>
    %swap3A_845 = vector.shape_cast %get3A_8 : vector<16xf32> to vector<16xf32>
    tpu.vector_store %arg6[%swap3A_842], %swap3A_845 {strides = array<i32>} : memref<8192xf32, #tpu.memory_space<vmem>>, vector<16xf32>,
    %get3A_846 = arith.constant 1168 : index
    %get3A_847 = tpu.vector_load %arg5[%get3A_846] {strides = array<i32>} : memref<8192xf32, #tpu.memory_space<vmem>>, vector<16xf32>,
    %get3A_848 = vector.shape_cast %get3A_847 : vector<16xf32> to vector<16xf32>
    %swap3A_849 = arith.constant 2320 : index
    %swap3A_850 = tpu.vector_load %arg6[%swap3A_849] {strides = array<i32>} : memref<8192xf32, #tpu.memory_space<vmem>>, vector<16xf32>,
    %swap3A_851 = vector.shape_cast %swap3A_850 : vector<16xf32> to vector<16xf32>
    %swap3A_852 = vector.shape_cast %get3A_848 : vector<16xf32> to vector<16xf32>
    tpu.vector_store %arg6[%swap3A_849], %swap3A_852 {strides = array<i32>} : memref<8192xf32, #tpu.memory_space<vmem>>, vector<16xf32>,
    %swap3A_853 = arith.constant 2448 : index
    %swap3A_854 = tpu.vector_load %arg6[%swap3A_853] {strides = array<i32>} : memref<8192xf32, #tpu.memory_space<vmem>>, vector<16xf32>,
    %swap3A_855 = vector.shape_cast %swap3A_854 : vector<16xf32> to vector<16xf32>
    %swap3A_856 = vector.shape_cast %get3A_13 : vector<16xf32> to vector<16xf32>
    tpu.vector_store %arg6[%swap3A_853], %swap3A_856 {strides = array<i32>} : memref<8192xf32, #tpu.memory_space<vmem>>, vector<16xf32>,
    %get3A_857 = arith.constant 1184 : index
    %get3A_858 = tpu.vector_load %arg5[%get3A_857] {strides = array<i32>} : memref<8192xf32, #tpu.memory_space<vmem>>, vector<16xf32>,
    %get3A_859 = vector.shape_cast %get3A_858 : vector<16xf32> to vector<16xf32>
    %swap3A_860 = arith.constant 2336 : index
    %swap3A_861 = tpu.vector_load %arg6[%swap3A_860] {strides = array<i32>} : memref<8192xf32, #tpu.memory_space<vmem>>, vector<16xf32>,
    %swap3A_862 = vector.shape_cast %swap3A_861 : vector<16xf32> to vector<16xf32>
    %swap3A_863 = vector.shape_cast %get3A_859 : vector<16xf32> to vector<16xf32>
    tpu.vector_store %arg6[%swap3A_860], %swap3A_863 {strides = array<i32>} : memref<8192xf32, #tpu.memory_space<vmem>>, vector<16xf32>,
    %swap3A_864 = arith.constant 2464 : index
    %swap3A_865 = tpu.vector_load %arg6[%swap3A_864] {strides = array<i32>} : memref<8192xf32, #tpu.memory_space<vmem>>, vector<16xf32>,
    %swap3A_866 = vector.shape_cast %swap3A_865 : vector<16xf32> to vector<16xf32>
    %swap3A_867 = vector.shape_cast %get3A_18 : vector<16xf32> to vector<16xf32>
    tpu.vector_store %arg6[%swap3A_864], %swap3A_867 {strides = array<i32>} : memref<8192xf32, #tpu.memory_space<vmem>>, vector<16xf32>,
    %get3A_868 = arith.constant 1200 : index
    %get3A_869 = tpu.vector_load %arg5[%get3A_868] {strides = array<i32>} : memref<8192xf32, #tpu.memory_space<vmem>>, vector<16xf32>,
    %get3A_870 = vector.shape_cast %get3A_869 : vector<16xf32> to vector<16xf32>
    %swap3A_871 = arith.constant 2352 : index
    %swap3A_872 = tpu.vector_load %arg6[%swap3A_871] {strides = array<i32>} : memref<8192xf32, #tpu.memory_space<vmem>>, vector<16xf32>,
    %swap3A_873 = vector.shape_cast %swap3A_872 : vector<16xf32> to vector<16xf32>
    %swap3A_874 = vector.shape_cast %get3A_870 : vector<16xf32> to vector<16xf32>
    tpu.vector_store %arg6[%swap3A_871], %swap3A_874 {strides = array<i32>} : memref<8192xf32, #tpu.memory_space<vmem>>, vector<16xf32>,
    %swap3A_875 = arith.constant 2480 : index
    %swap3A_876 = tpu.vector_load %arg6[%swap3A_875] {strides = array<i32>} : memref<8192xf32, #tpu.memory_space<vmem>>, vector<16xf32>,
    %swap3A_877 = vector.shape_cast %swap3A_876 : vector<16xf32> to vector<16xf32>
    %swap3A_878 = vector.shape_cast %get3A_23 : vector<16xf32> to vector<16xf32>
    tpu.vector_store %arg6[%swap3A_875], %swap3A_878 {strides = array<i32>} : memref<8192xf32, #tpu.memory_space<vmem>>, vector<16xf32>,
    %get3A_879 = arith.constant 1216 : index
    %get3A_880 = tpu.vector_load %arg5[%get3A_879] {strides = array<i32>} : memref<8192xf32, #tpu.memory_space<vmem>>, vector<16xf32>,
    %get3A_881 = vector.shape_cast %get3A_880 : vector<16xf32> to vector<16xf32>
    %swap3A_882 = arith.constant 2368 : index
    %swap3A_883 = tpu.vector_load %arg6[%swap3A_882] {strides = array<i32>} : memref<8192xf32, #tpu.memory_space<vmem>>, vector<16xf32>,
    %swap3A_884 = vector.shape_cast %swap3A_883 : vector<16xf32> to vector<16xf32>
    %swap3A_885 = vector.shape_cast %get3A_881 : vector<16xf32> to vector<16xf32>
    tpu.vector_store %arg6[%swap3A_882], %swap3A_885 {strides = array<i32>} : memref<8192xf32, #tpu.memory_space<vmem>>, vector<16xf32>,
    %swap3A_886 = arith.constant 2496 : index
    %swap3A_887 = tpu.vector_load %arg6[%swap3A_886] {strides = array<i32>} : memref<8192xf32, #tpu.memory_space<vmem>>, vector<16xf32>,
    %swap3A_888 = vector.shape_cast %swap3A_887 : vector<16xf32> to vector<16xf32>
    %swap3A_889 = vector.shape_cast %get3A_28 : vector<16xf32> to vector<16xf32>
    tpu.vector_store %arg6[%swap3A_886], %swap3A_889 {strides = array<i32>} : memref<8192xf32, #tpu.memory_space<vmem>>, vector<16xf32>,
    %get3A_890 = arith.constant 1232 : index
    %get3A_891 = tpu.vector_load %arg5[%get3A_890] {strides = array<i32>} : memref<8192xf32, #tpu.memory_space<vmem>>, vector<16xf32>,
    %get3A_892 = vector.shape_cast %get3A_891 : vector<16xf32> to vector<16xf32>
    %swap3A_893 = arith.constant 2384 : index
    %swap3A_894 = tpu.vector_load %arg6[%swap3A_893] {strides = array<i32>} : memref<8192xf32, #tpu.memory_space<vmem>>, vector<16xf32>,
    %swap3A_895 = vector.shape_cast %swap3A_894 : vector<16xf32> to vector<16xf32>
    %swap3A_896 = vector.shape_cast %get3A_892 : vector<16xf32> to vector<16xf32>
    tpu.vector_store %arg6[%swap3A_893], %swap3A_896 {strides = array<i32>} : memref<8192xf32, #tpu.memory_space<vmem>>, vector<16xf32>,
    %swap3A_897 = arith.constant 2512 : index
    %swap3A_898 = tpu.vector_load %arg6[%swap3A_897] {strides = array<i32>} : memref<8192xf32, #tpu.memory_space<vmem>>, vector<16xf32>,
    %swap3A_899 = vector.shape_cast %swap3A_898 : vector<16xf32> to vector<16xf32>
    %swap3A_900 = vector.shape_cast %get3A_33 : vector<16xf32> to vector<16xf32>
    tpu.vector_store %arg6[%swap3A_897], %swap3A_900 {strides = array<i32>} : memref<8192xf32, #tpu.memory_space<vmem>>, vector<16xf32>,
    %get3A_901 = arith.constant 1248 : index
    %get3A_902 = tpu.vector_load %arg5[%get3A_901] {strides = array<i32>} : memref<8192xf32, #tpu.memory_space<vmem>>, vector<16xf32>,
    %get3A_903 = vector.shape_cast %get3A_902 : vector<16xf32> to vector<16xf32>
    %swap3A_904 = arith.constant 2400 : index
    %swap3A_905 = tpu.vector_load %arg6[%swap3A_904] {strides = array<i32>} : memref<8192xf32, #tpu.memory_space<vmem>>, vector<16xf32>,
    %swap3A_906 = vector.shape_cast %swap3A_905 : vector<16xf32> to vector<16xf32>
    %swap3A_907 = vector.shape_cast %get3A_903 : vector<16xf32> to vector<16xf32>
    tpu.vector_store %arg6[%swap3A_904], %swap3A_907 {strides = array<i32>} : memref<8192xf32, #tpu.memory_space<vmem>>, vector<16xf32>,
    %swap3A_908 = arith.constant 2528 : index
    %swap3A_909 = tpu.vector_load %arg6[%swap3A_908] {strides = array<i32>} : memref<8192xf32, #tpu.memory_space<vmem>>, vector<16xf32>,
    %swap3A_910 = vector.shape_cast %swap3A_909 : vector<16xf32> to vector<16xf32>
    %swap3A_911 = vector.shape_cast %get3A_38 : vector<16xf32> to vector<16xf32>
    tpu.vector_store %arg6[%swap3A_908], %swap3A_911 {strides = array<i32>} : memref<8192xf32, #tpu.memory_space<vmem>>, vector<16xf32>,
    %get3A_912 = arith.constant 1264 : index
    %get3A_913 = tpu.vector_load %arg5[%get3A_912] {strides = array<i32>} : memref<8192xf32, #tpu.memory_space<vmem>>, vector<16xf32>,
    %get3A_914 = vector.shape_cast %get3A_913 : vector<16xf32> to vector<16xf32>
    %swap3A_915 = arith.constant 2416 : index
    %swap3A_916 = tpu.vector_load %arg6[%swap3A_915] {strides = array<i32>} : memref<8192xf32, #tpu.memory_space<vmem>>, vector<16xf32>,
    %swap3A_917 = vector.shape_cast %swap3A_916 : vector<16xf32> to vector<16xf32>
    %swap3A_918 = vector.shape_cast %get3A_914 : vector<16xf32> to vector<16xf32>
    tpu.vector_store %arg6[%swap3A_915], %swap3A_918 {strides = array<i32>} : memref<8192xf32, #tpu.memory_space<vmem>>, vector<16xf32>,
    %swap3A_919 = arith.constant 2544 : index
    %swap3A_920 = tpu.vector_load %arg6[%swap3A_919] {strides = array<i32>} : memref<8192xf32, #tpu.memory_space<vmem>>, vector<16xf32>,
    %swap3A_921 = vector.shape_cast %swap3A_920 : vector<16xf32> to vector<16xf32>
    %swap3A_922 = vector.shape_cast %get3A_43 : vector<16xf32> to vector<16xf32>
    tpu.vector_store %arg6[%swap3A_919], %swap3A_922 {strides = array<i32>} : memref<8192xf32, #tpu.memory_space<vmem>>, vector<16xf32>,
    %get3A_923 = arith.constant 1280 : index
    %get3A_924 = tpu.vector_load %arg5[%get3A_923] {strides = array<i32>} : memref<8192xf32, #tpu.memory_space<vmem>>, vector<16xf32>,
    %get3A_925 = vector.shape_cast %get3A_924 : vector<16xf32> to vector<16xf32>
    %swap3A_926 = arith.constant 2560 : index
    %swap3A_927 = tpu.vector_load %arg6[%swap3A_926] {strides = array<i32>} : memref<8192xf32, #tpu.memory_space<vmem>>, vector<16xf32>,
    %swap3A_928 = vector.shape_cast %swap3A_927 : vector<16xf32> to vector<16xf32>
    %swap3A_929 = vector.shape_cast %get3A_925 : vector<16xf32> to vector<16xf32>
    tpu.vector_store %arg6[%swap3A_926], %swap3A_929 {strides = array<i32>} : memref<8192xf32, #tpu.memory_space<vmem>>, vector<16xf32>,
    %swap3A_930 = arith.constant 2688 : index
    %swap3A_931 = tpu.vector_load %arg6[%swap3A_930] {strides = array<i32>} : memref<8192xf32, #tpu.memory_space<vmem>>, vector<16xf32>,
    %swap3A_932 = vector.shape_cast %swap3A_931 : vector<16xf32> to vector<16xf32>
    %swap3A_933 = vector.shape_cast %get3A_8 : vector<16xf32> to vector<16xf32>
    tpu.vector_store %arg6[%swap3A_930], %swap3A_933 {strides = array<i32>} : memref<8192xf32, #tpu.memory_space<vmem>>, vector<16xf32>,
    %get3A_934 = arith.constant 1296 : index
    %get3A_935 = tpu.vector_load %arg5[%get3A_934] {strides = array<i32>} : memref<8192xf32, #tpu.memory_space<vmem>>, vector<16xf32>,
    %get3A_936 = vector.shape_cast %get3A_935 : vector<16xf32> to vector<16xf32>
    %swap3A_937 = arith.constant 2576 : index
    %swap3A_938 = tpu.vector_load %arg6[%swap3A_937] {strides = array<i32>} : memref<8192xf32, #tpu.memory_space<vmem>>, vector<16xf32>,
    %swap3A_939 = vector.shape_cast %swap3A_938 : vector<16xf32> to vector<16xf32>
    %swap3A_940 = vector.shape_cast %get3A_936 : vector<16xf32> to vector<16xf32>
    tpu.vector_store %arg6[%swap3A_937], %swap3A_940 {strides = array<i32>} : memref<8192xf32, #tpu.memory_space<vmem>>, vector<16xf32>,
    %swap3A_941 = arith.constant 2704 : index
    %swap3A_942 = tpu.vector_load %arg6[%swap3A_941] {strides = array<i32>} : memref<8192xf32, #tpu.memory_space<vmem>>, vector<16xf32>,
    %swap3A_943 = vector.shape_cast %swap3A_942 : vector<16xf32> to vector<16xf32>
    %swap3A_944 = vector.shape_cast %get3A_13 : vector<16xf32> to vector<16xf32>
    tpu.vector_store %arg6[%swap3A_941], %swap3A_944 {strides = array<i32>} : memref<8192xf32, #tpu.memory_space<vmem>>, vector<16xf32>,
    %get3A_945 = arith.constant 1312 : index
    %get3A_946 = tpu.vector_load %arg5[%get3A_945] {strides = array<i32>} : memref<8192xf32, #tpu.memory_space<vmem>>, vector<16xf32>,
    %get3A_947 = vector.shape_cast %get3A_946 : vector<16xf32> to vector<16xf32>
    %swap3A_948 = arith.constant 2592 : index
    %swap3A_949 = tpu.vector_load %arg6[%swap3A_948] {strides = array<i32>} : memref<8192xf32, #tpu.memory_space<vmem>>, vector<16xf32>,
    %swap3A_950 = vector.shape_cast %swap3A_949 : vector<16xf32> to vector<16xf32>
    %swap3A_951 = vector.shape_cast %get3A_947 : vector<16xf32> to vector<16xf32>
    tpu.vector_store %arg6[%swap3A_948], %swap3A_951 {strides = array<i32>} : memref<8192xf32, #tpu.memory_space<vmem>>, vector<16xf32>,
    %swap3A_952 = arith.constant 2720 : index
    %swap3A_953 = tpu.vector_load %arg6[%swap3A_952] {strides = array<i32>} : memref<8192xf32, #tpu.memory_space<vmem>>, vector<16xf32>,
    %swap3A_954 = vector.shape_cast %swap3A_953 : vector<16xf32> to vector<16xf32>
    %swap3A_955 = vector.shape_cast %get3A_18 : vector<16xf32> to vector<16xf32>
    tpu.vector_store %arg6[%swap3A_952], %swap3A_955 {strides = array<i32>} : memref<8192xf32, #tpu.memory_space<vmem>>, vector<16xf32>,
    %get3A_956 = arith.constant 1328 : index
    %get3A_957 = tpu.vector_load %arg5[%get3A_956] {strides = array<i32>} : memref<8192xf32, #tpu.memory_space<vmem>>, vector<16xf32>,
    %get3A_958 = vector.shape_cast %get3A_957 : vector<16xf32> to vector<16xf32>
    %swap3A_959 = arith.constant 2608 : index
    %swap3A_960 = tpu.vector_load %arg6[%swap3A_959] {strides = array<i32>} : memref<8192xf32, #tpu.memory_space<vmem>>, vector<16xf32>,
    %swap3A_961 = vector.shape_cast %swap3A_960 : vector<16xf32> to vector<16xf32>
    %swap3A_962 = vector.shape_cast %get3A_958 : vector<16xf32> to vector<16xf32>
    tpu.vector_store %arg6[%swap3A_959], %swap3A_962 {strides = array<i32>} : memref<8192xf32, #tpu.memory_space<vmem>>, vector<16xf32>,
    %swap3A_963 = arith.constant 2736 : index
    %swap3A_964 = tpu.vector_load %arg6[%swap3A_963] {strides = array<i32>} : memref<8192xf32, #tpu.memory_space<vmem>>, vector<16xf32>,
    %swap3A_965 = vector.shape_cast %swap3A_964 : vector<16xf32> to vector<16xf32>
    %swap3A_966 = vector.shape_cast %get3A_23 : vector<16xf32> to vector<16xf32>
    tpu.vector_store %arg6[%swap3A_963], %swap3A_966 {strides = array<i32>} : memref<8192xf32, #tpu.memory_space<vmem>>, vector<16xf32>,
    %get3A_967 = arith.constant 1344 : index
    %get3A_968 = tpu.vector_load %arg5[%get3A_967] {strides = array<i32>} : memref<8192xf32, #tpu.memory_space<vmem>>, vector<16xf32>,
    %get3A_969 = vector.shape_cast %get3A_968 : vector<16xf32> to vector<16xf32>
    %swap3A_970 = arith.constant 2624 : index
    %swap3A_971 = tpu.vector_load %arg6[%swap3A_970] {strides = array<i32>} : memref<8192xf32, #tpu.memory_space<vmem>>, vector<16xf32>,
    %swap3A_972 = vector.shape_cast %swap3A_971 : vector<16xf32> to vector<16xf32>
    %swap3A_973 = vector.shape_cast %get3A_969 : vector<16xf32> to vector<16xf32>
    tpu.vector_store %arg6[%swap3A_970], %swap3A_973 {strides = array<i32>} : memref<8192xf32, #tpu.memory_space<vmem>>, vector<16xf32>,
    %swap3A_974 = arith.constant 2752 : index
    %swap3A_975 = tpu.vector_load %arg6[%swap3A_974] {strides = array<i32>} : memref<8192xf32, #tpu.memory_space<vmem>>, vector<16xf32>,
    %swap3A_976 = vector.shape_cast %swap3A_975 : vector<16xf32> to vector<16xf32>
    %swap3A_977 = vector.shape_cast %get3A_28 : vector<16xf32> to vector<16xf32>
    tpu.vector_store %arg6[%swap3A_974], %swap3A_977 {strides = array<i32>} : memref<8192xf32, #tpu.memory_space<vmem>>, vector<16xf32>,
    %get3A_978 = arith.constant 1360 : index
    %get3A_979 = tpu.vector_load %arg5[%get3A_978] {strides = array<i32>} : memref<8192xf32, #tpu.memory_space<vmem>>, vector<16xf32>,
    %get3A_980 = vector.shape_cast %get3A_979 : vector<16xf32> to vector<16xf32>
    %swap3A_981 = arith.constant 2640 : index
    %swap3A_982 = tpu.vector_load %arg6[%swap3A_981] {strides = array<i32>} : memref<8192xf32, #tpu.memory_space<vmem>>, vector<16xf32>,
    %swap3A_983 = vector.shape_cast %swap3A_982 : vector<16xf32> to vector<16xf32>
    %swap3A_984 = vector.shape_cast %get3A_980 : vector<16xf32> to vector<16xf32>
    tpu.vector_store %arg6[%swap3A_981], %swap3A_984 {strides = array<i32>} : memref<8192xf32, #tpu.memory_space<vmem>>, vector<16xf32>,
    %swap3A_985 = arith.constant 2768 : index
    %swap3A_986 = tpu.vector_load %arg6[%swap3A_985] {strides = array<i32>} : memref<8192xf32, #tpu.memory_space<vmem>>, vector<16xf32>,
    %swap3A_987 = vector.shape_cast %swap3A_986 : vector<16xf32> to vector<16xf32>
    %swap3A_988 = vector.shape_cast %get3A_33 : vector<16xf32> to vector<16xf32>
    tpu.vector_store %arg6[%swap3A_985], %swap3A_988 {strides = array<i32>} : memref<8192xf32, #tpu.memory_space<vmem>>, vector<16xf32>,
    %get3A_989 = arith.constant 1376 : index
    %get3A_990 = tpu.vector_load %arg5[%get3A_989] {strides = array<i32>} : memref<8192xf32, #tpu.memory_space<vmem>>, vector<16xf32>,
    %get3A_991 = vector.shape_cast %get3A_990 : vector<16xf32> to vector<16xf32>
    %swap3A_992 = arith.constant 2656 : index
    %swap3A_993 = tpu.vector_load %arg6[%swap3A_992] {strides = array<i32>} : memref<8192xf32, #tpu.memory_space<vmem>>, vector<16xf32>,
    %swap3A_994 = vector.shape_cast %swap3A_993 : vector<16xf32> to vector<16xf32>
    %swap3A_995 = vector.shape_cast %get3A_991 : vector<16xf32> to vector<16xf32>
    tpu.vector_store %arg6[%swap3A_992], %swap3A_995 {strides = array<i32>} : memref<8192xf32, #tpu.memory_space<vmem>>, vector<16xf32>,
    %swap3A_996 = arith.constant 2784 : index
    %swap3A_997 = tpu.vector_load %arg6[%swap3A_996] {strides = array<i32>} : memref<8192xf32, #tpu.memory_space<vmem>>, vector<16xf32>,
    %swap3A_998 = vector.shape_cast %swap3A_997 : vector<16xf32> to vector<16xf32>
    %swap3A_999 = vector.shape_cast %get3A_38 : vector<16xf32> to vector<16xf32>
    tpu.vector_store %arg6[%swap3A_996], %swap3A_999 {strides = array<i32>} : memref<8192xf32, #tpu.memory_space<vmem>>, vector<16xf32>,
    %get3A_1000 = arith.constant 1392 : index
    %get3A_1001 = tpu.vector_load %arg5[%get3A_1000] {strides = array<i32>} : memref<8192xf32, #tpu.memory_space<vmem>>, vector<16xf32>,
    %get3A_1002 = vector.shape_cast %get3A_1001 : vector<16xf32> to vector<16xf32>
    %swap3A_1003 = arith.constant 2672 : index
    %swap3A_1004 = tpu.vector_load %arg6[%swap3A_1003] {strides = array<i32>} : memref<8192xf32, #tpu.memory_space<vmem>>, vector<16xf32>,
    %swap3A_1005 = vector.shape_cast %swap3A_1004 : vector<16xf32> to vector<16xf32>
    %swap3A_1006 = vector.shape_cast %get3A_1002 : vector<16xf32> to vector<16xf32>
    tpu.vector_store %arg6[%swap3A_1003], %swap3A_1006 {strides = array<i32>} : memref<8192xf32, #tpu.memory_space<vmem>>, vector<16xf32>,
    %swap3A_1007 = arith.constant 2800 : index
    %swap3A_1008 = tpu.vector_load %arg6[%swap3A_1007] {strides = array<i32>} : memref<8192xf32, #tpu.memory_space<vmem>>, vector<16xf32>,
    %swap3A_1009 = vector.shape_cast %swap3A_1008 : vector<16xf32> to vector<16xf32>
    %swap3A_1010 = vector.shape_cast %get3A_43 : vector<16xf32> to vector<16xf32>
    tpu.vector_store %arg6[%swap3A_1007], %swap3A_1010 {strides = array<i32>} : memref<8192xf32, #tpu.memory_space<vmem>>, vector<16xf32>,
    %get3A_1011 = arith.constant 1408 : index
    %get3A_1012 = tpu.vector_load %arg5[%get3A_1011] {strides = array<i32>} : memref<8192xf32, #tpu.memory_space<vmem>>, vector<16xf32>,
    %get3A_1013 = vector.shape_cast %get3A_1012 : vector<16xf32> to vector<16xf32>
    %swap3A_1014 = arith.constant 2816 : index
    %swap3A_1015 = tpu.vector_load %arg6[%swap3A_1014] {strides = array<i32>} : memref<8192xf32, #tpu.memory_space<vmem>>, vector<16xf32>,
    %swap3A_1016 = vector.shape_cast %swap3A_1015 : vector<16xf32> to vector<16xf32>
    %swap3A_1017 = vector.shape_cast %get3A_1013 : vector<16xf32> to vector<16xf32>
    tpu.vector_store %arg6[%swap3A_1014], %swap3A_1017 {strides = array<i32>} : memref<8192xf32, #tpu.memory_space<vmem>>, vector<16xf32>,
    %swap3A_1018 = arith.constant 2944 : index
    %swap3A_1019 = tpu.vector_load %arg6[%swap3A_1018] {strides = array<i32>} : memref<8192xf32, #tpu.memory_space<vmem>>, vector<16xf32>,
    %swap3A_1020 = vector.shape_cast %swap3A_1019 : vector<16xf32> to vector<16xf32>
    %swap3A_1021 = vector.shape_cast %get3A_8 : vector<16xf32> to vector<16xf32>
    tpu.vector_store %arg6[%swap3A_1018], %swap3A_1021 {strides = array<i32>} : memref<8192xf32, #tpu.memory_space<vmem>>, vector<16xf32>,
    %get3A_1022 = arith.constant 1424 : index
    %get3A_1023 = tpu.vector_load %arg5[%get3A_1022] {strides = array<i32>} : memref<8192xf32, #tpu.memory_space<vmem>>, vector<16xf32>,
    %get3A_1024 = vector.shape_cast %get3A_1023 : vector<16xf32> to vector<16xf32>
    %swap3A_1025 = arith.constant 2832 : index
    %swap3A_1026 = tpu.vector_load %arg6[%swap3A_1025] {strides = array<i32>} : memref<8192xf32, #tpu.memory_space<vmem>>, vector<16xf32>,
    %swap3A_1027 = vector.shape_cast %swap3A_1026 : vector<16xf32> to vector<16xf32>
    %swap3A_1028 = vector.shape_cast %get3A_1024 : vector<16xf32> to vector<16xf32>
    tpu.vector_store %arg6[%swap3A_1025], %swap3A_1028 {strides = array<i32>} : memref<8192xf32, #tpu.memory_space<vmem>>, vector<16xf32>,
    %swap3A_1029 = arith.constant 2960 : index
    %swap3A_1030 = tpu.vector_load %arg6[%swap3A_1029] {strides = array<i32>} : memref<8192xf32, #tpu.memory_space<vmem>>, vector<16xf32>,
    %swap3A_1031 = vector.shape_cast %swap3A_1030 : vector<16xf32> to vector<16xf32>
    %swap3A_1032 = vector.shape_cast %get3A_13 : vector<16xf32> to vector<16xf32>
    tpu.vector_store %arg6[%swap3A_1029], %swap3A_1032 {strides = array<i32>} : memref<8192xf32, #tpu.memory_space<vmem>>, vector<16xf32>,
    %get3A_1033 = arith.constant 1440 : index
    %get3A_1034 = tpu.vector_load %arg5[%get3A_1033] {strides = array<i32>} : memref<8192xf32, #tpu.memory_space<vmem>>, vector<16xf32>,
    %get3A_1035 = vector.shape_cast %get3A_1034 : vector<16xf32> to vector<16xf32>
    %swap3A_1036 = arith.constant 2848 : index
    %swap3A_1037 = tpu.vector_load %arg6[%swap3A_1036] {strides = array<i32>} : memref<8192xf32, #tpu.memory_space<vmem>>, vector<16xf32>,
    %swap3A_1038 = vector.shape_cast %swap3A_1037 : vector<16xf32> to vector<16xf32>
    %swap3A_1039 = vector.shape_cast %get3A_1035 : vector<16xf32> to vector<16xf32>
    tpu.vector_store %arg6[%swap3A_1036], %swap3A_1039 {strides = array<i32>} : memref<8192xf32, #tpu.memory_space<vmem>>, vector<16xf32>,
    %swap3A_1040 = arith.constant 2976 : index
    %swap3A_1041 = tpu.vector_load %arg6[%swap3A_1040] {strides = array<i32>} : memref<8192xf32, #tpu.memory_space<vmem>>, vector<16xf32>,
    %swap3A_1042 = vector.shape_cast %swap3A_1041 : vector<16xf32> to vector<16xf32>
    %swap3A_1043 = vector.shape_cast %get3A_18 : vector<16xf32> to vector<16xf32>
    tpu.vector_store %arg6[%swap3A_1040], %swap3A_1043 {strides = array<i32>} : memref<8192xf32, #tpu.memory_space<vmem>>, vector<16xf32>,
    %get3A_1044 = arith.constant 1456 : index
    %get3A_1045 = tpu.vector_load %arg5[%get3A_1044] {strides = array<i32>} : memref<8192xf32, #tpu.memory_space<vmem>>, vector<16xf32>,
    %get3A_1046 = vector.shape_cast %get3A_1045 : vector<16xf32> to vector<16xf32>
    %swap3A_1047 = arith.constant 2864 : index
    %swap3A_1048 = tpu.vector_load %arg6[%swap3A_1047] {strides = array<i32>} : memref<8192xf32, #tpu.memory_space<vmem>>, vector<16xf32>,
    %swap3A_1049 = vector.shape_cast %swap3A_1048 : vector<16xf32> to vector<16xf32>
    %swap3A_1050 = vector.shape_cast %get3A_1046 : vector<16xf32> to vector<16xf32>
    tpu.vector_store %arg6[%swap3A_1047], %swap3A_1050 {strides = array<i32>} : memref<8192xf32, #tpu.memory_space<vmem>>, vector<16xf32>,
    %swap3A_1051 = arith.constant 2992 : index
    %swap3A_1052 = tpu.vector_load %arg6[%swap3A_1051] {strides = array<i32>} : memref<8192xf32, #tpu.memory_space<vmem>>, vector<16xf32>,
    %swap3A_1053 = vector.shape_cast %swap3A_1052 : vector<16xf32> to vector<16xf32>
    %swap3A_1054 = vector.shape_cast %get3A_23 : vector<16xf32> to vector<16xf32>
    tpu.vector_store %arg6[%swap3A_1051], %swap3A_1054 {strides = array<i32>} : memref<8192xf32, #tpu.memory_space<vmem>>, vector<16xf32>,
    %get3A_1055 = arith.constant 1472 : index
    %get3A_1056 = tpu.vector_load %arg5[%get3A_1055] {strides = array<i32>} : memref<8192xf32, #tpu.memory_space<vmem>>, vector<16xf32>,
    %get3A_1057 = vector.shape_cast %get3A_1056 : vector<16xf32> to vector<16xf32>
    %swap3A_1058 = arith.constant 2880 : index
    %swap3A_1059 = tpu.vector_load %arg6[%swap3A_1058] {strides = array<i32>} : memref<8192xf32, #tpu.memory_space<vmem>>, vector<16xf32>,
    %swap3A_1060 = vector.shape_cast %swap3A_1059 : vector<16xf32> to vector<16xf32>
    %swap3A_1061 = vector.shape_cast %get3A_1057 : vector<16xf32> to vector<16xf32>
    tpu.vector_store %arg6[%swap3A_1058], %swap3A_1061 {strides = array<i32>} : memref<8192xf32, #tpu.memory_space<vmem>>, vector<16xf32>,
    %swap3A_1062 = arith.constant 3008 : index
    %swap3A_1063 = tpu.vector_load %arg6[%swap3A_1062] {strides = array<i32>} : memref<8192xf32, #tpu.memory_space<vmem>>, vector<16xf32>,
    %swap3A_1064 = vector.shape_cast %swap3A_1063 : vector<16xf32> to vector<16xf32>
    %swap3A_1065 = vector.shape_cast %get3A_28 : vector<16xf32> to vector<16xf32>
    tpu.vector_store %arg6[%swap3A_1062], %swap3A_1065 {strides = array<i32>} : memref<8192xf32, #tpu.memory_space<vmem>>, vector<16xf32>,
    %get3A_1066 = arith.constant 1488 : index
    %get3A_1067 = tpu.vector_load %arg5[%get3A_1066] {strides = array<i32>} : memref<8192xf32, #tpu.memory_space<vmem>>, vector<16xf32>,
    %get3A_1068 = vector.shape_cast %get3A_1067 : vector<16xf32> to vector<16xf32>
    %swap3A_1069 = arith.constant 2896 : index
    %swap3A_1070 = tpu.vector_load %arg6[%swap3A_1069] {strides = array<i32>} : memref<8192xf32, #tpu.memory_space<vmem>>, vector<16xf32>,
    %swap3A_1071 = vector.shape_cast %swap3A_1070 : vector<16xf32> to vector<16xf32>
    %swap3A_1072 = vector.shape_cast %get3A_1068 : vector<16xf32> to vector<16xf32>
    tpu.vector_store %arg6[%swap3A_1069], %swap3A_1072 {strides = array<i32>} : memref<8192xf32, #tpu.memory_space<vmem>>, vector<16xf32>,
    %swap3A_1073 = arith.constant 3024 : index
    %swap3A_1074 = tpu.vector_load %arg6[%swap3A_1073] {strides = array<i32>} : memref<8192xf32, #tpu.memory_space<vmem>>, vector<16xf32>,
    %swap3A_1075 = vector.shape_cast %swap3A_1074 : vector<16xf32> to vector<16xf32>
    %swap3A_1076 = vector.shape_cast %get3A_33 : vector<16xf32> to vector<16xf32>
    tpu.vector_store %arg6[%swap3A_1073], %swap3A_1076 {strides = array<i32>} : memref<8192xf32, #tpu.memory_space<vmem>>, vector<16xf32>,
    %get3A_1077 = arith.constant 1504 : index
    %get3A_1078 = tpu.vector_load %arg5[%get3A_1077] {strides = array<i32>} : memref<8192xf32, #tpu.memory_space<vmem>>, vector<16xf32>,
    %get3A_1079 = vector.shape_cast %get3A_1078 : vector<16xf32> to vector<16xf32>
    %swap3A_1080 = arith.constant 2912 : index
    %swap3A_1081 = tpu.vector_load %arg6[%swap3A_1080] {strides = array<i32>} : memref<8192xf32, #tpu.memory_space<vmem>>, vector<16xf32>,
    %swap3A_1082 = vector.shape_cast %swap3A_1081 : vector<16xf32> to vector<16xf32>
    %swap3A_1083 = vector.shape_cast %get3A_1079 : vector<16xf32> to vector<16xf32>
    tpu.vector_store %arg6[%swap3A_1080], %swap3A_1083 {strides = array<i32>} : memref<8192xf32, #tpu.memory_space<vmem>>, vector<16xf32>,
    %swap3A_1084 = arith.constant 3040 : index
    %swap3A_1085 = tpu.vector_load %arg6[%swap3A_1084] {strides = array<i32>} : memref<8192xf32, #tpu.memory_space<vmem>>, vector<16xf32>,
    %swap3A_1086 = vector.shape_cast %swap3A_1085 : vector<16xf32> to vector<16xf32>
    %swap3A_1087 = vector.shape_cast %get3A_38 : vector<16xf32> to vector<16xf32>
    tpu.vector_store %arg6[%swap3A_1084], %swap3A_1087 {strides = array<i32>} : memref<8192xf32, #tpu.memory_space<vmem>>, vector<16xf32>,
    %get3A_1088 = arith.constant 1520 : index
    %get3A_1089 = tpu.vector_load %arg5[%get3A_1088] {strides = array<i32>} : memref<8192xf32, #tpu.memory_space<vmem>>, vector<16xf32>,
    %get3A_1090 = vector.shape_cast %get3A_1089 : vector<16xf32> to vector<16xf32>
    %swap3A_1091 = arith.constant 2928 : index
    %swap3A_1092 = tpu.vector_load %arg6[%swap3A_1091] {strides = array<i32>} : memref<8192xf32, #tpu.memory_space<vmem>>, vector<16xf32>,
    %swap3A_1093 = vector.shape_cast %swap3A_1092 : vector<16xf32> to vector<16xf32>
    %swap3A_1094 = vector.shape_cast %get3A_1090 : vector<16xf32> to vector<16xf32>
    tpu.vector_store %arg6[%swap3A_1091], %swap3A_1094 {strides = array<i32>} : memref<8192xf32, #tpu.memory_space<vmem>>, vector<16xf32>,
    %swap3A_1095 = arith.constant 3056 : index
    %swap3A_1096 = tpu.vector_load %arg6[%swap3A_1095] {strides = array<i32>} : memref<8192xf32, #tpu.memory_space<vmem>>, vector<16xf32>,
    %swap3A_1097 = vector.shape_cast %swap3A_1096 : vector<16xf32> to vector<16xf32>
    %swap3A_1098 = vector.shape_cast %get3A_43 : vector<16xf32> to vector<16xf32>
    tpu.vector_store %arg6[%swap3A_1095], %swap3A_1098 {strides = array<i32>} : memref<8192xf32, #tpu.memory_space<vmem>>, vector<16xf32>,
    %get3A_1099 = arith.constant 1536 : index
    %get3A_1100 = tpu.vector_load %arg5[%get3A_1099] {strides = array<i32>} : memref<8192xf32, #tpu.memory_space<vmem>>, vector<16xf32>,
    %get3A_1101 = vector.shape_cast %get3A_1100 : vector<16xf32> to vector<16xf32>
    %swap3A_1102 = arith.constant 3072 : index
    %swap3A_1103 = tpu.vector_load %arg6[%swap3A_1102] {strides = array<i32>} : memref<8192xf32, #tpu.memory_space<vmem>>, vector<16xf32>,
    %swap3A_1104 = vector.shape_cast %swap3A_1103 : vector<16xf32> to vector<16xf32>
    %swap3A_1105 = vector.shape_cast %get3A_1101 : vector<16xf32> to vector<16xf32>
    tpu.vector_store %arg6[%swap3A_1102], %swap3A_1105 {strides = array<i32>} : memref<8192xf32, #tpu.memory_space<vmem>>, vector<16xf32>,
    %swap3A_1106 = arith.constant 3200 : index
    %swap3A_1107 = tpu.vector_load %arg6[%swap3A_1106] {strides = array<i32>} : memref<8192xf32, #tpu.memory_space<vmem>>, vector<16xf32>,
    %swap3A_1108 = vector.shape_cast %swap3A_1107 : vector<16xf32> to vector<16xf32>
    %swap3A_1109 = vector.shape_cast %get3A_8 : vector<16xf32> to vector<16xf32>
    tpu.vector_store %arg6[%swap3A_1106], %swap3A_1109 {strides = array<i32>} : memref<8192xf32, #tpu.memory_space<vmem>>, vector<16xf32>,
    %get3A_1110 = arith.constant 1552 : index
    %get3A_1111 = tpu.vector_load %arg5[%get3A_1110] {strides = array<i32>} : memref<8192xf32, #tpu.memory_space<vmem>>, vector<16xf32>,
    %get3A_1112 = vector.shape_cast %get3A_1111 : vector<16xf32> to vector<16xf32>
    %swap3A_1113 = arith.constant 3088 : index
    %swap3A_1114 = tpu.vector_load %arg6[%swap3A_1113] {strides = array<i32>} : memref<8192xf32, #tpu.memory_space<vmem>>, vector<16xf32>,
    %swap3A_1115 = vector.shape_cast %swap3A_1114 : vector<16xf32> to vector<16xf32>
    %swap3A_1116 = vector.shape_cast %get3A_1112 : vector<16xf32> to vector<16xf32>
    tpu.vector_store %arg6[%swap3A_1113], %swap3A_1116 {strides = array<i32>} : memref<8192xf32, #tpu.memory_space<vmem>>, vector<16xf32>,
    %swap3A_1117 = arith.constant 3216 : index
    %swap3A_1118 = tpu.vector_load %arg6[%swap3A_1117] {strides = array<i32>} : memref<8192xf32, #tpu.memory_space<vmem>>, vector<16xf32>,
    %swap3A_1119 = vector.shape_cast %swap3A_1118 : vector<16xf32> to vector<16xf32>
    %swap3A_1120 = vector.shape_cast %get3A_13 : vector<16xf32> to vector<16xf32>
    tpu.vector_store %arg6[%swap3A_1117], %swap3A_1120 {strides = array<i32>} : memref<8192xf32, #tpu.memory_space<vmem>>, vector<16xf32>,
    %get3A_1121 = arith.constant 1568 : index
    %get3A_1122 = tpu.vector_load %arg5[%get3A_1121] {strides = array<i32>} : memref<8192xf32, #tpu.memory_space<vmem>>, vector<16xf32>,
    %get3A_1123 = vector.shape_cast %get3A_1122 : vector<16xf32> to vector<16xf32>
    %swap3A_1124 = arith.constant 3104 : index
    %swap3A_1125 = tpu.vector_load %arg6[%swap3A_1124] {strides = array<i32>} : memref<8192xf32, #tpu.memory_space<vmem>>, vector<16xf32>,
    %swap3A_1126 = vector.shape_cast %swap3A_1125 : vector<16xf32> to vector<16xf32>
    %swap3A_1127 = vector.shape_cast %get3A_1123 : vector<16xf32> to vector<16xf32>
    tpu.vector_store %arg6[%swap3A_1124], %swap3A_1127 {strides = array<i32>} : memref<8192xf32, #tpu.memory_space<vmem>>, vector<16xf32>,
    %swap3A_1128 = arith.constant 3232 : index
    %swap3A_1129 = tpu.vector_load %arg6[%swap3A_1128] {strides = array<i32>} : memref<8192xf32, #tpu.memory_space<vmem>>, vector<16xf32>,
    %swap3A_1130 = vector.shape_cast %swap3A_1129 : vector<16xf32> to vector<16xf32>
    %swap3A_1131 = vector.shape_cast %get3A_18 : vector<16xf32> to vector<16xf32>
    tpu.vector_store %arg6[%swap3A_1128], %swap3A_1131 {strides = array<i32>} : memref<8192xf32, #tpu.memory_space<vmem>>, vector<16xf32>,
    %get3A_1132 = arith.constant 1584 : index
    %get3A_1133 = tpu.vector_load %arg5[%get3A_1132] {strides = array<i32>} : memref<8192xf32, #tpu.memory_space<vmem>>, vector<16xf32>,
    %get3A_1134 = vector.shape_cast %get3A_1133 : vector<16xf32> to vector<16xf32>
    %swap3A_1135 = arith.constant 3120 : index
    %swap3A_1136 = tpu.vector_load %arg6[%swap3A_1135] {strides = array<i32>} : memref<8192xf32, #tpu.memory_space<vmem>>, vector<16xf32>,
    %swap3A_1137 = vector.shape_cast %swap3A_1136 : vector<16xf32> to vector<16xf32>
    %swap3A_1138 = vector.shape_cast %get3A_1134 : vector<16xf32> to vector<16xf32>
    tpu.vector_store %arg6[%swap3A_1135], %swap3A_1138 {strides = array<i32>} : memref<8192xf32, #tpu.memory_space<vmem>>, vector<16xf32>,
    %swap3A_1139 = arith.constant 3248 : index
    %swap3A_1140 = tpu.vector_load %arg6[%swap3A_1139] {strides = array<i32>} : memref<8192xf32, #tpu.memory_space<vmem>>, vector<16xf32>,
    %swap3A_1141 = vector.shape_cast %swap3A_1140 : vector<16xf32> to vector<16xf32>
    %swap3A_1142 = vector.shape_cast %get3A_23 : vector<16xf32> to vector<16xf32>
    tpu.vector_store %arg6[%swap3A_1139], %swap3A_1142 {strides = array<i32>} : memref<8192xf32, #tpu.memory_space<vmem>>, vector<16xf32>,
    %get3A_1143 = arith.constant 1600 : index
    %get3A_1144 = tpu.vector_load %arg5[%get3A_1143] {strides = array<i32>} : memref<8192xf32, #tpu.memory_space<vmem>>, vector<16xf32>,
    %get3A_1145 = vector.shape_cast %get3A_1144 : vector<16xf32> to vector<16xf32>
    %swap3A_1146 = arith.constant 3136 : index
    %swap3A_1147 = tpu.vector_load %arg6[%swap3A_1146] {strides = array<i32>} : memref<8192xf32, #tpu.memory_space<vmem>>, vector<16xf32>,
    %swap3A_1148 = vector.shape_cast %swap3A_1147 : vector<16xf32> to vector<16xf32>
    %swap3A_1149 = vector.shape_cast %get3A_1145 : vector<16xf32> to vector<16xf32>
    tpu.vector_store %arg6[%swap3A_1146], %swap3A_1149 {strides = array<i32>} : memref<8192xf32, #tpu.memory_space<vmem>>, vector<16xf32>,
    %swap3A_1150 = arith.constant 3264 : index
    %swap3A_1151 = tpu.vector_load %arg6[%swap3A_1150] {strides = array<i32>} : memref<8192xf32, #tpu.memory_space<vmem>>, vector<16xf32>,
    %swap3A_1152 = vector.shape_cast %swap3A_1151 : vector<16xf32> to vector<16xf32>
    %swap3A_1153 = vector.shape_cast %get3A_28 : vector<16xf32> to vector<16xf32>
    tpu.vector_store %arg6[%swap3A_1150], %swap3A_1153 {strides = array<i32>} : memref<8192xf32, #tpu.memory_space<vmem>>, vector<16xf32>,
    %get3A_1154 = arith.constant 1616 : index
    %get3A_1155 = tpu.vector_load %arg5[%get3A_1154] {strides = array<i32>} : memref<8192xf32, #tpu.memory_space<vmem>>, vector<16xf32>,
    %get3A_1156 = vector.shape_cast %get3A_1155 : vector<16xf32> to vector<16xf32>
    %swap3A_1157 = arith.constant 3152 : index
    %swap3A_1158 = tpu.vector_load %arg6[%swap3A_1157] {strides = array<i32>} : memref<8192xf32, #tpu.memory_space<vmem>>, vector<16xf32>,
    %swap3A_1159 = vector.shape_cast %swap3A_1158 : vector<16xf32> to vector<16xf32>
    %swap3A_1160 = vector.shape_cast %get3A_1156 : vector<16xf32> to vector<16xf32>
    tpu.vector_store %arg6[%swap3A_1157], %swap3A_1160 {strides = array<i32>} : memref<8192xf32, #tpu.memory_space<vmem>>, vector<16xf32>,
    %swap3A_1161 = arith.constant 3280 : index
    %swap3A_1162 = tpu.vector_load %arg6[%swap3A_1161] {strides = array<i32>} : memref<8192xf32, #tpu.memory_space<vmem>>, vector<16xf32>,
    %swap3A_1163 = vector.shape_cast %swap3A_1162 : vector<16xf32> to vector<16xf32>
    %swap3A_1164 = vector.shape_cast %get3A_33 : vector<16xf32> to vector<16xf32>
    tpu.vector_store %arg6[%swap3A_1161], %swap3A_1164 {strides = array<i32>} : memref<8192xf32, #tpu.memory_space<vmem>>, vector<16xf32>,
    %get3A_1165 = arith.constant 1632 : index
    %get3A_1166 = tpu.vector_load %arg5[%get3A_1165] {strides = array<i32>} : memref<8192xf32, #tpu.memory_space<vmem>>, vector<16xf32>,
    %get3A_1167 = vector.shape_cast %get3A_1166 : vector<16xf32> to vector<16xf32>
    %swap3A_1168 = arith.constant 3168 : index
    %swap3A_1169 = tpu.vector_load %arg6[%swap3A_1168] {strides = array<i32>} : memref<8192xf32, #tpu.memory_space<vmem>>, vector<16xf32>,
    %swap3A_1170 = vector.shape_cast %swap3A_1169 : vector<16xf32> to vector<16xf32>
    %swap3A_1171 = vector.shape_cast %get3A_1167 : vector<16xf32> to vector<16xf32>
    tpu.vector_store %arg6[%swap3A_1168], %swap3A_1171 {strides = array<i32>} : memref<8192xf32, #tpu.memory_space<vmem>>, vector<16xf32>,
    %swap3A_1172 = arith.constant 3296 : index
    %swap3A_1173 = tpu.vector_load %arg6[%swap3A_1172] {strides = array<i32>} : memref<8192xf32, #tpu.memory_space<vmem>>, vector<16xf32>,
    %swap3A_1174 = vector.shape_cast %swap3A_1173 : vector<16xf32> to vector<16xf32>
    %swap3A_1175 = vector.shape_cast %get3A_38 : vector<16xf32> to vector<16xf32>
    tpu.vector_store %arg6[%swap3A_1172], %swap3A_1175 {strides = array<i32>} : memref<8192xf32, #tpu.memory_space<vmem>>, vector<16xf32>,
    %get3A_1176 = arith.constant 1648 : index
    %get3A_1177 = tpu.vector_load %arg5[%get3A_1176] {strides = array<i32>} : memref<8192xf32, #tpu.memory_space<vmem>>, vector<16xf32>,
    %get3A_1178 = vector.shape_cast %get3A_1177 : vector<16xf32> to vector<16xf32>
    %swap3A_1179 = arith.constant 3184 : index
    %swap3A_1180 = tpu.vector_load %arg6[%swap3A_1179] {strides = array<i32>} : memref<8192xf32, #tpu.memory_space<vmem>>, vector<16xf32>,
    %swap3A_1181 = vector.shape_cast %swap3A_1180 : vector<16xf32> to vector<16xf32>
    %swap3A_1182 = vector.shape_cast %get3A_1178 : vector<16xf32> to vector<16xf32>
    tpu.vector_store %arg6[%swap3A_1179], %swap3A_1182 {strides = array<i32>} : memref<8192xf32, #tpu.memory_space<vmem>>, vector<16xf32>,
    %swap3A_1183 = arith.constant 3312 : index
    %swap3A_1184 = tpu.vector_load %arg6[%swap3A_1183] {strides = array<i32>} : memref<8192xf32, #tpu.memory_space<vmem>>, vector<16xf32>,
    %swap3A_1185 = vector.shape_cast %swap3A_1184 : vector<16xf32> to vector<16xf32>
    %swap3A_1186 = vector.shape_cast %get3A_43 : vector<16xf32> to vector<16xf32>
    tpu.vector_store %arg6[%swap3A_1183], %swap3A_1186 {strides = array<i32>} : memref<8192xf32, #tpu.memory_space<vmem>>, vector<16xf32>,
    %get3A_1187 = arith.constant 1664 : index
    %get3A_1188 = tpu.vector_load %arg5[%get3A_1187] {strides = array<i32>} : memref<8192xf32, #tpu.memory_space<vmem>>, vector<16xf32>,
    %get3A_1189 = vector.shape_cast %get3A_1188 : vector<16xf32> to vector<16xf32>
    %swap3A_1190 = arith.constant 3328 : index
    %swap3A_1191 = tpu.vector_load %arg6[%swap3A_1190] {strides = array<i32>} : memref<8192xf32, #tpu.memory_space<vmem>>, vector<16xf32>,
    %swap3A_1192 = vector.shape_cast %swap3A_1191 : vector<16xf32> to vector<16xf32>
    %swap3A_1193 = vector.shape_cast %get3A_1189 : vector<16xf32> to vector<16xf32>
    tpu.vector_store %arg6[%swap3A_1190], %swap3A_1193 {strides = array<i32>} : memref<8192xf32, #tpu.memory_space<vmem>>, vector<16xf32>,
    %swap3A_1194 = arith.constant 3456 : index
    %swap3A_1195 = tpu.vector_load %arg6[%swap3A_1194] {strides = array<i32>} : memref<8192xf32, #tpu.memory_space<vmem>>, vector<16xf32>,
    %swap3A_1196 = vector.shape_cast %swap3A_1195 : vector<16xf32> to vector<16xf32>
    %swap3A_1197 = vector.shape_cast %get3A_8 : vector<16xf32> to vector<16xf32>
    tpu.vector_store %arg6[%swap3A_1194], %swap3A_1197 {strides = array<i32>} : memref<8192xf32, #tpu.memory_space<vmem>>, vector<16xf32>,
    %get3A_1198 = arith.constant 1680 : index
    %get3A_1199 = tpu.vector_load %arg5[%get3A_1198] {strides = array<i32>} : memref<8192xf32, #tpu.memory_space<vmem>>, vector<16xf32>,
    %get3A_1200 = vector.shape_cast %get3A_1199 : vector<16xf32> to vector<16xf32>
    %swap3A_1201 = arith.constant 3344 : index
    %swap3A_1202 = tpu.vector_load %arg6[%swap3A_1201] {strides = array<i32>} : memref<8192xf32, #tpu.memory_space<vmem>>, vector<16xf32>,
    %swap3A_1203 = vector.shape_cast %swap3A_1202 : vector<16xf32> to vector<16xf32>
    %swap3A_1204 = vector.shape_cast %get3A_1200 : vector<16xf32> to vector<16xf32>
    tpu.vector_store %arg6[%swap3A_1201], %swap3A_1204 {strides = array<i32>} : memref<8192xf32, #tpu.memory_space<vmem>>, vector<16xf32>,
    %swap3A_1205 = arith.constant 3472 : index
    %swap3A_1206 = tpu.vector_load %arg6[%swap3A_1205] {strides = array<i32>} : memref<8192xf32, #tpu.memory_space<vmem>>, vector<16xf32>,
    %swap3A_1207 = vector.shape_cast %swap3A_1206 : vector<16xf32> to vector<16xf32>
    %swap3A_1208 = vector.shape_cast %get3A_13 : vector<16xf32> to vector<16xf32>
    tpu.vector_store %arg6[%swap3A_1205], %swap3A_1208 {strides = array<i32>} : memref<8192xf32, #tpu.memory_space<vmem>>, vector<16xf32>,
    %get3A_1209 = arith.constant 1696 : index
    %get3A_1210 = tpu.vector_load %arg5[%get3A_1209] {strides = array<i32>} : memref<8192xf32, #tpu.memory_space<vmem>>, vector<16xf32>,
    %get3A_1211 = vector.shape_cast %get3A_1210 : vector<16xf32> to vector<16xf32>
    %swap3A_1212 = arith.constant 3360 : index
    %swap3A_1213 = tpu.vector_load %arg6[%swap3A_1212] {strides = array<i32>} : memref<8192xf32, #tpu.memory_space<vmem>>, vector<16xf32>,
    %swap3A_1214 = vector.shape_cast %swap3A_1213 : vector<16xf32> to vector<16xf32>
    %swap3A_1215 = vector.shape_cast %get3A_1211 : vector<16xf32> to vector<16xf32>
    tpu.vector_store %arg6[%swap3A_1212], %swap3A_1215 {strides = array<i32>} : memref<8192xf32, #tpu.memory_space<vmem>>, vector<16xf32>,
    %swap3A_1216 = arith.constant 3488 : index
    %swap3A_1217 = tpu.vector_load %arg6[%swap3A_1216] {strides = array<i32>} : memref<8192xf32, #tpu.memory_space<vmem>>, vector<16xf32>,
    %swap3A_1218 = vector.shape_cast %swap3A_1217 : vector<16xf32> to vector<16xf32>
    %swap3A_1219 = vector.shape_cast %get3A_18 : vector<16xf32> to vector<16xf32>
    tpu.vector_store %arg6[%swap3A_1216], %swap3A_1219 {strides = array<i32>} : memref<8192xf32, #tpu.memory_space<vmem>>, vector<16xf32>,
    %get3A_1220 = arith.constant 1712 : index
    %get3A_1221 = tpu.vector_load %arg5[%get3A_1220] {strides = array<i32>} : memref<8192xf32, #tpu.memory_space<vmem>>, vector<16xf32>,
    %get3A_1222 = vector.shape_cast %get3A_1221 : vector<16xf32> to vector<16xf32>
    %swap3A_1223 = arith.constant 3376 : index
    %swap3A_1224 = tpu.vector_load %arg6[%swap3A_1223] {strides = array<i32>} : memref<8192xf32, #tpu.memory_space<vmem>>, vector<16xf32>,
    %swap3A_1225 = vector.shape_cast %swap3A_1224 : vector<16xf32> to vector<16xf32>
    %swap3A_1226 = vector.shape_cast %get3A_1222 : vector<16xf32> to vector<16xf32>
    tpu.vector_store %arg6[%swap3A_1223], %swap3A_1226 {strides = array<i32>} : memref<8192xf32, #tpu.memory_space<vmem>>, vector<16xf32>,
    %swap3A_1227 = arith.constant 3504 : index
    %swap3A_1228 = tpu.vector_load %arg6[%swap3A_1227] {strides = array<i32>} : memref<8192xf32, #tpu.memory_space<vmem>>, vector<16xf32>,
    %swap3A_1229 = vector.shape_cast %swap3A_1228 : vector<16xf32> to vector<16xf32>
    %swap3A_1230 = vector.shape_cast %get3A_23 : vector<16xf32> to vector<16xf32>
    tpu.vector_store %arg6[%swap3A_1227], %swap3A_1230 {strides = array<i32>} : memref<8192xf32, #tpu.memory_space<vmem>>, vector<16xf32>,
    %get3A_1231 = arith.constant 1728 : index
    %get3A_1232 = tpu.vector_load %arg5[%get3A_1231] {strides = array<i32>} : memref<8192xf32, #tpu.memory_space<vmem>>, vector<16xf32>,
    %get3A_1233 = vector.shape_cast %get3A_1232 : vector<16xf32> to vector<16xf32>
    %swap3A_1234 = arith.constant 3392 : index
    %swap3A_1235 = tpu.vector_load %arg6[%swap3A_1234] {strides = array<i32>} : memref<8192xf32, #tpu.memory_space<vmem>>, vector<16xf32>,
    %swap3A_1236 = vector.shape_cast %swap3A_1235 : vector<16xf32> to vector<16xf32>
    %swap3A_1237 = vector.shape_cast %get3A_1233 : vector<16xf32> to vector<16xf32>
    tpu.vector_store %arg6[%swap3A_1234], %swap3A_1237 {strides = array<i32>} : memref<8192xf32, #tpu.memory_space<vmem>>, vector<16xf32>,
    %swap3A_1238 = arith.constant 3520 : index
    %swap3A_1239 = tpu.vector_load %arg6[%swap3A_1238] {strides = array<i32>} : memref<8192xf32, #tpu.memory_space<vmem>>, vector<16xf32>,
    %swap3A_1240 = vector.shape_cast %swap3A_1239 : vector<16xf32> to vector<16xf32>
    %swap3A_1241 = vector.shape_cast %get3A_28 : vector<16xf32> to vector<16xf32>
    tpu.vector_store %arg6[%swap3A_1238], %swap3A_1241 {strides = array<i32>} : memref<8192xf32, #tpu.memory_space<vmem>>, vector<16xf32>,
    %get3A_1242 = arith.constant 1744 : index
    %get3A_1243 = tpu.vector_load %arg5[%get3A_1242] {strides = array<i32>} : memref<8192xf32, #tpu.memory_space<vmem>>, vector<16xf32>,
    %get3A_1244 = vector.shape_cast %get3A_1243 : vector<16xf32> to vector<16xf32>
    %swap3A_1245 = arith.constant 3408 : index
    %swap3A_1246 = tpu.vector_load %arg6[%swap3A_1245] {strides = array<i32>} : memref<8192xf32, #tpu.memory_space<vmem>>, vector<16xf32>,
    %swap3A_1247 = vector.shape_cast %swap3A_1246 : vector<16xf32> to vector<16xf32>
    %swap3A_1248 = vector.shape_cast %get3A_1244 : vector<16xf32> to vector<16xf32>
    tpu.vector_store %arg6[%swap3A_1245], %swap3A_1248 {strides = array<i32>} : memref<8192xf32, #tpu.memory_space<vmem>>, vector<16xf32>,
    %swap3A_1249 = arith.constant 3536 : index
    %swap3A_1250 = tpu.vector_load %arg6[%swap3A_1249] {strides = array<i32>} : memref<8192xf32, #tpu.memory_space<vmem>>, vector<16xf32>,
    %swap3A_1251 = vector.shape_cast %swap3A_1250 : vector<16xf32> to vector<16xf32>
    %swap3A_1252 = vector.shape_cast %get3A_33 : vector<16xf32> to vector<16xf32>
    tpu.vector_store %arg6[%swap3A_1249], %swap3A_1252 {strides = array<i32>} : memref<8192xf32, #tpu.memory_space<vmem>>, vector<16xf32>,
    %get3A_1253 = arith.constant 1760 : index
    %get3A_1254 = tpu.vector_load %arg5[%get3A_1253] {strides = array<i32>} : memref<8192xf32, #tpu.memory_space<vmem>>, vector<16xf32>,
    %get3A_1255 = vector.shape_cast %get3A_1254 : vector<16xf32> to vector<16xf32>
    %swap3A_1256 = arith.constant 3424 : index
    %swap3A_1257 = tpu.vector_load %arg6[%swap3A_1256] {strides = array<i32>} : memref<8192xf32, #tpu.memory_space<vmem>>, vector<16xf32>,
    %swap3A_1258 = vector.shape_cast %swap3A_1257 : vector<16xf32> to vector<16xf32>
    %swap3A_1259 = vector.shape_cast %get3A_1255 : vector<16xf32> to vector<16xf32>
    tpu.vector_store %arg6[%swap3A_1256], %swap3A_1259 {strides = array<i32>} : memref<8192xf32, #tpu.memory_space<vmem>>, vector<16xf32>,
    %swap3A_1260 = arith.constant 3552 : index
    %swap3A_1261 = tpu.vector_load %arg6[%swap3A_1260] {strides = array<i32>} : memref<8192xf32, #tpu.memory_space<vmem>>, vector<16xf32>,
    %swap3A_1262 = vector.shape_cast %swap3A_1261 : vector<16xf32> to vector<16xf32>
    %swap3A_1263 = vector.shape_cast %get3A_38 : vector<16xf32> to vector<16xf32>
    tpu.vector_store %arg6[%swap3A_1260], %swap3A_1263 {strides = array<i32>} : memref<8192xf32, #tpu.memory_space<vmem>>, vector<16xf32>,
    %get3A_1264 = arith.constant 1776 : index
    %get3A_1265 = tpu.vector_load %arg5[%get3A_1264] {strides = array<i32>} : memref<8192xf32, #tpu.memory_space<vmem>>, vector<16xf32>,
    %get3A_1266 = vector.shape_cast %get3A_1265 : vector<16xf32> to vector<16xf32>
    %swap3A_1267 = arith.constant 3440 : index
    %swap3A_1268 = tpu.vector_load %arg6[%swap3A_1267] {strides = array<i32>} : memref<8192xf32, #tpu.memory_space<vmem>>, vector<16xf32>,
    %swap3A_1269 = vector.shape_cast %swap3A_1268 : vector<16xf32> to vector<16xf32>
    %swap3A_1270 = vector.shape_cast %get3A_1266 : vector<16xf32> to vector<16xf32>
    tpu.vector_store %arg6[%swap3A_1267], %swap3A_1270 {strides = array<i32>} : memref<8192xf32, #tpu.memory_space<vmem>>, vector<16xf32>,
    %swap3A_1271 = arith.constant 3568 : index
    %swap3A_1272 = tpu.vector_load %arg6[%swap3A_1271] {strides = array<i32>} : memref<8192xf32, #tpu.memory_space<vmem>>, vector<16xf32>,
    %swap3A_1273 = vector.shape_cast %swap3A_1272 : vector<16xf32> to vector<16xf32>
    %swap3A_1274 = vector.shape_cast %get3A_43 : vector<16xf32> to vector<16xf32>
    tpu.vector_store %arg6[%swap3A_1271], %swap3A_1274 {strides = array<i32>} : memref<8192xf32, #tpu.memory_space<vmem>>, vector<16xf32>,
    %get3A_1275 = arith.constant 1792 : index
    %get3A_1276 = tpu.vector_load %arg5[%get3A_1275] {strides = array<i32>} : memref<8192xf32, #tpu.memory_space<vmem>>, vector<16xf32>,
    %get3A_1277 = vector.shape_cast %get3A_1276 : vector<16xf32> to vector<16xf32>
    %swap3A_1278 = arith.constant 3584 : index
    %swap3A_1279 = tpu.vector_load %arg6[%swap3A_1278] {strides = array<i32>} : memref<8192xf32, #tpu.memory_space<vmem>>, vector<16xf32>,
    %swap3A_1280 = vector.shape_cast %swap3A_1279 : vector<16xf32> to vector<16xf32>
    %swap3A_1281 = vector.shape_cast %get3A_1277 : vector<16xf32> to vector<16xf32>
    tpu.vector_store %arg6[%swap3A_1278], %swap3A_1281 {strides = array<i32>} : memref<8192xf32, #tpu.memory_space<vmem>>, vector<16xf32>,
    %swap3A_1282 = arith.constant 3712 : index
    %swap3A_1283 = tpu.vector_load %arg6[%swap3A_1282] {strides = array<i32>} : memref<8192xf32, #tpu.memory_space<vmem>>, vector<16xf32>,
    %swap3A_1284 = vector.shape_cast %swap3A_1283 : vector<16xf32> to vector<16xf32>
    %swap3A_1285 = vector.shape_cast %get3A_8 : vector<16xf32> to vector<16xf32>
    tpu.vector_store %arg6[%swap3A_1282], %swap3A_1285 {strides = array<i32>} : memref<8192xf32, #tpu.memory_space<vmem>>, vector<16xf32>,
    %get3A_1286 = arith.constant 1808 : index
    %get3A_1287 = tpu.vector_load %arg5[%get3A_1286] {strides = array<i32>} : memref<8192xf32, #tpu.memory_space<vmem>>, vector<16xf32>,
    %get3A_1288 = vector.shape_cast %get3A_1287 : vector<16xf32> to vector<16xf32>
    %swap3A_1289 = arith.constant 3600 : index
    %swap3A_1290 = tpu.vector_load %arg6[%swap3A_1289] {strides = array<i32>} : memref<8192xf32, #tpu.memory_space<vmem>>, vector<16xf32>,
    %swap3A_1291 = vector.shape_cast %swap3A_1290 : vector<16xf32> to vector<16xf32>
    %swap3A_1292 = vector.shape_cast %get3A_1288 : vector<16xf32> to vector<16xf32>
    tpu.vector_store %arg6[%swap3A_1289], %swap3A_1292 {strides = array<i32>} : memref<8192xf32, #tpu.memory_space<vmem>>, vector<16xf32>,
    %swap3A_1293 = arith.constant 3728 : index
    %swap3A_1294 = tpu.vector_load %arg6[%swap3A_1293] {strides = array<i32>} : memref<8192xf32, #tpu.memory_space<vmem>>, vector<16xf32>,
    %swap3A_1295 = vector.shape_cast %swap3A_1294 : vector<16xf32> to vector<16xf32>
    %swap3A_1296 = vector.shape_cast %get3A_13 : vector<16xf32> to vector<16xf32>
    tpu.vector_store %arg6[%swap3A_1293], %swap3A_1296 {strides = array<i32>} : memref<8192xf32, #tpu.memory_space<vmem>>, vector<16xf32>,
    %get3A_1297 = arith.constant 1824 : index
    %get3A_1298 = tpu.vector_load %arg5[%get3A_1297] {strides = array<i32>} : memref<8192xf32, #tpu.memory_space<vmem>>, vector<16xf32>,
    %get3A_1299 = vector.shape_cast %get3A_1298 : vector<16xf32> to vector<16xf32>
    %swap3A_1300 = arith.constant 3616 : index
    %swap3A_1301 = tpu.vector_load %arg6[%swap3A_1300] {strides = array<i32>} : memref<8192xf32, #tpu.memory_space<vmem>>, vector<16xf32>,
    %swap3A_1302 = vector.shape_cast %swap3A_1301 : vector<16xf32> to vector<16xf32>
    %swap3A_1303 = vector.shape_cast %get3A_1299 : vector<16xf32> to vector<16xf32>
    tpu.vector_store %arg6[%swap3A_1300], %swap3A_1303 {strides = array<i32>} : memref<8192xf32, #tpu.memory_space<vmem>>, vector<16xf32>,
    %swap3A_1304 = arith.constant 3744 : index
    %swap3A_1305 = tpu.vector_load %arg6[%swap3A_1304] {strides = array<i32>} : memref<8192xf32, #tpu.memory_space<vmem>>, vector<16xf32>,
    %swap3A_1306 = vector.shape_cast %swap3A_1305 : vector<16xf32> to vector<16xf32>
    %swap3A_1307 = vector.shape_cast %get3A_18 : vector<16xf32> to vector<16xf32>
    tpu.vector_store %arg6[%swap3A_1304], %swap3A_1307 {strides = array<i32>} : memref<8192xf32, #tpu.memory_space<vmem>>, vector<16xf32>,
    %get3A_1308 = arith.constant 1840 : index
    %get3A_1309 = tpu.vector_load %arg5[%get3A_1308] {strides = array<i32>} : memref<8192xf32, #tpu.memory_space<vmem>>, vector<16xf32>,
    %get3A_1310 = vector.shape_cast %get3A_1309 : vector<16xf32> to vector<16xf32>
    %swap3A_1311 = arith.constant 3632 : index
    %swap3A_1312 = tpu.vector_load %arg6[%swap3A_1311] {strides = array<i32>} : memref<8192xf32, #tpu.memory_space<vmem>>, vector<16xf32>,
    %swap3A_1313 = vector.shape_cast %swap3A_1312 : vector<16xf32> to vector<16xf32>
    %swap3A_1314 = vector.shape_cast %get3A_1310 : vector<16xf32> to vector<16xf32>
    tpu.vector_store %arg6[%swap3A_1311], %swap3A_1314 {strides = array<i32>} : memref<8192xf32, #tpu.memory_space<vmem>>, vector<16xf32>,
    %swap3A_1315 = arith.constant 3760 : index
    %swap3A_1316 = tpu.vector_load %arg6[%swap3A_1315] {strides = array<i32>} : memref<8192xf32, #tpu.memory_space<vmem>>, vector<16xf32>,
    %swap3A_1317 = vector.shape_cast %swap3A_1316 : vector<16xf32> to vector<16xf32>
    %swap3A_1318 = vector.shape_cast %get3A_23 : vector<16xf32> to vector<16xf32>
    tpu.vector_store %arg6[%swap3A_1315], %swap3A_1318 {strides = array<i32>} : memref<8192xf32, #tpu.memory_space<vmem>>, vector<16xf32>,
    %get3A_1319 = arith.constant 1856 : index
    %get3A_1320 = tpu.vector_load %arg5[%get3A_1319] {strides = array<i32>} : memref<8192xf32, #tpu.memory_space<vmem>>, vector<16xf32>,
    %get3A_1321 = vector.shape_cast %get3A_1320 : vector<16xf32> to vector<16xf32>
    %swap3A_1322 = arith.constant 3648 : index
    %swap3A_1323 = tpu.vector_load %arg6[%swap3A_1322] {strides = array<i32>} : memref<8192xf32, #tpu.memory_space<vmem>>, vector<16xf32>,
    %swap3A_1324 = vector.shape_cast %swap3A_1323 : vector<16xf32> to vector<16xf32>
    %swap3A_1325 = vector.shape_cast %get3A_1321 : vector<16xf32> to vector<16xf32>
    tpu.vector_store %arg6[%swap3A_1322], %swap3A_1325 {strides = array<i32>} : memref<8192xf32, #tpu.memory_space<vmem>>, vector<16xf32>,
    %swap3A_1326 = arith.constant 3776 : index
    %swap3A_1327 = tpu.vector_load %arg6[%swap3A_1326] {strides = array<i32>} : memref<8192xf32, #tpu.memory_space<vmem>>, vector<16xf32>,
    %swap3A_1328 = vector.shape_cast %swap3A_1327 : vector<16xf32> to vector<16xf32>
    %swap3A_1329 = vector.shape_cast %get3A_28 : vector<16xf32> to vector<16xf32>
    tpu.vector_store %arg6[%swap3A_1326], %swap3A_1329 {strides = array<i32>} : memref<8192xf32, #tpu.memory_space<vmem>>, vector<16xf32>,
    %get3A_1330 = arith.constant 1872 : index
    %get3A_1331 = tpu.vector_load %arg5[%get3A_1330] {strides = array<i32>} : memref<8192xf32, #tpu.memory_space<vmem>>, vector<16xf32>,
    %get3A_1332 = vector.shape_cast %get3A_1331 : vector<16xf32> to vector<16xf32>
    %swap3A_1333 = arith.constant 3664 : index
    %swap3A_1334 = tpu.vector_load %arg6[%swap3A_1333] {strides = array<i32>} : memref<8192xf32, #tpu.memory_space<vmem>>, vector<16xf32>,
    %swap3A_1335 = vector.shape_cast %swap3A_1334 : vector<16xf32> to vector<16xf32>
    %swap3A_1336 = vector.shape_cast %get3A_1332 : vector<16xf32> to vector<16xf32>
    tpu.vector_store %arg6[%swap3A_1333], %swap3A_1336 {strides = array<i32>} : memref<8192xf32, #tpu.memory_space<vmem>>, vector<16xf32>,
    %swap3A_1337 = arith.constant 3792 : index
    %swap3A_1338 = tpu.vector_load %arg6[%swap3A_1337] {strides = array<i32>} : memref<8192xf32, #tpu.memory_space<vmem>>, vector<16xf32>,
    %swap3A_1339 = vector.shape_cast %swap3A_1338 : vector<16xf32> to vector<16xf32>
    %swap3A_1340 = vector.shape_cast %get3A_33 : vector<16xf32> to vector<16xf32>
    tpu.vector_store %arg6[%swap3A_1337], %swap3A_1340 {strides = array<i32>} : memref<8192xf32, #tpu.memory_space<vmem>>, vector<16xf32>,
    %get3A_1341 = arith.constant 1888 : index
    %get3A_1342 = tpu.vector_load %arg5[%get3A_1341] {strides = array<i32>} : memref<8192xf32, #tpu.memory_space<vmem>>, vector<16xf32>,
    %get3A_1343 = vector.shape_cast %get3A_1342 : vector<16xf32> to vector<16xf32>
    %swap3A_1344 = arith.constant 3680 : index
    %swap3A_1345 = tpu.vector_load %arg6[%swap3A_1344] {strides = array<i32>} : memref<8192xf32, #tpu.memory_space<vmem>>, vector<16xf32>,
    %swap3A_1346 = vector.shape_cast %swap3A_1345 : vector<16xf32> to vector<16xf32>
    %swap3A_1347 = vector.shape_cast %get3A_1343 : vector<16xf32> to vector<16xf32>
    tpu.vector_store %arg6[%swap3A_1344], %swap3A_1347 {strides = array<i32>} : memref<8192xf32, #tpu.memory_space<vmem>>, vector<16xf32>,
    %swap3A_1348 = arith.constant 3808 : index
    %swap3A_1349 = tpu.vector_load %arg6[%swap3A_1348] {strides = array<i32>} : memref<8192xf32, #tpu.memory_space<vmem>>, vector<16xf32>,
    %swap3A_1350 = vector.shape_cast %swap3A_1349 : vector<16xf32> to vector<16xf32>
    %swap3A_1351 = vector.shape_cast %get3A_38 : vector<16xf32> to vector<16xf32>
    tpu.vector_store %arg6[%swap3A_1348], %swap3A_1351 {strides = array<i32>} : memref<8192xf32, #tpu.memory_space<vmem>>, vector<16xf32>,
    %get3A_1352 = arith.constant 1904 : index
    %get3A_1353 = tpu.vector_load %arg5[%get3A_1352] {strides = array<i32>} : memref<8192xf32, #tpu.memory_space<vmem>>, vector<16xf32>,
    %get3A_1354 = vector.shape_cast %get3A_1353 : vector<16xf32> to vector<16xf32>
    %swap3A_1355 = arith.constant 3696 : index
    %swap3A_1356 = tpu.vector_load %arg6[%swap3A_1355] {strides = array<i32>} : memref<8192xf32, #tpu.memory_space<vmem>>, vector<16xf32>,
    %swap3A_1357 = vector.shape_cast %swap3A_1356 : vector<16xf32> to vector<16xf32>
    %swap3A_1358 = vector.shape_cast %get3A_1354 : vector<16xf32> to vector<16xf32>
    tpu.vector_store %arg6[%swap3A_1355], %swap3A_1358 {strides = array<i32>} : memref<8192xf32, #tpu.memory_space<vmem>>, vector<16xf32>,
    %swap3A_1359 = arith.constant 3824 : index
    %swap3A_1360 = tpu.vector_load %arg6[%swap3A_1359] {strides = array<i32>} : memref<8192xf32, #tpu.memory_space<vmem>>, vector<16xf32>,
    %swap3A_1361 = vector.shape_cast %swap3A_1360 : vector<16xf32> to vector<16xf32>
    %swap3A_1362 = vector.shape_cast %get3A_43 : vector<16xf32> to vector<16xf32>
    tpu.vector_store %arg6[%swap3A_1359], %swap3A_1362 {strides = array<i32>} : memref<8192xf32, #tpu.memory_space<vmem>>, vector<16xf32>,
    %get3A_1363 = arith.constant 1920 : index
    %get3A_1364 = tpu.vector_load %arg5[%get3A_1363] {strides = array<i32>} : memref<8192xf32, #tpu.memory_space<vmem>>, vector<16xf32>,
    %get3A_1365 = vector.shape_cast %get3A_1364 : vector<16xf32> to vector<16xf32>
    %swap3A_1366 = arith.constant 3840 : index
    %swap3A_1367 = tpu.vector_load %arg6[%swap3A_1366] {strides = array<i32>} : memref<8192xf32, #tpu.memory_space<vmem>>, vector<16xf32>,
    %swap3A_1368 = vector.shape_cast %swap3A_1367 : vector<16xf32> to vector<16xf32>
    %swap3A_1369 = vector.shape_cast %get3A_1365 : vector<16xf32> to vector<16xf32>
    tpu.vector_store %arg6[%swap3A_1366], %swap3A_1369 {strides = array<i32>} : memref<8192xf32, #tpu.memory_space<vmem>>, vector<16xf32>,
    %swap3A_1370 = arith.constant 3968 : index
    %swap3A_1371 = tpu.vector_load %arg6[%swap3A_1370] {strides = array<i32>} : memref<8192xf32, #tpu.memory_space<vmem>>, vector<16xf32>,
    %swap3A_1372 = vector.shape_cast %swap3A_1371 : vector<16xf32> to vector<16xf32>
    %swap3A_1373 = vector.shape_cast %get3A_8 : vector<16xf32> to vector<16xf32>
    tpu.vector_store %arg6[%swap3A_1370], %swap3A_1373 {strides = array<i32>} : memref<8192xf32, #tpu.memory_space<vmem>>, vector<16xf32>,
    %get3A_1374 = arith.constant 1936 : index
    %get3A_1375 = tpu.vector_load %arg5[%get3A_1374] {strides = array<i32>} : memref<8192xf32, #tpu.memory_space<vmem>>, vector<16xf32>,
    %get3A_1376 = vector.shape_cast %get3A_1375 : vector<16xf32> to vector<16xf32>
    %swap3A_1377 = arith.constant 3856 : index
    %swap3A_1378 = tpu.vector_load %arg6[%swap3A_1377] {strides = array<i32>} : memref<8192xf32, #tpu.memory_space<vmem>>, vector<16xf32>,
    %swap3A_1379 = vector.shape_cast %swap3A_1378 : vector<16xf32> to vector<16xf32>
    %swap3A_1380 = vector.shape_cast %get3A_1376 : vector<16xf32> to vector<16xf32>
    tpu.vector_store %arg6[%swap3A_1377], %swap3A_1380 {strides = array<i32>} : memref<8192xf32, #tpu.memory_space<vmem>>, vector<16xf32>,
    %swap3A_1381 = arith.constant 3984 : index
    %swap3A_1382 = tpu.vector_load %arg6[%swap3A_1381] {strides = array<i32>} : memref<8192xf32, #tpu.memory_space<vmem>>, vector<16xf32>,
    %swap3A_1383 = vector.shape_cast %swap3A_1382 : vector<16xf32> to vector<16xf32>
    %swap3A_1384 = vector.shape_cast %get3A_13 : vector<16xf32> to vector<16xf32>
    tpu.vector_store %arg6[%swap3A_1381], %swap3A_1384 {strides = array<i32>} : memref<8192xf32, #tpu.memory_space<vmem>>, vector<16xf32>,
    %get3A_1385 = arith.constant 1952 : index
    %get3A_1386 = tpu.vector_load %arg5[%get3A_1385] {strides = array<i32>} : memref<8192xf32, #tpu.memory_space<vmem>>, vector<16xf32>,
    %get3A_1387 = vector.shape_cast %get3A_1386 : vector<16xf32> to vector<16xf32>
    %swap3A_1388 = arith.constant 3872 : index
    %swap3A_1389 = tpu.vector_load %arg6[%swap3A_1388] {strides = array<i32>} : memref<8192xf32, #tpu.memory_space<vmem>>, vector<16xf32>,
    %swap3A_1390 = vector.shape_cast %swap3A_1389 : vector<16xf32> to vector<16xf32>
    %swap3A_1391 = vector.shape_cast %get3A_1387 : vector<16xf32> to vector<16xf32>
    tpu.vector_store %arg6[%swap3A_1388], %swap3A_1391 {strides = array<i32>} : memref<8192xf32, #tpu.memory_space<vmem>>, vector<16xf32>,
    %swap3A_1392 = arith.constant 4000 : index
    %swap3A_1393 = tpu.vector_load %arg6[%swap3A_1392] {strides = array<i32>} : memref<8192xf32, #tpu.memory_space<vmem>>, vector<16xf32>,
    %swap3A_1394 = vector.shape_cast %swap3A_1393 : vector<16xf32> to vector<16xf32>
    %swap3A_1395 = vector.shape_cast %get3A_18 : vector<16xf32> to vector<16xf32>
    tpu.vector_store %arg6[%swap3A_1392], %swap3A_1395 {strides = array<i32>} : memref<8192xf32, #tpu.memory_space<vmem>>, vector<16xf32>,
    %get3A_1396 = arith.constant 1968 : index
    %get3A_1397 = tpu.vector_load %arg5[%get3A_1396] {strides = array<i32>} : memref<8192xf32, #tpu.memory_space<vmem>>, vector<16xf32>,
    %get3A_1398 = vector.shape_cast %get3A_1397 : vector<16xf32> to vector<16xf32>
    %swap3A_1399 = arith.constant 3888 : index
    %swap3A_1400 = tpu.vector_load %arg6[%swap3A_1399] {strides = array<i32>} : memref<8192xf32, #tpu.memory_space<vmem>>, vector<16xf32>,
    %swap3A_1401 = vector.shape_cast %swap3A_1400 : vector<16xf32> to vector<16xf32>
    %swap3A_1402 = vector.shape_cast %get3A_1398 : vector<16xf32> to vector<16xf32>
    tpu.vector_store %arg6[%swap3A_1399], %swap3A_1402 {strides = array<i32>} : memref<8192xf32, #tpu.memory_space<vmem>>, vector<16xf32>,
    %swap3A_1403 = arith.constant 4016 : index
    %swap3A_1404 = tpu.vector_load %arg6[%swap3A_1403] {strides = array<i32>} : memref<8192xf32, #tpu.memory_space<vmem>>, vector<16xf32>,
    %swap3A_1405 = vector.shape_cast %swap3A_1404 : vector<16xf32> to vector<16xf32>
    %swap3A_1406 = vector.shape_cast %get3A_23 : vector<16xf32> to vector<16xf32>
    tpu.vector_store %arg6[%swap3A_1403], %swap3A_1406 {strides = array<i32>} : memref<8192xf32, #tpu.memory_space<vmem>>, vector<16xf32>,
    %get3A_1407 = arith.constant 1984 : index
    %get3A_1408 = tpu.vector_load %arg5[%get3A_1407] {strides = array<i32>} : memref<8192xf32, #tpu.memory_space<vmem>>, vector<16xf32>,
    %get3A_1409 = vector.shape_cast %get3A_1408 : vector<16xf32> to vector<16xf32>
    %swap3A_1410 = arith.constant 3904 : index
    %swap3A_1411 = tpu.vector_load %arg6[%swap3A_1410] {strides = array<i32>} : memref<8192xf32, #tpu.memory_space<vmem>>, vector<16xf32>,
    %swap3A_1412 = vector.shape_cast %swap3A_1411 : vector<16xf32> to vector<16xf32>
    %swap3A_1413 = vector.shape_cast %get3A_1409 : vector<16xf32> to vector<16xf32>
    tpu.vector_store %arg6[%swap3A_1410], %swap3A_1413 {strides = array<i32>} : memref<8192xf32, #tpu.memory_space<vmem>>, vector<16xf32>,
    %swap3A_1414 = arith.constant 4032 : index
    %swap3A_1415 = tpu.vector_load %arg6[%swap3A_1414] {strides = array<i32>} : memref<8192xf32, #tpu.memory_space<vmem>>, vector<16xf32>,
    %swap3A_1416 = vector.shape_cast %swap3A_1415 : vector<16xf32> to vector<16xf32>
    %swap3A_1417 = vector.shape_cast %get3A_28 : vector<16xf32> to vector<16xf32>
    tpu.vector_store %arg6[%swap3A_1414], %swap3A_1417 {strides = array<i32>} : memref<8192xf32, #tpu.memory_space<vmem>>, vector<16xf32>,
    %get3A_1418 = arith.constant 2000 : index
    %get3A_1419 = tpu.vector_load %arg5[%get3A_1418] {strides = array<i32>} : memref<8192xf32, #tpu.memory_space<vmem>>, vector<16xf32>,
    %get3A_1420 = vector.shape_cast %get3A_1419 : vector<16xf32> to vector<16xf32>
    %swap3A_1421 = arith.constant 3920 : index
    %swap3A_1422 = tpu.vector_load %arg6[%swap3A_1421] {strides = array<i32>} : memref<8192xf32, #tpu.memory_space<vmem>>, vector<16xf32>,
    %swap3A_1423 = vector.shape_cast %swap3A_1422 : vector<16xf32> to vector<16xf32>
    %swap3A_1424 = vector.shape_cast %get3A_1420 : vector<16xf32> to vector<16xf32>
    tpu.vector_store %arg6[%swap3A_1421], %swap3A_1424 {strides = array<i32>} : memref<8192xf32, #tpu.memory_space<vmem>>, vector<16xf32>,
    %swap3A_1425 = arith.constant 4048 : index
    %swap3A_1426 = tpu.vector_load %arg6[%swap3A_1425] {strides = array<i32>} : memref<8192xf32, #tpu.memory_space<vmem>>, vector<16xf32>,
    %swap3A_1427 = vector.shape_cast %swap3A_1426 : vector<16xf32> to vector<16xf32>
    %swap3A_1428 = vector.shape_cast %get3A_33 : vector<16xf32> to vector<16xf32>
    tpu.vector_store %arg6[%swap3A_1425], %swap3A_1428 {strides = array<i32>} : memref<8192xf32, #tpu.memory_space<vmem>>, vector<16xf32>,
    %get3A_1429 = arith.constant 2016 : index
    %get3A_1430 = tpu.vector_load %arg5[%get3A_1429] {strides = array<i32>} : memref<8192xf32, #tpu.memory_space<vmem>>, vector<16xf32>,
    %get3A_1431 = vector.shape_cast %get3A_1430 : vector<16xf32> to vector<16xf32>
    %swap3A_1432 = arith.constant 3936 : index
    %swap3A_1433 = tpu.vector_load %arg6[%swap3A_1432] {strides = array<i32>} : memref<8192xf32, #tpu.memory_space<vmem>>, vector<16xf32>,
    %swap3A_1434 = vector.shape_cast %swap3A_1433 : vector<16xf32> to vector<16xf32>
    %swap3A_1435 = vector.shape_cast %get3A_1431 : vector<16xf32> to vector<16xf32>
    tpu.vector_store %arg6[%swap3A_1432], %swap3A_1435 {strides = array<i32>} : memref<8192xf32, #tpu.memory_space<vmem>>, vector<16xf32>,
    %swap3A_1436 = arith.constant 4064 : index
    %swap3A_1437 = tpu.vector_load %arg6[%swap3A_1436] {strides = array<i32>} : memref<8192xf32, #tpu.memory_space<vmem>>, vector<16xf32>,
    %swap3A_1438 = vector.shape_cast %swap3A_1437 : vector<16xf32> to vector<16xf32>
    %swap3A_1439 = vector.shape_cast %get3A_38 : vector<16xf32> to vector<16xf32>
    tpu.vector_store %arg6[%swap3A_1436], %swap3A_1439 {strides = array<i32>} : memref<8192xf32, #tpu.memory_space<vmem>>, vector<16xf32>,
    %get3A_1440 = arith.constant 2032 : index
    %get3A_1441 = tpu.vector_load %arg5[%get3A_1440] {strides = array<i32>} : memref<8192xf32, #tpu.memory_space<vmem>>, vector<16xf32>,
    %get3A_1442 = vector.shape_cast %get3A_1441 : vector<16xf32> to vector<16xf32>
    %swap3A_1443 = arith.constant 3952 : index
    %swap3A_1444 = tpu.vector_load %arg6[%swap3A_1443] {strides = array<i32>} : memref<8192xf32, #tpu.memory_space<vmem>>, vector<16xf32>,
    %swap3A_1445 = vector.shape_cast %swap3A_1444 : vector<16xf32> to vector<16xf32>
    %swap3A_1446 = vector.shape_cast %get3A_1442 : vector<16xf32> to vector<16xf32>
    tpu.vector_store %arg6[%swap3A_1443], %swap3A_1446 {strides = array<i32>} : memref<8192xf32, #tpu.memory_space<vmem>>, vector<16xf32>,
    %swap3A_1447 = arith.constant 4080 : index
    %swap3A_1448 = tpu.vector_load %arg6[%swap3A_1447] {strides = array<i32>} : memref<8192xf32, #tpu.memory_space<vmem>>, vector<16xf32>,
    %swap3A_1449 = vector.shape_cast %swap3A_1448 : vector<16xf32> to vector<16xf32>
    %swap3A_1450 = vector.shape_cast %get3A_43 : vector<16xf32> to vector<16xf32>
    tpu.vector_store %arg6[%swap3A_1447], %swap3A_1450 {strides = array<i32>} : memref<8192xf32, #tpu.memory_space<vmem>>, vector<16xf32>,
    %get3A_1451 = arith.constant 2048 : index
    %get3A_1452 = tpu.vector_load %arg5[%get3A_1451] {strides = array<i32>} : memref<8192xf32, #tpu.memory_space<vmem>>, vector<16xf32>,
    %get3A_1453 = vector.shape_cast %get3A_1452 : vector<16xf32> to vector<16xf32>
    %swap3A_1454 = arith.constant 4096 : index
    %swap3A_1455 = tpu.vector_load %arg6[%swap3A_1454] {strides = array<i32>} : memref<8192xf32, #tpu.memory_space<vmem>>, vector<16xf32>,
    %swap3A_1456 = vector.shape_cast %swap3A_1455 : vector<16xf32> to vector<16xf32>
    %swap3A_1457 = vector.shape_cast %get3A_1453 : vector<16xf32> to vector<16xf32>
    tpu.vector_store %arg6[%swap3A_1454], %swap3A_1457 {strides = array<i32>} : memref<8192xf32, #tpu.memory_space<vmem>>, vector<16xf32>,
    %swap3A_1458 = arith.constant 4224 : index
    %swap3A_1459 = tpu.vector_load %arg6[%swap3A_1458] {strides = array<i32>} : memref<8192xf32, #tpu.memory_space<vmem>>, vector<16xf32>,
    %swap3A_1460 = vector.shape_cast %swap3A_1459 : vector<16xf32> to vector<16xf32>
    %swap3A_1461 = vector.shape_cast %get3A_8 : vector<16xf32> to vector<16xf32>
    tpu.vector_store %arg6[%swap3A_1458], %swap3A_1461 {strides = array<i32>} : memref<8192xf32, #tpu.memory_space<vmem>>, vector<16xf32>,
    %get3A_1462 = arith.constant 2064 : index
    %get3A_1463 = tpu.vector_load %arg5[%get3A_1462] {strides = array<i32>} : memref<8192xf32, #tpu.memory_space<vmem>>, vector<16xf32>,
    %get3A_1464 = vector.shape_cast %get3A_1463 : vector<16xf32> to vector<16xf32>
    %swap3A_1465 = arith.constant 4112 : index
    %swap3A_1466 = tpu.vector_load %arg6[%swap3A_1465] {strides = array<i32>} : memref<8192xf32, #tpu.memory_space<vmem>>, vector<16xf32>,
    %swap3A_1467 = vector.shape_cast %swap3A_1466 : vector<16xf32> to vector<16xf32>
    %swap3A_1468 = vector.shape_cast %get3A_1464 : vector<16xf32> to vector<16xf32>
    tpu.vector_store %arg6[%swap3A_1465], %swap3A_1468 {strides = array<i32>} : memref<8192xf32, #tpu.memory_space<vmem>>, vector<16xf32>,
    %swap3A_1469 = arith.constant 4240 : index
    %swap3A_1470 = tpu.vector_load %arg6[%swap3A_1469] {strides = array<i32>} : memref<8192xf32, #tpu.memory_space<vmem>>, vector<16xf32>,
    %swap3A_1471 = vector.shape_cast %swap3A_1470 : vector<16xf32> to vector<16xf32>
    %swap3A_1472 = vector.shape_cast %get3A_13 : vector<16xf32> to vector<16xf32>
    tpu.vector_store %arg6[%swap3A_1469], %swap3A_1472 {strides = array<i32>} : memref<8192xf32, #tpu.memory_space<vmem>>, vector<16xf32>,
    %get3A_1473 = arith.constant 2080 : index
    %get3A_1474 = tpu.vector_load %arg5[%get3A_1473] {strides = array<i32>} : memref<8192xf32, #tpu.memory_space<vmem>>, vector<16xf32>,
    %get3A_1475 = vector.shape_cast %get3A_1474 : vector<16xf32> to vector<16xf32>
    %swap3A_1476 = arith.constant 4128 : index
    %swap3A_1477 = tpu.vector_load %arg6[%swap3A_1476] {strides = array<i32>} : memref<8192xf32, #tpu.memory_space<vmem>>, vector<16xf32>,
    %swap3A_1478 = vector.shape_cast %swap3A_1477 : vector<16xf32> to vector<16xf32>
    %swap3A_1479 = vector.shape_cast %get3A_1475 : vector<16xf32> to vector<16xf32>
    tpu.vector_store %arg6[%swap3A_1476], %swap3A_1479 {strides = array<i32>} : memref<8192xf32, #tpu.memory_space<vmem>>, vector<16xf32>,
    %swap3A_1480 = arith.constant 4256 : index
    %swap3A_1481 = tpu.vector_load %arg6[%swap3A_1480] {strides = array<i32>} : memref<8192xf32, #tpu.memory_space<vmem>>, vector<16xf32>,
    %swap3A_1482 = vector.shape_cast %swap3A_1481 : vector<16xf32> to vector<16xf32>
    %swap3A_1483 = vector.shape_cast %get3A_18 : vector<16xf32> to vector<16xf32>
    tpu.vector_store %arg6[%swap3A_1480], %swap3A_1483 {strides = array<i32>} : memref<8192xf32, #tpu.memory_space<vmem>>, vector<16xf32>,
    %get3A_1484 = arith.constant 2096 : index
    %get3A_1485 = tpu.vector_load %arg5[%get3A_1484] {strides = array<i32>} : memref<8192xf32, #tpu.memory_space<vmem>>, vector<16xf32>,
    %get3A_1486 = vector.shape_cast %get3A_1485 : vector<16xf32> to vector<16xf32>
    %swap3A_1487 = arith.constant 4144 : index
    %swap3A_1488 = tpu.vector_load %arg6[%swap3A_1487] {strides = array<i32>} : memref<8192xf32, #tpu.memory_space<vmem>>, vector<16xf32>,
    %swap3A_1489 = vector.shape_cast %swap3A_1488 : vector<16xf32> to vector<16xf32>
    %swap3A_1490 = vector.shape_cast %get3A_1486 : vector<16xf32> to vector<16xf32>
    tpu.vector_store %arg6[%swap3A_1487], %swap3A_1490 {strides = array<i32>} : memref<8192xf32, #tpu.memory_space<vmem>>, vector<16xf32>,
    %swap3A_1491 = arith.constant 4272 : index
    %swap3A_1492 = tpu.vector_load %arg6[%swap3A_1491] {strides = array<i32>} : memref<8192xf32, #tpu.memory_space<vmem>>, vector<16xf32>,
    %swap3A_1493 = vector.shape_cast %swap3A_1492 : vector<16xf32> to vector<16xf32>
    %swap3A_1494 = vector.shape_cast %get3A_23 : vector<16xf32> to vector<16xf32>
    tpu.vector_store %arg6[%swap3A_1491], %swap3A_1494 {strides = array<i32>} : memref<8192xf32, #tpu.memory_space<vmem>>, vector<16xf32>,
    %get3A_1495 = arith.constant 2112 : index
    %get3A_1496 = tpu.vector_load %arg5[%get3A_1495] {strides = array<i32>} : memref<8192xf32, #tpu.memory_space<vmem>>, vector<16xf32>,
    %get3A_1497 = vector.shape_cast %get3A_1496 : vector<16xf32> to vector<16xf32>
    %swap3A_1498 = arith.constant 4160 : index
    %swap3A_1499 = tpu.vector_load %arg6[%swap3A_1498] {strides = array<i32>} : memref<8192xf32, #tpu.memory_space<vmem>>, vector<16xf32>,
    %swap3A_1500 = vector.shape_cast %swap3A_1499 : vector<16xf32> to vector<16xf32>
    %swap3A_1501 = vector.shape_cast %get3A_1497 : vector<16xf32> to vector<16xf32>
    tpu.vector_store %arg6[%swap3A_1498], %swap3A_1501 {strides = array<i32>} : memref<8192xf32, #tpu.memory_space<vmem>>, vector<16xf32>,
    %swap3A_1502 = arith.constant 4288 : index
    %swap3A_1503 = tpu.vector_load %arg6[%swap3A_1502] {strides = array<i32>} : memref<8192xf32, #tpu.memory_space<vmem>>, vector<16xf32>,
    %swap3A_1504 = vector.shape_cast %swap3A_1503 : vector<16xf32> to vector<16xf32>
    %swap3A_1505 = vector.shape_cast %get3A_28 : vector<16xf32> to vector<16xf32>
    tpu.vector_store %arg6[%swap3A_1502], %swap3A_1505 {strides = array<i32>} : memref<8192xf32, #tpu.memory_space<vmem>>, vector<16xf32>,
    %get3A_1506 = arith.constant 2128 : index
    %get3A_1507 = tpu.vector_load %arg5[%get3A_1506] {strides = array<i32>} : memref<8192xf32, #tpu.memory_space<vmem>>, vector<16xf32>,
    %get3A_1508 = vector.shape_cast %get3A_1507 : vector<16xf32> to vector<16xf32>
    %swap3A_1509 = arith.constant 4176 : index
    %swap3A_1510 = tpu.vector_load %arg6[%swap3A_1509] {strides = array<i32>} : memref<8192xf32, #tpu.memory_space<vmem>>, vector<16xf32>,
    %swap3A_1511 = vector.shape_cast %swap3A_1510 : vector<16xf32> to vector<16xf32>
    %swap3A_1512 = vector.shape_cast %get3A_1508 : vector<16xf32> to vector<16xf32>
    tpu.vector_store %arg6[%swap3A_1509], %swap3A_1512 {strides = array<i32>} : memref<8192xf32, #tpu.memory_space<vmem>>, vector<16xf32>,
    %swap3A_1513 = arith.constant 4304 : index
    %swap3A_1514 = tpu.vector_load %arg6[%swap3A_1513] {strides = array<i32>} : memref<8192xf32, #tpu.memory_space<vmem>>, vector<16xf32>,
    %swap3A_1515 = vector.shape_cast %swap3A_1514 : vector<16xf32> to vector<16xf32>
    %swap3A_1516 = vector.shape_cast %get3A_33 : vector<16xf32> to vector<16xf32>
    tpu.vector_store %arg6[%swap3A_1513], %swap3A_1516 {strides = array<i32>} : memref<8192xf32, #tpu.memory_space<vmem>>, vector<16xf32>,
    %get3A_1517 = arith.constant 2144 : index
    %get3A_1518 = tpu.vector_load %arg5[%get3A_1517] {strides = array<i32>} : memref<8192xf32, #tpu.memory_space<vmem>>, vector<16xf32>,
    %get3A_1519 = vector.shape_cast %get3A_1518 : vector<16xf32> to vector<16xf32>
    %swap3A_1520 = arith.constant 4192 : index
    %swap3A_1521 = tpu.vector_load %arg6[%swap3A_1520] {strides = array<i32>} : memref<8192xf32, #tpu.memory_space<vmem>>, vector<16xf32>,
    %swap3A_1522 = vector.shape_cast %swap3A_1521 : vector<16xf32> to vector<16xf32>
    %swap3A_1523 = vector.shape_cast %get3A_1519 : vector<16xf32> to vector<16xf32>
    tpu.vector_store %arg6[%swap3A_1520], %swap3A_1523 {strides = array<i32>} : memref<8192xf32, #tpu.memory_space<vmem>>, vector<16xf32>,
    %swap3A_1524 = arith.constant 4320 : index
    %swap3A_1525 = tpu.vector_load %arg6[%swap3A_1524] {strides = array<i32>} : memref<8192xf32, #tpu.memory_space<vmem>>, vector<16xf32>,
    %swap3A_1526 = vector.shape_cast %swap3A_1525 : vector<16xf32> to vector<16xf32>
    %swap3A_1527 = vector.shape_cast %get3A_38 : vector<16xf32> to vector<16xf32>
    tpu.vector_store %arg6[%swap3A_1524], %swap3A_1527 {strides = array<i32>} : memref<8192xf32, #tpu.memory_space<vmem>>, vector<16xf32>,
    %get3A_1528 = arith.constant 2160 : index
    %get3A_1529 = tpu.vector_load %arg5[%get3A_1528] {strides = array<i32>} : memref<8192xf32, #tpu.memory_space<vmem>>, vector<16xf32>,
    %get3A_1530 = vector.shape_cast %get3A_1529 : vector<16xf32> to vector<16xf32>
    %swap3A_1531 = arith.constant 4208 : index
    %swap3A_1532 = tpu.vector_load %arg6[%swap3A_1531] {strides = array<i32>} : memref<8192xf32, #tpu.memory_space<vmem>>, vector<16xf32>,
    %swap3A_1533 = vector.shape_cast %swap3A_1532 : vector<16xf32> to vector<16xf32>
    %swap3A_1534 = vector.shape_cast %get3A_1530 : vector<16xf32> to vector<16xf32>
    tpu.vector_store %arg6[%swap3A_1531], %swap3A_1534 {strides = array<i32>} : memref<8192xf32, #tpu.memory_space<vmem>>, vector<16xf32>,
    %swap3A_1535 = arith.constant 4336 : index
    %swap3A_1536 = tpu.vector_load %arg6[%swap3A_1535] {strides = array<i32>} : memref<8192xf32, #tpu.memory_space<vmem>>, vector<16xf32>,
    %swap3A_1537 = vector.shape_cast %swap3A_1536 : vector<16xf32> to vector<16xf32>
    %swap3A_1538 = vector.shape_cast %get3A_43 : vector<16xf32> to vector<16xf32>
    tpu.vector_store %arg6[%swap3A_1535], %swap3A_1538 {strides = array<i32>} : memref<8192xf32, #tpu.memory_space<vmem>>, vector<16xf32>,
    %get3A_1539 = arith.constant 2176 : index
    %get3A_1540 = tpu.vector_load %arg5[%get3A_1539] {strides = array<i32>} : memref<8192xf32, #tpu.memory_space<vmem>>, vector<16xf32>,
    %get3A_1541 = vector.shape_cast %get3A_1540 : vector<16xf32> to vector<16xf32>
    %swap3A_1542 = arith.constant 4352 : index
    %swap3A_1543 = tpu.vector_load %arg6[%swap3A_1542] {strides = array<i32>} : memref<8192xf32, #tpu.memory_space<vmem>>, vector<16xf32>,
    %swap3A_1544 = vector.shape_cast %swap3A_1543 : vector<16xf32> to vector<16xf32>
    %swap3A_1545 = vector.shape_cast %get3A_1541 : vector<16xf32> to vector<16xf32>
    tpu.vector_store %arg6[%swap3A_1542], %swap3A_1545 {strides = array<i32>} : memref<8192xf32, #tpu.memory_space<vmem>>, vector<16xf32>,
    %swap3A_1546 = arith.constant 4480 : index
    %swap3A_1547 = tpu.vector_load %arg6[%swap3A_1546] {strides = array<i32>} : memref<8192xf32, #tpu.memory_space<vmem>>, vector<16xf32>,
    %swap3A_1548 = vector.shape_cast %swap3A_1547 : vector<16xf32> to vector<16xf32>
    %swap3A_1549 = vector.shape_cast %get3A_8 : vector<16xf32> to vector<16xf32>
    tpu.vector_store %arg6[%swap3A_1546], %swap3A_1549 {strides = array<i32>} : memref<8192xf32, #tpu.memory_space<vmem>>, vector<16xf32>,
    %get3A_1550 = arith.constant 2192 : index
    %get3A_1551 = tpu.vector_load %arg5[%get3A_1550] {strides = array<i32>} : memref<8192xf32, #tpu.memory_space<vmem>>, vector<16xf32>,
    %get3A_1552 = vector.shape_cast %get3A_1551 : vector<16xf32> to vector<16xf32>
    %swap3A_1553 = arith.constant 4368 : index
    %swap3A_1554 = tpu.vector_load %arg6[%swap3A_1553] {strides = array<i32>} : memref<8192xf32, #tpu.memory_space<vmem>>, vector<16xf32>,
    %swap3A_1555 = vector.shape_cast %swap3A_1554 : vector<16xf32> to vector<16xf32>
    %swap3A_1556 = vector.shape_cast %get3A_1552 : vector<16xf32> to vector<16xf32>
    tpu.vector_store %arg6[%swap3A_1553], %swap3A_1556 {strides = array<i32>} : memref<8192xf32, #tpu.memory_space<vmem>>, vector<16xf32>,
    %swap3A_1557 = arith.constant 4496 : index
    %swap3A_1558 = tpu.vector_load %arg6[%swap3A_1557] {strides = array<i32>} : memref<8192xf32, #tpu.memory_space<vmem>>, vector<16xf32>,
    %swap3A_1559 = vector.shape_cast %swap3A_1558 : vector<16xf32> to vector<16xf32>
    %swap3A_1560 = vector.shape_cast %get3A_13 : vector<16xf32> to vector<16xf32>
    tpu.vector_store %arg6[%swap3A_1557], %swap3A_1560 {strides = array<i32>} : memref<8192xf32, #tpu.memory_space<vmem>>, vector<16xf32>,
    %get3A_1561 = arith.constant 2208 : index
    %get3A_1562 = tpu.vector_load %arg5[%get3A_1561] {strides = array<i32>} : memref<8192xf32, #tpu.memory_space<vmem>>, vector<16xf32>,
    %get3A_1563 = vector.shape_cast %get3A_1562 : vector<16xf32> to vector<16xf32>
    %swap3A_1564 = arith.constant 4384 : index
    %swap3A_1565 = tpu.vector_load %arg6[%swap3A_1564] {strides = array<i32>} : memref<8192xf32, #tpu.memory_space<vmem>>, vector<16xf32>,
    %swap3A_1566 = vector.shape_cast %swap3A_1565 : vector<16xf32> to vector<16xf32>
    %swap3A_1567 = vector.shape_cast %get3A_1563 : vector<16xf32> to vector<16xf32>
    tpu.vector_store %arg6[%swap3A_1564], %swap3A_1567 {strides = array<i32>} : memref<8192xf32, #tpu.memory_space<vmem>>, vector<16xf32>,
    %swap3A_1568 = arith.constant 4512 : index
    %swap3A_1569 = tpu.vector_load %arg6[%swap3A_1568] {strides = array<i32>} : memref<8192xf32, #tpu.memory_space<vmem>>, vector<16xf32>,
    %swap3A_1570 = vector.shape_cast %swap3A_1569 : vector<16xf32> to vector<16xf32>
    %swap3A_1571 = vector.shape_cast %get3A_18 : vector<16xf32> to vector<16xf32>
    tpu.vector_store %arg6[%swap3A_1568], %swap3A_1571 {strides = array<i32>} : memref<8192xf32, #tpu.memory_space<vmem>>, vector<16xf32>,
    %get3A_1572 = arith.constant 2224 : index
    %get3A_1573 = tpu.vector_load %arg5[%get3A_1572] {strides = array<i32>} : memref<8192xf32, #tpu.memory_space<vmem>>, vector<16xf32>,
    %get3A_1574 = vector.shape_cast %get3A_1573 : vector<16xf32> to vector<16xf32>
    %swap3A_1575 = arith.constant 4400 : index
    %swap3A_1576 = tpu.vector_load %arg6[%swap3A_1575] {strides = array<i32>} : memref<8192xf32, #tpu.memory_space<vmem>>, vector<16xf32>,
    %swap3A_1577 = vector.shape_cast %swap3A_1576 : vector<16xf32> to vector<16xf32>
    %swap3A_1578 = vector.shape_cast %get3A_1574 : vector<16xf32> to vector<16xf32>
    tpu.vector_store %arg6[%swap3A_1575], %swap3A_1578 {strides = array<i32>} : memref<8192xf32, #tpu.memory_space<vmem>>, vector<16xf32>,
    %swap3A_1579 = arith.constant 4528 : index
    %swap3A_1580 = tpu.vector_load %arg6[%swap3A_1579] {strides = array<i32>} : memref<8192xf32, #tpu.memory_space<vmem>>, vector<16xf32>,
    %swap3A_1581 = vector.shape_cast %swap3A_1580 : vector<16xf32> to vector<16xf32>
    %swap3A_1582 = vector.shape_cast %get3A_23 : vector<16xf32> to vector<16xf32>
    tpu.vector_store %arg6[%swap3A_1579], %swap3A_1582 {strides = array<i32>} : memref<8192xf32, #tpu.memory_space<vmem>>, vector<16xf32>,
    %get3A_1583 = arith.constant 2240 : index
    %get3A_1584 = tpu.vector_load %arg5[%get3A_1583] {strides = array<i32>} : memref<8192xf32, #tpu.memory_space<vmem>>, vector<16xf32>,
    %get3A_1585 = vector.shape_cast %get3A_1584 : vector<16xf32> to vector<16xf32>
    %swap3A_1586 = arith.constant 4416 : index
    %swap3A_1587 = tpu.vector_load %arg6[%swap3A_1586] {strides = array<i32>} : memref<8192xf32, #tpu.memory_space<vmem>>, vector<16xf32>,
    %swap3A_1588 = vector.shape_cast %swap3A_1587 : vector<16xf32> to vector<16xf32>
    %swap3A_1589 = vector.shape_cast %get3A_1585 : vector<16xf32> to vector<16xf32>
    tpu.vector_store %arg6[%swap3A_1586], %swap3A_1589 {strides = array<i32>} : memref<8192xf32, #tpu.memory_space<vmem>>, vector<16xf32>,
    %swap3A_1590 = arith.constant 4544 : index
    %swap3A_1591 = tpu.vector_load %arg6[%swap3A_1590] {strides = array<i32>} : memref<8192xf32, #tpu.memory_space<vmem>>, vector<16xf32>,
    %swap3A_1592 = vector.shape_cast %swap3A_1591 : vector<16xf32> to vector<16xf32>
    %swap3A_1593 = vector.shape_cast %get3A_28 : vector<16xf32> to vector<16xf32>
    tpu.vector_store %arg6[%swap3A_1590], %swap3A_1593 {strides = array<i32>} : memref<8192xf32, #tpu.memory_space<vmem>>, vector<16xf32>,
    %get3A_1594 = arith.constant 2256 : index
    %get3A_1595 = tpu.vector_load %arg5[%get3A_1594] {strides = array<i32>} : memref<8192xf32, #tpu.memory_space<vmem>>, vector<16xf32>,
    %get3A_1596 = vector.shape_cast %get3A_1595 : vector<16xf32> to vector<16xf32>
    %swap3A_1597 = arith.constant 4432 : index
    %swap3A_1598 = tpu.vector_load %arg6[%swap3A_1597] {strides = array<i32>} : memref<8192xf32, #tpu.memory_space<vmem>>, vector<16xf32>,
    %swap3A_1599 = vector.shape_cast %swap3A_1598 : vector<16xf32> to vector<16xf32>
    %swap3A_1600 = vector.shape_cast %get3A_1596 : vector<16xf32> to vector<16xf32>
    tpu.vector_store %arg6[%swap3A_1597], %swap3A_1600 {strides = array<i32>} : memref<8192xf32, #tpu.memory_space<vmem>>, vector<16xf32>,
    %swap3A_1601 = arith.constant 4560 : index
    %swap3A_1602 = tpu.vector_load %arg6[%swap3A_1601] {strides = array<i32>} : memref<8192xf32, #tpu.memory_space<vmem>>, vector<16xf32>,
    %swap3A_1603 = vector.shape_cast %swap3A_1602 : vector<16xf32> to vector<16xf32>
    %swap3A_1604 = vector.shape_cast %get3A_33 : vector<16xf32> to vector<16xf32>
    tpu.vector_store %arg6[%swap3A_1601], %swap3A_1604 {strides = array<i32>} : memref<8192xf32, #tpu.memory_space<vmem>>, vector<16xf32>,
    %get3A_1605 = arith.constant 2272 : index
    %get3A_1606 = tpu.vector_load %arg5[%get3A_1605] {strides = array<i32>} : memref<8192xf32, #tpu.memory_space<vmem>>, vector<16xf32>,
    %get3A_1607 = vector.shape_cast %get3A_1606 : vector<16xf32> to vector<16xf32>
    %swap3A_1608 = arith.constant 4448 : index
    %swap3A_1609 = tpu.vector_load %arg6[%swap3A_1608] {strides = array<i32>} : memref<8192xf32, #tpu.memory_space<vmem>>, vector<16xf32>,
    %swap3A_1610 = vector.shape_cast %swap3A_1609 : vector<16xf32> to vector<16xf32>
    %swap3A_1611 = vector.shape_cast %get3A_1607 : vector<16xf32> to vector<16xf32>
    tpu.vector_store %arg6[%swap3A_1608], %swap3A_1611 {strides = array<i32>} : memref<8192xf32, #tpu.memory_space<vmem>>, vector<16xf32>,
    %swap3A_1612 = arith.constant 4576 : index
    %swap3A_1613 = tpu.vector_load %arg6[%swap3A_1612] {strides = array<i32>} : memref<8192xf32, #tpu.memory_space<vmem>>, vector<16xf32>,
    %swap3A_1614 = vector.shape_cast %swap3A_1613 : vector<16xf32> to vector<16xf32>
    %swap3A_1615 = vector.shape_cast %get3A_38 : vector<16xf32> to vector<16xf32>
    tpu.vector_store %arg6[%swap3A_1612], %swap3A_1615 {strides = array<i32>} : memref<8192xf32, #tpu.memory_space<vmem>>, vector<16xf32>,
    %get3A_1616 = arith.constant 2288 : index
    %get3A_1617 = tpu.vector_load %arg5[%get3A_1616] {strides = array<i32>} : memref<8192xf32, #tpu.memory_space<vmem>>, vector<16xf32>,
    %get3A_1618 = vector.shape_cast %get3A_1617 : vector<16xf32> to vector<16xf32>
    %swap3A_1619 = arith.constant 4464 : index
    %swap3A_1620 = tpu.vector_load %arg6[%swap3A_1619] {strides = array<i32>} : memref<8192xf32, #tpu.memory_space<vmem>>, vector<16xf32>,
    %swap3A_1621 = vector.shape_cast %swap3A_1620 : vector<16xf32> to vector<16xf32>
    %swap3A_1622 = vector.shape_cast %get3A_1618 : vector<16xf32> to vector<16xf32>
    tpu.vector_store %arg6[%swap3A_1619], %swap3A_1622 {strides = array<i32>} : memref<8192xf32, #tpu.memory_space<vmem>>, vector<16xf32>,
    %swap3A_1623 = arith.constant 4592 : index
    %swap3A_1624 = tpu.vector_load %arg6[%swap3A_1623] {strides = array<i32>} : memref<8192xf32, #tpu.memory_space<vmem>>, vector<16xf32>,
    %swap3A_1625 = vector.shape_cast %swap3A_1624 : vector<16xf32> to vector<16xf32>
    %swap3A_1626 = vector.shape_cast %get3A_43 : vector<16xf32> to vector<16xf32>
    tpu.vector_store %arg6[%swap3A_1623], %swap3A_1626 {strides = array<i32>} : memref<8192xf32, #tpu.memory_space<vmem>>, vector<16xf32>,
    %get3A_1627 = arith.constant 2304 : index
    %get3A_1628 = tpu.vector_load %arg5[%get3A_1627] {strides = array<i32>} : memref<8192xf32, #tpu.memory_space<vmem>>, vector<16xf32>,
    %get3A_1629 = vector.shape_cast %get3A_1628 : vector<16xf32> to vector<16xf32>
    %swap3A_1630 = arith.constant 4608 : index
    %swap3A_1631 = tpu.vector_load %arg6[%swap3A_1630] {strides = array<i32>} : memref<8192xf32, #tpu.memory_space<vmem>>, vector<16xf32>,
    %swap3A_1632 = vector.shape_cast %swap3A_1631 : vector<16xf32> to vector<16xf32>
    %swap3A_1633 = vector.shape_cast %get3A_1629 : vector<16xf32> to vector<16xf32>
    tpu.vector_store %arg6[%swap3A_1630], %swap3A_1633 {strides = array<i32>} : memref<8192xf32, #tpu.memory_space<vmem>>, vector<16xf32>,
    %swap3A_1634 = arith.constant 4736 : index
    %swap3A_1635 = tpu.vector_load %arg6[%swap3A_1634] {strides = array<i32>} : memref<8192xf32, #tpu.memory_space<vmem>>, vector<16xf32>,
    %swap3A_1636 = vector.shape_cast %swap3A_1635 : vector<16xf32> to vector<16xf32>
    %swap3A_1637 = vector.shape_cast %get3A_8 : vector<16xf32> to vector<16xf32>
    tpu.vector_store %arg6[%swap3A_1634], %swap3A_1637 {strides = array<i32>} : memref<8192xf32, #tpu.memory_space<vmem>>, vector<16xf32>,
    %get3A_1638 = arith.constant 2320 : index
    %get3A_1639 = tpu.vector_load %arg5[%get3A_1638] {strides = array<i32>} : memref<8192xf32, #tpu.memory_space<vmem>>, vector<16xf32>,
    %get3A_1640 = vector.shape_cast %get3A_1639 : vector<16xf32> to vector<16xf32>
    %swap3A_1641 = arith.constant 4624 : index
    %swap3A_1642 = tpu.vector_load %arg6[%swap3A_1641] {strides = array<i32>} : memref<8192xf32, #tpu.memory_space<vmem>>, vector<16xf32>,
    %swap3A_1643 = vector.shape_cast %swap3A_1642 : vector<16xf32> to vector<16xf32>
    %swap3A_1644 = vector.shape_cast %get3A_1640 : vector<16xf32> to vector<16xf32>
    tpu.vector_store %arg6[%swap3A_1641], %swap3A_1644 {strides = array<i32>} : memref<8192xf32, #tpu.memory_space<vmem>>, vector<16xf32>,
    %swap3A_1645 = arith.constant 4752 : index
    %swap3A_1646 = tpu.vector_load %arg6[%swap3A_1645] {strides = array<i32>} : memref<8192xf32, #tpu.memory_space<vmem>>, vector<16xf32>,
    %swap3A_1647 = vector.shape_cast %swap3A_1646 : vector<16xf32> to vector<16xf32>
    %swap3A_1648 = vector.shape_cast %get3A_13 : vector<16xf32> to vector<16xf32>
    tpu.vector_store %arg6[%swap3A_1645], %swap3A_1648 {strides = array<i32>} : memref<8192xf32, #tpu.memory_space<vmem>>, vector<16xf32>,
    %get3A_1649 = arith.constant 2336 : index
    %get3A_1650 = tpu.vector_load %arg5[%get3A_1649] {strides = array<i32>} : memref<8192xf32, #tpu.memory_space<vmem>>, vector<16xf32>,
    %get3A_1651 = vector.shape_cast %get3A_1650 : vector<16xf32> to vector<16xf32>
    %swap3A_1652 = arith.constant 4640 : index
    %swap3A_1653 = tpu.vector_load %arg6[%swap3A_1652] {strides = array<i32>} : memref<8192xf32, #tpu.memory_space<vmem>>, vector<16xf32>,
    %swap3A_1654 = vector.shape_cast %swap3A_1653 : vector<16xf32> to vector<16xf32>
    %swap3A_1655 = vector.shape_cast %get3A_1651 : vector<16xf32> to vector<16xf32>
    tpu.vector_store %arg6[%swap3A_1652], %swap3A_1655 {strides = array<i32>} : memref<8192xf32, #tpu.memory_space<vmem>>, vector<16xf32>,
    %swap3A_1656 = arith.constant 4768 : index
    %swap3A_1657 = tpu.vector_load %arg6[%swap3A_1656] {strides = array<i32>} : memref<8192xf32, #tpu.memory_space<vmem>>, vector<16xf32>,
    %swap3A_1658 = vector.shape_cast %swap3A_1657 : vector<16xf32> to vector<16xf32>
    %swap3A_1659 = vector.shape_cast %get3A_18 : vector<16xf32> to vector<16xf32>
    tpu.vector_store %arg6[%swap3A_1656], %swap3A_1659 {strides = array<i32>} : memref<8192xf32, #tpu.memory_space<vmem>>, vector<16xf32>,
    %get3A_1660 = arith.constant 2352 : index
    %get3A_1661 = tpu.vector_load %arg5[%get3A_1660] {strides = array<i32>} : memref<8192xf32, #tpu.memory_space<vmem>>, vector<16xf32>,
    %get3A_1662 = vector.shape_cast %get3A_1661 : vector<16xf32> to vector<16xf32>
    %swap3A_1663 = arith.constant 4656 : index
    %swap3A_1664 = tpu.vector_load %arg6[%swap3A_1663] {strides = array<i32>} : memref<8192xf32, #tpu.memory_space<vmem>>, vector<16xf32>,
    %swap3A_1665 = vector.shape_cast %swap3A_1664 : vector<16xf32> to vector<16xf32>
    %swap3A_1666 = vector.shape_cast %get3A_1662 : vector<16xf32> to vector<16xf32>
    tpu.vector_store %arg6[%swap3A_1663], %swap3A_1666 {strides = array<i32>} : memref<8192xf32, #tpu.memory_space<vmem>>, vector<16xf32>,
    %swap3A_1667 = arith.constant 4784 : index
    %swap3A_1668 = tpu.vector_load %arg6[%swap3A_1667] {strides = array<i32>} : memref<8192xf32, #tpu.memory_space<vmem>>, vector<16xf32>,
    %swap3A_1669 = vector.shape_cast %swap3A_1668 : vector<16xf32> to vector<16xf32>
    %swap3A_1670 = vector.shape_cast %get3A_23 : vector<16xf32> to vector<16xf32>
    tpu.vector_store %arg6[%swap3A_1667], %swap3A_1670 {strides = array<i32>} : memref<8192xf32, #tpu.memory_space<vmem>>, vector<16xf32>,
    %get3A_1671 = arith.constant 2368 : index
    %get3A_1672 = tpu.vector_load %arg5[%get3A_1671] {strides = array<i32>} : memref<8192xf32, #tpu.memory_space<vmem>>, vector<16xf32>,
    %get3A_1673 = vector.shape_cast %get3A_1672 : vector<16xf32> to vector<16xf32>
    %swap3A_1674 = arith.constant 4672 : index
    %swap3A_1675 = tpu.vector_load %arg6[%swap3A_1674] {strides = array<i32>} : memref<8192xf32, #tpu.memory_space<vmem>>, vector<16xf32>,
    %swap3A_1676 = vector.shape_cast %swap3A_1675 : vector<16xf32> to vector<16xf32>
    %swap3A_1677 = vector.shape_cast %get3A_1673 : vector<16xf32> to vector<16xf32>
    tpu.vector_store %arg6[%swap3A_1674], %swap3A_1677 {strides = array<i32>} : memref<8192xf32, #tpu.memory_space<vmem>>, vector<16xf32>,
    %swap3A_1678 = arith.constant 4800 : index
    %swap3A_1679 = tpu.vector_load %arg6[%swap3A_1678] {strides = array<i32>} : memref<8192xf32, #tpu.memory_space<vmem>>, vector<16xf32>,
    %swap3A_1680 = vector.shape_cast %swap3A_1679 : vector<16xf32> to vector<16xf32>
    %swap3A_1681 = vector.shape_cast %get3A_28 : vector<16xf32> to vector<16xf32>
    tpu.vector_store %arg6[%swap3A_1678], %swap3A_1681 {strides = array<i32>} : memref<8192xf32, #tpu.memory_space<vmem>>, vector<16xf32>,
    %get3A_1682 = arith.constant 2384 : index
    %get3A_1683 = tpu.vector_load %arg5[%get3A_1682] {strides = array<i32>} : memref<8192xf32, #tpu.memory_space<vmem>>, vector<16xf32>,
    %get3A_1684 = vector.shape_cast %get3A_1683 : vector<16xf32> to vector<16xf32>
    %swap3A_1685 = arith.constant 4688 : index
    %swap3A_1686 = tpu.vector_load %arg6[%swap3A_1685] {strides = array<i32>} : memref<8192xf32, #tpu.memory_space<vmem>>, vector<16xf32>,
    %swap3A_1687 = vector.shape_cast %swap3A_1686 : vector<16xf32> to vector<16xf32>
    %swap3A_1688 = vector.shape_cast %get3A_1684 : vector<16xf32> to vector<16xf32>
    tpu.vector_store %arg6[%swap3A_1685], %swap3A_1688 {strides = array<i32>} : memref<8192xf32, #tpu.memory_space<vmem>>, vector<16xf32>,
    %swap3A_1689 = arith.constant 4816 : index
    %swap3A_1690 = tpu.vector_load %arg6[%swap3A_1689] {strides = array<i32>} : memref<8192xf32, #tpu.memory_space<vmem>>, vector<16xf32>,
    %swap3A_1691 = vector.shape_cast %swap3A_1690 : vector<16xf32> to vector<16xf32>
    %swap3A_1692 = vector.shape_cast %get3A_33 : vector<16xf32> to vector<16xf32>
    tpu.vector_store %arg6[%swap3A_1689], %swap3A_1692 {strides = array<i32>} : memref<8192xf32, #tpu.memory_space<vmem>>, vector<16xf32>,
    %get3A_1693 = arith.constant 2400 : index
    %get3A_1694 = tpu.vector_load %arg5[%get3A_1693] {strides = array<i32>} : memref<8192xf32, #tpu.memory_space<vmem>>, vector<16xf32>,
    %get3A_1695 = vector.shape_cast %get3A_1694 : vector<16xf32> to vector<16xf32>
    %swap3A_1696 = arith.constant 4704 : index
    %swap3A_1697 = tpu.vector_load %arg6[%swap3A_1696] {strides = array<i32>} : memref<8192xf32, #tpu.memory_space<vmem>>, vector<16xf32>,
    %swap3A_1698 = vector.shape_cast %swap3A_1697 : vector<16xf32> to vector<16xf32>
    %swap3A_1699 = vector.shape_cast %get3A_1695 : vector<16xf32> to vector<16xf32>
    tpu.vector_store %arg6[%swap3A_1696], %swap3A_1699 {strides = array<i32>} : memref<8192xf32, #tpu.memory_space<vmem>>, vector<16xf32>,
    %swap3A_1700 = arith.constant 4832 : index
    %swap3A_1701 = tpu.vector_load %arg6[%swap3A_1700] {strides = array<i32>} : memref<8192xf32, #tpu.memory_space<vmem>>, vector<16xf32>,
    %swap3A_1702 = vector.shape_cast %swap3A_1701 : vector<16xf32> to vector<16xf32>
    %swap3A_1703 = vector.shape_cast %get3A_38 : vector<16xf32> to vector<16xf32>
    tpu.vector_store %arg6[%swap3A_1700], %swap3A_1703 {strides = array<i32>} : memref<8192xf32, #tpu.memory_space<vmem>>, vector<16xf32>,
    %get3A_1704 = arith.constant 2416 : index
    %get3A_1705 = tpu.vector_load %arg5[%get3A_1704] {strides = array<i32>} : memref<8192xf32, #tpu.memory_space<vmem>>, vector<16xf32>,
    %get3A_1706 = vector.shape_cast %get3A_1705 : vector<16xf32> to vector<16xf32>
    %swap3A_1707 = arith.constant 4720 : index
    %swap3A_1708 = tpu.vector_load %arg6[%swap3A_1707] {strides = array<i32>} : memref<8192xf32, #tpu.memory_space<vmem>>, vector<16xf32>,
    %swap3A_1709 = vector.shape_cast %swap3A_1708 : vector<16xf32> to vector<16xf32>
    %swap3A_1710 = vector.shape_cast %get3A_1706 : vector<16xf32> to vector<16xf32>
    tpu.vector_store %arg6[%swap3A_1707], %swap3A_1710 {strides = array<i32>} : memref<8192xf32, #tpu.memory_space<vmem>>, vector<16xf32>,
    %swap3A_1711 = arith.constant 4848 : index
    %swap3A_1712 = tpu.vector_load %arg6[%swap3A_1711] {strides = array<i32>} : memref<8192xf32, #tpu.memory_space<vmem>>, vector<16xf32>,
    %swap3A_1713 = vector.shape_cast %swap3A_1712 : vector<16xf32> to vector<16xf32>
    %swap3A_1714 = vector.shape_cast %get3A_43 : vector<16xf32> to vector<16xf32>
    tpu.vector_store %arg6[%swap3A_1711], %swap3A_1714 {strides = array<i32>} : memref<8192xf32, #tpu.memory_space<vmem>>, vector<16xf32>,
    %get3A_1715 = arith.constant 2432 : index
    %get3A_1716 = tpu.vector_load %arg5[%get3A_1715] {strides = array<i32>} : memref<8192xf32, #tpu.memory_space<vmem>>, vector<16xf32>,
    %get3A_1717 = vector.shape_cast %get3A_1716 : vector<16xf32> to vector<16xf32>
    %swap3A_1718 = arith.constant 4864 : index
    %swap3A_1719 = tpu.vector_load %arg6[%swap3A_1718] {strides = array<i32>} : memref<8192xf32, #tpu.memory_space<vmem>>, vector<16xf32>,
    %swap3A_1720 = vector.shape_cast %swap3A_1719 : vector<16xf32> to vector<16xf32>
    %swap3A_1721 = vector.shape_cast %get3A_1717 : vector<16xf32> to vector<16xf32>
    tpu.vector_store %arg6[%swap3A_1718], %swap3A_1721 {strides = array<i32>} : memref<8192xf32, #tpu.memory_space<vmem>>, vector<16xf32>,
    %swap3A_1722 = arith.constant 4992 : index
    %swap3A_1723 = tpu.vector_load %arg6[%swap3A_1722] {strides = array<i32>} : memref<8192xf32, #tpu.memory_space<vmem>>, vector<16xf32>,
    %swap3A_1724 = vector.shape_cast %swap3A_1723 : vector<16xf32> to vector<16xf32>
    %swap3A_1725 = vector.shape_cast %get3A_8 : vector<16xf32> to vector<16xf32>
    tpu.vector_store %arg6[%swap3A_1722], %swap3A_1725 {strides = array<i32>} : memref<8192xf32, #tpu.memory_space<vmem>>, vector<16xf32>,
    %get3A_1726 = arith.constant 2448 : index
    %get3A_1727 = tpu.vector_load %arg5[%get3A_1726] {strides = array<i32>} : memref<8192xf32, #tpu.memory_space<vmem>>, vector<16xf32>,
    %get3A_1728 = vector.shape_cast %get3A_1727 : vector<16xf32> to vector<16xf32>
    %swap3A_1729 = arith.constant 4880 : index
    %swap3A_1730 = tpu.vector_load %arg6[%swap3A_1729] {strides = array<i32>} : memref<8192xf32, #tpu.memory_space<vmem>>, vector<16xf32>,
    %swap3A_1731 = vector.shape_cast %swap3A_1730 : vector<16xf32> to vector<16xf32>
    %swap3A_1732 = vector.shape_cast %get3A_1728 : vector<16xf32> to vector<16xf32>
    tpu.vector_store %arg6[%swap3A_1729], %swap3A_1732 {strides = array<i32>} : memref<8192xf32, #tpu.memory_space<vmem>>, vector<16xf32>,
    %swap3A_1733 = arith.constant 5008 : index
    %swap3A_1734 = tpu.vector_load %arg6[%swap3A_1733] {strides = array<i32>} : memref<8192xf32, #tpu.memory_space<vmem>>, vector<16xf32>,
    %swap3A_1735 = vector.shape_cast %swap3A_1734 : vector<16xf32> to vector<16xf32>
    %swap3A_1736 = vector.shape_cast %get3A_13 : vector<16xf32> to vector<16xf32>
    tpu.vector_store %arg6[%swap3A_1733], %swap3A_1736 {strides = array<i32>} : memref<8192xf32, #tpu.memory_space<vmem>>, vector<16xf32>,
    %get3A_1737 = arith.constant 2464 : index
    %get3A_1738 = tpu.vector_load %arg5[%get3A_1737] {strides = array<i32>} : memref<8192xf32, #tpu.memory_space<vmem>>, vector<16xf32>,
    %get3A_1739 = vector.shape_cast %get3A_1738 : vector<16xf32> to vector<16xf32>
    %swap3A_1740 = arith.constant 4896 : index
    %swap3A_1741 = tpu.vector_load %arg6[%swap3A_1740] {strides = array<i32>} : memref<8192xf32, #tpu.memory_space<vmem>>, vector<16xf32>,
    %swap3A_1742 = vector.shape_cast %swap3A_1741 : vector<16xf32> to vector<16xf32>
    %swap3A_1743 = vector.shape_cast %get3A_1739 : vector<16xf32> to vector<16xf32>
    tpu.vector_store %arg6[%swap3A_1740], %swap3A_1743 {strides = array<i32>} : memref<8192xf32, #tpu.memory_space<vmem>>, vector<16xf32>,
    %swap3A_1744 = arith.constant 5024 : index
    %swap3A_1745 = tpu.vector_load %arg6[%swap3A_1744] {strides = array<i32>} : memref<8192xf32, #tpu.memory_space<vmem>>, vector<16xf32>,
    %swap3A_1746 = vector.shape_cast %swap3A_1745 : vector<16xf32> to vector<16xf32>
    %swap3A_1747 = vector.shape_cast %get3A_18 : vector<16xf32> to vector<16xf32>
    tpu.vector_store %arg6[%swap3A_1744], %swap3A_1747 {strides = array<i32>} : memref<8192xf32, #tpu.memory_space<vmem>>, vector<16xf32>,
    %get3A_1748 = arith.constant 2480 : index
    %get3A_1749 = tpu.vector_load %arg5[%get3A_1748] {strides = array<i32>} : memref<8192xf32, #tpu.memory_space<vmem>>, vector<16xf32>,
    %get3A_1750 = vector.shape_cast %get3A_1749 : vector<16xf32> to vector<16xf32>
    %swap3A_1751 = arith.constant 4912 : index
    %swap3A_1752 = tpu.vector_load %arg6[%swap3A_1751] {strides = array<i32>} : memref<8192xf32, #tpu.memory_space<vmem>>, vector<16xf32>,
    %swap3A_1753 = vector.shape_cast %swap3A_1752 : vector<16xf32> to vector<16xf32>
    %swap3A_1754 = vector.shape_cast %get3A_1750 : vector<16xf32> to vector<16xf32>
    tpu.vector_store %arg6[%swap3A_1751], %swap3A_1754 {strides = array<i32>} : memref<8192xf32, #tpu.memory_space<vmem>>, vector<16xf32>,
    %swap3A_1755 = arith.constant 5040 : index
    %swap3A_1756 = tpu.vector_load %arg6[%swap3A_1755] {strides = array<i32>} : memref<8192xf32, #tpu.memory_space<vmem>>, vector<16xf32>,
    %swap3A_1757 = vector.shape_cast %swap3A_1756 : vector<16xf32> to vector<16xf32>
    %swap3A_1758 = vector.shape_cast %get3A_23 : vector<16xf32> to vector<16xf32>
    tpu.vector_store %arg6[%swap3A_1755], %swap3A_1758 {strides = array<i32>} : memref<8192xf32, #tpu.memory_space<vmem>>, vector<16xf32>,
    %get3A_1759 = arith.constant 2496 : index
    %get3A_1760 = tpu.vector_load %arg5[%get3A_1759] {strides = array<i32>} : memref<8192xf32, #tpu.memory_space<vmem>>, vector<16xf32>,
    %get3A_1761 = vector.shape_cast %get3A_1760 : vector<16xf32> to vector<16xf32>
    %swap3A_1762 = arith.constant 4928 : index
    %swap3A_1763 = tpu.vector_load %arg6[%swap3A_1762] {strides = array<i32>} : memref<8192xf32, #tpu.memory_space<vmem>>, vector<16xf32>,
    %swap3A_1764 = vector.shape_cast %swap3A_1763 : vector<16xf32> to vector<16xf32>
    %swap3A_1765 = vector.shape_cast %get3A_1761 : vector<16xf32> to vector<16xf32>
    tpu.vector_store %arg6[%swap3A_1762], %swap3A_1765 {strides = array<i32>} : memref<8192xf32, #tpu.memory_space<vmem>>, vector<16xf32>,
    %swap3A_1766 = arith.constant 5056 : index
    %swap3A_1767 = tpu.vector_load %arg6[%swap3A_1766] {strides = array<i32>} : memref<8192xf32, #tpu.memory_space<vmem>>, vector<16xf32>,
    %swap3A_1768 = vector.shape_cast %swap3A_1767 : vector<16xf32> to vector<16xf32>
    %swap3A_1769 = vector.shape_cast %get3A_28 : vector<16xf32> to vector<16xf32>
    tpu.vector_store %arg6[%swap3A_1766], %swap3A_1769 {strides = array<i32>} : memref<8192xf32, #tpu.memory_space<vmem>>, vector<16xf32>,
    %get3A_1770 = arith.constant 2512 : index
    %get3A_1771 = tpu.vector_load %arg5[%get3A_1770] {strides = array<i32>} : memref<8192xf32, #tpu.memory_space<vmem>>, vector<16xf32>,
    %get3A_1772 = vector.shape_cast %get3A_1771 : vector<16xf32> to vector<16xf32>
    %swap3A_1773 = arith.constant 4944 : index
    %swap3A_1774 = tpu.vector_load %arg6[%swap3A_1773] {strides = array<i32>} : memref<8192xf32, #tpu.memory_space<vmem>>, vector<16xf32>,
    %swap3A_1775 = vector.shape_cast %swap3A_1774 : vector<16xf32> to vector<16xf32>
    %swap3A_1776 = vector.shape_cast %get3A_1772 : vector<16xf32> to vector<16xf32>
    tpu.vector_store %arg6[%swap3A_1773], %swap3A_1776 {strides = array<i32>} : memref<8192xf32, #tpu.memory_space<vmem>>, vector<16xf32>,
    %swap3A_1777 = arith.constant 5072 : index
    %swap3A_1778 = tpu.vector_load %arg6[%swap3A_1777] {strides = array<i32>} : memref<8192xf32, #tpu.memory_space<vmem>>, vector<16xf32>,
    %swap3A_1779 = vector.shape_cast %swap3A_1778 : vector<16xf32> to vector<16xf32>
    %swap3A_1780 = vector.shape_cast %get3A_33 : vector<16xf32> to vector<16xf32>
    tpu.vector_store %arg6[%swap3A_1777], %swap3A_1780 {strides = array<i32>} : memref<8192xf32, #tpu.memory_space<vmem>>, vector<16xf32>,
    %get3A_1781 = arith.constant 2528 : index
    %get3A_1782 = tpu.vector_load %arg5[%get3A_1781] {strides = array<i32>} : memref<8192xf32, #tpu.memory_space<vmem>>, vector<16xf32>,
    %get3A_1783 = vector.shape_cast %get3A_1782 : vector<16xf32> to vector<16xf32>
    %swap3A_1784 = arith.constant 4960 : index
    %swap3A_1785 = tpu.vector_load %arg6[%swap3A_1784] {strides = array<i32>} : memref<8192xf32, #tpu.memory_space<vmem>>, vector<16xf32>,
    %swap3A_1786 = vector.shape_cast %swap3A_1785 : vector<16xf32> to vector<16xf32>
    %swap3A_1787 = vector.shape_cast %get3A_1783 : vector<16xf32> to vector<16xf32>
    tpu.vector_store %arg6[%swap3A_1784], %swap3A_1787 {strides = array<i32>} : memref<8192xf32, #tpu.memory_space<vmem>>, vector<16xf32>,
    %swap3A_1788 = arith.constant 5088 : index
    %swap3A_1789 = tpu.vector_load %arg6[%swap3A_1788] {strides = array<i32>} : memref<8192xf32, #tpu.memory_space<vmem>>, vector<16xf32>,
    %swap3A_1790 = vector.shape_cast %swap3A_1789 : vector<16xf32> to vector<16xf32>
    %swap3A_1791 = vector.shape_cast %get3A_38 : vector<16xf32> to vector<16xf32>
    tpu.vector_store %arg6[%swap3A_1788], %swap3A_1791 {strides = array<i32>} : memref<8192xf32, #tpu.memory_space<vmem>>, vector<16xf32>,
    %get3A_1792 = arith.constant 2544 : index
    %get3A_1793 = tpu.vector_load %arg5[%get3A_1792] {strides = array<i32>} : memref<8192xf32, #tpu.memory_space<vmem>>, vector<16xf32>,
    %get3A_1794 = vector.shape_cast %get3A_1793 : vector<16xf32> to vector<16xf32>
    %swap3A_1795 = arith.constant 4976 : index
    %swap3A_1796 = tpu.vector_load %arg6[%swap3A_1795] {strides = array<i32>} : memref<8192xf32, #tpu.memory_space<vmem>>, vector<16xf32>,
    %swap3A_1797 = vector.shape_cast %swap3A_1796 : vector<16xf32> to vector<16xf32>
    %swap3A_1798 = vector.shape_cast %get3A_1794 : vector<16xf32> to vector<16xf32>
    tpu.vector_store %arg6[%swap3A_1795], %swap3A_1798 {strides = array<i32>} : memref<8192xf32, #tpu.memory_space<vmem>>, vector<16xf32>,
    %swap3A_1799 = arith.constant 5104 : index
    %swap3A_1800 = tpu.vector_load %arg6[%swap3A_1799] {strides = array<i32>} : memref<8192xf32, #tpu.memory_space<vmem>>, vector<16xf32>,
    %swap3A_1801 = vector.shape_cast %swap3A_1800 : vector<16xf32> to vector<16xf32>
    %swap3A_1802 = vector.shape_cast %get3A_43 : vector<16xf32> to vector<16xf32>
    tpu.vector_store %arg6[%swap3A_1799], %swap3A_1802 {strides = array<i32>} : memref<8192xf32, #tpu.memory_space<vmem>>, vector<16xf32>,
    %get3A_1803 = arith.constant 2560 : index
    %get3A_1804 = tpu.vector_load %arg5[%get3A_1803] {strides = array<i32>} : memref<8192xf32, #tpu.memory_space<vmem>>, vector<16xf32>,
    %get3A_1805 = vector.shape_cast %get3A_1804 : vector<16xf32> to vector<16xf32>
    %swap3A_1806 = arith.constant 5120 : index
    %swap3A_1807 = tpu.vector_load %arg6[%swap3A_1806] {strides = array<i32>} : memref<8192xf32, #tpu.memory_space<vmem>>, vector<16xf32>,
    %swap3A_1808 = vector.shape_cast %swap3A_1807 : vector<16xf32> to vector<16xf32>
    %swap3A_1809 = vector.shape_cast %get3A_1805 : vector<16xf32> to vector<16xf32>
    tpu.vector_store %arg6[%swap3A_1806], %swap3A_1809 {strides = array<i32>} : memref<8192xf32, #tpu.memory_space<vmem>>, vector<16xf32>,
    %swap3A_1810 = arith.constant 5248 : index
    %swap3A_1811 = tpu.vector_load %arg6[%swap3A_1810] {strides = array<i32>} : memref<8192xf32, #tpu.memory_space<vmem>>, vector<16xf32>,
    %swap3A_1812 = vector.shape_cast %swap3A_1811 : vector<16xf32> to vector<16xf32>
    %swap3A_1813 = vector.shape_cast %get3A_8 : vector<16xf32> to vector<16xf32>
    tpu.vector_store %arg6[%swap3A_1810], %swap3A_1813 {strides = array<i32>} : memref<8192xf32, #tpu.memory_space<vmem>>, vector<16xf32>,
    %get3A_1814 = arith.constant 2576 : index
    %get3A_1815 = tpu.vector_load %arg5[%get3A_1814] {strides = array<i32>} : memref<8192xf32, #tpu.memory_space<vmem>>, vector<16xf32>,
    %get3A_1816 = vector.shape_cast %get3A_1815 : vector<16xf32> to vector<16xf32>
    %swap3A_1817 = arith.constant 5136 : index
    %swap3A_1818 = tpu.vector_load %arg6[%swap3A_1817] {strides = array<i32>} : memref<8192xf32, #tpu.memory_space<vmem>>, vector<16xf32>,
    %swap3A_1819 = vector.shape_cast %swap3A_1818 : vector<16xf32> to vector<16xf32>
    %swap3A_1820 = vector.shape_cast %get3A_1816 : vector<16xf32> to vector<16xf32>
    tpu.vector_store %arg6[%swap3A_1817], %swap3A_1820 {strides = array<i32>} : memref<8192xf32, #tpu.memory_space<vmem>>, vector<16xf32>,
    %swap3A_1821 = arith.constant 5264 : index
    %swap3A_1822 = tpu.vector_load %arg6[%swap3A_1821] {strides = array<i32>} : memref<8192xf32, #tpu.memory_space<vmem>>, vector<16xf32>,
    %swap3A_1823 = vector.shape_cast %swap3A_1822 : vector<16xf32> to vector<16xf32>
    %swap3A_1824 = vector.shape_cast %get3A_13 : vector<16xf32> to vector<16xf32>
    tpu.vector_store %arg6[%swap3A_1821], %swap3A_1824 {strides = array<i32>} : memref<8192xf32, #tpu.memory_space<vmem>>, vector<16xf32>,
    %get3A_1825 = arith.constant 2592 : index
    %get3A_1826 = tpu.vector_load %arg5[%get3A_1825] {strides = array<i32>} : memref<8192xf32, #tpu.memory_space<vmem>>, vector<16xf32>,
    %get3A_1827 = vector.shape_cast %get3A_1826 : vector<16xf32> to vector<16xf32>
    %swap3A_1828 = arith.constant 5152 : index
    %swap3A_1829 = tpu.vector_load %arg6[%swap3A_1828] {strides = array<i32>} : memref<8192xf32, #tpu.memory_space<vmem>>, vector<16xf32>,
    %swap3A_1830 = vector.shape_cast %swap3A_1829 : vector<16xf32> to vector<16xf32>
    %swap3A_1831 = vector.shape_cast %get3A_1827 : vector<16xf32> to vector<16xf32>
    tpu.vector_store %arg6[%swap3A_1828], %swap3A_1831 {strides = array<i32>} : memref<8192xf32, #tpu.memory_space<vmem>>, vector<16xf32>,
    %swap3A_1832 = arith.constant 5280 : index
    %swap3A_1833 = tpu.vector_load %arg6[%swap3A_1832] {strides = array<i32>} : memref<8192xf32, #tpu.memory_space<vmem>>, vector<16xf32>,
    %swap3A_1834 = vector.shape_cast %swap3A_1833 : vector<16xf32> to vector<16xf32>
    %swap3A_1835 = vector.shape_cast %get3A_18 : vector<16xf32> to vector<16xf32>
    tpu.vector_store %arg6[%swap3A_1832], %swap3A_1835 {strides = array<i32>} : memref<8192xf32, #tpu.memory_space<vmem>>, vector<16xf32>,
    %get3A_1836 = arith.constant 2608 : index
    %get3A_1837 = tpu.vector_load %arg5[%get3A_1836] {strides = array<i32>} : memref<8192xf32, #tpu.memory_space<vmem>>, vector<16xf32>,
    %get3A_1838 = vector.shape_cast %get3A_1837 : vector<16xf32> to vector<16xf32>
    %swap3A_1839 = arith.constant 5168 : index
    %swap3A_1840 = tpu.vector_load %arg6[%swap3A_1839] {strides = array<i32>} : memref<8192xf32, #tpu.memory_space<vmem>>, vector<16xf32>,
    %swap3A_1841 = vector.shape_cast %swap3A_1840 : vector<16xf32> to vector<16xf32>
    %swap3A_1842 = vector.shape_cast %get3A_1838 : vector<16xf32> to vector<16xf32>
    tpu.vector_store %arg6[%swap3A_1839], %swap3A_1842 {strides = array<i32>} : memref<8192xf32, #tpu.memory_space<vmem>>, vector<16xf32>,
    %swap3A_1843 = arith.constant 5296 : index
    %swap3A_1844 = tpu.vector_load %arg6[%swap3A_1843] {strides = array<i32>} : memref<8192xf32, #tpu.memory_space<vmem>>, vector<16xf32>,
    %swap3A_1845 = vector.shape_cast %swap3A_1844 : vector<16xf32> to vector<16xf32>
    %swap3A_1846 = vector.shape_cast %get3A_23 : vector<16xf32> to vector<16xf32>
    tpu.vector_store %arg6[%swap3A_1843], %swap3A_1846 {strides = array<i32>} : memref<8192xf32, #tpu.memory_space<vmem>>, vector<16xf32>,
    %get3A_1847 = arith.constant 2624 : index
    %get3A_1848 = tpu.vector_load %arg5[%get3A_1847] {strides = array<i32>} : memref<8192xf32, #tpu.memory_space<vmem>>, vector<16xf32>,
    %get3A_1849 = vector.shape_cast %get3A_1848 : vector<16xf32> to vector<16xf32>
    %swap3A_1850 = arith.constant 5184 : index
    %swap3A_1851 = tpu.vector_load %arg6[%swap3A_1850] {strides = array<i32>} : memref<8192xf32, #tpu.memory_space<vmem>>, vector<16xf32>,
    %swap3A_1852 = vector.shape_cast %swap3A_1851 : vector<16xf32> to vector<16xf32>
    %swap3A_1853 = vector.shape_cast %get3A_1849 : vector<16xf32> to vector<16xf32>
    tpu.vector_store %arg6[%swap3A_1850], %swap3A_1853 {strides = array<i32>} : memref<8192xf32, #tpu.memory_space<vmem>>, vector<16xf32>,
    %swap3A_1854 = arith.constant 5312 : index
    %swap3A_1855 = tpu.vector_load %arg6[%swap3A_1854] {strides = array<i32>} : memref<8192xf32, #tpu.memory_space<vmem>>, vector<16xf32>,
    %swap3A_1856 = vector.shape_cast %swap3A_1855 : vector<16xf32> to vector<16xf32>
    %swap3A_1857 = vector.shape_cast %get3A_28 : vector<16xf32> to vector<16xf32>
    tpu.vector_store %arg6[%swap3A_1854], %swap3A_1857 {strides = array<i32>} : memref<8192xf32, #tpu.memory_space<vmem>>, vector<16xf32>,
    %get3A_1858 = arith.constant 2640 : index
    %get3A_1859 = tpu.vector_load %arg5[%get3A_1858] {strides = array<i32>} : memref<8192xf32, #tpu.memory_space<vmem>>, vector<16xf32>,
    %get3A_1860 = vector.shape_cast %get3A_1859 : vector<16xf32> to vector<16xf32>
    %swap3A_1861 = arith.constant 5200 : index
    %swap3A_1862 = tpu.vector_load %arg6[%swap3A_1861] {strides = array<i32>} : memref<8192xf32, #tpu.memory_space<vmem>>, vector<16xf32>,
    %swap3A_1863 = vector.shape_cast %swap3A_1862 : vector<16xf32> to vector<16xf32>
    %swap3A_1864 = vector.shape_cast %get3A_1860 : vector<16xf32> to vector<16xf32>
    tpu.vector_store %arg6[%swap3A_1861], %swap3A_1864 {strides = array<i32>} : memref<8192xf32, #tpu.memory_space<vmem>>, vector<16xf32>,
    %swap3A_1865 = arith.constant 5328 : index
    %swap3A_1866 = tpu.vector_load %arg6[%swap3A_1865] {strides = array<i32>} : memref<8192xf32, #tpu.memory_space<vmem>>, vector<16xf32>,
    %swap3A_1867 = vector.shape_cast %swap3A_1866 : vector<16xf32> to vector<16xf32>
    %swap3A_1868 = vector.shape_cast %get3A_33 : vector<16xf32> to vector<16xf32>
    tpu.vector_store %arg6[%swap3A_1865], %swap3A_1868 {strides = array<i32>} : memref<8192xf32, #tpu.memory_space<vmem>>, vector<16xf32>,
    %get3A_1869 = arith.constant 2656 : index
    %get3A_1870 = tpu.vector_load %arg5[%get3A_1869] {strides = array<i32>} : memref<8192xf32, #tpu.memory_space<vmem>>, vector<16xf32>,
    %get3A_1871 = vector.shape_cast %get3A_1870 : vector<16xf32> to vector<16xf32>
    %swap3A_1872 = arith.constant 5216 : index
    %swap3A_1873 = tpu.vector_load %arg6[%swap3A_1872] {strides = array<i32>} : memref<8192xf32, #tpu.memory_space<vmem>>, vector<16xf32>,
    %swap3A_1874 = vector.shape_cast %swap3A_1873 : vector<16xf32> to vector<16xf32>
    %swap3A_1875 = vector.shape_cast %get3A_1871 : vector<16xf32> to vector<16xf32>
    tpu.vector_store %arg6[%swap3A_1872], %swap3A_1875 {strides = array<i32>} : memref<8192xf32, #tpu.memory_space<vmem>>, vector<16xf32>,
    %swap3A_1876 = arith.constant 5344 : index
    %swap3A_1877 = tpu.vector_load %arg6[%swap3A_1876] {strides = array<i32>} : memref<8192xf32, #tpu.memory_space<vmem>>, vector<16xf32>,
    %swap3A_1878 = vector.shape_cast %swap3A_1877 : vector<16xf32> to vector<16xf32>
    %swap3A_1879 = vector.shape_cast %get3A_38 : vector<16xf32> to vector<16xf32>
    tpu.vector_store %arg6[%swap3A_1876], %swap3A_1879 {strides = array<i32>} : memref<8192xf32, #tpu.memory_space<vmem>>, vector<16xf32>,
    %get3A_1880 = arith.constant 2672 : index
    %get3A_1881 = tpu.vector_load %arg5[%get3A_1880] {strides = array<i32>} : memref<8192xf32, #tpu.memory_space<vmem>>, vector<16xf32>,
    %get3A_1882 = vector.shape_cast %get3A_1881 : vector<16xf32> to vector<16xf32>
    %swap3A_1883 = arith.constant 5232 : index
    %swap3A_1884 = tpu.vector_load %arg6[%swap3A_1883] {strides = array<i32>} : memref<8192xf32, #tpu.memory_space<vmem>>, vector<16xf32>,
    %swap3A_1885 = vector.shape_cast %swap3A_1884 : vector<16xf32> to vector<16xf32>
    %swap3A_1886 = vector.shape_cast %get3A_1882 : vector<16xf32> to vector<16xf32>
    tpu.vector_store %arg6[%swap3A_1883], %swap3A_1886 {strides = array<i32>} : memref<8192xf32, #tpu.memory_space<vmem>>, vector<16xf32>,
    %swap3A_1887 = arith.constant 5360 : index
    %swap3A_1888 = tpu.vector_load %arg6[%swap3A_1887] {strides = array<i32>} : memref<8192xf32, #tpu.memory_space<vmem>>, vector<16xf32>,
    %swap3A_1889 = vector.shape_cast %swap3A_1888 : vector<16xf32> to vector<16xf32>
    %swap3A_1890 = vector.shape_cast %get3A_43 : vector<16xf32> to vector<16xf32>
    tpu.vector_store %arg6[%swap3A_1887], %swap3A_1890 {strides = array<i32>} : memref<8192xf32, #tpu.memory_space<vmem>>, vector<16xf32>,
    %get3A_1891 = arith.constant 2688 : index
    %get3A_1892 = tpu.vector_load %arg5[%get3A_1891] {strides = array<i32>} : memref<8192xf32, #tpu.memory_space<vmem>>, vector<16xf32>,
    %get3A_1893 = vector.shape_cast %get3A_1892 : vector<16xf32> to vector<16xf32>
    %swap3A_1894 = arith.constant 5376 : index
    %swap3A_1895 = tpu.vector_load %arg6[%swap3A_1894] {strides = array<i32>} : memref<8192xf32, #tpu.memory_space<vmem>>, vector<16xf32>,
    %swap3A_1896 = vector.shape_cast %swap3A_1895 : vector<16xf32> to vector<16xf32>
    %swap3A_1897 = vector.shape_cast %get3A_1893 : vector<16xf32> to vector<16xf32>
    tpu.vector_store %arg6[%swap3A_1894], %swap3A_1897 {strides = array<i32>} : memref<8192xf32, #tpu.memory_space<vmem>>, vector<16xf32>,
    %swap3A_1898 = arith.constant 5504 : index
    %swap3A_1899 = tpu.vector_load %arg6[%swap3A_1898] {strides = array<i32>} : memref<8192xf32, #tpu.memory_space<vmem>>, vector<16xf32>,
    %swap3A_1900 = vector.shape_cast %swap3A_1899 : vector<16xf32> to vector<16xf32>
    %swap3A_1901 = vector.shape_cast %get3A_8 : vector<16xf32> to vector<16xf32>
    tpu.vector_store %arg6[%swap3A_1898], %swap3A_1901 {strides = array<i32>} : memref<8192xf32, #tpu.memory_space<vmem>>, vector<16xf32>,
    %get3A_1902 = arith.constant 2704 : index
    %get3A_1903 = tpu.vector_load %arg5[%get3A_1902] {strides = array<i32>} : memref<8192xf32, #tpu.memory_space<vmem>>, vector<16xf32>,
    %get3A_1904 = vector.shape_cast %get3A_1903 : vector<16xf32> to vector<16xf32>
    %swap3A_1905 = arith.constant 5392 : index
    %swap3A_1906 = tpu.vector_load %arg6[%swap3A_1905] {strides = array<i32>} : memref<8192xf32, #tpu.memory_space<vmem>>, vector<16xf32>,
    %swap3A_1907 = vector.shape_cast %swap3A_1906 : vector<16xf32> to vector<16xf32>
    %swap3A_1908 = vector.shape_cast %get3A_1904 : vector<16xf32> to vector<16xf32>
    tpu.vector_store %arg6[%swap3A_1905], %swap3A_1908 {strides = array<i32>} : memref<8192xf32, #tpu.memory_space<vmem>>, vector<16xf32>,
    %swap3A_1909 = arith.constant 5520 : index
    %swap3A_1910 = tpu.vector_load %arg6[%swap3A_1909] {strides = array<i32>} : memref<8192xf32, #tpu.memory_space<vmem>>, vector<16xf32>,
    %swap3A_1911 = vector.shape_cast %swap3A_1910 : vector<16xf32> to vector<16xf32>
    %swap3A_1912 = vector.shape_cast %get3A_13 : vector<16xf32> to vector<16xf32>
    tpu.vector_store %arg6[%swap3A_1909], %swap3A_1912 {strides = array<i32>} : memref<8192xf32, #tpu.memory_space<vmem>>, vector<16xf32>,
    %get3A_1913 = arith.constant 2720 : index
    %get3A_1914 = tpu.vector_load %arg5[%get3A_1913] {strides = array<i32>} : memref<8192xf32, #tpu.memory_space<vmem>>, vector<16xf32>,
    %get3A_1915 = vector.shape_cast %get3A_1914 : vector<16xf32> to vector<16xf32>
    %swap3A_1916 = arith.constant 5408 : index
    %swap3A_1917 = tpu.vector_load %arg6[%swap3A_1916] {strides = array<i32>} : memref<8192xf32, #tpu.memory_space<vmem>>, vector<16xf32>,
    %swap3A_1918 = vector.shape_cast %swap3A_1917 : vector<16xf32> to vector<16xf32>
    %swap3A_1919 = vector.shape_cast %get3A_1915 : vector<16xf32> to vector<16xf32>
    tpu.vector_store %arg6[%swap3A_1916], %swap3A_1919 {strides = array<i32>} : memref<8192xf32, #tpu.memory_space<vmem>>, vector<16xf32>,
    %swap3A_1920 = arith.constant 5536 : index
    %swap3A_1921 = tpu.vector_load %arg6[%swap3A_1920] {strides = array<i32>} : memref<8192xf32, #tpu.memory_space<vmem>>, vector<16xf32>,
    %swap3A_1922 = vector.shape_cast %swap3A_1921 : vector<16xf32> to vector<16xf32>
    %swap3A_1923 = vector.shape_cast %get3A_18 : vector<16xf32> to vector<16xf32>
    tpu.vector_store %arg6[%swap3A_1920], %swap3A_1923 {strides = array<i32>} : memref<8192xf32, #tpu.memory_space<vmem>>, vector<16xf32>,
    %get3A_1924 = arith.constant 2736 : index
    %get3A_1925 = tpu.vector_load %arg5[%get3A_1924] {strides = array<i32>} : memref<8192xf32, #tpu.memory_space<vmem>>, vector<16xf32>,
    %get3A_1926 = vector.shape_cast %get3A_1925 : vector<16xf32> to vector<16xf32>
    %swap3A_1927 = arith.constant 5424 : index
    %swap3A_1928 = tpu.vector_load %arg6[%swap3A_1927] {strides = array<i32>} : memref<8192xf32, #tpu.memory_space<vmem>>, vector<16xf32>,
    %swap3A_1929 = vector.shape_cast %swap3A_1928 : vector<16xf32> to vector<16xf32>
    %swap3A_1930 = vector.shape_cast %get3A_1926 : vector<16xf32> to vector<16xf32>
    tpu.vector_store %arg6[%swap3A_1927], %swap3A_1930 {strides = array<i32>} : memref<8192xf32, #tpu.memory_space<vmem>>, vector<16xf32>,
    %swap3A_1931 = arith.constant 5552 : index
    %swap3A_1932 = tpu.vector_load %arg6[%swap3A_1931] {strides = array<i32>} : memref<8192xf32, #tpu.memory_space<vmem>>, vector<16xf32>,
    %swap3A_1933 = vector.shape_cast %swap3A_1932 : vector<16xf32> to vector<16xf32>
    %swap3A_1934 = vector.shape_cast %get3A_23 : vector<16xf32> to vector<16xf32>
    tpu.vector_store %arg6[%swap3A_1931], %swap3A_1934 {strides = array<i32>} : memref<8192xf32, #tpu.memory_space<vmem>>, vector<16xf32>,
    %get3A_1935 = arith.constant 2752 : index
    %get3A_1936 = tpu.vector_load %arg5[%get3A_1935] {strides = array<i32>} : memref<8192xf32, #tpu.memory_space<vmem>>, vector<16xf32>,
    %get3A_1937 = vector.shape_cast %get3A_1936 : vector<16xf32> to vector<16xf32>
    %swap3A_1938 = arith.constant 5440 : index
    %swap3A_1939 = tpu.vector_load %arg6[%swap3A_1938] {strides = array<i32>} : memref<8192xf32, #tpu.memory_space<vmem>>, vector<16xf32>,
    %swap3A_1940 = vector.shape_cast %swap3A_1939 : vector<16xf32> to vector<16xf32>
    %swap3A_1941 = vector.shape_cast %get3A_1937 : vector<16xf32> to vector<16xf32>
    tpu.vector_store %arg6[%swap3A_1938], %swap3A_1941 {strides = array<i32>} : memref<8192xf32, #tpu.memory_space<vmem>>, vector<16xf32>,
    %swap3A_1942 = arith.constant 5568 : index
    %swap3A_1943 = tpu.vector_load %arg6[%swap3A_1942] {strides = array<i32>} : memref<8192xf32, #tpu.memory_space<vmem>>, vector<16xf32>,
    %swap3A_1944 = vector.shape_cast %swap3A_1943 : vector<16xf32> to vector<16xf32>
    %swap3A_1945 = vector.shape_cast %get3A_28 : vector<16xf32> to vector<16xf32>
    tpu.vector_store %arg6[%swap3A_1942], %swap3A_1945 {strides = array<i32>} : memref<8192xf32, #tpu.memory_space<vmem>>, vector<16xf32>,
    %get3A_1946 = arith.constant 2768 : index
    %get3A_1947 = tpu.vector_load %arg5[%get3A_1946] {strides = array<i32>} : memref<8192xf32, #tpu.memory_space<vmem>>, vector<16xf32>,
    %get3A_1948 = vector.shape_cast %get3A_1947 : vector<16xf32> to vector<16xf32>
    %swap3A_1949 = arith.constant 5456 : index
    %swap3A_1950 = tpu.vector_load %arg6[%swap3A_1949] {strides = array<i32>} : memref<8192xf32, #tpu.memory_space<vmem>>, vector<16xf32>,
    %swap3A_1951 = vector.shape_cast %swap3A_1950 : vector<16xf32> to vector<16xf32>
    %swap3A_1952 = vector.shape_cast %get3A_1948 : vector<16xf32> to vector<16xf32>
    tpu.vector_store %arg6[%swap3A_1949], %swap3A_1952 {strides = array<i32>} : memref<8192xf32, #tpu.memory_space<vmem>>, vector<16xf32>,
    %swap3A_1953 = arith.constant 5584 : index
    %swap3A_1954 = tpu.vector_load %arg6[%swap3A_1953] {strides = array<i32>} : memref<8192xf32, #tpu.memory_space<vmem>>, vector<16xf32>,
    %swap3A_1955 = vector.shape_cast %swap3A_1954 : vector<16xf32> to vector<16xf32>
    %swap3A_1956 = vector.shape_cast %get3A_33 : vector<16xf32> to vector<16xf32>
    tpu.vector_store %arg6[%swap3A_1953], %swap3A_1956 {strides = array<i32>} : memref<8192xf32, #tpu.memory_space<vmem>>, vector<16xf32>,
    %get3A_1957 = arith.constant 2784 : index
    %get3A_1958 = tpu.vector_load %arg5[%get3A_1957] {strides = array<i32>} : memref<8192xf32, #tpu.memory_space<vmem>>, vector<16xf32>,
    %get3A_1959 = vector.shape_cast %get3A_1958 : vector<16xf32> to vector<16xf32>
    %swap3A_1960 = arith.constant 5472 : index
    %swap3A_1961 = tpu.vector_load %arg6[%swap3A_1960] {strides = array<i32>} : memref<8192xf32, #tpu.memory_space<vmem>>, vector<16xf32>,
    %swap3A_1962 = vector.shape_cast %swap3A_1961 : vector<16xf32> to vector<16xf32>
    %swap3A_1963 = vector.shape_cast %get3A_1959 : vector<16xf32> to vector<16xf32>
    tpu.vector_store %arg6[%swap3A_1960], %swap3A_1963 {strides = array<i32>} : memref<8192xf32, #tpu.memory_space<vmem>>, vector<16xf32>,
    %swap3A_1964 = arith.constant 5600 : index
    %swap3A_1965 = tpu.vector_load %arg6[%swap3A_1964] {strides = array<i32>} : memref<8192xf32, #tpu.memory_space<vmem>>, vector<16xf32>,
    %swap3A_1966 = vector.shape_cast %swap3A_1965 : vector<16xf32> to vector<16xf32>
    %swap3A_1967 = vector.shape_cast %get3A_38 : vector<16xf32> to vector<16xf32>
    tpu.vector_store %arg6[%swap3A_1964], %swap3A_1967 {strides = array<i32>} : memref<8192xf32, #tpu.memory_space<vmem>>, vector<16xf32>,
    %get3A_1968 = arith.constant 2800 : index
    %get3A_1969 = tpu.vector_load %arg5[%get3A_1968] {strides = array<i32>} : memref<8192xf32, #tpu.memory_space<vmem>>, vector<16xf32>,
    %get3A_1970 = vector.shape_cast %get3A_1969 : vector<16xf32> to vector<16xf32>
    %swap3A_1971 = arith.constant 5488 : index
    %swap3A_1972 = tpu.vector_load %arg6[%swap3A_1971] {strides = array<i32>} : memref<8192xf32, #tpu.memory_space<vmem>>, vector<16xf32>,
    %swap3A_1973 = vector.shape_cast %swap3A_1972 : vector<16xf32> to vector<16xf32>
    %swap3A_1974 = vector.shape_cast %get3A_1970 : vector<16xf32> to vector<16xf32>
    tpu.vector_store %arg6[%swap3A_1971], %swap3A_1974 {strides = array<i32>} : memref<8192xf32, #tpu.memory_space<vmem>>, vector<16xf32>,
    %swap3A_1975 = arith.constant 5616 : index
    %swap3A_1976 = tpu.vector_load %arg6[%swap3A_1975] {strides = array<i32>} : memref<8192xf32, #tpu.memory_space<vmem>>, vector<16xf32>,
    %swap3A_1977 = vector.shape_cast %swap3A_1976 : vector<16xf32> to vector<16xf32>
    %swap3A_1978 = vector.shape_cast %get3A_43 : vector<16xf32> to vector<16xf32>
    tpu.vector_store %arg6[%swap3A_1975], %swap3A_1978 {strides = array<i32>} : memref<8192xf32, #tpu.memory_space<vmem>>, vector<16xf32>,
    %get3A_1979 = arith.constant 2816 : index
    %get3A_1980 = tpu.vector_load %arg5[%get3A_1979] {strides = array<i32>} : memref<8192xf32, #tpu.memory_space<vmem>>, vector<16xf32>,
    %get3A_1981 = vector.shape_cast %get3A_1980 : vector<16xf32> to vector<16xf32>
    %swap3A_1982 = arith.constant 5632 : index
    %swap3A_1983 = tpu.vector_load %arg6[%swap3A_1982] {strides = array<i32>} : memref<8192xf32, #tpu.memory_space<vmem>>, vector<16xf32>,
    %swap3A_1984 = vector.shape_cast %swap3A_1983 : vector<16xf32> to vector<16xf32>
    %swap3A_1985 = vector.shape_cast %get3A_1981 : vector<16xf32> to vector<16xf32>
    tpu.vector_store %arg6[%swap3A_1982], %swap3A_1985 {strides = array<i32>} : memref<8192xf32, #tpu.memory_space<vmem>>, vector<16xf32>,
    %swap3A_1986 = arith.constant 5760 : index
    %swap3A_1987 = tpu.vector_load %arg6[%swap3A_1986] {strides = array<i32>} : memref<8192xf32, #tpu.memory_space<vmem>>, vector<16xf32>,
    %swap3A_1988 = vector.shape_cast %swap3A_1987 : vector<16xf32> to vector<16xf32>
    %swap3A_1989 = vector.shape_cast %get3A_8 : vector<16xf32> to vector<16xf32>
    tpu.vector_store %arg6[%swap3A_1986], %swap3A_1989 {strides = array<i32>} : memref<8192xf32, #tpu.memory_space<vmem>>, vector<16xf32>,
    %get3A_1990 = arith.constant 2832 : index
    %get3A_1991 = tpu.vector_load %arg5[%get3A_1990] {strides = array<i32>} : memref<8192xf32, #tpu.memory_space<vmem>>, vector<16xf32>,
    %get3A_1992 = vector.shape_cast %get3A_1991 : vector<16xf32> to vector<16xf32>
    %swap3A_1993 = arith.constant 5648 : index
    %swap3A_1994 = tpu.vector_load %arg6[%swap3A_1993] {strides = array<i32>} : memref<8192xf32, #tpu.memory_space<vmem>>, vector<16xf32>,
    %swap3A_1995 = vector.shape_cast %swap3A_1994 : vector<16xf32> to vector<16xf32>
    %swap3A_1996 = vector.shape_cast %get3A_1992 : vector<16xf32> to vector<16xf32>
    tpu.vector_store %arg6[%swap3A_1993], %swap3A_1996 {strides = array<i32>} : memref<8192xf32, #tpu.memory_space<vmem>>, vector<16xf32>,
    %swap3A_1997 = arith.constant 5776 : index
    %swap3A_1998 = tpu.vector_load %arg6[%swap3A_1997] {strides = array<i32>} : memref<8192xf32, #tpu.memory_space<vmem>>, vector<16xf32>,
    %swap3A_1999 = vector.shape_cast %swap3A_1998 : vector<16xf32> to vector<16xf32>
    %swap3A_2000 = vector.shape_cast %get3A_13 : vector<16xf32> to vector<16xf32>
    tpu.vector_store %arg6[%swap3A_1997], %swap3A_2000 {strides = array<i32>} : memref<8192xf32, #tpu.memory_space<vmem>>, vector<16xf32>,
    %get3A_2001 = arith.constant 2848 : index
    %get3A_2002 = tpu.vector_load %arg5[%get3A_2001] {strides = array<i32>} : memref<8192xf32, #tpu.memory_space<vmem>>, vector<16xf32>,
    %get3A_2003 = vector.shape_cast %get3A_2002 : vector<16xf32> to vector<16xf32>
    %swap3A_2004 = arith.constant 5664 : index
    %swap3A_2005 = tpu.vector_load %arg6[%swap3A_2004] {strides = array<i32>} : memref<8192xf32, #tpu.memory_space<vmem>>, vector<16xf32>,
    %swap3A_2006 = vector.shape_cast %swap3A_2005 : vector<16xf32> to vector<16xf32>
    %swap3A_2007 = vector.shape_cast %get3A_2003 : vector<16xf32> to vector<16xf32>
    tpu.vector_store %arg6[%swap3A_2004], %swap3A_2007 {strides = array<i32>} : memref<8192xf32, #tpu.memory_space<vmem>>, vector<16xf32>,
    %swap3A_2008 = arith.constant 5792 : index
    %swap3A_2009 = tpu.vector_load %arg6[%swap3A_2008] {strides = array<i32>} : memref<8192xf32, #tpu.memory_space<vmem>>, vector<16xf32>,
    %swap3A_2010 = vector.shape_cast %swap3A_2009 : vector<16xf32> to vector<16xf32>
    %swap3A_2011 = vector.shape_cast %get3A_18 : vector<16xf32> to vector<16xf32>
    tpu.vector_store %arg6[%swap3A_2008], %swap3A_2011 {strides = array<i32>} : memref<8192xf32, #tpu.memory_space<vmem>>, vector<16xf32>,
    %get3A_2012 = arith.constant 2864 : index
    %get3A_2013 = tpu.vector_load %arg5[%get3A_2012] {strides = array<i32>} : memref<8192xf32, #tpu.memory_space<vmem>>, vector<16xf32>,
    %get3A_2014 = vector.shape_cast %get3A_2013 : vector<16xf32> to vector<16xf32>
    %swap3A_2015 = arith.constant 5680 : index
    %swap3A_2016 = tpu.vector_load %arg6[%swap3A_2015] {strides = array<i32>} : memref<8192xf32, #tpu.memory_space<vmem>>, vector<16xf32>,
    %swap3A_2017 = vector.shape_cast %swap3A_2016 : vector<16xf32> to vector<16xf32>
    %swap3A_2018 = vector.shape_cast %get3A_2014 : vector<16xf32> to vector<16xf32>
    tpu.vector_store %arg6[%swap3A_2015], %swap3A_2018 {strides = array<i32>} : memref<8192xf32, #tpu.memory_space<vmem>>, vector<16xf32>,
    %swap3A_2019 = arith.constant 5808 : index
    %swap3A_2020 = tpu.vector_load %arg6[%swap3A_2019] {strides = array<i32>} : memref<8192xf32, #tpu.memory_space<vmem>>, vector<16xf32>,
    %swap3A_2021 = vector.shape_cast %swap3A_2020 : vector<16xf32> to vector<16xf32>
    %swap3A_2022 = vector.shape_cast %get3A_23 : vector<16xf32> to vector<16xf32>
    tpu.vector_store %arg6[%swap3A_2019], %swap3A_2022 {strides = array<i32>} : memref<8192xf32, #tpu.memory_space<vmem>>, vector<16xf32>,
    %get3A_2023 = arith.constant 2880 : index
    %get3A_2024 = tpu.vector_load %arg5[%get3A_2023] {strides = array<i32>} : memref<8192xf32, #tpu.memory_space<vmem>>, vector<16xf32>,
    %get3A_2025 = vector.shape_cast %get3A_2024 : vector<16xf32> to vector<16xf32>
    %swap3A_2026 = arith.constant 5696 : index
    %swap3A_2027 = tpu.vector_load %arg6[%swap3A_2026] {strides = array<i32>} : memref<8192xf32, #tpu.memory_space<vmem>>, vector<16xf32>,
    %swap3A_2028 = vector.shape_cast %swap3A_2027 : vector<16xf32> to vector<16xf32>
    %swap3A_2029 = vector.shape_cast %get3A_2025 : vector<16xf32> to vector<16xf32>
    tpu.vector_store %arg6[%swap3A_2026], %swap3A_2029 {strides = array<i32>} : memref<8192xf32, #tpu.memory_space<vmem>>, vector<16xf32>,
    %swap3A_2030 = arith.constant 5824 : index
    %swap3A_2031 = tpu.vector_load %arg6[%swap3A_2030] {strides = array<i32>} : memref<8192xf32, #tpu.memory_space<vmem>>, vector<16xf32>,
    %swap3A_2032 = vector.shape_cast %swap3A_2031 : vector<16xf32> to vector<16xf32>
    %swap3A_2033 = vector.shape_cast %get3A_28 : vector<16xf32> to vector<16xf32>
    tpu.vector_store %arg6[%swap3A_2030], %swap3A_2033 {strides = array<i32>} : memref<8192xf32, #tpu.memory_space<vmem>>, vector<16xf32>,
    %get3A_2034 = arith.constant 2896 : index
    %get3A_2035 = tpu.vector_load %arg5[%get3A_2034] {strides = array<i32>} : memref<8192xf32, #tpu.memory_space<vmem>>, vector<16xf32>,
    %get3A_2036 = vector.shape_cast %get3A_2035 : vector<16xf32> to vector<16xf32>
    %swap3A_2037 = arith.constant 5712 : index
    %swap3A_2038 = tpu.vector_load %arg6[%swap3A_2037] {strides = array<i32>} : memref<8192xf32, #tpu.memory_space<vmem>>, vector<16xf32>,
    %swap3A_2039 = vector.shape_cast %swap3A_2038 : vector<16xf32> to vector<16xf32>
    %swap3A_2040 = vector.shape_cast %get3A_2036 : vector<16xf32> to vector<16xf32>
    tpu.vector_store %arg6[%swap3A_2037], %swap3A_2040 {strides = array<i32>} : memref<8192xf32, #tpu.memory_space<vmem>>, vector<16xf32>,
    %swap3A_2041 = arith.constant 5840 : index
    %swap3A_2042 = tpu.vector_load %arg6[%swap3A_2041] {strides = array<i32>} : memref<8192xf32, #tpu.memory_space<vmem>>, vector<16xf32>,
    %swap3A_2043 = vector.shape_cast %swap3A_2042 : vector<16xf32> to vector<16xf32>
    %swap3A_2044 = vector.shape_cast %get3A_33 : vector<16xf32> to vector<16xf32>
    tpu.vector_store %arg6[%swap3A_2041], %swap3A_2044 {strides = array<i32>} : memref<8192xf32, #tpu.memory_space<vmem>>, vector<16xf32>,
    %get3A_2045 = arith.constant 2912 : index
    %get3A_2046 = tpu.vector_load %arg5[%get3A_2045] {strides = array<i32>} : memref<8192xf32, #tpu.memory_space<vmem>>, vector<16xf32>,
    %get3A_2047 = vector.shape_cast %get3A_2046 : vector<16xf32> to vector<16xf32>
    %swap3A_2048 = arith.constant 5728 : index
    %swap3A_2049 = tpu.vector_load %arg6[%swap3A_2048] {strides = array<i32>} : memref<8192xf32, #tpu.memory_space<vmem>>, vector<16xf32>,
    %swap3A_2050 = vector.shape_cast %swap3A_2049 : vector<16xf32> to vector<16xf32>
    %swap3A_2051 = vector.shape_cast %get3A_2047 : vector<16xf32> to vector<16xf32>
    tpu.vector_store %arg6[%swap3A_2048], %swap3A_2051 {strides = array<i32>} : memref<8192xf32, #tpu.memory_space<vmem>>, vector<16xf32>,
    %swap3A_2052 = arith.constant 5856 : index
    %swap3A_2053 = tpu.vector_load %arg6[%swap3A_2052] {strides = array<i32>} : memref<8192xf32, #tpu.memory_space<vmem>>, vector<16xf32>,
    %swap3A_2054 = vector.shape_cast %swap3A_2053 : vector<16xf32> to vector<16xf32>
    %swap3A_2055 = vector.shape_cast %get3A_38 : vector<16xf32> to vector<16xf32>
    tpu.vector_store %arg6[%swap3A_2052], %swap3A_2055 {strides = array<i32>} : memref<8192xf32, #tpu.memory_space<vmem>>, vector<16xf32>,
    %get3A_2056 = arith.constant 2928 : index
    %get3A_2057 = tpu.vector_load %arg5[%get3A_2056] {strides = array<i32>} : memref<8192xf32, #tpu.memory_space<vmem>>, vector<16xf32>,
    %get3A_2058 = vector.shape_cast %get3A_2057 : vector<16xf32> to vector<16xf32>
    %swap3A_2059 = arith.constant 5744 : index
    %swap3A_2060 = tpu.vector_load %arg6[%swap3A_2059] {strides = array<i32>} : memref<8192xf32, #tpu.memory_space<vmem>>, vector<16xf32>,
    %swap3A_2061 = vector.shape_cast %swap3A_2060 : vector<16xf32> to vector<16xf32>
    %swap3A_2062 = vector.shape_cast %get3A_2058 : vector<16xf32> to vector<16xf32>
    tpu.vector_store %arg6[%swap3A_2059], %swap3A_2062 {strides = array<i32>} : memref<8192xf32, #tpu.memory_space<vmem>>, vector<16xf32>,
    %swap3A_2063 = arith.constant 5872 : index
    %swap3A_2064 = tpu.vector_load %arg6[%swap3A_2063] {strides = array<i32>} : memref<8192xf32, #tpu.memory_space<vmem>>, vector<16xf32>,
    %swap3A_2065 = vector.shape_cast %swap3A_2064 : vector<16xf32> to vector<16xf32>
    %swap3A_2066 = vector.shape_cast %get3A_43 : vector<16xf32> to vector<16xf32>
    tpu.vector_store %arg6[%swap3A_2063], %swap3A_2066 {strides = array<i32>} : memref<8192xf32, #tpu.memory_space<vmem>>, vector<16xf32>,
    %get3A_2067 = arith.constant 2944 : index
    %get3A_2068 = tpu.vector_load %arg5[%get3A_2067] {strides = array<i32>} : memref<8192xf32, #tpu.memory_space<vmem>>, vector<16xf32>,
    %get3A_2069 = vector.shape_cast %get3A_2068 : vector<16xf32> to vector<16xf32>
    %swap3A_2070 = arith.constant 5888 : index
    %swap3A_2071 = tpu.vector_load %arg6[%swap3A_2070] {strides = array<i32>} : memref<8192xf32, #tpu.memory_space<vmem>>, vector<16xf32>,
    %swap3A_2072 = vector.shape_cast %swap3A_2071 : vector<16xf32> to vector<16xf32>
    %swap3A_2073 = vector.shape_cast %get3A_2069 : vector<16xf32> to vector<16xf32>
    tpu.vector_store %arg6[%swap3A_2070], %swap3A_2073 {strides = array<i32>} : memref<8192xf32, #tpu.memory_space<vmem>>, vector<16xf32>,
    %swap3A_2074 = arith.constant 6016 : index
    %swap3A_2075 = tpu.vector_load %arg6[%swap3A_2074] {strides = array<i32>} : memref<8192xf32, #tpu.memory_space<vmem>>, vector<16xf32>,
    %swap3A_2076 = vector.shape_cast %swap3A_2075 : vector<16xf32> to vector<16xf32>
    %swap3A_2077 = vector.shape_cast %get3A_8 : vector<16xf32> to vector<16xf32>
    tpu.vector_store %arg6[%swap3A_2074], %swap3A_2077 {strides = array<i32>} : memref<8192xf32, #tpu.memory_space<vmem>>, vector<16xf32>,
    %get3A_2078 = arith.constant 2960 : index
    %get3A_2079 = tpu.vector_load %arg5[%get3A_2078] {strides = array<i32>} : memref<8192xf32, #tpu.memory_space<vmem>>, vector<16xf32>,
    %get3A_2080 = vector.shape_cast %get3A_2079 : vector<16xf32> to vector<16xf32>
    %swap3A_2081 = arith.constant 5904 : index
    %swap3A_2082 = tpu.vector_load %arg6[%swap3A_2081] {strides = array<i32>} : memref<8192xf32, #tpu.memory_space<vmem>>, vector<16xf32>,
    %swap3A_2083 = vector.shape_cast %swap3A_2082 : vector<16xf32> to vector<16xf32>
    %swap3A_2084 = vector.shape_cast %get3A_2080 : vector<16xf32> to vector<16xf32>
    tpu.vector_store %arg6[%swap3A_2081], %swap3A_2084 {strides = array<i32>} : memref<8192xf32, #tpu.memory_space<vmem>>, vector<16xf32>,
    %swap3A_2085 = arith.constant 6032 : index
    %swap3A_2086 = tpu.vector_load %arg6[%swap3A_2085] {strides = array<i32>} : memref<8192xf32, #tpu.memory_space<vmem>>, vector<16xf32>,
    %swap3A_2087 = vector.shape_cast %swap3A_2086 : vector<16xf32> to vector<16xf32>
    %swap3A_2088 = vector.shape_cast %get3A_13 : vector<16xf32> to vector<16xf32>
    tpu.vector_store %arg6[%swap3A_2085], %swap3A_2088 {strides = array<i32>} : memref<8192xf32, #tpu.memory_space<vmem>>, vector<16xf32>,
    %get3A_2089 = arith.constant 2976 : index
    %get3A_2090 = tpu.vector_load %arg5[%get3A_2089] {strides = array<i32>} : memref<8192xf32, #tpu.memory_space<vmem>>, vector<16xf32>,
    %get3A_2091 = vector.shape_cast %get3A_2090 : vector<16xf32> to vector<16xf32>
    %swap3A_2092 = arith.constant 5920 : index
    %swap3A_2093 = tpu.vector_load %arg6[%swap3A_2092] {strides = array<i32>} : memref<8192xf32, #tpu.memory_space<vmem>>, vector<16xf32>,
    %swap3A_2094 = vector.shape_cast %swap3A_2093 : vector<16xf32> to vector<16xf32>
    %swap3A_2095 = vector.shape_cast %get3A_2091 : vector<16xf32> to vector<16xf32>
    tpu.vector_store %arg6[%swap3A_2092], %swap3A_2095 {strides = array<i32>} : memref<8192xf32, #tpu.memory_space<vmem>>, vector<16xf32>,
    %swap3A_2096 = arith.constant 6048 : index
    %swap3A_2097 = tpu.vector_load %arg6[%swap3A_2096] {strides = array<i32>} : memref<8192xf32, #tpu.memory_space<vmem>>, vector<16xf32>,
    %swap3A_2098 = vector.shape_cast %swap3A_2097 : vector<16xf32> to vector<16xf32>
    %swap3A_2099 = vector.shape_cast %get3A_18 : vector<16xf32> to vector<16xf32>
    tpu.vector_store %arg6[%swap3A_2096], %swap3A_2099 {strides = array<i32>} : memref<8192xf32, #tpu.memory_space<vmem>>, vector<16xf32>,
    %get3A_2100 = arith.constant 2992 : index
    %get3A_2101 = tpu.vector_load %arg5[%get3A_2100] {strides = array<i32>} : memref<8192xf32, #tpu.memory_space<vmem>>, vector<16xf32>,
    %get3A_2102 = vector.shape_cast %get3A_2101 : vector<16xf32> to vector<16xf32>
    %swap3A_2103 = arith.constant 5936 : index
    %swap3A_2104 = tpu.vector_load %arg6[%swap3A_2103] {strides = array<i32>} : memref<8192xf32, #tpu.memory_space<vmem>>, vector<16xf32>,
    %swap3A_2105 = vector.shape_cast %swap3A_2104 : vector<16xf32> to vector<16xf32>
    %swap3A_2106 = vector.shape_cast %get3A_2102 : vector<16xf32> to vector<16xf32>
    tpu.vector_store %arg6[%swap3A_2103], %swap3A_2106 {strides = array<i32>} : memref<8192xf32, #tpu.memory_space<vmem>>, vector<16xf32>,
    %swap3A_2107 = arith.constant 6064 : index
    %swap3A_2108 = tpu.vector_load %arg6[%swap3A_2107] {strides = array<i32>} : memref<8192xf32, #tpu.memory_space<vmem>>, vector<16xf32>,
    %swap3A_2109 = vector.shape_cast %swap3A_2108 : vector<16xf32> to vector<16xf32>
    %swap3A_2110 = vector.shape_cast %get3A_23 : vector<16xf32> to vector<16xf32>
    tpu.vector_store %arg6[%swap3A_2107], %swap3A_2110 {strides = array<i32>} : memref<8192xf32, #tpu.memory_space<vmem>>, vector<16xf32>,
    %get3A_2111 = arith.constant 3008 : index
    %get3A_2112 = tpu.vector_load %arg5[%get3A_2111] {strides = array<i32>} : memref<8192xf32, #tpu.memory_space<vmem>>, vector<16xf32>,
    %get3A_2113 = vector.shape_cast %get3A_2112 : vector<16xf32> to vector<16xf32>
    %swap3A_2114 = arith.constant 5952 : index
    %swap3A_2115 = tpu.vector_load %arg6[%swap3A_2114] {strides = array<i32>} : memref<8192xf32, #tpu.memory_space<vmem>>, vector<16xf32>,
    %swap3A_2116 = vector.shape_cast %swap3A_2115 : vector<16xf32> to vector<16xf32>
    %swap3A_2117 = vector.shape_cast %get3A_2113 : vector<16xf32> to vector<16xf32>
    tpu.vector_store %arg6[%swap3A_2114], %swap3A_2117 {strides = array<i32>} : memref<8192xf32, #tpu.memory_space<vmem>>, vector<16xf32>,
    %swap3A_2118 = arith.constant 6080 : index
    %swap3A_2119 = tpu.vector_load %arg6[%swap3A_2118] {strides = array<i32>} : memref<8192xf32, #tpu.memory_space<vmem>>, vector<16xf32>,
    %swap3A_2120 = vector.shape_cast %swap3A_2119 : vector<16xf32> to vector<16xf32>
    %swap3A_2121 = vector.shape_cast %get3A_28 : vector<16xf32> to vector<16xf32>
    tpu.vector_store %arg6[%swap3A_2118], %swap3A_2121 {strides = array<i32>} : memref<8192xf32, #tpu.memory_space<vmem>>, vector<16xf32>,
    %get3A_2122 = arith.constant 3024 : index
    %get3A_2123 = tpu.vector_load %arg5[%get3A_2122] {strides = array<i32>} : memref<8192xf32, #tpu.memory_space<vmem>>, vector<16xf32>,
    %get3A_2124 = vector.shape_cast %get3A_2123 : vector<16xf32> to vector<16xf32>
    %swap3A_2125 = arith.constant 5968 : index
    %swap3A_2126 = tpu.vector_load %arg6[%swap3A_2125] {strides = array<i32>} : memref<8192xf32, #tpu.memory_space<vmem>>, vector<16xf32>,
    %swap3A_2127 = vector.shape_cast %swap3A_2126 : vector<16xf32> to vector<16xf32>
    %swap3A_2128 = vector.shape_cast %get3A_2124 : vector<16xf32> to vector<16xf32>
    tpu.vector_store %arg6[%swap3A_2125], %swap3A_2128 {strides = array<i32>} : memref<8192xf32, #tpu.memory_space<vmem>>, vector<16xf32>,
    %swap3A_2129 = arith.constant 6096 : index
    %swap3A_2130 = tpu.vector_load %arg6[%swap3A_2129] {strides = array<i32>} : memref<8192xf32, #tpu.memory_space<vmem>>, vector<16xf32>,
    %swap3A_2131 = vector.shape_cast %swap3A_2130 : vector<16xf32> to vector<16xf32>
    %swap3A_2132 = vector.shape_cast %get3A_33 : vector<16xf32> to vector<16xf32>
    tpu.vector_store %arg6[%swap3A_2129], %swap3A_2132 {strides = array<i32>} : memref<8192xf32, #tpu.memory_space<vmem>>, vector<16xf32>,
    %get3A_2133 = arith.constant 3040 : index
    %get3A_2134 = tpu.vector_load %arg5[%get3A_2133] {strides = array<i32>} : memref<8192xf32, #tpu.memory_space<vmem>>, vector<16xf32>,
    %get3A_2135 = vector.shape_cast %get3A_2134 : vector<16xf32> to vector<16xf32>
    %swap3A_2136 = arith.constant 5984 : index
    %swap3A_2137 = tpu.vector_load %arg6[%swap3A_2136] {strides = array<i32>} : memref<8192xf32, #tpu.memory_space<vmem>>, vector<16xf32>,
    %swap3A_2138 = vector.shape_cast %swap3A_2137 : vector<16xf32> to vector<16xf32>
    %swap3A_2139 = vector.shape_cast %get3A_2135 : vector<16xf32> to vector<16xf32>
    tpu.vector_store %arg6[%swap3A_2136], %swap3A_2139 {strides = array<i32>} : memref<8192xf32, #tpu.memory_space<vmem>>, vector<16xf32>,
    %swap3A_2140 = arith.constant 6112 : index
    %swap3A_2141 = tpu.vector_load %arg6[%swap3A_2140] {strides = array<i32>} : memref<8192xf32, #tpu.memory_space<vmem>>, vector<16xf32>,
    %swap3A_2142 = vector.shape_cast %swap3A_2141 : vector<16xf32> to vector<16xf32>
    %swap3A_2143 = vector.shape_cast %get3A_38 : vector<16xf32> to vector<16xf32>
    tpu.vector_store %arg6[%swap3A_2140], %swap3A_2143 {strides = array<i32>} : memref<8192xf32, #tpu.memory_space<vmem>>, vector<16xf32>,
    %get3A_2144 = arith.constant 3056 : index
    %get3A_2145 = tpu.vector_load %arg5[%get3A_2144] {strides = array<i32>} : memref<8192xf32, #tpu.memory_space<vmem>>, vector<16xf32>,
    %get3A_2146 = vector.shape_cast %get3A_2145 : vector<16xf32> to vector<16xf32>
    %swap3A_2147 = arith.constant 6000 : index
    %swap3A_2148 = tpu.vector_load %arg6[%swap3A_2147] {strides = array<i32>} : memref<8192xf32, #tpu.memory_space<vmem>>, vector<16xf32>,
    %swap3A_2149 = vector.shape_cast %swap3A_2148 : vector<16xf32> to vector<16xf32>
    %swap3A_2150 = vector.shape_cast %get3A_2146 : vector<16xf32> to vector<16xf32>
    tpu.vector_store %arg6[%swap3A_2147], %swap3A_2150 {strides = array<i32>} : memref<8192xf32, #tpu.memory_space<vmem>>, vector<16xf32>,
    %swap3A_2151 = arith.constant 6128 : index
    %swap3A_2152 = tpu.vector_load %arg6[%swap3A_2151] {strides = array<i32>} : memref<8192xf32, #tpu.memory_space<vmem>>, vector<16xf32>,
    %swap3A_2153 = vector.shape_cast %swap3A_2152 : vector<16xf32> to vector<16xf32>
    %swap3A_2154 = vector.shape_cast %get3A_43 : vector<16xf32> to vector<16xf32>
    tpu.vector_store %arg6[%swap3A_2151], %swap3A_2154 {strides = array<i32>} : memref<8192xf32, #tpu.memory_space<vmem>>, vector<16xf32>,
    %get3A_2155 = arith.constant 3072 : index
    %get3A_2156 = tpu.vector_load %arg5[%get3A_2155] {strides = array<i32>} : memref<8192xf32, #tpu.memory_space<vmem>>, vector<16xf32>,
    %get3A_2157 = vector.shape_cast %get3A_2156 : vector<16xf32> to vector<16xf32>
    %swap3A_2158 = arith.constant 6144 : index
    %swap3A_2159 = tpu.vector_load %arg6[%swap3A_2158] {strides = array<i32>} : memref<8192xf32, #tpu.memory_space<vmem>>, vector<16xf32>,
    %swap3A_2160 = vector.shape_cast %swap3A_2159 : vector<16xf32> to vector<16xf32>
    %swap3A_2161 = vector.shape_cast %get3A_2157 : vector<16xf32> to vector<16xf32>
    tpu.vector_store %arg6[%swap3A_2158], %swap3A_2161 {strides = array<i32>} : memref<8192xf32, #tpu.memory_space<vmem>>, vector<16xf32>,
    %swap3A_2162 = arith.constant 6272 : index
    %swap3A_2163 = tpu.vector_load %arg6[%swap3A_2162] {strides = array<i32>} : memref<8192xf32, #tpu.memory_space<vmem>>, vector<16xf32>,
    %swap3A_2164 = vector.shape_cast %swap3A_2163 : vector<16xf32> to vector<16xf32>
    %swap3A_2165 = vector.shape_cast %get3A_8 : vector<16xf32> to vector<16xf32>
    tpu.vector_store %arg6[%swap3A_2162], %swap3A_2165 {strides = array<i32>} : memref<8192xf32, #tpu.memory_space<vmem>>, vector<16xf32>,
    %get3A_2166 = arith.constant 3088 : index
    %get3A_2167 = tpu.vector_load %arg5[%get3A_2166] {strides = array<i32>} : memref<8192xf32, #tpu.memory_space<vmem>>, vector<16xf32>,
    %get3A_2168 = vector.shape_cast %get3A_2167 : vector<16xf32> to vector<16xf32>
    %swap3A_2169 = arith.constant 6160 : index
    %swap3A_2170 = tpu.vector_load %arg6[%swap3A_2169] {strides = array<i32>} : memref<8192xf32, #tpu.memory_space<vmem>>, vector<16xf32>,
    %swap3A_2171 = vector.shape_cast %swap3A_2170 : vector<16xf32> to vector<16xf32>
    %swap3A_2172 = vector.shape_cast %get3A_2168 : vector<16xf32> to vector<16xf32>
    tpu.vector_store %arg6[%swap3A_2169], %swap3A_2172 {strides = array<i32>} : memref<8192xf32, #tpu.memory_space<vmem>>, vector<16xf32>,
    %swap3A_2173 = arith.constant 6288 : index
    %swap3A_2174 = tpu.vector_load %arg6[%swap3A_2173] {strides = array<i32>} : memref<8192xf32, #tpu.memory_space<vmem>>, vector<16xf32>,
    %swap3A_2175 = vector.shape_cast %swap3A_2174 : vector<16xf32> to vector<16xf32>
    %swap3A_2176 = vector.shape_cast %get3A_13 : vector<16xf32> to vector<16xf32>
    tpu.vector_store %arg6[%swap3A_2173], %swap3A_2176 {strides = array<i32>} : memref<8192xf32, #tpu.memory_space<vmem>>, vector<16xf32>,
    %get3A_2177 = arith.constant 3104 : index
    %get3A_2178 = tpu.vector_load %arg5[%get3A_2177] {strides = array<i32>} : memref<8192xf32, #tpu.memory_space<vmem>>, vector<16xf32>,
    %get3A_2179 = vector.shape_cast %get3A_2178 : vector<16xf32> to vector<16xf32>
    %swap3A_2180 = arith.constant 6176 : index
    %swap3A_2181 = tpu.vector_load %arg6[%swap3A_2180] {strides = array<i32>} : memref<8192xf32, #tpu.memory_space<vmem>>, vector<16xf32>,
    %swap3A_2182 = vector.shape_cast %swap3A_2181 : vector<16xf32> to vector<16xf32>
    %swap3A_2183 = vector.shape_cast %get3A_2179 : vector<16xf32> to vector<16xf32>
    tpu.vector_store %arg6[%swap3A_2180], %swap3A_2183 {strides = array<i32>} : memref<8192xf32, #tpu.memory_space<vmem>>, vector<16xf32>,
    %swap3A_2184 = arith.constant 6304 : index
    %swap3A_2185 = tpu.vector_load %arg6[%swap3A_2184] {strides = array<i32>} : memref<8192xf32, #tpu.memory_space<vmem>>, vector<16xf32>,
    %swap3A_2186 = vector.shape_cast %swap3A_2185 : vector<16xf32> to vector<16xf32>
    %swap3A_2187 = vector.shape_cast %get3A_18 : vector<16xf32> to vector<16xf32>
    tpu.vector_store %arg6[%swap3A_2184], %swap3A_2187 {strides = array<i32>} : memref<8192xf32, #tpu.memory_space<vmem>>, vector<16xf32>,
    %get3A_2188 = arith.constant 3120 : index
    %get3A_2189 = tpu.vector_load %arg5[%get3A_2188] {strides = array<i32>} : memref<8192xf32, #tpu.memory_space<vmem>>, vector<16xf32>,
    %get3A_2190 = vector.shape_cast %get3A_2189 : vector<16xf32> to vector<16xf32>
    %swap3A_2191 = arith.constant 6192 : index
    %swap3A_2192 = tpu.vector_load %arg6[%swap3A_2191] {strides = array<i32>} : memref<8192xf32, #tpu.memory_space<vmem>>, vector<16xf32>,
    %swap3A_2193 = vector.shape_cast %swap3A_2192 : vector<16xf32> to vector<16xf32>
    %swap3A_2194 = vector.shape_cast %get3A_2190 : vector<16xf32> to vector<16xf32>
    tpu.vector_store %arg6[%swap3A_2191], %swap3A_2194 {strides = array<i32>} : memref<8192xf32, #tpu.memory_space<vmem>>, vector<16xf32>,
    %swap3A_2195 = arith.constant 6320 : index
    %swap3A_2196 = tpu.vector_load %arg6[%swap3A_2195] {strides = array<i32>} : memref<8192xf32, #tpu.memory_space<vmem>>, vector<16xf32>,
    %swap3A_2197 = vector.shape_cast %swap3A_2196 : vector<16xf32> to vector<16xf32>
    %swap3A_2198 = vector.shape_cast %get3A_23 : vector<16xf32> to vector<16xf32>
    tpu.vector_store %arg6[%swap3A_2195], %swap3A_2198 {strides = array<i32>} : memref<8192xf32, #tpu.memory_space<vmem>>, vector<16xf32>,
    %get3A_2199 = arith.constant 3136 : index
    %get3A_2200 = tpu.vector_load %arg5[%get3A_2199] {strides = array<i32>} : memref<8192xf32, #tpu.memory_space<vmem>>, vector<16xf32>,
    %get3A_2201 = vector.shape_cast %get3A_2200 : vector<16xf32> to vector<16xf32>
    %swap3A_2202 = arith.constant 6208 : index
    %swap3A_2203 = tpu.vector_load %arg6[%swap3A_2202] {strides = array<i32>} : memref<8192xf32, #tpu.memory_space<vmem>>, vector<16xf32>,
    %swap3A_2204 = vector.shape_cast %swap3A_2203 : vector<16xf32> to vector<16xf32>
    %swap3A_2205 = vector.shape_cast %get3A_2201 : vector<16xf32> to vector<16xf32>
    tpu.vector_store %arg6[%swap3A_2202], %swap3A_2205 {strides = array<i32>} : memref<8192xf32, #tpu.memory_space<vmem>>, vector<16xf32>,
    %swap3A_2206 = arith.constant 6336 : index
    %swap3A_2207 = tpu.vector_load %arg6[%swap3A_2206] {strides = array<i32>} : memref<8192xf32, #tpu.memory_space<vmem>>, vector<16xf32>,
    %swap3A_2208 = vector.shape_cast %swap3A_2207 : vector<16xf32> to vector<16xf32>
    %swap3A_2209 = vector.shape_cast %get3A_28 : vector<16xf32> to vector<16xf32>
    tpu.vector_store %arg6[%swap3A_2206], %swap3A_2209 {strides = array<i32>} : memref<8192xf32, #tpu.memory_space<vmem>>, vector<16xf32>,
    %get3A_2210 = arith.constant 3152 : index
    %get3A_2211 = tpu.vector_load %arg5[%get3A_2210] {strides = array<i32>} : memref<8192xf32, #tpu.memory_space<vmem>>, vector<16xf32>,
    %get3A_2212 = vector.shape_cast %get3A_2211 : vector<16xf32> to vector<16xf32>
    %swap3A_2213 = arith.constant 6224 : index
    %swap3A_2214 = tpu.vector_load %arg6[%swap3A_2213] {strides = array<i32>} : memref<8192xf32, #tpu.memory_space<vmem>>, vector<16xf32>,
    %swap3A_2215 = vector.shape_cast %swap3A_2214 : vector<16xf32> to vector<16xf32>
    %swap3A_2216 = vector.shape_cast %get3A_2212 : vector<16xf32> to vector<16xf32>
    tpu.vector_store %arg6[%swap3A_2213], %swap3A_2216 {strides = array<i32>} : memref<8192xf32, #tpu.memory_space<vmem>>, vector<16xf32>,
    %swap3A_2217 = arith.constant 6352 : index
    %swap3A_2218 = tpu.vector_load %arg6[%swap3A_2217] {strides = array<i32>} : memref<8192xf32, #tpu.memory_space<vmem>>, vector<16xf32>,
    %swap3A_2219 = vector.shape_cast %swap3A_2218 : vector<16xf32> to vector<16xf32>
    %swap3A_2220 = vector.shape_cast %get3A_33 : vector<16xf32> to vector<16xf32>
    tpu.vector_store %arg6[%swap3A_2217], %swap3A_2220 {strides = array<i32>} : memref<8192xf32, #tpu.memory_space<vmem>>, vector<16xf32>,
    %get3A_2221 = arith.constant 3168 : index
    %get3A_2222 = tpu.vector_load %arg5[%get3A_2221] {strides = array<i32>} : memref<8192xf32, #tpu.memory_space<vmem>>, vector<16xf32>,
    %get3A_2223 = vector.shape_cast %get3A_2222 : vector<16xf32> to vector<16xf32>
    %swap3A_2224 = arith.constant 6240 : index
    %swap3A_2225 = tpu.vector_load %arg6[%swap3A_2224] {strides = array<i32>} : memref<8192xf32, #tpu.memory_space<vmem>>, vector<16xf32>,
    %swap3A_2226 = vector.shape_cast %swap3A_2225 : vector<16xf32> to vector<16xf32>
    %swap3A_2227 = vector.shape_cast %get3A_2223 : vector<16xf32> to vector<16xf32>
    tpu.vector_store %arg6[%swap3A_2224], %swap3A_2227 {strides = array<i32>} : memref<8192xf32, #tpu.memory_space<vmem>>, vector<16xf32>,
    %swap3A_2228 = arith.constant 6368 : index
    %swap3A_2229 = tpu.vector_load %arg6[%swap3A_2228] {strides = array<i32>} : memref<8192xf32, #tpu.memory_space<vmem>>, vector<16xf32>,
    %swap3A_2230 = vector.shape_cast %swap3A_2229 : vector<16xf32> to vector<16xf32>
    %swap3A_2231 = vector.shape_cast %get3A_38 : vector<16xf32> to vector<16xf32>
    tpu.vector_store %arg6[%swap3A_2228], %swap3A_2231 {strides = array<i32>} : memref<8192xf32, #tpu.memory_space<vmem>>, vector<16xf32>,
    %get3A_2232 = arith.constant 3184 : index
    %get3A_2233 = tpu.vector_load %arg5[%get3A_2232] {strides = array<i32>} : memref<8192xf32, #tpu.memory_space<vmem>>, vector<16xf32>,
    %get3A_2234 = vector.shape_cast %get3A_2233 : vector<16xf32> to vector<16xf32>
    %swap3A_2235 = arith.constant 6256 : index
    %swap3A_2236 = tpu.vector_load %arg6[%swap3A_2235] {strides = array<i32>} : memref<8192xf32, #tpu.memory_space<vmem>>, vector<16xf32>,
    %swap3A_2237 = vector.shape_cast %swap3A_2236 : vector<16xf32> to vector<16xf32>
    %swap3A_2238 = vector.shape_cast %get3A_2234 : vector<16xf32> to vector<16xf32>
    tpu.vector_store %arg6[%swap3A_2235], %swap3A_2238 {strides = array<i32>} : memref<8192xf32, #tpu.memory_space<vmem>>, vector<16xf32>,
    %swap3A_2239 = arith.constant 6384 : index
    %swap3A_2240 = tpu.vector_load %arg6[%swap3A_2239] {strides = array<i32>} : memref<8192xf32, #tpu.memory_space<vmem>>, vector<16xf32>,
    %swap3A_2241 = vector.shape_cast %swap3A_2240 : vector<16xf32> to vector<16xf32>
    %swap3A_2242 = vector.shape_cast %get3A_43 : vector<16xf32> to vector<16xf32>
    tpu.vector_store %arg6[%swap3A_2239], %swap3A_2242 {strides = array<i32>} : memref<8192xf32, #tpu.memory_space<vmem>>, vector<16xf32>,
    %get3A_2243 = arith.constant 3200 : index
    %get3A_2244 = tpu.vector_load %arg5[%get3A_2243] {strides = array<i32>} : memref<8192xf32, #tpu.memory_space<vmem>>, vector<16xf32>,
    %get3A_2245 = vector.shape_cast %get3A_2244 : vector<16xf32> to vector<16xf32>
    %swap3A_2246 = arith.constant 6400 : index
    %swap3A_2247 = tpu.vector_load %arg6[%swap3A_2246] {strides = array<i32>} : memref<8192xf32, #tpu.memory_space<vmem>>, vector<16xf32>,
    %swap3A_2248 = vector.shape_cast %swap3A_2247 : vector<16xf32> to vector<16xf32>
    %swap3A_2249 = vector.shape_cast %get3A_2245 : vector<16xf32> to vector<16xf32>
    tpu.vector_store %arg6[%swap3A_2246], %swap3A_2249 {strides = array<i32>} : memref<8192xf32, #tpu.memory_space<vmem>>, vector<16xf32>,
    %swap3A_2250 = arith.constant 6528 : index
    %swap3A_2251 = tpu.vector_load %arg6[%swap3A_2250] {strides = array<i32>} : memref<8192xf32, #tpu.memory_space<vmem>>, vector<16xf32>,
    %swap3A_2252 = vector.shape_cast %swap3A_2251 : vector<16xf32> to vector<16xf32>
    %swap3A_2253 = vector.shape_cast %get3A_8 : vector<16xf32> to vector<16xf32>
    tpu.vector_store %arg6[%swap3A_2250], %swap3A_2253 {strides = array<i32>} : memref<8192xf32, #tpu.memory_space<vmem>>, vector<16xf32>,
    %get3A_2254 = arith.constant 3216 : index
    %get3A_2255 = tpu.vector_load %arg5[%get3A_2254] {strides = array<i32>} : memref<8192xf32, #tpu.memory_space<vmem>>, vector<16xf32>,
    %get3A_2256 = vector.shape_cast %get3A_2255 : vector<16xf32> to vector<16xf32>
    %swap3A_2257 = arith.constant 6416 : index
    %swap3A_2258 = tpu.vector_load %arg6[%swap3A_2257] {strides = array<i32>} : memref<8192xf32, #tpu.memory_space<vmem>>, vector<16xf32>,
    %swap3A_2259 = vector.shape_cast %swap3A_2258 : vector<16xf32> to vector<16xf32>
    %swap3A_2260 = vector.shape_cast %get3A_2256 : vector<16xf32> to vector<16xf32>
    tpu.vector_store %arg6[%swap3A_2257], %swap3A_2260 {strides = array<i32>} : memref<8192xf32, #tpu.memory_space<vmem>>, vector<16xf32>,
    %swap3A_2261 = arith.constant 6544 : index
    %swap3A_2262 = tpu.vector_load %arg6[%swap3A_2261] {strides = array<i32>} : memref<8192xf32, #tpu.memory_space<vmem>>, vector<16xf32>,
    %swap3A_2263 = vector.shape_cast %swap3A_2262 : vector<16xf32> to vector<16xf32>
    %swap3A_2264 = vector.shape_cast %get3A_13 : vector<16xf32> to vector<16xf32>
    tpu.vector_store %arg6[%swap3A_2261], %swap3A_2264 {strides = array<i32>} : memref<8192xf32, #tpu.memory_space<vmem>>, vector<16xf32>,
    %get3A_2265 = arith.constant 3232 : index
    %get3A_2266 = tpu.vector_load %arg5[%get3A_2265] {strides = array<i32>} : memref<8192xf32, #tpu.memory_space<vmem>>, vector<16xf32>,
    %get3A_2267 = vector.shape_cast %get3A_2266 : vector<16xf32> to vector<16xf32>
    %swap3A_2268 = arith.constant 6432 : index
    %swap3A_2269 = tpu.vector_load %arg6[%swap3A_2268] {strides = array<i32>} : memref<8192xf32, #tpu.memory_space<vmem>>, vector<16xf32>,
    %swap3A_2270 = vector.shape_cast %swap3A_2269 : vector<16xf32> to vector<16xf32>
    %swap3A_2271 = vector.shape_cast %get3A_2267 : vector<16xf32> to vector<16xf32>
    tpu.vector_store %arg6[%swap3A_2268], %swap3A_2271 {strides = array<i32>} : memref<8192xf32, #tpu.memory_space<vmem>>, vector<16xf32>,
    %swap3A_2272 = arith.constant 6560 : index
    %swap3A_2273 = tpu.vector_load %arg6[%swap3A_2272] {strides = array<i32>} : memref<8192xf32, #tpu.memory_space<vmem>>, vector<16xf32>,
    %swap3A_2274 = vector.shape_cast %swap3A_2273 : vector<16xf32> to vector<16xf32>
    %swap3A_2275 = vector.shape_cast %get3A_18 : vector<16xf32> to vector<16xf32>
    tpu.vector_store %arg6[%swap3A_2272], %swap3A_2275 {strides = array<i32>} : memref<8192xf32, #tpu.memory_space<vmem>>, vector<16xf32>,
    %get3A_2276 = arith.constant 3248 : index
    %get3A_2277 = tpu.vector_load %arg5[%get3A_2276] {strides = array<i32>} : memref<8192xf32, #tpu.memory_space<vmem>>, vector<16xf32>,
    %get3A_2278 = vector.shape_cast %get3A_2277 : vector<16xf32> to vector<16xf32>
    %swap3A_2279 = arith.constant 6448 : index
    %swap3A_2280 = tpu.vector_load %arg6[%swap3A_2279] {strides = array<i32>} : memref<8192xf32, #tpu.memory_space<vmem>>, vector<16xf32>,
    %swap3A_2281 = vector.shape_cast %swap3A_2280 : vector<16xf32> to vector<16xf32>
    %swap3A_2282 = vector.shape_cast %get3A_2278 : vector<16xf32> to vector<16xf32>
    tpu.vector_store %arg6[%swap3A_2279], %swap3A_2282 {strides = array<i32>} : memref<8192xf32, #tpu.memory_space<vmem>>, vector<16xf32>,
    %swap3A_2283 = arith.constant 6576 : index
    %swap3A_2284 = tpu.vector_load %arg6[%swap3A_2283] {strides = array<i32>} : memref<8192xf32, #tpu.memory_space<vmem>>, vector<16xf32>,
    %swap3A_2285 = vector.shape_cast %swap3A_2284 : vector<16xf32> to vector<16xf32>
    %swap3A_2286 = vector.shape_cast %get3A_23 : vector<16xf32> to vector<16xf32>
    tpu.vector_store %arg6[%swap3A_2283], %swap3A_2286 {strides = array<i32>} : memref<8192xf32, #tpu.memory_space<vmem>>, vector<16xf32>,
    %get3A_2287 = arith.constant 3264 : index
    %get3A_2288 = tpu.vector_load %arg5[%get3A_2287] {strides = array<i32>} : memref<8192xf32, #tpu.memory_space<vmem>>, vector<16xf32>,
    %get3A_2289 = vector.shape_cast %get3A_2288 : vector<16xf32> to vector<16xf32>
    %swap3A_2290 = arith.constant 6464 : index
    %swap3A_2291 = tpu.vector_load %arg6[%swap3A_2290] {strides = array<i32>} : memref<8192xf32, #tpu.memory_space<vmem>>, vector<16xf32>,
    %swap3A_2292 = vector.shape_cast %swap3A_2291 : vector<16xf32> to vector<16xf32>
    %swap3A_2293 = vector.shape_cast %get3A_2289 : vector<16xf32> to vector<16xf32>
    tpu.vector_store %arg6[%swap3A_2290], %swap3A_2293 {strides = array<i32>} : memref<8192xf32, #tpu.memory_space<vmem>>, vector<16xf32>,
    %swap3A_2294 = arith.constant 6592 : index
    %swap3A_2295 = tpu.vector_load %arg6[%swap3A_2294] {strides = array<i32>} : memref<8192xf32, #tpu.memory_space<vmem>>, vector<16xf32>,
    %swap3A_2296 = vector.shape_cast %swap3A_2295 : vector<16xf32> to vector<16xf32>
    %swap3A_2297 = vector.shape_cast %get3A_28 : vector<16xf32> to vector<16xf32>
    tpu.vector_store %arg6[%swap3A_2294], %swap3A_2297 {strides = array<i32>} : memref<8192xf32, #tpu.memory_space<vmem>>, vector<16xf32>,
    %get3A_2298 = arith.constant 3280 : index
    %get3A_2299 = tpu.vector_load %arg5[%get3A_2298] {strides = array<i32>} : memref<8192xf32, #tpu.memory_space<vmem>>, vector<16xf32>,
    %get3A_2300 = vector.shape_cast %get3A_2299 : vector<16xf32> to vector<16xf32>
    %swap3A_2301 = arith.constant 6480 : index
    %swap3A_2302 = tpu.vector_load %arg6[%swap3A_2301] {strides = array<i32>} : memref<8192xf32, #tpu.memory_space<vmem>>, vector<16xf32>,
    %swap3A_2303 = vector.shape_cast %swap3A_2302 : vector<16xf32> to vector<16xf32>
    %swap3A_2304 = vector.shape_cast %get3A_2300 : vector<16xf32> to vector<16xf32>
    tpu.vector_store %arg6[%swap3A_2301], %swap3A_2304 {strides = array<i32>} : memref<8192xf32, #tpu.memory_space<vmem>>, vector<16xf32>,
    %swap3A_2305 = arith.constant 6608 : index
    %swap3A_2306 = tpu.vector_load %arg6[%swap3A_2305] {strides = array<i32>} : memref<8192xf32, #tpu.memory_space<vmem>>, vector<16xf32>,
    %swap3A_2307 = vector.shape_cast %swap3A_2306 : vector<16xf32> to vector<16xf32>
    %swap3A_2308 = vector.shape_cast %get3A_33 : vector<16xf32> to vector<16xf32>
    tpu.vector_store %arg6[%swap3A_2305], %swap3A_2308 {strides = array<i32>} : memref<8192xf32, #tpu.memory_space<vmem>>, vector<16xf32>,
    %get3A_2309 = arith.constant 3296 : index
    %get3A_2310 = tpu.vector_load %arg5[%get3A_2309] {strides = array<i32>} : memref<8192xf32, #tpu.memory_space<vmem>>, vector<16xf32>,
    %get3A_2311 = vector.shape_cast %get3A_2310 : vector<16xf32> to vector<16xf32>
    %swap3A_2312 = arith.constant 6496 : index
    %swap3A_2313 = tpu.vector_load %arg6[%swap3A_2312] {strides = array<i32>} : memref<8192xf32, #tpu.memory_space<vmem>>, vector<16xf32>,
    %swap3A_2314 = vector.shape_cast %swap3A_2313 : vector<16xf32> to vector<16xf32>
    %swap3A_2315 = vector.shape_cast %get3A_2311 : vector<16xf32> to vector<16xf32>
    tpu.vector_store %arg6[%swap3A_2312], %swap3A_2315 {strides = array<i32>} : memref<8192xf32, #tpu.memory_space<vmem>>, vector<16xf32>,
    %swap3A_2316 = arith.constant 6624 : index
    %swap3A_2317 = tpu.vector_load %arg6[%swap3A_2316] {strides = array<i32>} : memref<8192xf32, #tpu.memory_space<vmem>>, vector<16xf32>,
    %swap3A_2318 = vector.shape_cast %swap3A_2317 : vector<16xf32> to vector<16xf32>
    %swap3A_2319 = vector.shape_cast %get3A_38 : vector<16xf32> to vector<16xf32>
    tpu.vector_store %arg6[%swap3A_2316], %swap3A_2319 {strides = array<i32>} : memref<8192xf32, #tpu.memory_space<vmem>>, vector<16xf32>,
    %get3A_2320 = arith.constant 3312 : index
    %get3A_2321 = tpu.vector_load %arg5[%get3A_2320] {strides = array<i32>} : memref<8192xf32, #tpu.memory_space<vmem>>, vector<16xf32>,
    %get3A_2322 = vector.shape_cast %get3A_2321 : vector<16xf32> to vector<16xf32>
    %swap3A_2323 = arith.constant 6512 : index
    %swap3A_2324 = tpu.vector_load %arg6[%swap3A_2323] {strides = array<i32>} : memref<8192xf32, #tpu.memory_space<vmem>>, vector<16xf32>,
    %swap3A_2325 = vector.shape_cast %swap3A_2324 : vector<16xf32> to vector<16xf32>
    %swap3A_2326 = vector.shape_cast %get3A_2322 : vector<16xf32> to vector<16xf32>
    tpu.vector_store %arg6[%swap3A_2323], %swap3A_2326 {strides = array<i32>} : memref<8192xf32, #tpu.memory_space<vmem>>, vector<16xf32>,
    %swap3A_2327 = arith.constant 6640 : index
    %swap3A_2328 = tpu.vector_load %arg6[%swap3A_2327] {strides = array<i32>} : memref<8192xf32, #tpu.memory_space<vmem>>, vector<16xf32>,
    %swap3A_2329 = vector.shape_cast %swap3A_2328 : vector<16xf32> to vector<16xf32>
    %swap3A_2330 = vector.shape_cast %get3A_43 : vector<16xf32> to vector<16xf32>
    tpu.vector_store %arg6[%swap3A_2327], %swap3A_2330 {strides = array<i32>} : memref<8192xf32, #tpu.memory_space<vmem>>, vector<16xf32>,
    %get3A_2331 = arith.constant 3328 : index
    %get3A_2332 = tpu.vector_load %arg5[%get3A_2331] {strides = array<i32>} : memref<8192xf32, #tpu.memory_space<vmem>>, vector<16xf32>,
    %get3A_2333 = vector.shape_cast %get3A_2332 : vector<16xf32> to vector<16xf32>
    %swap3A_2334 = arith.constant 6656 : index
    %swap3A_2335 = tpu.vector_load %arg6[%swap3A_2334] {strides = array<i32>} : memref<8192xf32, #tpu.memory_space<vmem>>, vector<16xf32>,
    %swap3A_2336 = vector.shape_cast %swap3A_2335 : vector<16xf32> to vector<16xf32>
    %swap3A_2337 = vector.shape_cast %get3A_2333 : vector<16xf32> to vector<16xf32>
    tpu.vector_store %arg6[%swap3A_2334], %swap3A_2337 {strides = array<i32>} : memref<8192xf32, #tpu.memory_space<vmem>>, vector<16xf32>,
    %swap3A_2338 = arith.constant 6784 : index
    %swap3A_2339 = tpu.vector_load %arg6[%swap3A_2338] {strides = array<i32>} : memref<8192xf32, #tpu.memory_space<vmem>>, vector<16xf32>,
    %swap3A_2340 = vector.shape_cast %swap3A_2339 : vector<16xf32> to vector<16xf32>
    %swap3A_2341 = vector.shape_cast %get3A_8 : vector<16xf32> to vector<16xf32>
    tpu.vector_store %arg6[%swap3A_2338], %swap3A_2341 {strides = array<i32>} : memref<8192xf32, #tpu.memory_space<vmem>>, vector<16xf32>,
    %get3A_2342 = arith.constant 3344 : index
    %get3A_2343 = tpu.vector_load %arg5[%get3A_2342] {strides = array<i32>} : memref<8192xf32, #tpu.memory_space<vmem>>, vector<16xf32>,
    %get3A_2344 = vector.shape_cast %get3A_2343 : vector<16xf32> to vector<16xf32>
    %swap3A_2345 = arith.constant 6672 : index
    %swap3A_2346 = tpu.vector_load %arg6[%swap3A_2345] {strides = array<i32>} : memref<8192xf32, #tpu.memory_space<vmem>>, vector<16xf32>,
    %swap3A_2347 = vector.shape_cast %swap3A_2346 : vector<16xf32> to vector<16xf32>
    %swap3A_2348 = vector.shape_cast %get3A_2344 : vector<16xf32> to vector<16xf32>
    tpu.vector_store %arg6[%swap3A_2345], %swap3A_2348 {strides = array<i32>} : memref<8192xf32, #tpu.memory_space<vmem>>, vector<16xf32>,
    %swap3A_2349 = arith.constant 6800 : index
    %swap3A_2350 = tpu.vector_load %arg6[%swap3A_2349] {strides = array<i32>} : memref<8192xf32, #tpu.memory_space<vmem>>, vector<16xf32>,
    %swap3A_2351 = vector.shape_cast %swap3A_2350 : vector<16xf32> to vector<16xf32>
    %swap3A_2352 = vector.shape_cast %get3A_13 : vector<16xf32> to vector<16xf32>
    tpu.vector_store %arg6[%swap3A_2349], %swap3A_2352 {strides = array<i32>} : memref<8192xf32, #tpu.memory_space<vmem>>, vector<16xf32>,
    %get3A_2353 = arith.constant 3360 : index
    %get3A_2354 = tpu.vector_load %arg5[%get3A_2353] {strides = array<i32>} : memref<8192xf32, #tpu.memory_space<vmem>>, vector<16xf32>,
    %get3A_2355 = vector.shape_cast %get3A_2354 : vector<16xf32> to vector<16xf32>
    %swap3A_2356 = arith.constant 6688 : index
    %swap3A_2357 = tpu.vector_load %arg6[%swap3A_2356] {strides = array<i32>} : memref<8192xf32, #tpu.memory_space<vmem>>, vector<16xf32>,
    %swap3A_2358 = vector.shape_cast %swap3A_2357 : vector<16xf32> to vector<16xf32>
    %swap3A_2359 = vector.shape_cast %get3A_2355 : vector<16xf32> to vector<16xf32>
    tpu.vector_store %arg6[%swap3A_2356], %swap3A_2359 {strides = array<i32>} : memref<8192xf32, #tpu.memory_space<vmem>>, vector<16xf32>,
    %swap3A_2360 = arith.constant 6816 : index
    %swap3A_2361 = tpu.vector_load %arg6[%swap3A_2360] {strides = array<i32>} : memref<8192xf32, #tpu.memory_space<vmem>>, vector<16xf32>,
    %swap3A_2362 = vector.shape_cast %swap3A_2361 : vector<16xf32> to vector<16xf32>
    %swap3A_2363 = vector.shape_cast %get3A_18 : vector<16xf32> to vector<16xf32>
    tpu.vector_store %arg6[%swap3A_2360], %swap3A_2363 {strides = array<i32>} : memref<8192xf32, #tpu.memory_space<vmem>>, vector<16xf32>,
    %get3A_2364 = arith.constant 3376 : index
    %get3A_2365 = tpu.vector_load %arg5[%get3A_2364] {strides = array<i32>} : memref<8192xf32, #tpu.memory_space<vmem>>, vector<16xf32>,
    %get3A_2366 = vector.shape_cast %get3A_2365 : vector<16xf32> to vector<16xf32>
    %swap3A_2367 = arith.constant 6704 : index
    %swap3A_2368 = tpu.vector_load %arg6[%swap3A_2367] {strides = array<i32>} : memref<8192xf32, #tpu.memory_space<vmem>>, vector<16xf32>,
    %swap3A_2369 = vector.shape_cast %swap3A_2368 : vector<16xf32> to vector<16xf32>
    %swap3A_2370 = vector.shape_cast %get3A_2366 : vector<16xf32> to vector<16xf32>
    tpu.vector_store %arg6[%swap3A_2367], %swap3A_2370 {strides = array<i32>} : memref<8192xf32, #tpu.memory_space<vmem>>, vector<16xf32>,
    %swap3A_2371 = arith.constant 6832 : index
    %swap3A_2372 = tpu.vector_load %arg6[%swap3A_2371] {strides = array<i32>} : memref<8192xf32, #tpu.memory_space<vmem>>, vector<16xf32>,
    %swap3A_2373 = vector.shape_cast %swap3A_2372 : vector<16xf32> to vector<16xf32>
    %swap3A_2374 = vector.shape_cast %get3A_23 : vector<16xf32> to vector<16xf32>
    tpu.vector_store %arg6[%swap3A_2371], %swap3A_2374 {strides = array<i32>} : memref<8192xf32, #tpu.memory_space<vmem>>, vector<16xf32>,
    %get3A_2375 = arith.constant 3392 : index
    %get3A_2376 = tpu.vector_load %arg5[%get3A_2375] {strides = array<i32>} : memref<8192xf32, #tpu.memory_space<vmem>>, vector<16xf32>,
    %get3A_2377 = vector.shape_cast %get3A_2376 : vector<16xf32> to vector<16xf32>
    %swap3A_2378 = arith.constant 6720 : index
    %swap3A_2379 = tpu.vector_load %arg6[%swap3A_2378] {strides = array<i32>} : memref<8192xf32, #tpu.memory_space<vmem>>, vector<16xf32>,
    %swap3A_2380 = vector.shape_cast %swap3A_2379 : vector<16xf32> to vector<16xf32>
    %swap3A_2381 = vector.shape_cast %get3A_2377 : vector<16xf32> to vector<16xf32>
    tpu.vector_store %arg6[%swap3A_2378], %swap3A_2381 {strides = array<i32>} : memref<8192xf32, #tpu.memory_space<vmem>>, vector<16xf32>,
    %swap3A_2382 = arith.constant 6848 : index
    %swap3A_2383 = tpu.vector_load %arg6[%swap3A_2382] {strides = array<i32>} : memref<8192xf32, #tpu.memory_space<vmem>>, vector<16xf32>,
    %swap3A_2384 = vector.shape_cast %swap3A_2383 : vector<16xf32> to vector<16xf32>
    %swap3A_2385 = vector.shape_cast %get3A_28 : vector<16xf32> to vector<16xf32>
    tpu.vector_store %arg6[%swap3A_2382], %swap3A_2385 {strides = array<i32>} : memref<8192xf32, #tpu.memory_space<vmem>>, vector<16xf32>,
    %get3A_2386 = arith.constant 3408 : index
    %get3A_2387 = tpu.vector_load %arg5[%get3A_2386] {strides = array<i32>} : memref<8192xf32, #tpu.memory_space<vmem>>, vector<16xf32>,
    %get3A_2388 = vector.shape_cast %get3A_2387 : vector<16xf32> to vector<16xf32>
    %swap3A_2389 = arith.constant 6736 : index
    %swap3A_2390 = tpu.vector_load %arg6[%swap3A_2389] {strides = array<i32>} : memref<8192xf32, #tpu.memory_space<vmem>>, vector<16xf32>,
    %swap3A_2391 = vector.shape_cast %swap3A_2390 : vector<16xf32> to vector<16xf32>
    %swap3A_2392 = vector.shape_cast %get3A_2388 : vector<16xf32> to vector<16xf32>
    tpu.vector_store %arg6[%swap3A_2389], %swap3A_2392 {strides = array<i32>} : memref<8192xf32, #tpu.memory_space<vmem>>, vector<16xf32>,
    %swap3A_2393 = arith.constant 6864 : index
    %swap3A_2394 = tpu.vector_load %arg6[%swap3A_2393] {strides = array<i32>} : memref<8192xf32, #tpu.memory_space<vmem>>, vector<16xf32>,
    %swap3A_2395 = vector.shape_cast %swap3A_2394 : vector<16xf32> to vector<16xf32>
    %swap3A_2396 = vector.shape_cast %get3A_33 : vector<16xf32> to vector<16xf32>
    tpu.vector_store %arg6[%swap3A_2393], %swap3A_2396 {strides = array<i32>} : memref<8192xf32, #tpu.memory_space<vmem>>, vector<16xf32>,
    %get3A_2397 = arith.constant 3424 : index
    %get3A_2398 = tpu.vector_load %arg5[%get3A_2397] {strides = array<i32>} : memref<8192xf32, #tpu.memory_space<vmem>>, vector<16xf32>,
    %get3A_2399 = vector.shape_cast %get3A_2398 : vector<16xf32> to vector<16xf32>
    %swap3A_2400 = arith.constant 6752 : index
    %swap3A_2401 = tpu.vector_load %arg6[%swap3A_2400] {strides = array<i32>} : memref<8192xf32, #tpu.memory_space<vmem>>, vector<16xf32>,
    %swap3A_2402 = vector.shape_cast %swap3A_2401 : vector<16xf32> to vector<16xf32>
    %swap3A_2403 = vector.shape_cast %get3A_2399 : vector<16xf32> to vector<16xf32>
    tpu.vector_store %arg6[%swap3A_2400], %swap3A_2403 {strides = array<i32>} : memref<8192xf32, #tpu.memory_space<vmem>>, vector<16xf32>,
    %swap3A_2404 = arith.constant 6880 : index
    %swap3A_2405 = tpu.vector_load %arg6[%swap3A_2404] {strides = array<i32>} : memref<8192xf32, #tpu.memory_space<vmem>>, vector<16xf32>,
    %swap3A_2406 = vector.shape_cast %swap3A_2405 : vector<16xf32> to vector<16xf32>
    %swap3A_2407 = vector.shape_cast %get3A_38 : vector<16xf32> to vector<16xf32>
    tpu.vector_store %arg6[%swap3A_2404], %swap3A_2407 {strides = array<i32>} : memref<8192xf32, #tpu.memory_space<vmem>>, vector<16xf32>,
    %get3A_2408 = arith.constant 3440 : index
    %get3A_2409 = tpu.vector_load %arg5[%get3A_2408] {strides = array<i32>} : memref<8192xf32, #tpu.memory_space<vmem>>, vector<16xf32>,
    %get3A_2410 = vector.shape_cast %get3A_2409 : vector<16xf32> to vector<16xf32>
    %swap3A_2411 = arith.constant 6768 : index
    %swap3A_2412 = tpu.vector_load %arg6[%swap3A_2411] {strides = array<i32>} : memref<8192xf32, #tpu.memory_space<vmem>>, vector<16xf32>,
    %swap3A_2413 = vector.shape_cast %swap3A_2412 : vector<16xf32> to vector<16xf32>
    %swap3A_2414 = vector.shape_cast %get3A_2410 : vector<16xf32> to vector<16xf32>
    tpu.vector_store %arg6[%swap3A_2411], %swap3A_2414 {strides = array<i32>} : memref<8192xf32, #tpu.memory_space<vmem>>, vector<16xf32>,
    %swap3A_2415 = arith.constant 6896 : index
    %swap3A_2416 = tpu.vector_load %arg6[%swap3A_2415] {strides = array<i32>} : memref<8192xf32, #tpu.memory_space<vmem>>, vector<16xf32>,
    %swap3A_2417 = vector.shape_cast %swap3A_2416 : vector<16xf32> to vector<16xf32>
    %swap3A_2418 = vector.shape_cast %get3A_43 : vector<16xf32> to vector<16xf32>
    tpu.vector_store %arg6[%swap3A_2415], %swap3A_2418 {strides = array<i32>} : memref<8192xf32, #tpu.memory_space<vmem>>, vector<16xf32>,
    %get3A_2419 = arith.constant 3456 : index
    %get3A_2420 = tpu.vector_load %arg5[%get3A_2419] {strides = array<i32>} : memref<8192xf32, #tpu.memory_space<vmem>>, vector<16xf32>,
    %get3A_2421 = vector.shape_cast %get3A_2420 : vector<16xf32> to vector<16xf32>
    %swap3A_2422 = arith.constant 6912 : index
    %swap3A_2423 = tpu.vector_load %arg6[%swap3A_2422] {strides = array<i32>} : memref<8192xf32, #tpu.memory_space<vmem>>, vector<16xf32>,
    %swap3A_2424 = vector.shape_cast %swap3A_2423 : vector<16xf32> to vector<16xf32>
    %swap3A_2425 = vector.shape_cast %get3A_2421 : vector<16xf32> to vector<16xf32>
    tpu.vector_store %arg6[%swap3A_2422], %swap3A_2425 {strides = array<i32>} : memref<8192xf32, #tpu.memory_space<vmem>>, vector<16xf32>,
    %swap3A_2426 = arith.constant 7040 : index
    %swap3A_2427 = tpu.vector_load %arg6[%swap3A_2426] {strides = array<i32>} : memref<8192xf32, #tpu.memory_space<vmem>>, vector<16xf32>,
    %swap3A_2428 = vector.shape_cast %swap3A_2427 : vector<16xf32> to vector<16xf32>
    %swap3A_2429 = vector.shape_cast %get3A_8 : vector<16xf32> to vector<16xf32>
    tpu.vector_store %arg6[%swap3A_2426], %swap3A_2429 {strides = array<i32>} : memref<8192xf32, #tpu.memory_space<vmem>>, vector<16xf32>,
    %get3A_2430 = arith.constant 3472 : index
    %get3A_2431 = tpu.vector_load %arg5[%get3A_2430] {strides = array<i32>} : memref<8192xf32, #tpu.memory_space<vmem>>, vector<16xf32>,
    %get3A_2432 = vector.shape_cast %get3A_2431 : vector<16xf32> to vector<16xf32>
    %swap3A_2433 = arith.constant 6928 : index
    %swap3A_2434 = tpu.vector_load %arg6[%swap3A_2433] {strides = array<i32>} : memref<8192xf32, #tpu.memory_space<vmem>>, vector<16xf32>,
    %swap3A_2435 = vector.shape_cast %swap3A_2434 : vector<16xf32> to vector<16xf32>
    %swap3A_2436 = vector.shape_cast %get3A_2432 : vector<16xf32> to vector<16xf32>
    tpu.vector_store %arg6[%swap3A_2433], %swap3A_2436 {strides = array<i32>} : memref<8192xf32, #tpu.memory_space<vmem>>, vector<16xf32>,
    %swap3A_2437 = arith.constant 7056 : index
    %swap3A_2438 = tpu.vector_load %arg6[%swap3A_2437] {strides = array<i32>} : memref<8192xf32, #tpu.memory_space<vmem>>, vector<16xf32>,
    %swap3A_2439 = vector.shape_cast %swap3A_2438 : vector<16xf32> to vector<16xf32>
    %swap3A_2440 = vector.shape_cast %get3A_13 : vector<16xf32> to vector<16xf32>
    tpu.vector_store %arg6[%swap3A_2437], %swap3A_2440 {strides = array<i32>} : memref<8192xf32, #tpu.memory_space<vmem>>, vector<16xf32>,
    %get3A_2441 = arith.constant 3488 : index
    %get3A_2442 = tpu.vector_load %arg5[%get3A_2441] {strides = array<i32>} : memref<8192xf32, #tpu.memory_space<vmem>>, vector<16xf32>,
    %get3A_2443 = vector.shape_cast %get3A_2442 : vector<16xf32> to vector<16xf32>
    %swap3A_2444 = arith.constant 6944 : index
    %swap3A_2445 = tpu.vector_load %arg6[%swap3A_2444] {strides = array<i32>} : memref<8192xf32, #tpu.memory_space<vmem>>, vector<16xf32>,
    %swap3A_2446 = vector.shape_cast %swap3A_2445 : vector<16xf32> to vector<16xf32>
    %swap3A_2447 = vector.shape_cast %get3A_2443 : vector<16xf32> to vector<16xf32>
    tpu.vector_store %arg6[%swap3A_2444], %swap3A_2447 {strides = array<i32>} : memref<8192xf32, #tpu.memory_space<vmem>>, vector<16xf32>,
    %swap3A_2448 = arith.constant 7072 : index
    %swap3A_2449 = tpu.vector_load %arg6[%swap3A_2448] {strides = array<i32>} : memref<8192xf32, #tpu.memory_space<vmem>>, vector<16xf32>,
    %swap3A_2450 = vector.shape_cast %swap3A_2449 : vector<16xf32> to vector<16xf32>
    %swap3A_2451 = vector.shape_cast %get3A_18 : vector<16xf32> to vector<16xf32>
    tpu.vector_store %arg6[%swap3A_2448], %swap3A_2451 {strides = array<i32>} : memref<8192xf32, #tpu.memory_space<vmem>>, vector<16xf32>,
    %get3A_2452 = arith.constant 3504 : index
    %get3A_2453 = tpu.vector_load %arg5[%get3A_2452] {strides = array<i32>} : memref<8192xf32, #tpu.memory_space<vmem>>, vector<16xf32>,
    %get3A_2454 = vector.shape_cast %get3A_2453 : vector<16xf32> to vector<16xf32>
    %swap3A_2455 = arith.constant 6960 : index
    %swap3A_2456 = tpu.vector_load %arg6[%swap3A_2455] {strides = array<i32>} : memref<8192xf32, #tpu.memory_space<vmem>>, vector<16xf32>,
    %swap3A_2457 = vector.shape_cast %swap3A_2456 : vector<16xf32> to vector<16xf32>
    %swap3A_2458 = vector.shape_cast %get3A_2454 : vector<16xf32> to vector<16xf32>
    tpu.vector_store %arg6[%swap3A_2455], %swap3A_2458 {strides = array<i32>} : memref<8192xf32, #tpu.memory_space<vmem>>, vector<16xf32>,
    %swap3A_2459 = arith.constant 7088 : index
    %swap3A_2460 = tpu.vector_load %arg6[%swap3A_2459] {strides = array<i32>} : memref<8192xf32, #tpu.memory_space<vmem>>, vector<16xf32>,
    %swap3A_2461 = vector.shape_cast %swap3A_2460 : vector<16xf32> to vector<16xf32>
    %swap3A_2462 = vector.shape_cast %get3A_23 : vector<16xf32> to vector<16xf32>
    tpu.vector_store %arg6[%swap3A_2459], %swap3A_2462 {strides = array<i32>} : memref<8192xf32, #tpu.memory_space<vmem>>, vector<16xf32>,
    %get3A_2463 = arith.constant 3520 : index
    %get3A_2464 = tpu.vector_load %arg5[%get3A_2463] {strides = array<i32>} : memref<8192xf32, #tpu.memory_space<vmem>>, vector<16xf32>,
    %get3A_2465 = vector.shape_cast %get3A_2464 : vector<16xf32> to vector<16xf32>
    %swap3A_2466 = arith.constant 6976 : index
    %swap3A_2467 = tpu.vector_load %arg6[%swap3A_2466] {strides = array<i32>} : memref<8192xf32, #tpu.memory_space<vmem>>, vector<16xf32>,
    %swap3A_2468 = vector.shape_cast %swap3A_2467 : vector<16xf32> to vector<16xf32>
    %swap3A_2469 = vector.shape_cast %get3A_2465 : vector<16xf32> to vector<16xf32>
    tpu.vector_store %arg6[%swap3A_2466], %swap3A_2469 {strides = array<i32>} : memref<8192xf32, #tpu.memory_space<vmem>>, vector<16xf32>,
    %swap3A_2470 = arith.constant 7104 : index
    %swap3A_2471 = tpu.vector_load %arg6[%swap3A_2470] {strides = array<i32>} : memref<8192xf32, #tpu.memory_space<vmem>>, vector<16xf32>,
    %swap3A_2472 = vector.shape_cast %swap3A_2471 : vector<16xf32> to vector<16xf32>
    %swap3A_2473 = vector.shape_cast %get3A_28 : vector<16xf32> to vector<16xf32>
    tpu.vector_store %arg6[%swap3A_2470], %swap3A_2473 {strides = array<i32>} : memref<8192xf32, #tpu.memory_space<vmem>>, vector<16xf32>,
    %get3A_2474 = arith.constant 3536 : index
    %get3A_2475 = tpu.vector_load %arg5[%get3A_2474] {strides = array<i32>} : memref<8192xf32, #tpu.memory_space<vmem>>, vector<16xf32>,
    %get3A_2476 = vector.shape_cast %get3A_2475 : vector<16xf32> to vector<16xf32>
    %swap3A_2477 = arith.constant 6992 : index
    %swap3A_2478 = tpu.vector_load %arg6[%swap3A_2477] {strides = array<i32>} : memref<8192xf32, #tpu.memory_space<vmem>>, vector<16xf32>,
    %swap3A_2479 = vector.shape_cast %swap3A_2478 : vector<16xf32> to vector<16xf32>
    %swap3A_2480 = vector.shape_cast %get3A_2476 : vector<16xf32> to vector<16xf32>
    tpu.vector_store %arg6[%swap3A_2477], %swap3A_2480 {strides = array<i32>} : memref<8192xf32, #tpu.memory_space<vmem>>, vector<16xf32>,
    %swap3A_2481 = arith.constant 7120 : index
    %swap3A_2482 = tpu.vector_load %arg6[%swap3A_2481] {strides = array<i32>} : memref<8192xf32, #tpu.memory_space<vmem>>, vector<16xf32>,
    %swap3A_2483 = vector.shape_cast %swap3A_2482 : vector<16xf32> to vector<16xf32>
    %swap3A_2484 = vector.shape_cast %get3A_33 : vector<16xf32> to vector<16xf32>
    tpu.vector_store %arg6[%swap3A_2481], %swap3A_2484 {strides = array<i32>} : memref<8192xf32, #tpu.memory_space<vmem>>, vector<16xf32>,
    %get3A_2485 = arith.constant 3552 : index
    %get3A_2486 = tpu.vector_load %arg5[%get3A_2485] {strides = array<i32>} : memref<8192xf32, #tpu.memory_space<vmem>>, vector<16xf32>,
    %get3A_2487 = vector.shape_cast %get3A_2486 : vector<16xf32> to vector<16xf32>
    %swap3A_2488 = arith.constant 7008 : index
    %swap3A_2489 = tpu.vector_load %arg6[%swap3A_2488] {strides = array<i32>} : memref<8192xf32, #tpu.memory_space<vmem>>, vector<16xf32>,
    %swap3A_2490 = vector.shape_cast %swap3A_2489 : vector<16xf32> to vector<16xf32>
    %swap3A_2491 = vector.shape_cast %get3A_2487 : vector<16xf32> to vector<16xf32>
    tpu.vector_store %arg6[%swap3A_2488], %swap3A_2491 {strides = array<i32>} : memref<8192xf32, #tpu.memory_space<vmem>>, vector<16xf32>,
    %swap3A_2492 = arith.constant 7136 : index
    %swap3A_2493 = tpu.vector_load %arg6[%swap3A_2492] {strides = array<i32>} : memref<8192xf32, #tpu.memory_space<vmem>>, vector<16xf32>,
    %swap3A_2494 = vector.shape_cast %swap3A_2493 : vector<16xf32> to vector<16xf32>
    %swap3A_2495 = vector.shape_cast %get3A_38 : vector<16xf32> to vector<16xf32>
    tpu.vector_store %arg6[%swap3A_2492], %swap3A_2495 {strides = array<i32>} : memref<8192xf32, #tpu.memory_space<vmem>>, vector<16xf32>,
    %get3A_2496 = arith.constant 3568 : index
    %get3A_2497 = tpu.vector_load %arg5[%get3A_2496] {strides = array<i32>} : memref<8192xf32, #tpu.memory_space<vmem>>, vector<16xf32>,
    %get3A_2498 = vector.shape_cast %get3A_2497 : vector<16xf32> to vector<16xf32>
    %swap3A_2499 = arith.constant 7024 : index
    %swap3A_2500 = tpu.vector_load %arg6[%swap3A_2499] {strides = array<i32>} : memref<8192xf32, #tpu.memory_space<vmem>>, vector<16xf32>,
    %swap3A_2501 = vector.shape_cast %swap3A_2500 : vector<16xf32> to vector<16xf32>
    %swap3A_2502 = vector.shape_cast %get3A_2498 : vector<16xf32> to vector<16xf32>
    tpu.vector_store %arg6[%swap3A_2499], %swap3A_2502 {strides = array<i32>} : memref<8192xf32, #tpu.memory_space<vmem>>, vector<16xf32>,
    %swap3A_2503 = arith.constant 7152 : index
    %swap3A_2504 = tpu.vector_load %arg6[%swap3A_2503] {strides = array<i32>} : memref<8192xf32, #tpu.memory_space<vmem>>, vector<16xf32>,
    %swap3A_2505 = vector.shape_cast %swap3A_2504 : vector<16xf32> to vector<16xf32>
    %swap3A_2506 = vector.shape_cast %get3A_43 : vector<16xf32> to vector<16xf32>
    tpu.vector_store %arg6[%swap3A_2503], %swap3A_2506 {strides = array<i32>} : memref<8192xf32, #tpu.memory_space<vmem>>, vector<16xf32>,
    %get3A_2507 = arith.constant 3584 : index
    %get3A_2508 = tpu.vector_load %arg5[%get3A_2507] {strides = array<i32>} : memref<8192xf32, #tpu.memory_space<vmem>>, vector<16xf32>,
    %get3A_2509 = vector.shape_cast %get3A_2508 : vector<16xf32> to vector<16xf32>
    %swap3A_2510 = arith.constant 7168 : index
    %swap3A_2511 = tpu.vector_load %arg6[%swap3A_2510] {strides = array<i32>} : memref<8192xf32, #tpu.memory_space<vmem>>, vector<16xf32>,
    %swap3A_2512 = vector.shape_cast %swap3A_2511 : vector<16xf32> to vector<16xf32>
    %swap3A_2513 = vector.shape_cast %get3A_2509 : vector<16xf32> to vector<16xf32>
    tpu.vector_store %arg6[%swap3A_2510], %swap3A_2513 {strides = array<i32>} : memref<8192xf32, #tpu.memory_space<vmem>>, vector<16xf32>,
    %swap3A_2514 = arith.constant 7296 : index
    %swap3A_2515 = tpu.vector_load %arg6[%swap3A_2514] {strides = array<i32>} : memref<8192xf32, #tpu.memory_space<vmem>>, vector<16xf32>,
    %swap3A_2516 = vector.shape_cast %swap3A_2515 : vector<16xf32> to vector<16xf32>
    %swap3A_2517 = vector.shape_cast %get3A_8 : vector<16xf32> to vector<16xf32>
    tpu.vector_store %arg6[%swap3A_2514], %swap3A_2517 {strides = array<i32>} : memref<8192xf32, #tpu.memory_space<vmem>>, vector<16xf32>,
    %get3A_2518 = arith.constant 3600 : index
    %get3A_2519 = tpu.vector_load %arg5[%get3A_2518] {strides = array<i32>} : memref<8192xf32, #tpu.memory_space<vmem>>, vector<16xf32>,
    %get3A_2520 = vector.shape_cast %get3A_2519 : vector<16xf32> to vector<16xf32>
    %swap3A_2521 = arith.constant 7184 : index
    %swap3A_2522 = tpu.vector_load %arg6[%swap3A_2521] {strides = array<i32>} : memref<8192xf32, #tpu.memory_space<vmem>>, vector<16xf32>,
    %swap3A_2523 = vector.shape_cast %swap3A_2522 : vector<16xf32> to vector<16xf32>
    %swap3A_2524 = vector.shape_cast %get3A_2520 : vector<16xf32> to vector<16xf32>
    tpu.vector_store %arg6[%swap3A_2521], %swap3A_2524 {strides = array<i32>} : memref<8192xf32, #tpu.memory_space<vmem>>, vector<16xf32>,
    %swap3A_2525 = arith.constant 7312 : index
    %swap3A_2526 = tpu.vector_load %arg6[%swap3A_2525] {strides = array<i32>} : memref<8192xf32, #tpu.memory_space<vmem>>, vector<16xf32>,
    %swap3A_2527 = vector.shape_cast %swap3A_2526 : vector<16xf32> to vector<16xf32>
    %swap3A_2528 = vector.shape_cast %get3A_13 : vector<16xf32> to vector<16xf32>
    tpu.vector_store %arg6[%swap3A_2525], %swap3A_2528 {strides = array<i32>} : memref<8192xf32, #tpu.memory_space<vmem>>, vector<16xf32>,
    %get3A_2529 = arith.constant 3616 : index
    %get3A_2530 = tpu.vector_load %arg5[%get3A_2529] {strides = array<i32>} : memref<8192xf32, #tpu.memory_space<vmem>>, vector<16xf32>,
    %get3A_2531 = vector.shape_cast %get3A_2530 : vector<16xf32> to vector<16xf32>
    %swap3A_2532 = arith.constant 7200 : index
    %swap3A_2533 = tpu.vector_load %arg6[%swap3A_2532] {strides = array<i32>} : memref<8192xf32, #tpu.memory_space<vmem>>, vector<16xf32>,
    %swap3A_2534 = vector.shape_cast %swap3A_2533 : vector<16xf32> to vector<16xf32>
    %swap3A_2535 = vector.shape_cast %get3A_2531 : vector<16xf32> to vector<16xf32>
    tpu.vector_store %arg6[%swap3A_2532], %swap3A_2535 {strides = array<i32>} : memref<8192xf32, #tpu.memory_space<vmem>>, vector<16xf32>,
    %swap3A_2536 = arith.constant 7328 : index
    %swap3A_2537 = tpu.vector_load %arg6[%swap3A_2536] {strides = array<i32>} : memref<8192xf32, #tpu.memory_space<vmem>>, vector<16xf32>,
    %swap3A_2538 = vector.shape_cast %swap3A_2537 : vector<16xf32> to vector<16xf32>
    %swap3A_2539 = vector.shape_cast %get3A_18 : vector<16xf32> to vector<16xf32>
    tpu.vector_store %arg6[%swap3A_2536], %swap3A_2539 {strides = array<i32>} : memref<8192xf32, #tpu.memory_space<vmem>>, vector<16xf32>,
    %get3A_2540 = arith.constant 3632 : index
    %get3A_2541 = tpu.vector_load %arg5[%get3A_2540] {strides = array<i32>} : memref<8192xf32, #tpu.memory_space<vmem>>, vector<16xf32>,
    %get3A_2542 = vector.shape_cast %get3A_2541 : vector<16xf32> to vector<16xf32>
    %swap3A_2543 = arith.constant 7216 : index
    %swap3A_2544 = tpu.vector_load %arg6[%swap3A_2543] {strides = array<i32>} : memref<8192xf32, #tpu.memory_space<vmem>>, vector<16xf32>,
    %swap3A_2545 = vector.shape_cast %swap3A_2544 : vector<16xf32> to vector<16xf32>
    %swap3A_2546 = vector.shape_cast %get3A_2542 : vector<16xf32> to vector<16xf32>
    tpu.vector_store %arg6[%swap3A_2543], %swap3A_2546 {strides = array<i32>} : memref<8192xf32, #tpu.memory_space<vmem>>, vector<16xf32>,
    %swap3A_2547 = arith.constant 7344 : index
    %swap3A_2548 = tpu.vector_load %arg6[%swap3A_2547] {strides = array<i32>} : memref<8192xf32, #tpu.memory_space<vmem>>, vector<16xf32>,
    %swap3A_2549 = vector.shape_cast %swap3A_2548 : vector<16xf32> to vector<16xf32>
    %swap3A_2550 = vector.shape_cast %get3A_23 : vector<16xf32> to vector<16xf32>
    tpu.vector_store %arg6[%swap3A_2547], %swap3A_2550 {strides = array<i32>} : memref<8192xf32, #tpu.memory_space<vmem>>, vector<16xf32>,
    %get3A_2551 = arith.constant 3648 : index
    %get3A_2552 = tpu.vector_load %arg5[%get3A_2551] {strides = array<i32>} : memref<8192xf32, #tpu.memory_space<vmem>>, vector<16xf32>,
    %get3A_2553 = vector.shape_cast %get3A_2552 : vector<16xf32> to vector<16xf32>
    %swap3A_2554 = arith.constant 7232 : index
    %swap3A_2555 = tpu.vector_load %arg6[%swap3A_2554] {strides = array<i32>} : memref<8192xf32, #tpu.memory_space<vmem>>, vector<16xf32>,
    %swap3A_2556 = vector.shape_cast %swap3A_2555 : vector<16xf32> to vector<16xf32>
    %swap3A_2557 = vector.shape_cast %get3A_2553 : vector<16xf32> to vector<16xf32>
    tpu.vector_store %arg6[%swap3A_2554], %swap3A_2557 {strides = array<i32>} : memref<8192xf32, #tpu.memory_space<vmem>>, vector<16xf32>,
    %swap3A_2558 = arith.constant 7360 : index
    %swap3A_2559 = tpu.vector_load %arg6[%swap3A_2558] {strides = array<i32>} : memref<8192xf32, #tpu.memory_space<vmem>>, vector<16xf32>,
    %swap3A_2560 = vector.shape_cast %swap3A_2559 : vector<16xf32> to vector<16xf32>
    %swap3A_2561 = vector.shape_cast %get3A_28 : vector<16xf32> to vector<16xf32>
    tpu.vector_store %arg6[%swap3A_2558], %swap3A_2561 {strides = array<i32>} : memref<8192xf32, #tpu.memory_space<vmem>>, vector<16xf32>,
    %get3A_2562 = arith.constant 3664 : index
    %get3A_2563 = tpu.vector_load %arg5[%get3A_2562] {strides = array<i32>} : memref<8192xf32, #tpu.memory_space<vmem>>, vector<16xf32>,
    %get3A_2564 = vector.shape_cast %get3A_2563 : vector<16xf32> to vector<16xf32>
    %swap3A_2565 = arith.constant 7248 : index
    %swap3A_2566 = tpu.vector_load %arg6[%swap3A_2565] {strides = array<i32>} : memref<8192xf32, #tpu.memory_space<vmem>>, vector<16xf32>,
    %swap3A_2567 = vector.shape_cast %swap3A_2566 : vector<16xf32> to vector<16xf32>
    %swap3A_2568 = vector.shape_cast %get3A_2564 : vector<16xf32> to vector<16xf32>
    tpu.vector_store %arg6[%swap3A_2565], %swap3A_2568 {strides = array<i32>} : memref<8192xf32, #tpu.memory_space<vmem>>, vector<16xf32>,
    %swap3A_2569 = arith.constant 7376 : index
    %swap3A_2570 = tpu.vector_load %arg6[%swap3A_2569] {strides = array<i32>} : memref<8192xf32, #tpu.memory_space<vmem>>, vector<16xf32>,
    %swap3A_2571 = vector.shape_cast %swap3A_2570 : vector<16xf32> to vector<16xf32>
    %swap3A_2572 = vector.shape_cast %get3A_33 : vector<16xf32> to vector<16xf32>
    tpu.vector_store %arg6[%swap3A_2569], %swap3A_2572 {strides = array<i32>} : memref<8192xf32, #tpu.memory_space<vmem>>, vector<16xf32>,
    %get3A_2573 = arith.constant 3680 : index
    %get3A_2574 = tpu.vector_load %arg5[%get3A_2573] {strides = array<i32>} : memref<8192xf32, #tpu.memory_space<vmem>>, vector<16xf32>,
    %get3A_2575 = vector.shape_cast %get3A_2574 : vector<16xf32> to vector<16xf32>
    %swap3A_2576 = arith.constant 7264 : index
    %swap3A_2577 = tpu.vector_load %arg6[%swap3A_2576] {strides = array<i32>} : memref<8192xf32, #tpu.memory_space<vmem>>, vector<16xf32>,
    %swap3A_2578 = vector.shape_cast %swap3A_2577 : vector<16xf32> to vector<16xf32>
    %swap3A_2579 = vector.shape_cast %get3A_2575 : vector<16xf32> to vector<16xf32>
    tpu.vector_store %arg6[%swap3A_2576], %swap3A_2579 {strides = array<i32>} : memref<8192xf32, #tpu.memory_space<vmem>>, vector<16xf32>,
    %swap3A_2580 = arith.constant 7392 : index
    %swap3A_2581 = tpu.vector_load %arg6[%swap3A_2580] {strides = array<i32>} : memref<8192xf32, #tpu.memory_space<vmem>>, vector<16xf32>,
    %swap3A_2582 = vector.shape_cast %swap3A_2581 : vector<16xf32> to vector<16xf32>
    %swap3A_2583 = vector.shape_cast %get3A_38 : vector<16xf32> to vector<16xf32>
    tpu.vector_store %arg6[%swap3A_2580], %swap3A_2583 {strides = array<i32>} : memref<8192xf32, #tpu.memory_space<vmem>>, vector<16xf32>,
    %get3A_2584 = arith.constant 3696 : index
    %get3A_2585 = tpu.vector_load %arg5[%get3A_2584] {strides = array<i32>} : memref<8192xf32, #tpu.memory_space<vmem>>, vector<16xf32>,
    %get3A_2586 = vector.shape_cast %get3A_2585 : vector<16xf32> to vector<16xf32>
    %swap3A_2587 = arith.constant 7280 : index
    %swap3A_2588 = tpu.vector_load %arg6[%swap3A_2587] {strides = array<i32>} : memref<8192xf32, #tpu.memory_space<vmem>>, vector<16xf32>,
    %swap3A_2589 = vector.shape_cast %swap3A_2588 : vector<16xf32> to vector<16xf32>
    %swap3A_2590 = vector.shape_cast %get3A_2586 : vector<16xf32> to vector<16xf32>
    tpu.vector_store %arg6[%swap3A_2587], %swap3A_2590 {strides = array<i32>} : memref<8192xf32, #tpu.memory_space<vmem>>, vector<16xf32>,
    %swap3A_2591 = arith.constant 7408 : index
    %swap3A_2592 = tpu.vector_load %arg6[%swap3A_2591] {strides = array<i32>} : memref<8192xf32, #tpu.memory_space<vmem>>, vector<16xf32>,
    %swap3A_2593 = vector.shape_cast %swap3A_2592 : vector<16xf32> to vector<16xf32>
    %swap3A_2594 = vector.shape_cast %get3A_43 : vector<16xf32> to vector<16xf32>
    tpu.vector_store %arg6[%swap3A_2591], %swap3A_2594 {strides = array<i32>} : memref<8192xf32, #tpu.memory_space<vmem>>, vector<16xf32>,
    %get3A_2595 = arith.constant 3712 : index
    %get3A_2596 = tpu.vector_load %arg5[%get3A_2595] {strides = array<i32>} : memref<8192xf32, #tpu.memory_space<vmem>>, vector<16xf32>,
    %get3A_2597 = vector.shape_cast %get3A_2596 : vector<16xf32> to vector<16xf32>
    %swap3A_2598 = arith.constant 7424 : index
    %swap3A_2599 = tpu.vector_load %arg6[%swap3A_2598] {strides = array<i32>} : memref<8192xf32, #tpu.memory_space<vmem>>, vector<16xf32>,
    %swap3A_2600 = vector.shape_cast %swap3A_2599 : vector<16xf32> to vector<16xf32>
    %swap3A_2601 = vector.shape_cast %get3A_2597 : vector<16xf32> to vector<16xf32>
    tpu.vector_store %arg6[%swap3A_2598], %swap3A_2601 {strides = array<i32>} : memref<8192xf32, #tpu.memory_space<vmem>>, vector<16xf32>,
    %swap3A_2602 = arith.constant 7552 : index
    %swap3A_2603 = tpu.vector_load %arg6[%swap3A_2602] {strides = array<i32>} : memref<8192xf32, #tpu.memory_space<vmem>>, vector<16xf32>,
    %swap3A_2604 = vector.shape_cast %swap3A_2603 : vector<16xf32> to vector<16xf32>
    %swap3A_2605 = vector.shape_cast %get3A_8 : vector<16xf32> to vector<16xf32>
    tpu.vector_store %arg6[%swap3A_2602], %swap3A_2605 {strides = array<i32>} : memref<8192xf32, #tpu.memory_space<vmem>>, vector<16xf32>,
    %get3A_2606 = arith.constant 3728 : index
    %get3A_2607 = tpu.vector_load %arg5[%get3A_2606] {strides = array<i32>} : memref<8192xf32, #tpu.memory_space<vmem>>, vector<16xf32>,
    %get3A_2608 = vector.shape_cast %get3A_2607 : vector<16xf32> to vector<16xf32>
    %swap3A_2609 = arith.constant 7440 : index
    %swap3A_2610 = tpu.vector_load %arg6[%swap3A_2609] {strides = array<i32>} : memref<8192xf32, #tpu.memory_space<vmem>>, vector<16xf32>,
    %swap3A_2611 = vector.shape_cast %swap3A_2610 : vector<16xf32> to vector<16xf32>
    %swap3A_2612 = vector.shape_cast %get3A_2608 : vector<16xf32> to vector<16xf32>
    tpu.vector_store %arg6[%swap3A_2609], %swap3A_2612 {strides = array<i32>} : memref<8192xf32, #tpu.memory_space<vmem>>, vector<16xf32>,
    %swap3A_2613 = arith.constant 7568 : index
    %swap3A_2614 = tpu.vector_load %arg6[%swap3A_2613] {strides = array<i32>} : memref<8192xf32, #tpu.memory_space<vmem>>, vector<16xf32>,
    %swap3A_2615 = vector.shape_cast %swap3A_2614 : vector<16xf32> to vector<16xf32>
    %swap3A_2616 = vector.shape_cast %get3A_13 : vector<16xf32> to vector<16xf32>
    tpu.vector_store %arg6[%swap3A_2613], %swap3A_2616 {strides = array<i32>} : memref<8192xf32, #tpu.memory_space<vmem>>, vector<16xf32>,
    %get3A_2617 = arith.constant 3744 : index
    %get3A_2618 = tpu.vector_load %arg5[%get3A_2617] {strides = array<i32>} : memref<8192xf32, #tpu.memory_space<vmem>>, vector<16xf32>,
    %get3A_2619 = vector.shape_cast %get3A_2618 : vector<16xf32> to vector<16xf32>
    %swap3A_2620 = arith.constant 7456 : index
    %swap3A_2621 = tpu.vector_load %arg6[%swap3A_2620] {strides = array<i32>} : memref<8192xf32, #tpu.memory_space<vmem>>, vector<16xf32>,
    %swap3A_2622 = vector.shape_cast %swap3A_2621 : vector<16xf32> to vector<16xf32>
    %swap3A_2623 = vector.shape_cast %get3A_2619 : vector<16xf32> to vector<16xf32>
    tpu.vector_store %arg6[%swap3A_2620], %swap3A_2623 {strides = array<i32>} : memref<8192xf32, #tpu.memory_space<vmem>>, vector<16xf32>,
    %swap3A_2624 = arith.constant 7584 : index
    %swap3A_2625 = tpu.vector_load %arg6[%swap3A_2624] {strides = array<i32>} : memref<8192xf32, #tpu.memory_space<vmem>>, vector<16xf32>,
    %swap3A_2626 = vector.shape_cast %swap3A_2625 : vector<16xf32> to vector<16xf32>
    %swap3A_2627 = vector.shape_cast %get3A_18 : vector<16xf32> to vector<16xf32>
    tpu.vector_store %arg6[%swap3A_2624], %swap3A_2627 {strides = array<i32>} : memref<8192xf32, #tpu.memory_space<vmem>>, vector<16xf32>,
    %get3A_2628 = arith.constant 3760 : index
    %get3A_2629 = tpu.vector_load %arg5[%get3A_2628] {strides = array<i32>} : memref<8192xf32, #tpu.memory_space<vmem>>, vector<16xf32>,
    %get3A_2630 = vector.shape_cast %get3A_2629 : vector<16xf32> to vector<16xf32>
    %swap3A_2631 = arith.constant 7472 : index
    %swap3A_2632 = tpu.vector_load %arg6[%swap3A_2631] {strides = array<i32>} : memref<8192xf32, #tpu.memory_space<vmem>>, vector<16xf32>,
    %swap3A_2633 = vector.shape_cast %swap3A_2632 : vector<16xf32> to vector<16xf32>
    %swap3A_2634 = vector.shape_cast %get3A_2630 : vector<16xf32> to vector<16xf32>
    tpu.vector_store %arg6[%swap3A_2631], %swap3A_2634 {strides = array<i32>} : memref<8192xf32, #tpu.memory_space<vmem>>, vector<16xf32>,
    %swap3A_2635 = arith.constant 7600 : index
    %swap3A_2636 = tpu.vector_load %arg6[%swap3A_2635] {strides = array<i32>} : memref<8192xf32, #tpu.memory_space<vmem>>, vector<16xf32>,
    %swap3A_2637 = vector.shape_cast %swap3A_2636 : vector<16xf32> to vector<16xf32>
    %swap3A_2638 = vector.shape_cast %get3A_23 : vector<16xf32> to vector<16xf32>
    tpu.vector_store %arg6[%swap3A_2635], %swap3A_2638 {strides = array<i32>} : memref<8192xf32, #tpu.memory_space<vmem>>, vector<16xf32>,
    %get3A_2639 = arith.constant 3776 : index
    %get3A_2640 = tpu.vector_load %arg5[%get3A_2639] {strides = array<i32>} : memref<8192xf32, #tpu.memory_space<vmem>>, vector<16xf32>,
    %get3A_2641 = vector.shape_cast %get3A_2640 : vector<16xf32> to vector<16xf32>
    %swap3A_2642 = arith.constant 7488 : index
    %swap3A_2643 = tpu.vector_load %arg6[%swap3A_2642] {strides = array<i32>} : memref<8192xf32, #tpu.memory_space<vmem>>, vector<16xf32>,
    %swap3A_2644 = vector.shape_cast %swap3A_2643 : vector<16xf32> to vector<16xf32>
    %swap3A_2645 = vector.shape_cast %get3A_2641 : vector<16xf32> to vector<16xf32>
    tpu.vector_store %arg6[%swap3A_2642], %swap3A_2645 {strides = array<i32>} : memref<8192xf32, #tpu.memory_space<vmem>>, vector<16xf32>,
    %swap3A_2646 = arith.constant 7616 : index
    %swap3A_2647 = tpu.vector_load %arg6[%swap3A_2646] {strides = array<i32>} : memref<8192xf32, #tpu.memory_space<vmem>>, vector<16xf32>,
    %swap3A_2648 = vector.shape_cast %swap3A_2647 : vector<16xf32> to vector<16xf32>
    %swap3A_2649 = vector.shape_cast %get3A_28 : vector<16xf32> to vector<16xf32>
    tpu.vector_store %arg6[%swap3A_2646], %swap3A_2649 {strides = array<i32>} : memref<8192xf32, #tpu.memory_space<vmem>>, vector<16xf32>,
    %get3A_2650 = arith.constant 3792 : index
    %get3A_2651 = tpu.vector_load %arg5[%get3A_2650] {strides = array<i32>} : memref<8192xf32, #tpu.memory_space<vmem>>, vector<16xf32>,
    %get3A_2652 = vector.shape_cast %get3A_2651 : vector<16xf32> to vector<16xf32>
    %swap3A_2653 = arith.constant 7504 : index
    %swap3A_2654 = tpu.vector_load %arg6[%swap3A_2653] {strides = array<i32>} : memref<8192xf32, #tpu.memory_space<vmem>>, vector<16xf32>,
    %swap3A_2655 = vector.shape_cast %swap3A_2654 : vector<16xf32> to vector<16xf32>
    %swap3A_2656 = vector.shape_cast %get3A_2652 : vector<16xf32> to vector<16xf32>
    tpu.vector_store %arg6[%swap3A_2653], %swap3A_2656 {strides = array<i32>} : memref<8192xf32, #tpu.memory_space<vmem>>, vector<16xf32>,
    %swap3A_2657 = arith.constant 7632 : index
    %swap3A_2658 = tpu.vector_load %arg6[%swap3A_2657] {strides = array<i32>} : memref<8192xf32, #tpu.memory_space<vmem>>, vector<16xf32>,
    %swap3A_2659 = vector.shape_cast %swap3A_2658 : vector<16xf32> to vector<16xf32>
    %swap3A_2660 = vector.shape_cast %get3A_33 : vector<16xf32> to vector<16xf32>
    tpu.vector_store %arg6[%swap3A_2657], %swap3A_2660 {strides = array<i32>} : memref<8192xf32, #tpu.memory_space<vmem>>, vector<16xf32>,
    %get3A_2661 = arith.constant 3808 : index
    %get3A_2662 = tpu.vector_load %arg5[%get3A_2661] {strides = array<i32>} : memref<8192xf32, #tpu.memory_space<vmem>>, vector<16xf32>,
    %get3A_2663 = vector.shape_cast %get3A_2662 : vector<16xf32> to vector<16xf32>
    %swap3A_2664 = arith.constant 7520 : index
    %swap3A_2665 = tpu.vector_load %arg6[%swap3A_2664] {strides = array<i32>} : memref<8192xf32, #tpu.memory_space<vmem>>, vector<16xf32>,
    %swap3A_2666 = vector.shape_cast %swap3A_2665 : vector<16xf32> to vector<16xf32>
    %swap3A_2667 = vector.shape_cast %get3A_2663 : vector<16xf32> to vector<16xf32>
    tpu.vector_store %arg6[%swap3A_2664], %swap3A_2667 {strides = array<i32>} : memref<8192xf32, #tpu.memory_space<vmem>>, vector<16xf32>,
    %swap3A_2668 = arith.constant 7648 : index
    %swap3A_2669 = tpu.vector_load %arg6[%swap3A_2668] {strides = array<i32>} : memref<8192xf32, #tpu.memory_space<vmem>>, vector<16xf32>,
    %swap3A_2670 = vector.shape_cast %swap3A_2669 : vector<16xf32> to vector<16xf32>
    %swap3A_2671 = vector.shape_cast %get3A_38 : vector<16xf32> to vector<16xf32>
    tpu.vector_store %arg6[%swap3A_2668], %swap3A_2671 {strides = array<i32>} : memref<8192xf32, #tpu.memory_space<vmem>>, vector<16xf32>,
    %get3A_2672 = arith.constant 3824 : index
    %get3A_2673 = tpu.vector_load %arg5[%get3A_2672] {strides = array<i32>} : memref<8192xf32, #tpu.memory_space<vmem>>, vector<16xf32>,
    %get3A_2674 = vector.shape_cast %get3A_2673 : vector<16xf32> to vector<16xf32>
    %swap3A_2675 = arith.constant 7536 : index
    %swap3A_2676 = tpu.vector_load %arg6[%swap3A_2675] {strides = array<i32>} : memref<8192xf32, #tpu.memory_space<vmem>>, vector<16xf32>,
    %swap3A_2677 = vector.shape_cast %swap3A_2676 : vector<16xf32> to vector<16xf32>
    %swap3A_2678 = vector.shape_cast %get3A_2674 : vector<16xf32> to vector<16xf32>
    tpu.vector_store %arg6[%swap3A_2675], %swap3A_2678 {strides = array<i32>} : memref<8192xf32, #tpu.memory_space<vmem>>, vector<16xf32>,
    %swap3A_2679 = arith.constant 7664 : index
    %swap3A_2680 = tpu.vector_load %arg6[%swap3A_2679] {strides = array<i32>} : memref<8192xf32, #tpu.memory_space<vmem>>, vector<16xf32>,
    %swap3A_2681 = vector.shape_cast %swap3A_2680 : vector<16xf32> to vector<16xf32>
    %swap3A_2682 = vector.shape_cast %get3A_43 : vector<16xf32> to vector<16xf32>
    tpu.vector_store %arg6[%swap3A_2679], %swap3A_2682 {strides = array<i32>} : memref<8192xf32, #tpu.memory_space<vmem>>, vector<16xf32>,
    %get3A_2683 = arith.constant 3840 : index
    %get3A_2684 = tpu.vector_load %arg5[%get3A_2683] {strides = array<i32>} : memref<8192xf32, #tpu.memory_space<vmem>>, vector<16xf32>,
    %get3A_2685 = vector.shape_cast %get3A_2684 : vector<16xf32> to vector<16xf32>
    %swap3A_2686 = arith.constant 7680 : index
    %swap3A_2687 = tpu.vector_load %arg6[%swap3A_2686] {strides = array<i32>} : memref<8192xf32, #tpu.memory_space<vmem>>, vector<16xf32>,
    %swap3A_2688 = vector.shape_cast %swap3A_2687 : vector<16xf32> to vector<16xf32>
    %swap3A_2689 = vector.shape_cast %get3A_2685 : vector<16xf32> to vector<16xf32>
    tpu.vector_store %arg6[%swap3A_2686], %swap3A_2689 {strides = array<i32>} : memref<8192xf32, #tpu.memory_space<vmem>>, vector<16xf32>,
    %swap3A_2690 = arith.constant 7808 : index
    %swap3A_2691 = tpu.vector_load %arg6[%swap3A_2690] {strides = array<i32>} : memref<8192xf32, #tpu.memory_space<vmem>>, vector<16xf32>,
    %swap3A_2692 = vector.shape_cast %swap3A_2691 : vector<16xf32> to vector<16xf32>
    %swap3A_2693 = vector.shape_cast %get3A_8 : vector<16xf32> to vector<16xf32>
    tpu.vector_store %arg6[%swap3A_2690], %swap3A_2693 {strides = array<i32>} : memref<8192xf32, #tpu.memory_space<vmem>>, vector<16xf32>,
    %get3A_2694 = arith.constant 3856 : index
    %get3A_2695 = tpu.vector_load %arg5[%get3A_2694] {strides = array<i32>} : memref<8192xf32, #tpu.memory_space<vmem>>, vector<16xf32>,
    %get3A_2696 = vector.shape_cast %get3A_2695 : vector<16xf32> to vector<16xf32>
    %swap3A_2697 = arith.constant 7696 : index
    %swap3A_2698 = tpu.vector_load %arg6[%swap3A_2697] {strides = array<i32>} : memref<8192xf32, #tpu.memory_space<vmem>>, vector<16xf32>,
    %swap3A_2699 = vector.shape_cast %swap3A_2698 : vector<16xf32> to vector<16xf32>
    %swap3A_2700 = vector.shape_cast %get3A_2696 : vector<16xf32> to vector<16xf32>
    tpu.vector_store %arg6[%swap3A_2697], %swap3A_2700 {strides = array<i32>} : memref<8192xf32, #tpu.memory_space<vmem>>, vector<16xf32>,
    %swap3A_2701 = arith.constant 7824 : index
    %swap3A_2702 = tpu.vector_load %arg6[%swap3A_2701] {strides = array<i32>} : memref<8192xf32, #tpu.memory_space<vmem>>, vector<16xf32>,
    %swap3A_2703 = vector.shape_cast %swap3A_2702 : vector<16xf32> to vector<16xf32>
    %swap3A_2704 = vector.shape_cast %get3A_13 : vector<16xf32> to vector<16xf32>
    tpu.vector_store %arg6[%swap3A_2701], %swap3A_2704 {strides = array<i32>} : memref<8192xf32, #tpu.memory_space<vmem>>, vector<16xf32>,
    %get3A_2705 = arith.constant 3872 : index
    %get3A_2706 = tpu.vector_load %arg5[%get3A_2705] {strides = array<i32>} : memref<8192xf32, #tpu.memory_space<vmem>>, vector<16xf32>,
    %get3A_2707 = vector.shape_cast %get3A_2706 : vector<16xf32> to vector<16xf32>
    %swap3A_2708 = arith.constant 7712 : index
    %swap3A_2709 = tpu.vector_load %arg6[%swap3A_2708] {strides = array<i32>} : memref<8192xf32, #tpu.memory_space<vmem>>, vector<16xf32>,
    %swap3A_2710 = vector.shape_cast %swap3A_2709 : vector<16xf32> to vector<16xf32>
    %swap3A_2711 = vector.shape_cast %get3A_2707 : vector<16xf32> to vector<16xf32>
    tpu.vector_store %arg6[%swap3A_2708], %swap3A_2711 {strides = array<i32>} : memref<8192xf32, #tpu.memory_space<vmem>>, vector<16xf32>,
    %swap3A_2712 = arith.constant 7840 : index
    %swap3A_2713 = tpu.vector_load %arg6[%swap3A_2712] {strides = array<i32>} : memref<8192xf32, #tpu.memory_space<vmem>>, vector<16xf32>,
    %swap3A_2714 = vector.shape_cast %swap3A_2713 : vector<16xf32> to vector<16xf32>
    %swap3A_2715 = vector.shape_cast %get3A_18 : vector<16xf32> to vector<16xf32>
    tpu.vector_store %arg6[%swap3A_2712], %swap3A_2715 {strides = array<i32>} : memref<8192xf32, #tpu.memory_space<vmem>>, vector<16xf32>,
    %get3A_2716 = arith.constant 3888 : index
    %get3A_2717 = tpu.vector_load %arg5[%get3A_2716] {strides = array<i32>} : memref<8192xf32, #tpu.memory_space<vmem>>, vector<16xf32>,
    %get3A_2718 = vector.shape_cast %get3A_2717 : vector<16xf32> to vector<16xf32>
    %swap3A_2719 = arith.constant 7728 : index
    %swap3A_2720 = tpu.vector_load %arg6[%swap3A_2719] {strides = array<i32>} : memref<8192xf32, #tpu.memory_space<vmem>>, vector<16xf32>,
    %swap3A_2721 = vector.shape_cast %swap3A_2720 : vector<16xf32> to vector<16xf32>
    %swap3A_2722 = vector.shape_cast %get3A_2718 : vector<16xf32> to vector<16xf32>
    tpu.vector_store %arg6[%swap3A_2719], %swap3A_2722 {strides = array<i32>} : memref<8192xf32, #tpu.memory_space<vmem>>, vector<16xf32>,
    %swap3A_2723 = arith.constant 7856 : index
    %swap3A_2724 = tpu.vector_load %arg6[%swap3A_2723] {strides = array<i32>} : memref<8192xf32, #tpu.memory_space<vmem>>, vector<16xf32>,
    %swap3A_2725 = vector.shape_cast %swap3A_2724 : vector<16xf32> to vector<16xf32>
    %swap3A_2726 = vector.shape_cast %get3A_23 : vector<16xf32> to vector<16xf32>
    tpu.vector_store %arg6[%swap3A_2723], %swap3A_2726 {strides = array<i32>} : memref<8192xf32, #tpu.memory_space<vmem>>, vector<16xf32>,
    %get3A_2727 = arith.constant 3904 : index
    %get3A_2728 = tpu.vector_load %arg5[%get3A_2727] {strides = array<i32>} : memref<8192xf32, #tpu.memory_space<vmem>>, vector<16xf32>,
    %get3A_2729 = vector.shape_cast %get3A_2728 : vector<16xf32> to vector<16xf32>
    %swap3A_2730 = arith.constant 7744 : index
    %swap3A_2731 = tpu.vector_load %arg6[%swap3A_2730] {strides = array<i32>} : memref<8192xf32, #tpu.memory_space<vmem>>, vector<16xf32>,
    %swap3A_2732 = vector.shape_cast %swap3A_2731 : vector<16xf32> to vector<16xf32>
    %swap3A_2733 = vector.shape_cast %get3A_2729 : vector<16xf32> to vector<16xf32>
    tpu.vector_store %arg6[%swap3A_2730], %swap3A_2733 {strides = array<i32>} : memref<8192xf32, #tpu.memory_space<vmem>>, vector<16xf32>,
    %swap3A_2734 = arith.constant 7872 : index
    %swap3A_2735 = tpu.vector_load %arg6[%swap3A_2734] {strides = array<i32>} : memref<8192xf32, #tpu.memory_space<vmem>>, vector<16xf32>,
    %swap3A_2736 = vector.shape_cast %swap3A_2735 : vector<16xf32> to vector<16xf32>
    %swap3A_2737 = vector.shape_cast %get3A_28 : vector<16xf32> to vector<16xf32>
    tpu.vector_store %arg6[%swap3A_2734], %swap3A_2737 {strides = array<i32>} : memref<8192xf32, #tpu.memory_space<vmem>>, vector<16xf32>,
    %get3A_2738 = arith.constant 3920 : index
    %get3A_2739 = tpu.vector_load %arg5[%get3A_2738] {strides = array<i32>} : memref<8192xf32, #tpu.memory_space<vmem>>, vector<16xf32>,
    %get3A_2740 = vector.shape_cast %get3A_2739 : vector<16xf32> to vector<16xf32>
    %swap3A_2741 = arith.constant 7760 : index
    %swap3A_2742 = tpu.vector_load %arg6[%swap3A_2741] {strides = array<i32>} : memref<8192xf32, #tpu.memory_space<vmem>>, vector<16xf32>,
    %swap3A_2743 = vector.shape_cast %swap3A_2742 : vector<16xf32> to vector<16xf32>
    %swap3A_2744 = vector.shape_cast %get3A_2740 : vector<16xf32> to vector<16xf32>
    tpu.vector_store %arg6[%swap3A_2741], %swap3A_2744 {strides = array<i32>} : memref<8192xf32, #tpu.memory_space<vmem>>, vector<16xf32>,
    %swap3A_2745 = arith.constant 7888 : index
    %swap3A_2746 = tpu.vector_load %arg6[%swap3A_2745] {strides = array<i32>} : memref<8192xf32, #tpu.memory_space<vmem>>, vector<16xf32>,
    %swap3A_2747 = vector.shape_cast %swap3A_2746 : vector<16xf32> to vector<16xf32>
    %swap3A_2748 = vector.shape_cast %get3A_33 : vector<16xf32> to vector<16xf32>
    tpu.vector_store %arg6[%swap3A_2745], %swap3A_2748 {strides = array<i32>} : memref<8192xf32, #tpu.memory_space<vmem>>, vector<16xf32>,
    %get3A_2749 = arith.constant 3936 : index
    %get3A_2750 = tpu.vector_load %arg5[%get3A_2749] {strides = array<i32>} : memref<8192xf32, #tpu.memory_space<vmem>>, vector<16xf32>,
    %get3A_2751 = vector.shape_cast %get3A_2750 : vector<16xf32> to vector<16xf32>
    %swap3A_2752 = arith.constant 7776 : index
    %swap3A_2753 = tpu.vector_load %arg6[%swap3A_2752] {strides = array<i32>} : memref<8192xf32, #tpu.memory_space<vmem>>, vector<16xf32>,
    %swap3A_2754 = vector.shape_cast %swap3A_2753 : vector<16xf32> to vector<16xf32>
    %swap3A_2755 = vector.shape_cast %get3A_2751 : vector<16xf32> to vector<16xf32>
    tpu.vector_store %arg6[%swap3A_2752], %swap3A_2755 {strides = array<i32>} : memref<8192xf32, #tpu.memory_space<vmem>>, vector<16xf32>,
    %swap3A_2756 = arith.constant 7904 : index
    %swap3A_2757 = tpu.vector_load %arg6[%swap3A_2756] {strides = array<i32>} : memref<8192xf32, #tpu.memory_space<vmem>>, vector<16xf32>,
    %swap3A_2758 = vector.shape_cast %swap3A_2757 : vector<16xf32> to vector<16xf32>
    %swap3A_2759 = vector.shape_cast %get3A_38 : vector<16xf32> to vector<16xf32>
    tpu.vector_store %arg6[%swap3A_2756], %swap3A_2759 {strides = array<i32>} : memref<8192xf32, #tpu.memory_space<vmem>>, vector<16xf32>,
    %get3A_2760 = arith.constant 3952 : index
    %get3A_2761 = tpu.vector_load %arg5[%get3A_2760] {strides = array<i32>} : memref<8192xf32, #tpu.memory_space<vmem>>, vector<16xf32>,
    %get3A_2762 = vector.shape_cast %get3A_2761 : vector<16xf32> to vector<16xf32>
    %swap3A_2763 = arith.constant 7792 : index
    %swap3A_2764 = tpu.vector_load %arg6[%swap3A_2763] {strides = array<i32>} : memref<8192xf32, #tpu.memory_space<vmem>>, vector<16xf32>,
    %swap3A_2765 = vector.shape_cast %swap3A_2764 : vector<16xf32> to vector<16xf32>
    %swap3A_2766 = vector.shape_cast %get3A_2762 : vector<16xf32> to vector<16xf32>
    tpu.vector_store %arg6[%swap3A_2763], %swap3A_2766 {strides = array<i32>} : memref<8192xf32, #tpu.memory_space<vmem>>, vector<16xf32>,
    %swap3A_2767 = arith.constant 7920 : index
    %swap3A_2768 = tpu.vector_load %arg6[%swap3A_2767] {strides = array<i32>} : memref<8192xf32, #tpu.memory_space<vmem>>, vector<16xf32>,
    %swap3A_2769 = vector.shape_cast %swap3A_2768 : vector<16xf32> to vector<16xf32>
    %swap3A_2770 = vector.shape_cast %get3A_43 : vector<16xf32> to vector<16xf32>
    tpu.vector_store %arg6[%swap3A_2767], %swap3A_2770 {strides = array<i32>} : memref<8192xf32, #tpu.memory_space<vmem>>, vector<16xf32>,
    %get3A_2771 = arith.constant 3968 : index
    %get3A_2772 = tpu.vector_load %arg5[%get3A_2771] {strides = array<i32>} : memref<8192xf32, #tpu.memory_space<vmem>>, vector<16xf32>,
    %get3A_2773 = vector.shape_cast %get3A_2772 : vector<16xf32> to vector<16xf32>
    %swap3A_2774 = arith.constant 7936 : index
    %swap3A_2775 = tpu.vector_load %arg6[%swap3A_2774] {strides = array<i32>} : memref<8192xf32, #tpu.memory_space<vmem>>, vector<16xf32>,
    %swap3A_2776 = vector.shape_cast %swap3A_2775 : vector<16xf32> to vector<16xf32>
    %swap3A_2777 = vector.shape_cast %get3A_2773 : vector<16xf32> to vector<16xf32>
    tpu.vector_store %arg6[%swap3A_2774], %swap3A_2777 {strides = array<i32>} : memref<8192xf32, #tpu.memory_space<vmem>>, vector<16xf32>,
    %swap3A_2778 = arith.constant 8064 : index
    %swap3A_2779 = tpu.vector_load %arg6[%swap3A_2778] {strides = array<i32>} : memref<8192xf32, #tpu.memory_space<vmem>>, vector<16xf32>,
    %swap3A_2780 = vector.shape_cast %swap3A_2779 : vector<16xf32> to vector<16xf32>
    %swap3A_2781 = vector.shape_cast %get3A_8 : vector<16xf32> to vector<16xf32>
    tpu.vector_store %arg6[%swap3A_2778], %swap3A_2781 {strides = array<i32>} : memref<8192xf32, #tpu.memory_space<vmem>>, vector<16xf32>,
    %get3A_2782 = arith.constant 3984 : index
    %get3A_2783 = tpu.vector_load %arg5[%get3A_2782] {strides = array<i32>} : memref<8192xf32, #tpu.memory_space<vmem>>, vector<16xf32>,
    %get3A_2784 = vector.shape_cast %get3A_2783 : vector<16xf32> to vector<16xf32>
    %swap3A_2785 = arith.constant 7952 : index
    %swap3A_2786 = tpu.vector_load %arg6[%swap3A_2785] {strides = array<i32>} : memref<8192xf32, #tpu.memory_space<vmem>>, vector<16xf32>,
    %swap3A_2787 = vector.shape_cast %swap3A_2786 : vector<16xf32> to vector<16xf32>
    %swap3A_2788 = vector.shape_cast %get3A_2784 : vector<16xf32> to vector<16xf32>
    tpu.vector_store %arg6[%swap3A_2785], %swap3A_2788 {strides = array<i32>} : memref<8192xf32, #tpu.memory_space<vmem>>, vector<16xf32>,
    %swap3A_2789 = arith.constant 8080 : index
    %swap3A_2790 = tpu.vector_load %arg6[%swap3A_2789] {strides = array<i32>} : memref<8192xf32, #tpu.memory_space<vmem>>, vector<16xf32>,
    %swap3A_2791 = vector.shape_cast %swap3A_2790 : vector<16xf32> to vector<16xf32>
    %swap3A_2792 = vector.shape_cast %get3A_13 : vector<16xf32> to vector<16xf32>
    tpu.vector_store %arg6[%swap3A_2789], %swap3A_2792 {strides = array<i32>} : memref<8192xf32, #tpu.memory_space<vmem>>, vector<16xf32>,
    %get3A_2793 = arith.constant 4000 : index
    %get3A_2794 = tpu.vector_load %arg5[%get3A_2793] {strides = array<i32>} : memref<8192xf32, #tpu.memory_space<vmem>>, vector<16xf32>,
    %get3A_2795 = vector.shape_cast %get3A_2794 : vector<16xf32> to vector<16xf32>
    %swap3A_2796 = arith.constant 7968 : index
    %swap3A_2797 = tpu.vector_load %arg6[%swap3A_2796] {strides = array<i32>} : memref<8192xf32, #tpu.memory_space<vmem>>, vector<16xf32>,
    %swap3A_2798 = vector.shape_cast %swap3A_2797 : vector<16xf32> to vector<16xf32>
    %swap3A_2799 = vector.shape_cast %get3A_2795 : vector<16xf32> to vector<16xf32>
    tpu.vector_store %arg6[%swap3A_2796], %swap3A_2799 {strides = array<i32>} : memref<8192xf32, #tpu.memory_space<vmem>>, vector<16xf32>,
    %swap3A_2800 = arith.constant 8096 : index
    %swap3A_2801 = tpu.vector_load %arg6[%swap3A_2800] {strides = array<i32>} : memref<8192xf32, #tpu.memory_space<vmem>>, vector<16xf32>,
    %swap3A_2802 = vector.shape_cast %swap3A_2801 : vector<16xf32> to vector<16xf32>
    %swap3A_2803 = vector.shape_cast %get3A_18 : vector<16xf32> to vector<16xf32>
    tpu.vector_store %arg6[%swap3A_2800], %swap3A_2803 {strides = array<i32>} : memref<8192xf32, #tpu.memory_space<vmem>>, vector<16xf32>,
    %get3A_2804 = arith.constant 4016 : index
    %get3A_2805 = tpu.vector_load %arg5[%get3A_2804] {strides = array<i32>} : memref<8192xf32, #tpu.memory_space<vmem>>, vector<16xf32>,
    %get3A_2806 = vector.shape_cast %get3A_2805 : vector<16xf32> to vector<16xf32>
    %swap3A_2807 = arith.constant 7984 : index
    %swap3A_2808 = tpu.vector_load %arg6[%swap3A_2807] {strides = array<i32>} : memref<8192xf32, #tpu.memory_space<vmem>>, vector<16xf32>,
    %swap3A_2809 = vector.shape_cast %swap3A_2808 : vector<16xf32> to vector<16xf32>
    %swap3A_2810 = vector.shape_cast %get3A_2806 : vector<16xf32> to vector<16xf32>
    tpu.vector_store %arg6[%swap3A_2807], %swap3A_2810 {strides = array<i32>} : memref<8192xf32, #tpu.memory_space<vmem>>, vector<16xf32>,
    %swap3A_2811 = arith.constant 8112 : index
    %swap3A_2812 = tpu.vector_load %arg6[%swap3A_2811] {strides = array<i32>} : memref<8192xf32, #tpu.memory_space<vmem>>, vector<16xf32>,
    %swap3A_2813 = vector.shape_cast %swap3A_2812 : vector<16xf32> to vector<16xf32>
    %swap3A_2814 = vector.shape_cast %get3A_23 : vector<16xf32> to vector<16xf32>
    tpu.vector_store %arg6[%swap3A_2811], %swap3A_2814 {strides = array<i32>} : memref<8192xf32, #tpu.memory_space<vmem>>, vector<16xf32>,
    %get3A_2815 = arith.constant 4032 : index
    %get3A_2816 = tpu.vector_load %arg5[%get3A_2815] {strides = array<i32>} : memref<8192xf32, #tpu.memory_space<vmem>>, vector<16xf32>,
    %get3A_2817 = vector.shape_cast %get3A_2816 : vector<16xf32> to vector<16xf32>
    %swap3A_2818 = arith.constant 8000 : index
    %swap3A_2819 = tpu.vector_load %arg6[%swap3A_2818] {strides = array<i32>} : memref<8192xf32, #tpu.memory_space<vmem>>, vector<16xf32>,
    %swap3A_2820 = vector.shape_cast %swap3A_2819 : vector<16xf32> to vector<16xf32>
    %swap3A_2821 = vector.shape_cast %get3A_2817 : vector<16xf32> to vector<16xf32>
    tpu.vector_store %arg6[%swap3A_2818], %swap3A_2821 {strides = array<i32>} : memref<8192xf32, #tpu.memory_space<vmem>>, vector<16xf32>,
    %swap3A_2822 = arith.constant 8128 : index
    %swap3A_2823 = tpu.vector_load %arg6[%swap3A_2822] {strides = array<i32>} : memref<8192xf32, #tpu.memory_space<vmem>>, vector<16xf32>,
    %swap3A_2824 = vector.shape_cast %swap3A_2823 : vector<16xf32> to vector<16xf32>
    %swap3A_2825 = vector.shape_cast %get3A_28 : vector<16xf32> to vector<16xf32>
    tpu.vector_store %arg6[%swap3A_2822], %swap3A_2825 {strides = array<i32>} : memref<8192xf32, #tpu.memory_space<vmem>>, vector<16xf32>,
    %get3A_2826 = arith.constant 4048 : index
    %get3A_2827 = tpu.vector_load %arg5[%get3A_2826] {strides = array<i32>} : memref<8192xf32, #tpu.memory_space<vmem>>, vector<16xf32>,
    %get3A_2828 = vector.shape_cast %get3A_2827 : vector<16xf32> to vector<16xf32>
    %swap3A_2829 = arith.constant 8016 : index
    %swap3A_2830 = tpu.vector_load %arg6[%swap3A_2829] {strides = array<i32>} : memref<8192xf32, #tpu.memory_space<vmem>>, vector<16xf32>,
    %swap3A_2831 = vector.shape_cast %swap3A_2830 : vector<16xf32> to vector<16xf32>
    %swap3A_2832 = vector.shape_cast %get3A_2828 : vector<16xf32> to vector<16xf32>
    tpu.vector_store %arg6[%swap3A_2829], %swap3A_2832 {strides = array<i32>} : memref<8192xf32, #tpu.memory_space<vmem>>, vector<16xf32>,
    %swap3A_2833 = arith.constant 8144 : index
    %swap3A_2834 = tpu.vector_load %arg6[%swap3A_2833] {strides = array<i32>} : memref<8192xf32, #tpu.memory_space<vmem>>, vector<16xf32>,
    %swap3A_2835 = vector.shape_cast %swap3A_2834 : vector<16xf32> to vector<16xf32>
    %swap3A_2836 = vector.shape_cast %get3A_33 : vector<16xf32> to vector<16xf32>
    tpu.vector_store %arg6[%swap3A_2833], %swap3A_2836 {strides = array<i32>} : memref<8192xf32, #tpu.memory_space<vmem>>, vector<16xf32>,
    %get3A_2837 = arith.constant 4064 : index
    %get3A_2838 = tpu.vector_load %arg5[%get3A_2837] {strides = array<i32>} : memref<8192xf32, #tpu.memory_space<vmem>>, vector<16xf32>,
    %get3A_2839 = vector.shape_cast %get3A_2838 : vector<16xf32> to vector<16xf32>
    %swap3A_2840 = arith.constant 8032 : index
    %swap3A_2841 = tpu.vector_load %arg6[%swap3A_2840] {strides = array<i32>} : memref<8192xf32, #tpu.memory_space<vmem>>, vector<16xf32>,
    %swap3A_2842 = vector.shape_cast %swap3A_2841 : vector<16xf32> to vector<16xf32>
    %swap3A_2843 = vector.shape_cast %get3A_2839 : vector<16xf32> to vector<16xf32>
    tpu.vector_store %arg6[%swap3A_2840], %swap3A_2843 {strides = array<i32>} : memref<8192xf32, #tpu.memory_space<vmem>>, vector<16xf32>,
    %swap3A_2844 = arith.constant 8160 : index
    %swap3A_2845 = tpu.vector_load %arg6[%swap3A_2844] {strides = array<i32>} : memref<8192xf32, #tpu.memory_space<vmem>>, vector<16xf32>,
    %swap3A_2846 = vector.shape_cast %swap3A_2845 : vector<16xf32> to vector<16xf32>
    %swap3A_2847 = vector.shape_cast %get3A_38 : vector<16xf32> to vector<16xf32>
    tpu.vector_store %arg6[%swap3A_2844], %swap3A_2847 {strides = array<i32>} : memref<8192xf32, #tpu.memory_space<vmem>>, vector<16xf32>,
    %get3A_2848 = arith.constant 4080 : index
    %get3A_2849 = tpu.vector_load %arg5[%get3A_2848] {strides = array<i32>} : memref<8192xf32, #tpu.memory_space<vmem>>, vector<16xf32>,
    %get3A_2850 = vector.shape_cast %get3A_2849 : vector<16xf32> to vector<16xf32>
    %swap3A_2851 = arith.constant 8048 : index
    %swap3A_2852 = tpu.vector_load %arg6[%swap3A_2851] {strides = array<i32>} : memref<8192xf32, #tpu.memory_space<vmem>>, vector<16xf32>,
    %swap3A_2853 = vector.shape_cast %swap3A_2852 : vector<16xf32> to vector<16xf32>
    %swap3A_2854 = vector.shape_cast %get3A_2850 : vector<16xf32> to vector<16xf32>
    tpu.vector_store %arg6[%swap3A_2851], %swap3A_2854 {strides = array<i32>} : memref<8192xf32, #tpu.memory_space<vmem>>, vector<16xf32>,
    %swap3A_2855 = arith.constant 8176 : index
    %swap3A_2856 = tpu.vector_load %arg6[%swap3A_2855] {strides = array<i32>} : memref<8192xf32, #tpu.memory_space<vmem>>, vector<16xf32>,
    %swap3A_2857 = vector.shape_cast %swap3A_2856 : vector<16xf32> to vector<16xf32>
    %swap3A_2858 = vector.shape_cast %get3A_43 : vector<16xf32> to vector<16xf32>
    tpu.vector_store %arg6[%swap3A_2855], %swap3A_2858 {strides = array<i32>} : memref<8192xf32, #tpu.memory_space<vmem>>, vector<16xf32>,
    %dma_start3A = arith.constant 0 : i32
    %dma_start3A_2859 = arith.constant 0 : i32
    %dma_start3A_2860 = tpu.memref_slice %arg6[%dma_start3A_2859] : memref<8192xf32, #tpu.memory_space<vmem>> -> memref<256xf32, #tpu.memory_space<vmem>>
    %dma_start3A_2861 = arith.constant 0 : i32
    %dma_start3A_2862 = tpu.memref_slice %arg7[%arg1, %dma_start3A, %dma_start3A_2861] : memref<16x32x256xf32, #tpu.memory_space<vmem_shared>> -> memref<1x1x256xf32, #tpu.memory_space<vmem_shared>>
    %dma_start3A_2863 = tpu.memref_squeeze %dma_start3A_2862 : memref<1x1x256xf32, #tpu.memory_space<vmem_shared>> -> memref<256xf32, #tpu.memory_space<vmem_shared>>
    %dma_start3A_2864 = arith.constant 0 : i32
    %dma_start3A_2865 = tpu.memref_slice %arg7[%arg1, %dma_start3A, %dma_start3A_2864] : memref<16x32x256xf32, #tpu.memory_space<vmem_shared>> -> memref<1x1x256xf32, #tpu.memory_space<vmem_shared>>
    %dma_start3A_2866 = tpu.memref_squeeze %dma_start3A_2865 : memref<1x1x256xf32, #tpu.memory_space<vmem_shared>> -> memref<256xf32, #tpu.memory_space<vmem_shared>>
    %dma_start3A_2867 = arith.constant 0 : i32
    %dma_start3A_2868 = tpu.memref_slice %arg6[%dma_start3A_2867] : memref<8192xf32, #tpu.memory_space<vmem>> -> memref<256xf32, #tpu.memory_space<vmem>>
    tpu.enqueue_dma source(%dma_start3A_2868 : memref<256xf32, #tpu.memory_space<vmem>>) target(%dma_start3A_2866 : memref<256xf32, #tpu.memory_space<vmem_shared>>) target_semaphore(%arg8 : memref<!tpu.dma_semaphore, #tpu.memory_space<semaphore_mem>>)
    %dma_start3A_2869 = arith.constant 1 : i32
    %dma_start3A_2870 = arith.constant 256 : i32
    %dma_start3A_2871 = tpu.memref_slice %arg6[%dma_start3A_2870] : memref<8192xf32, #tpu.memory_space<vmem>> -> memref<256xf32, #tpu.memory_space<vmem>>
    %dma_start3A_2872 = arith.constant 0 : i32
    %dma_start3A_2873 = tpu.memref_slice %arg7[%arg1, %dma_start3A_2869, %dma_start3A_2872] : memref<16x32x256xf32, #tpu.memory_space<vmem_shared>> -> memref<1x1x256xf32, #tpu.memory_space<vmem_shared>>
    %dma_start3A_2874 = tpu.memref_squeeze %dma_start3A_2873 : memref<1x1x256xf32, #tpu.memory_space<vmem_shared>> -> memref<256xf32, #tpu.memory_space<vmem_shared>>
    %dma_start3A_2875 = arith.constant 0 : i32
    %dma_start3A_2876 = tpu.memref_slice %arg7[%arg1, %dma_start3A_2869, %dma_start3A_2875] : memref<16x32x256xf32, #tpu.memory_space<vmem_shared>> -> memref<1x1x256xf32, #tpu.memory_space<vmem_shared>>
    %dma_start3A_2877 = tpu.memref_squeeze %dma_start3A_2876 : memref<1x1x256xf32, #tpu.memory_space<vmem_shared>> -> memref<256xf32, #tpu.memory_space<vmem_shared>>
    %dma_start3A_2878 = arith.constant 256 : i32
    %dma_start3A_2879 = tpu.memref_slice %arg6[%dma_start3A_2878] : memref<8192xf32, #tpu.memory_space<vmem>> -> memref<256xf32, #tpu.memory_space<vmem>>
    tpu.enqueue_dma source(%dma_start3A_2879 : memref<256xf32, #tpu.memory_space<vmem>>) target(%dma_start3A_2877 : memref<256xf32, #tpu.memory_space<vmem_shared>>) target_semaphore(%arg8 : memref<!tpu.dma_semaphore, #tpu.memory_space<semaphore_mem>>)
    %dma_start3A_2880 = arith.constant 2 : i32
    %dma_start3A_2881 = arith.constant 512 : i32
    %dma_start3A_2882 = tpu.memref_slice %arg6[%dma_start3A_2881] : memref<8192xf32, #tpu.memory_space<vmem>> -> memref<256xf32, #tpu.memory_space<vmem>>
    %dma_start3A_2883 = arith.constant 0 : i32
    %dma_start3A_2884 = tpu.memref_slice %arg7[%arg1, %dma_start3A_2880, %dma_start3A_2883] : memref<16x32x256xf32, #tpu.memory_space<vmem_shared>> -> memref<1x1x256xf32, #tpu.memory_space<vmem_shared>>
    %dma_start3A_2885 = tpu.memref_squeeze %dma_start3A_2884 : memref<1x1x256xf32, #tpu.memory_space<vmem_shared>> -> memref<256xf32, #tpu.memory_space<vmem_shared>>
    %dma_start3A_2886 = arith.constant 0 : i32
    %dma_start3A_2887 = tpu.memref_slice %arg7[%arg1, %dma_start3A_2880, %dma_start3A_2886] : memref<16x32x256xf32, #tpu.memory_space<vmem_shared>> -> memref<1x1x256xf32, #tpu.memory_space<vmem_shared>>
    %dma_start3A_2888 = tpu.memref_squeeze %dma_start3A_2887 : memref<1x1x256xf32, #tpu.memory_space<vmem_shared>> -> memref<256xf32, #tpu.memory_space<vmem_shared>>
    %dma_start3A_2889 = arith.constant 512 : i32
    %dma_start3A_2890 = tpu.memref_slice %arg6[%dma_start3A_2889] : memref<8192xf32, #tpu.memory_space<vmem>> -> memref<256xf32, #tpu.memory_space<vmem>>
    tpu.enqueue_dma source(%dma_start3A_2890 : memref<256xf32, #tpu.memory_space<vmem>>) target(%dma_start3A_2888 : memref<256xf32, #tpu.memory_space<vmem_shared>>) target_semaphore(%arg8 : memref<!tpu.dma_semaphore, #tpu.memory_space<semaphore_mem>>)
    %dma_start3A_2891 = arith.constant 3 : i32
    %dma_start3A_2892 = arith.constant 768 : i32
    %dma_start3A_2893 = tpu.memref_slice %arg6[%dma_start3A_2892] : memref<8192xf32, #tpu.memory_space<vmem>> -> memref<256xf32, #tpu.memory_space<vmem>>
    %dma_start3A_2894 = arith.constant 0 : i32
    %dma_start3A_2895 = tpu.memref_slice %arg7[%arg1, %dma_start3A_2891, %dma_start3A_2894] : memref<16x32x256xf32, #tpu.memory_space<vmem_shared>> -> memref<1x1x256xf32, #tpu.memory_space<vmem_shared>>
    %dma_start3A_2896 = tpu.memref_squeeze %dma_start3A_2895 : memref<1x1x256xf32, #tpu.memory_space<vmem_shared>> -> memref<256xf32, #tpu.memory_space<vmem_shared>>
    %dma_start3A_2897 = arith.constant 0 : i32
    %dma_start3A_2898 = tpu.memref_slice %arg7[%arg1, %dma_start3A_2891, %dma_start3A_2897] : memref<16x32x256xf32, #tpu.memory_space<vmem_shared>> -> memref<1x1x256xf32, #tpu.memory_space<vmem_shared>>
    %dma_start3A_2899 = tpu.memref_squeeze %dma_start3A_2898 : memref<1x1x256xf32, #tpu.memory_space<vmem_shared>> -> memref<256xf32, #tpu.memory_space<vmem_shared>>
    %dma_start3A_2900 = arith.constant 768 : i32
    %dma_start3A_2901 = tpu.memref_slice %arg6[%dma_start3A_2900] : memref<8192xf32, #tpu.memory_space<vmem>> -> memref<256xf32, #tpu.memory_space<vmem>>
    tpu.enqueue_dma source(%dma_start3A_2901 : memref<256xf32, #tpu.memory_space<vmem>>) target(%dma_start3A_2899 : memref<256xf32, #tpu.memory_space<vmem_shared>>) target_semaphore(%arg8 : memref<!tpu.dma_semaphore, #tpu.memory_space<semaphore_mem>>)
    %dma_start3A_2902 = arith.constant 4 : i32
    %dma_start3A_2903 = arith.constant 1024 : i32
    %dma_start3A_2904 = tpu.memref_slice %arg6[%dma_start3A_2903] : memref<8192xf32, #tpu.memory_space<vmem>> -> memref<256xf32, #tpu.memory_space<vmem>>
    %dma_start3A_2905 = arith.constant 0 : i32
    %dma_start3A_2906 = tpu.memref_slice %arg7[%arg1, %dma_start3A_2902, %dma_start3A_2905] : memref<16x32x256xf32, #tpu.memory_space<vmem_shared>> -> memref<1x1x256xf32, #tpu.memory_space<vmem_shared>>
    %dma_start3A_2907 = tpu.memref_squeeze %dma_start3A_2906 : memref<1x1x256xf32, #tpu.memory_space<vmem_shared>> -> memref<256xf32, #tpu.memory_space<vmem_shared>>
    %dma_start3A_2908 = arith.constant 0 : i32
    %dma_start3A_2909 = tpu.memref_slice %arg7[%arg1, %dma_start3A_2902, %dma_start3A_2908] : memref<16x32x256xf32, #tpu.memory_space<vmem_shared>> -> memref<1x1x256xf32, #tpu.memory_space<vmem_shared>>
    %dma_start3A_2910 = tpu.memref_squeeze %dma_start3A_2909 : memref<1x1x256xf32, #tpu.memory_space<vmem_shared>> -> memref<256xf32, #tpu.memory_space<vmem_shared>>
    %dma_start3A_2911 = arith.constant 1024 : i32
    %dma_start3A_2912 = tpu.memref_slice %arg6[%dma_start3A_2911] : memref<8192xf32, #tpu.memory_space<vmem>> -> memref<256xf32, #tpu.memory_space<vmem>>
    tpu.enqueue_dma source(%dma_start3A_2912 : memref<256xf32, #tpu.memory_space<vmem>>) target(%dma_start3A_2910 : memref<256xf32, #tpu.memory_space<vmem_shared>>) target_semaphore(%arg8 : memref<!tpu.dma_semaphore, #tpu.memory_space<semaphore_mem>>)
    %dma_start3A_2913 = arith.constant 5 : i32
    %dma_start3A_2914 = arith.constant 1280 : i32
    %dma_start3A_2915 = tpu.memref_slice %arg6[%dma_start3A_2914] : memref<8192xf32, #tpu.memory_space<vmem>> -> memref<256xf32, #tpu.memory_space<vmem>>
    %dma_start3A_2916 = arith.constant 0 : i32
    %dma_start3A_2917 = tpu.memref_slice %arg7[%arg1, %dma_start3A_2913, %dma_start3A_2916] : memref<16x32x256xf32, #tpu.memory_space<vmem_shared>> -> memref<1x1x256xf32, #tpu.memory_space<vmem_shared>>
    %dma_start3A_2918 = tpu.memref_squeeze %dma_start3A_2917 : memref<1x1x256xf32, #tpu.memory_space<vmem_shared>> -> memref<256xf32, #tpu.memory_space<vmem_shared>>
    %dma_start3A_2919 = arith.constant 0 : i32
    %dma_start3A_2920 = tpu.memref_slice %arg7[%arg1, %dma_start3A_2913, %dma_start3A_2919] : memref<16x32x256xf32, #tpu.memory_space<vmem_shared>> -> memref<1x1x256xf32, #tpu.memory_space<vmem_shared>>
    %dma_start3A_2921 = tpu.memref_squeeze %dma_start3A_2920 : memref<1x1x256xf32, #tpu.memory_space<vmem_shared>> -> memref<256xf32, #tpu.memory_space<vmem_shared>>
    %dma_start3A_2922 = arith.constant 1280 : i32
    %dma_start3A_2923 = tpu.memref_slice %arg6[%dma_start3A_2922] : memref<8192xf32, #tpu.memory_space<vmem>> -> memref<256xf32, #tpu.memory_space<vmem>>
    tpu.enqueue_dma source(%dma_start3A_2923 : memref<256xf32, #tpu.memory_space<vmem>>) target(%dma_start3A_2921 : memref<256xf32, #tpu.memory_space<vmem_shared>>) target_semaphore(%arg8 : memref<!tpu.dma_semaphore, #tpu.memory_space<semaphore_mem>>)
    %dma_start3A_2924 = arith.constant 6 : i32
    %dma_start3A_2925 = arith.constant 1536 : i32
    %dma_start3A_2926 = tpu.memref_slice %arg6[%dma_start3A_2925] : memref<8192xf32, #tpu.memory_space<vmem>> -> memref<256xf32, #tpu.memory_space<vmem>>
    %dma_start3A_2927 = arith.constant 0 : i32
    %dma_start3A_2928 = tpu.memref_slice %arg7[%arg1, %dma_start3A_2924, %dma_start3A_2927] : memref<16x32x256xf32, #tpu.memory_space<vmem_shared>> -> memref<1x1x256xf32, #tpu.memory_space<vmem_shared>>
    %dma_start3A_2929 = tpu.memref_squeeze %dma_start3A_2928 : memref<1x1x256xf32, #tpu.memory_space<vmem_shared>> -> memref<256xf32, #tpu.memory_space<vmem_shared>>
    %dma_start3A_2930 = arith.constant 0 : i32
    %dma_start3A_2931 = tpu.memref_slice %arg7[%arg1, %dma_start3A_2924, %dma_start3A_2930] : memref<16x32x256xf32, #tpu.memory_space<vmem_shared>> -> memref<1x1x256xf32, #tpu.memory_space<vmem_shared>>
    %dma_start3A_2932 = tpu.memref_squeeze %dma_start3A_2931 : memref<1x1x256xf32, #tpu.memory_space<vmem_shared>> -> memref<256xf32, #tpu.memory_space<vmem_shared>>
    %dma_start3A_2933 = arith.constant 1536 : i32
    %dma_start3A_2934 = tpu.memref_slice %arg6[%dma_start3A_2933] : memref<8192xf32, #tpu.memory_space<vmem>> -> memref<256xf32, #tpu.memory_space<vmem>>
    tpu.enqueue_dma source(%dma_start3A_2934 : memref<256xf32, #tpu.memory_space<vmem>>) target(%dma_start3A_2932 : memref<256xf32, #tpu.memory_space<vmem_shared>>) target_semaphore(%arg8 : memref<!tpu.dma_semaphore, #tpu.memory_space<semaphore_mem>>)
    %dma_start3A_2935 = arith.constant 7 : i32
    %dma_start3A_2936 = arith.constant 1792 : i32
    %dma_start3A_2937 = tpu.memref_slice %arg6[%dma_start3A_2936] : memref<8192xf32, #tpu.memory_space<vmem>> -> memref<256xf32, #tpu.memory_space<vmem>>
    %dma_start3A_2938 = arith.constant 0 : i32
    %dma_start3A_2939 = tpu.memref_slice %arg7[%arg1, %dma_start3A_2935, %dma_start3A_2938] : memref<16x32x256xf32, #tpu.memory_space<vmem_shared>> -> memref<1x1x256xf32, #tpu.memory_space<vmem_shared>>
    %dma_start3A_2940 = tpu.memref_squeeze %dma_start3A_2939 : memref<1x1x256xf32, #tpu.memory_space<vmem_shared>> -> memref<256xf32, #tpu.memory_space<vmem_shared>>
    %dma_start3A_2941 = arith.constant 0 : i32
    %dma_start3A_2942 = tpu.memref_slice %arg7[%arg1, %dma_start3A_2935, %dma_start3A_2941] : memref<16x32x256xf32, #tpu.memory_space<vmem_shared>> -> memref<1x1x256xf32, #tpu.memory_space<vmem_shared>>
    %dma_start3A_2943 = tpu.memref_squeeze %dma_start3A_2942 : memref<1x1x256xf32, #tpu.memory_space<vmem_shared>> -> memref<256xf32, #tpu.memory_space<vmem_shared>>
    %dma_start3A_2944 = arith.constant 1792 : i32
    %dma_start3A_2945 = tpu.memref_slice %arg6[%dma_start3A_2944] : memref<8192xf32, #tpu.memory_space<vmem>> -> memref<256xf32, #tpu.memory_space<vmem>>
    tpu.enqueue_dma source(%dma_start3A_2945 : memref<256xf32, #tpu.memory_space<vmem>>) target(%dma_start3A_2943 : memref<256xf32, #tpu.memory_space<vmem_shared>>) target_semaphore(%arg8 : memref<!tpu.dma_semaphore, #tpu.memory_space<semaphore_mem>>)
    %dma_start3A_2946 = arith.constant 8 : i32
    %dma_start3A_2947 = arith.constant 2048 : i32
    %dma_start3A_2948 = tpu.memref_slice %arg6[%dma_start3A_2947] : memref<8192xf32, #tpu.memory_space<vmem>> -> memref<256xf32, #tpu.memory_space<vmem>>
    %dma_start3A_2949 = arith.constant 0 : i32
    %dma_start3A_2950 = tpu.memref_slice %arg7[%arg1, %dma_start3A_2946, %dma_start3A_2949] : memref<16x32x256xf32, #tpu.memory_space<vmem_shared>> -> memref<1x1x256xf32, #tpu.memory_space<vmem_shared>>
    %dma_start3A_2951 = tpu.memref_squeeze %dma_start3A_2950 : memref<1x1x256xf32, #tpu.memory_space<vmem_shared>> -> memref<256xf32, #tpu.memory_space<vmem_shared>>
    %dma_start3A_2952 = arith.constant 0 : i32
    %dma_start3A_2953 = tpu.memref_slice %arg7[%arg1, %dma_start3A_2946, %dma_start3A_2952] : memref<16x32x256xf32, #tpu.memory_space<vmem_shared>> -> memref<1x1x256xf32, #tpu.memory_space<vmem_shared>>
    %dma_start3A_2954 = tpu.memref_squeeze %dma_start3A_2953 : memref<1x1x256xf32, #tpu.memory_space<vmem_shared>> -> memref<256xf32, #tpu.memory_space<vmem_shared>>
    %dma_start3A_2955 = arith.constant 2048 : i32
    %dma_start3A_2956 = tpu.memref_slice %arg6[%dma_start3A_2955] : memref<8192xf32, #tpu.memory_space<vmem>> -> memref<256xf32, #tpu.memory_space<vmem>>
    tpu.enqueue_dma source(%dma_start3A_2956 : memref<256xf32, #tpu.memory_space<vmem>>) target(%dma_start3A_2954 : memref<256xf32, #tpu.memory_space<vmem_shared>>) target_semaphore(%arg8 : memref<!tpu.dma_semaphore, #tpu.memory_space<semaphore_mem>>)
    %dma_start3A_2957 = arith.constant 9 : i32
    %dma_start3A_2958 = arith.constant 2304 : i32
    %dma_start3A_2959 = tpu.memref_slice %arg6[%dma_start3A_2958] : memref<8192xf32, #tpu.memory_space<vmem>> -> memref<256xf32, #tpu.memory_space<vmem>>
    %dma_start3A_2960 = arith.constant 0 : i32
    %dma_start3A_2961 = tpu.memref_slice %arg7[%arg1, %dma_start3A_2957, %dma_start3A_2960] : memref<16x32x256xf32, #tpu.memory_space<vmem_shared>> -> memref<1x1x256xf32, #tpu.memory_space<vmem_shared>>
    %dma_start3A_2962 = tpu.memref_squeeze %dma_start3A_2961 : memref<1x1x256xf32, #tpu.memory_space<vmem_shared>> -> memref<256xf32, #tpu.memory_space<vmem_shared>>
    %dma_start3A_2963 = arith.constant 0 : i32
    %dma_start3A_2964 = tpu.memref_slice %arg7[%arg1, %dma_start3A_2957, %dma_start3A_2963] : memref<16x32x256xf32, #tpu.memory_space<vmem_shared>> -> memref<1x1x256xf32, #tpu.memory_space<vmem_shared>>
    %dma_start3A_2965 = tpu.memref_squeeze %dma_start3A_2964 : memref<1x1x256xf32, #tpu.memory_space<vmem_shared>> -> memref<256xf32, #tpu.memory_space<vmem_shared>>
    %dma_start3A_2966 = arith.constant 2304 : i32
    %dma_start3A_2967 = tpu.memref_slice %arg6[%dma_start3A_2966] : memref<8192xf32, #tpu.memory_space<vmem>> -> memref<256xf32, #tpu.memory_space<vmem>>
    tpu.enqueue_dma source(%dma_start3A_2967 : memref<256xf32, #tpu.memory_space<vmem>>) target(%dma_start3A_2965 : memref<256xf32, #tpu.memory_space<vmem_shared>>) target_semaphore(%arg8 : memref<!tpu.dma_semaphore, #tpu.memory_space<semaphore_mem>>)
    %dma_start3A_2968 = arith.constant 10 : i32
    %dma_start3A_2969 = arith.constant 2560 : i32
    %dma_start3A_2970 = tpu.memref_slice %arg6[%dma_start3A_2969] : memref<8192xf32, #tpu.memory_space<vmem>> -> memref<256xf32, #tpu.memory_space<vmem>>
    %dma_start3A_2971 = arith.constant 0 : i32
    %dma_start3A_2972 = tpu.memref_slice %arg7[%arg1, %dma_start3A_2968, %dma_start3A_2971] : memref<16x32x256xf32, #tpu.memory_space<vmem_shared>> -> memref<1x1x256xf32, #tpu.memory_space<vmem_shared>>
    %dma_start3A_2973 = tpu.memref_squeeze %dma_start3A_2972 : memref<1x1x256xf32, #tpu.memory_space<vmem_shared>> -> memref<256xf32, #tpu.memory_space<vmem_shared>>
    %dma_start3A_2974 = arith.constant 0 : i32
    %dma_start3A_2975 = tpu.memref_slice %arg7[%arg1, %dma_start3A_2968, %dma_start3A_2974] : memref<16x32x256xf32, #tpu.memory_space<vmem_shared>> -> memref<1x1x256xf32, #tpu.memory_space<vmem_shared>>
    %dma_start3A_2976 = tpu.memref_squeeze %dma_start3A_2975 : memref<1x1x256xf32, #tpu.memory_space<vmem_shared>> -> memref<256xf32, #tpu.memory_space<vmem_shared>>
    %dma_start3A_2977 = arith.constant 2560 : i32
    %dma_start3A_2978 = tpu.memref_slice %arg6[%dma_start3A_2977] : memref<8192xf32, #tpu.memory_space<vmem>> -> memref<256xf32, #tpu.memory_space<vmem>>
    tpu.enqueue_dma source(%dma_start3A_2978 : memref<256xf32, #tpu.memory_space<vmem>>) target(%dma_start3A_2976 : memref<256xf32, #tpu.memory_space<vmem_shared>>) target_semaphore(%arg8 : memref<!tpu.dma_semaphore, #tpu.memory_space<semaphore_mem>>)
    %dma_start3A_2979 = arith.constant 11 : i32
    %dma_start3A_2980 = arith.constant 2816 : i32
    %dma_start3A_2981 = tpu.memref_slice %arg6[%dma_start3A_2980] : memref<8192xf32, #tpu.memory_space<vmem>> -> memref<256xf32, #tpu.memory_space<vmem>>
    %dma_start3A_2982 = arith.constant 0 : i32
    %dma_start3A_2983 = tpu.memref_slice %arg7[%arg1, %dma_start3A_2979, %dma_start3A_2982] : memref<16x32x256xf32, #tpu.memory_space<vmem_shared>> -> memref<1x1x256xf32, #tpu.memory_space<vmem_shared>>
    %dma_start3A_2984 = tpu.memref_squeeze %dma_start3A_2983 : memref<1x1x256xf32, #tpu.memory_space<vmem_shared>> -> memref<256xf32, #tpu.memory_space<vmem_shared>>
    %dma_start3A_2985 = arith.constant 0 : i32
    %dma_start3A_2986 = tpu.memref_slice %arg7[%arg1, %dma_start3A_2979, %dma_start3A_2985] : memref<16x32x256xf32, #tpu.memory_space<vmem_shared>> -> memref<1x1x256xf32, #tpu.memory_space<vmem_shared>>
    %dma_start3A_2987 = tpu.memref_squeeze %dma_start3A_2986 : memref<1x1x256xf32, #tpu.memory_space<vmem_shared>> -> memref<256xf32, #tpu.memory_space<vmem_shared>>
    %dma_start3A_2988 = arith.constant 2816 : i32
    %dma_start3A_2989 = tpu.memref_slice %arg6[%dma_start3A_2988] : memref<8192xf32, #tpu.memory_space<vmem>> -> memref<256xf32, #tpu.memory_space<vmem>>
    tpu.enqueue_dma source(%dma_start3A_2989 : memref<256xf32, #tpu.memory_space<vmem>>) target(%dma_start3A_2987 : memref<256xf32, #tpu.memory_space<vmem_shared>>) target_semaphore(%arg8 : memref<!tpu.dma_semaphore, #tpu.memory_space<semaphore_mem>>)
    %dma_start3A_2990 = arith.constant 12 : i32
    %dma_start3A_2991 = arith.constant 3072 : i32
    %dma_start3A_2992 = tpu.memref_slice %arg6[%dma_start3A_2991] : memref<8192xf32, #tpu.memory_space<vmem>> -> memref<256xf32, #tpu.memory_space<vmem>>
    %dma_start3A_2993 = arith.constant 0 : i32
    %dma_start3A_2994 = tpu.memref_slice %arg7[%arg1, %dma_start3A_2990, %dma_start3A_2993] : memref<16x32x256xf32, #tpu.memory_space<vmem_shared>> -> memref<1x1x256xf32, #tpu.memory_space<vmem_shared>>
    %dma_start3A_2995 = tpu.memref_squeeze %dma_start3A_2994 : memref<1x1x256xf32, #tpu.memory_space<vmem_shared>> -> memref<256xf32, #tpu.memory_space<vmem_shared>>
    %dma_start3A_2996 = arith.constant 0 : i32
    %dma_start3A_2997 = tpu.memref_slice %arg7[%arg1, %dma_start3A_2990, %dma_start3A_2996] : memref<16x32x256xf32, #tpu.memory_space<vmem_shared>> -> memref<1x1x256xf32, #tpu.memory_space<vmem_shared>>
    %dma_start3A_2998 = tpu.memref_squeeze %dma_start3A_2997 : memref<1x1x256xf32, #tpu.memory_space<vmem_shared>> -> memref<256xf32, #tpu.memory_space<vmem_shared>>
    %dma_start3A_2999 = arith.constant 3072 : i32
    %dma_start3A_3000 = tpu.memref_slice %arg6[%dma_start3A_2999] : memref<8192xf32, #tpu.memory_space<vmem>> -> memref<256xf32, #tpu.memory_space<vmem>>
    tpu.enqueue_dma source(%dma_start3A_3000 : memref<256xf32, #tpu.memory_space<vmem>>) target(%dma_start3A_2998 : memref<256xf32, #tpu.memory_space<vmem_shared>>) target_semaphore(%arg8 : memref<!tpu.dma_semaphore, #tpu.memory_space<semaphore_mem>>)
    %dma_start3A_3001 = arith.constant 13 : i32
    %dma_start3A_3002 = arith.constant 3328 : i32
    %dma_start3A_3003 = tpu.memref_slice %arg6[%dma_start3A_3002] : memref<8192xf32, #tpu.memory_space<vmem>> -> memref<256xf32, #tpu.memory_space<vmem>>
    %dma_start3A_3004 = arith.constant 0 : i32
    %dma_start3A_3005 = tpu.memref_slice %arg7[%arg1, %dma_start3A_3001, %dma_start3A_3004] : memref<16x32x256xf32, #tpu.memory_space<vmem_shared>> -> memref<1x1x256xf32, #tpu.memory_space<vmem_shared>>
    %dma_start3A_3006 = tpu.memref_squeeze %dma_start3A_3005 : memref<1x1x256xf32, #tpu.memory_space<vmem_shared>> -> memref<256xf32, #tpu.memory_space<vmem_shared>>
    %dma_start3A_3007 = arith.constant 0 : i32
    %dma_start3A_3008 = tpu.memref_slice %arg7[%arg1, %dma_start3A_3001, %dma_start3A_3007] : memref<16x32x256xf32, #tpu.memory_space<vmem_shared>> -> memref<1x1x256xf32, #tpu.memory_space<vmem_shared>>
    %dma_start3A_3009 = tpu.memref_squeeze %dma_start3A_3008 : memref<1x1x256xf32, #tpu.memory_space<vmem_shared>> -> memref<256xf32, #tpu.memory_space<vmem_shared>>
    %dma_start3A_3010 = arith.constant 3328 : i32
    %dma_start3A_3011 = tpu.memref_slice %arg6[%dma_start3A_3010] : memref<8192xf32, #tpu.memory_space<vmem>> -> memref<256xf32, #tpu.memory_space<vmem>>
    tpu.enqueue_dma source(%dma_start3A_3011 : memref<256xf32, #tpu.memory_space<vmem>>) target(%dma_start3A_3009 : memref<256xf32, #tpu.memory_space<vmem_shared>>) target_semaphore(%arg8 : memref<!tpu.dma_semaphore, #tpu.memory_space<semaphore_mem>>)
    %dma_start3A_3012 = arith.constant 14 : i32
    %dma_start3A_3013 = arith.constant 3584 : i32
    %dma_start3A_3014 = tpu.memref_slice %arg6[%dma_start3A_3013] : memref<8192xf32, #tpu.memory_space<vmem>> -> memref<256xf32, #tpu.memory_space<vmem>>
    %dma_start3A_3015 = arith.constant 0 : i32
    %dma_start3A_3016 = tpu.memref_slice %arg7[%arg1, %dma_start3A_3012, %dma_start3A_3015] : memref<16x32x256xf32, #tpu.memory_space<vmem_shared>> -> memref<1x1x256xf32, #tpu.memory_space<vmem_shared>>
    %dma_start3A_3017 = tpu.memref_squeeze %dma_start3A_3016 : memref<1x1x256xf32, #tpu.memory_space<vmem_shared>> -> memref<256xf32, #tpu.memory_space<vmem_shared>>
    %dma_start3A_3018 = arith.constant 0 : i32
    %dma_start3A_3019 = tpu.memref_slice %arg7[%arg1, %dma_start3A_3012, %dma_start3A_3018] : memref<16x32x256xf32, #tpu.memory_space<vmem_shared>> -> memref<1x1x256xf32, #tpu.memory_space<vmem_shared>>
    %dma_start3A_3020 = tpu.memref_squeeze %dma_start3A_3019 : memref<1x1x256xf32, #tpu.memory_space<vmem_shared>> -> memref<256xf32, #tpu.memory_space<vmem_shared>>
    %dma_start3A_3021 = arith.constant 3584 : i32
    %dma_start3A_3022 = tpu.memref_slice %arg6[%dma_start3A_3021] : memref<8192xf32, #tpu.memory_space<vmem>> -> memref<256xf32, #tpu.memory_space<vmem>>
    tpu.enqueue_dma source(%dma_start3A_3022 : memref<256xf32, #tpu.memory_space<vmem>>) target(%dma_start3A_3020 : memref<256xf32, #tpu.memory_space<vmem_shared>>) target_semaphore(%arg8 : memref<!tpu.dma_semaphore, #tpu.memory_space<semaphore_mem>>)
    %dma_start3A_3023 = arith.constant 15 : i32
    %dma_start3A_3024 = arith.constant 3840 : i32
    %dma_start3A_3025 = tpu.memref_slice %arg6[%dma_start3A_3024] : memref<8192xf32, #tpu.memory_space<vmem>> -> memref<256xf32, #tpu.memory_space<vmem>>
    %dma_start3A_3026 = arith.constant 0 : i32
    %dma_start3A_3027 = tpu.memref_slice %arg7[%arg1, %dma_start3A_3023, %dma_start3A_3026] : memref<16x32x256xf32, #tpu.memory_space<vmem_shared>> -> memref<1x1x256xf32, #tpu.memory_space<vmem_shared>>
    %dma_start3A_3028 = tpu.memref_squeeze %dma_start3A_3027 : memref<1x1x256xf32, #tpu.memory_space<vmem_shared>> -> memref<256xf32, #tpu.memory_space<vmem_shared>>
    %dma_start3A_3029 = arith.constant 0 : i32
    %dma_start3A_3030 = tpu.memref_slice %arg7[%arg1, %dma_start3A_3023, %dma_start3A_3029] : memref<16x32x256xf32, #tpu.memory_space<vmem_shared>> -> memref<1x1x256xf32, #tpu.memory_space<vmem_shared>>
    %dma_start3A_3031 = tpu.memref_squeeze %dma_start3A_3030 : memref<1x1x256xf32, #tpu.memory_space<vmem_shared>> -> memref<256xf32, #tpu.memory_space<vmem_shared>>
    %dma_start3A_3032 = arith.constant 3840 : i32
    %dma_start3A_3033 = tpu.memref_slice %arg6[%dma_start3A_3032] : memref<8192xf32, #tpu.memory_space<vmem>> -> memref<256xf32, #tpu.memory_space<vmem>>
    tpu.enqueue_dma source(%dma_start3A_3033 : memref<256xf32, #tpu.memory_space<vmem>>) target(%dma_start3A_3031 : memref<256xf32, #tpu.memory_space<vmem_shared>>) target_semaphore(%arg8 : memref<!tpu.dma_semaphore, #tpu.memory_space<semaphore_mem>>)
    %dma_start3A_3034 = arith.constant 16 : i32
    %dma_start3A_3035 = arith.constant 4096 : i32
    %dma_start3A_3036 = tpu.memref_slice %arg6[%dma_start3A_3035] : memref<8192xf32, #tpu.memory_space<vmem>> -> memref<256xf32, #tpu.memory_space<vmem>>
    %dma_start3A_3037 = arith.constant 0 : i32
    %dma_start3A_3038 = tpu.memref_slice %arg7[%arg1, %dma_start3A_3034, %dma_start3A_3037] : memref<16x32x256xf32, #tpu.memory_space<vmem_shared>> -> memref<1x1x256xf32, #tpu.memory_space<vmem_shared>>
    %dma_start3A_3039 = tpu.memref_squeeze %dma_start3A_3038 : memref<1x1x256xf32, #tpu.memory_space<vmem_shared>> -> memref<256xf32, #tpu.memory_space<vmem_shared>>
    %dma_start3A_3040 = arith.constant 0 : i32
    %dma_start3A_3041 = tpu.memref_slice %arg7[%arg1, %dma_start3A_3034, %dma_start3A_3040] : memref<16x32x256xf32, #tpu.memory_space<vmem_shared>> -> memref<1x1x256xf32, #tpu.memory_space<vmem_shared>>
    %dma_start3A_3042 = tpu.memref_squeeze %dma_start3A_3041 : memref<1x1x256xf32, #tpu.memory_space<vmem_shared>> -> memref<256xf32, #tpu.memory_space<vmem_shared>>
    %dma_start3A_3043 = arith.constant 4096 : i32
    %dma_start3A_3044 = tpu.memref_slice %arg6[%dma_start3A_3043] : memref<8192xf32, #tpu.memory_space<vmem>> -> memref<256xf32, #tpu.memory_space<vmem>>
    tpu.enqueue_dma source(%dma_start3A_3044 : memref<256xf32, #tpu.memory_space<vmem>>) target(%dma_start3A_3042 : memref<256xf32, #tpu.memory_space<vmem_shared>>) target_semaphore(%arg8 : memref<!tpu.dma_semaphore, #tpu.memory_space<semaphore_mem>>)
    %dma_start3A_3045 = arith.constant 17 : i32
    %dma_start3A_3046 = arith.constant 4352 : i32
    %dma_start3A_3047 = tpu.memref_slice %arg6[%dma_start3A_3046] : memref<8192xf32, #tpu.memory_space<vmem>> -> memref<256xf32, #tpu.memory_space<vmem>>
    %dma_start3A_3048 = arith.constant 0 : i32
    %dma_start3A_3049 = tpu.memref_slice %arg7[%arg1, %dma_start3A_3045, %dma_start3A_3048] : memref<16x32x256xf32, #tpu.memory_space<vmem_shared>> -> memref<1x1x256xf32, #tpu.memory_space<vmem_shared>>
    %dma_start3A_3050 = tpu.memref_squeeze %dma_start3A_3049 : memref<1x1x256xf32, #tpu.memory_space<vmem_shared>> -> memref<256xf32, #tpu.memory_space<vmem_shared>>
    %dma_start3A_3051 = arith.constant 0 : i32
    %dma_start3A_3052 = tpu.memref_slice %arg7[%arg1, %dma_start3A_3045, %dma_start3A_3051] : memref<16x32x256xf32, #tpu.memory_space<vmem_shared>> -> memref<1x1x256xf32, #tpu.memory_space<vmem_shared>>
    %dma_start3A_3053 = tpu.memref_squeeze %dma_start3A_3052 : memref<1x1x256xf32, #tpu.memory_space<vmem_shared>> -> memref<256xf32, #tpu.memory_space<vmem_shared>>
    %dma_start3A_3054 = arith.constant 4352 : i32
    %dma_start3A_3055 = tpu.memref_slice %arg6[%dma_start3A_3054] : memref<8192xf32, #tpu.memory_space<vmem>> -> memref<256xf32, #tpu.memory_space<vmem>>
    tpu.enqueue_dma source(%dma_start3A_3055 : memref<256xf32, #tpu.memory_space<vmem>>) target(%dma_start3A_3053 : memref<256xf32, #tpu.memory_space<vmem_shared>>) target_semaphore(%arg8 : memref<!tpu.dma_semaphore, #tpu.memory_space<semaphore_mem>>)
    %dma_start3A_3056 = arith.constant 18 : i32
    %dma_start3A_3057 = arith.constant 4608 : i32
    %dma_start3A_3058 = tpu.memref_slice %arg6[%dma_start3A_3057] : memref<8192xf32, #tpu.memory_space<vmem>> -> memref<256xf32, #tpu.memory_space<vmem>>
    %dma_start3A_3059 = arith.constant 0 : i32
    %dma_start3A_3060 = tpu.memref_slice %arg7[%arg1, %dma_start3A_3056, %dma_start3A_3059] : memref<16x32x256xf32, #tpu.memory_space<vmem_shared>> -> memref<1x1x256xf32, #tpu.memory_space<vmem_shared>>
    %dma_start3A_3061 = tpu.memref_squeeze %dma_start3A_3060 : memref<1x1x256xf32, #tpu.memory_space<vmem_shared>> -> memref<256xf32, #tpu.memory_space<vmem_shared>>
    %dma_start3A_3062 = arith.constant 0 : i32
    %dma_start3A_3063 = tpu.memref_slice %arg7[%arg1, %dma_start3A_3056, %dma_start3A_3062] : memref<16x32x256xf32, #tpu.memory_space<vmem_shared>> -> memref<1x1x256xf32, #tpu.memory_space<vmem_shared>>
    %dma_start3A_3064 = tpu.memref_squeeze %dma_start3A_3063 : memref<1x1x256xf32, #tpu.memory_space<vmem_shared>> -> memref<256xf32, #tpu.memory_space<vmem_shared>>
    %dma_start3A_3065 = arith.constant 4608 : i32
    %dma_start3A_3066 = tpu.memref_slice %arg6[%dma_start3A_3065] : memref<8192xf32, #tpu.memory_space<vmem>> -> memref<256xf32, #tpu.memory_space<vmem>>
    tpu.enqueue_dma source(%dma_start3A_3066 : memref<256xf32, #tpu.memory_space<vmem>>) target(%dma_start3A_3064 : memref<256xf32, #tpu.memory_space<vmem_shared>>) target_semaphore(%arg8 : memref<!tpu.dma_semaphore, #tpu.memory_space<semaphore_mem>>)
    %dma_start3A_3067 = arith.constant 19 : i32
    %dma_start3A_3068 = arith.constant 4864 : i32
    %dma_start3A_3069 = tpu.memref_slice %arg6[%dma_start3A_3068] : memref<8192xf32, #tpu.memory_space<vmem>> -> memref<256xf32, #tpu.memory_space<vmem>>
    %dma_start3A_3070 = arith.constant 0 : i32
    %dma_start3A_3071 = tpu.memref_slice %arg7[%arg1, %dma_start3A_3067, %dma_start3A_3070] : memref<16x32x256xf32, #tpu.memory_space<vmem_shared>> -> memref<1x1x256xf32, #tpu.memory_space<vmem_shared>>
    %dma_start3A_3072 = tpu.memref_squeeze %dma_start3A_3071 : memref<1x1x256xf32, #tpu.memory_space<vmem_shared>> -> memref<256xf32, #tpu.memory_space<vmem_shared>>
    %dma_start3A_3073 = arith.constant 0 : i32
    %dma_start3A_3074 = tpu.memref_slice %arg7[%arg1, %dma_start3A_3067, %dma_start3A_3073] : memref<16x32x256xf32, #tpu.memory_space<vmem_shared>> -> memref<1x1x256xf32, #tpu.memory_space<vmem_shared>>
    %dma_start3A_3075 = tpu.memref_squeeze %dma_start3A_3074 : memref<1x1x256xf32, #tpu.memory_space<vmem_shared>> -> memref<256xf32, #tpu.memory_space<vmem_shared>>
    %dma_start3A_3076 = arith.constant 4864 : i32
    %dma_start3A_3077 = tpu.memref_slice %arg6[%dma_start3A_3076] : memref<8192xf32, #tpu.memory_space<vmem>> -> memref<256xf32, #tpu.memory_space<vmem>>
    tpu.enqueue_dma source(%dma_start3A_3077 : memref<256xf32, #tpu.memory_space<vmem>>) target(%dma_start3A_3075 : memref<256xf32, #tpu.memory_space<vmem_shared>>) target_semaphore(%arg8 : memref<!tpu.dma_semaphore, #tpu.memory_space<semaphore_mem>>)
    %dma_start3A_3078 = arith.constant 20 : i32
    %dma_start3A_3079 = arith.constant 5120 : i32
    %dma_start3A_3080 = tpu.memref_slice %arg6[%dma_start3A_3079] : memref<8192xf32, #tpu.memory_space<vmem>> -> memref<256xf32, #tpu.memory_space<vmem>>
    %dma_start3A_3081 = arith.constant 0 : i32
    %dma_start3A_3082 = tpu.memref_slice %arg7[%arg1, %dma_start3A_3078, %dma_start3A_3081] : memref<16x32x256xf32, #tpu.memory_space<vmem_shared>> -> memref<1x1x256xf32, #tpu.memory_space<vmem_shared>>
    %dma_start3A_3083 = tpu.memref_squeeze %dma_start3A_3082 : memref<1x1x256xf32, #tpu.memory_space<vmem_shared>> -> memref<256xf32, #tpu.memory_space<vmem_shared>>
    %dma_start3A_3084 = arith.constant 0 : i32
    %dma_start3A_3085 = tpu.memref_slice %arg7[%arg1, %dma_start3A_3078, %dma_start3A_3084] : memref<16x32x256xf32, #tpu.memory_space<vmem_shared>> -> memref<1x1x256xf32, #tpu.memory_space<vmem_shared>>
    %dma_start3A_3086 = tpu.memref_squeeze %dma_start3A_3085 : memref<1x1x256xf32, #tpu.memory_space<vmem_shared>> -> memref<256xf32, #tpu.memory_space<vmem_shared>>
    %dma_start3A_3087 = arith.constant 5120 : i32
    %dma_start3A_3088 = tpu.memref_slice %arg6[%dma_start3A_3087] : memref<8192xf32, #tpu.memory_space<vmem>> -> memref<256xf32, #tpu.memory_space<vmem>>
    tpu.enqueue_dma source(%dma_start3A_3088 : memref<256xf32, #tpu.memory_space<vmem>>) target(%dma_start3A_3086 : memref<256xf32, #tpu.memory_space<vmem_shared>>) target_semaphore(%arg8 : memref<!tpu.dma_semaphore, #tpu.memory_space<semaphore_mem>>)
    %dma_start3A_3089 = arith.constant 21 : i32
    %dma_start3A_3090 = arith.constant 5376 : i32
    %dma_start3A_3091 = tpu.memref_slice %arg6[%dma_start3A_3090] : memref<8192xf32, #tpu.memory_space<vmem>> -> memref<256xf32, #tpu.memory_space<vmem>>
    %dma_start3A_3092 = arith.constant 0 : i32
    %dma_start3A_3093 = tpu.memref_slice %arg7[%arg1, %dma_start3A_3089, %dma_start3A_3092] : memref<16x32x256xf32, #tpu.memory_space<vmem_shared>> -> memref<1x1x256xf32, #tpu.memory_space<vmem_shared>>
    %dma_start3A_3094 = tpu.memref_squeeze %dma_start3A_3093 : memref<1x1x256xf32, #tpu.memory_space<vmem_shared>> -> memref<256xf32, #tpu.memory_space<vmem_shared>>
    %dma_start3A_3095 = arith.constant 0 : i32
    %dma_start3A_3096 = tpu.memref_slice %arg7[%arg1, %dma_start3A_3089, %dma_start3A_3095] : memref<16x32x256xf32, #tpu.memory_space<vmem_shared>> -> memref<1x1x256xf32, #tpu.memory_space<vmem_shared>>
    %dma_start3A_3097 = tpu.memref_squeeze %dma_start3A_3096 : memref<1x1x256xf32, #tpu.memory_space<vmem_shared>> -> memref<256xf32, #tpu.memory_space<vmem_shared>>
    %dma_start3A_3098 = arith.constant 5376 : i32
    %dma_start3A_3099 = tpu.memref_slice %arg6[%dma_start3A_3098] : memref<8192xf32, #tpu.memory_space<vmem>> -> memref<256xf32, #tpu.memory_space<vmem>>
    tpu.enqueue_dma source(%dma_start3A_3099 : memref<256xf32, #tpu.memory_space<vmem>>) target(%dma_start3A_3097 : memref<256xf32, #tpu.memory_space<vmem_shared>>) target_semaphore(%arg8 : memref<!tpu.dma_semaphore, #tpu.memory_space<semaphore_mem>>)
    %dma_start3A_3100 = arith.constant 22 : i32
    %dma_start3A_3101 = arith.constant 5632 : i32
    %dma_start3A_3102 = tpu.memref_slice %arg6[%dma_start3A_3101] : memref<8192xf32, #tpu.memory_space<vmem>> -> memref<256xf32, #tpu.memory_space<vmem>>
    %dma_start3A_3103 = arith.constant 0 : i32
    %dma_start3A_3104 = tpu.memref_slice %arg7[%arg1, %dma_start3A_3100, %dma_start3A_3103] : memref<16x32x256xf32, #tpu.memory_space<vmem_shared>> -> memref<1x1x256xf32, #tpu.memory_space<vmem_shared>>
    %dma_start3A_3105 = tpu.memref_squeeze %dma_start3A_3104 : memref<1x1x256xf32, #tpu.memory_space<vmem_shared>> -> memref<256xf32, #tpu.memory_space<vmem_shared>>
    %dma_start3A_3106 = arith.constant 0 : i32
    %dma_start3A_3107 = tpu.memref_slice %arg7[%arg1, %dma_start3A_3100, %dma_start3A_3106] : memref<16x32x256xf32, #tpu.memory_space<vmem_shared>> -> memref<1x1x256xf32, #tpu.memory_space<vmem_shared>>
    %dma_start3A_3108 = tpu.memref_squeeze %dma_start3A_3107 : memref<1x1x256xf32, #tpu.memory_space<vmem_shared>> -> memref<256xf32, #tpu.memory_space<vmem_shared>>
    %dma_start3A_3109 = arith.constant 5632 : i32
    %dma_start3A_3110 = tpu.memref_slice %arg6[%dma_start3A_3109] : memref<8192xf32, #tpu.memory_space<vmem>> -> memref<256xf32, #tpu.memory_space<vmem>>
    tpu.enqueue_dma source(%dma_start3A_3110 : memref<256xf32, #tpu.memory_space<vmem>>) target(%dma_start3A_3108 : memref<256xf32, #tpu.memory_space<vmem_shared>>) target_semaphore(%arg8 : memref<!tpu.dma_semaphore, #tpu.memory_space<semaphore_mem>>)
    %dma_start3A_3111 = arith.constant 23 : i32
    %dma_start3A_3112 = arith.constant 5888 : i32
    %dma_start3A_3113 = tpu.memref_slice %arg6[%dma_start3A_3112] : memref<8192xf32, #tpu.memory_space<vmem>> -> memref<256xf32, #tpu.memory_space<vmem>>
    %dma_start3A_3114 = arith.constant 0 : i32
    %dma_start3A_3115 = tpu.memref_slice %arg7[%arg1, %dma_start3A_3111, %dma_start3A_3114] : memref<16x32x256xf32, #tpu.memory_space<vmem_shared>> -> memref<1x1x256xf32, #tpu.memory_space<vmem_shared>>
    %dma_start3A_3116 = tpu.memref_squeeze %dma_start3A_3115 : memref<1x1x256xf32, #tpu.memory_space<vmem_shared>> -> memref<256xf32, #tpu.memory_space<vmem_shared>>
    %dma_start3A_3117 = arith.constant 0 : i32
    %dma_start3A_3118 = tpu.memref_slice %arg7[%arg1, %dma_start3A_3111, %dma_start3A_3117] : memref<16x32x256xf32, #tpu.memory_space<vmem_shared>> -> memref<1x1x256xf32, #tpu.memory_space<vmem_shared>>
    %dma_start3A_3119 = tpu.memref_squeeze %dma_start3A_3118 : memref<1x1x256xf32, #tpu.memory_space<vmem_shared>> -> memref<256xf32, #tpu.memory_space<vmem_shared>>
    %dma_start3A_3120 = arith.constant 5888 : i32
    %dma_start3A_3121 = tpu.memref_slice %arg6[%dma_start3A_3120] : memref<8192xf32, #tpu.memory_space<vmem>> -> memref<256xf32, #tpu.memory_space<vmem>>
    tpu.enqueue_dma source(%dma_start3A_3121 : memref<256xf32, #tpu.memory_space<vmem>>) target(%dma_start3A_3119 : memref<256xf32, #tpu.memory_space<vmem_shared>>) target_semaphore(%arg8 : memref<!tpu.dma_semaphore, #tpu.memory_space<semaphore_mem>>)
    %dma_start3A_3122 = arith.constant 24 : i32
    %dma_start3A_3123 = arith.constant 6144 : i32
    %dma_start3A_3124 = tpu.memref_slice %arg6[%dma_start3A_3123] : memref<8192xf32, #tpu.memory_space<vmem>> -> memref<256xf32, #tpu.memory_space<vmem>>
    %dma_start3A_3125 = arith.constant 0 : i32
    %dma_start3A_3126 = tpu.memref_slice %arg7[%arg1, %dma_start3A_3122, %dma_start3A_3125] : memref<16x32x256xf32, #tpu.memory_space<vmem_shared>> -> memref<1x1x256xf32, #tpu.memory_space<vmem_shared>>
    %dma_start3A_3127 = tpu.memref_squeeze %dma_start3A_3126 : memref<1x1x256xf32, #tpu.memory_space<vmem_shared>> -> memref<256xf32, #tpu.memory_space<vmem_shared>>
    %dma_start3A_3128 = arith.constant 0 : i32
    %dma_start3A_3129 = tpu.memref_slice %arg7[%arg1, %dma_start3A_3122, %dma_start3A_3128] : memref<16x32x256xf32, #tpu.memory_space<vmem_shared>> -> memref<1x1x256xf32, #tpu.memory_space<vmem_shared>>
    %dma_start3A_3130 = tpu.memref_squeeze %dma_start3A_3129 : memref<1x1x256xf32, #tpu.memory_space<vmem_shared>> -> memref<256xf32, #tpu.memory_space<vmem_shared>>
    %dma_start3A_3131 = arith.constant 6144 : i32
    %dma_start3A_3132 = tpu.memref_slice %arg6[%dma_start3A_3131] : memref<8192xf32, #tpu.memory_space<vmem>> -> memref<256xf32, #tpu.memory_space<vmem>>
    tpu.enqueue_dma source(%dma_start3A_3132 : memref<256xf32, #tpu.memory_space<vmem>>) target(%dma_start3A_3130 : memref<256xf32, #tpu.memory_space<vmem_shared>>) target_semaphore(%arg8 : memref<!tpu.dma_semaphore, #tpu.memory_space<semaphore_mem>>)
    %dma_start3A_3133 = arith.constant 25 : i32
    %dma_start3A_3134 = arith.constant 6400 : i32
    %dma_start3A_3135 = tpu.memref_slice %arg6[%dma_start3A_3134] : memref<8192xf32, #tpu.memory_space<vmem>> -> memref<256xf32, #tpu.memory_space<vmem>>
    %dma_start3A_3136 = arith.constant 0 : i32
    %dma_start3A_3137 = tpu.memref_slice %arg7[%arg1, %dma_start3A_3133, %dma_start3A_3136] : memref<16x32x256xf32, #tpu.memory_space<vmem_shared>> -> memref<1x1x256xf32, #tpu.memory_space<vmem_shared>>
    %dma_start3A_3138 = tpu.memref_squeeze %dma_start3A_3137 : memref<1x1x256xf32, #tpu.memory_space<vmem_shared>> -> memref<256xf32, #tpu.memory_space<vmem_shared>>
    %dma_start3A_3139 = arith.constant 0 : i32
    %dma_start3A_3140 = tpu.memref_slice %arg7[%arg1, %dma_start3A_3133, %dma_start3A_3139] : memref<16x32x256xf32, #tpu.memory_space<vmem_shared>> -> memref<1x1x256xf32, #tpu.memory_space<vmem_shared>>
    %dma_start3A_3141 = tpu.memref_squeeze %dma_start3A_3140 : memref<1x1x256xf32, #tpu.memory_space<vmem_shared>> -> memref<256xf32, #tpu.memory_space<vmem_shared>>
    %dma_start3A_3142 = arith.constant 6400 : i32
    %dma_start3A_3143 = tpu.memref_slice %arg6[%dma_start3A_3142] : memref<8192xf32, #tpu.memory_space<vmem>> -> memref<256xf32, #tpu.memory_space<vmem>>
    tpu.enqueue_dma source(%dma_start3A_3143 : memref<256xf32, #tpu.memory_space<vmem>>) target(%dma_start3A_3141 : memref<256xf32, #tpu.memory_space<vmem_shared>>) target_semaphore(%arg8 : memref<!tpu.dma_semaphore, #tpu.memory_space<semaphore_mem>>)
    %dma_start3A_3144 = arith.constant 26 : i32
    %dma_start3A_3145 = arith.constant 6656 : i32
    %dma_start3A_3146 = tpu.memref_slice %arg6[%dma_start3A_3145] : memref<8192xf32, #tpu.memory_space<vmem>> -> memref<256xf32, #tpu.memory_space<vmem>>
    %dma_start3A_3147 = arith.constant 0 : i32
    %dma_start3A_3148 = tpu.memref_slice %arg7[%arg1, %dma_start3A_3144, %dma_start3A_3147] : memref<16x32x256xf32, #tpu.memory_space<vmem_shared>> -> memref<1x1x256xf32, #tpu.memory_space<vmem_shared>>
    %dma_start3A_3149 = tpu.memref_squeeze %dma_start3A_3148 : memref<1x1x256xf32, #tpu.memory_space<vmem_shared>> -> memref<256xf32, #tpu.memory_space<vmem_shared>>
    %dma_start3A_3150 = arith.constant 0 : i32
    %dma_start3A_3151 = tpu.memref_slice %arg7[%arg1, %dma_start3A_3144, %dma_start3A_3150] : memref<16x32x256xf32, #tpu.memory_space<vmem_shared>> -> memref<1x1x256xf32, #tpu.memory_space<vmem_shared>>
    %dma_start3A_3152 = tpu.memref_squeeze %dma_start3A_3151 : memref<1x1x256xf32, #tpu.memory_space<vmem_shared>> -> memref<256xf32, #tpu.memory_space<vmem_shared>>
    %dma_start3A_3153 = arith.constant 6656 : i32
    %dma_start3A_3154 = tpu.memref_slice %arg6[%dma_start3A_3153] : memref<8192xf32, #tpu.memory_space<vmem>> -> memref<256xf32, #tpu.memory_space<vmem>>
    tpu.enqueue_dma source(%dma_start3A_3154 : memref<256xf32, #tpu.memory_space<vmem>>) target(%dma_start3A_3152 : memref<256xf32, #tpu.memory_space<vmem_shared>>) target_semaphore(%arg8 : memref<!tpu.dma_semaphore, #tpu.memory_space<semaphore_mem>>)
    %dma_start3A_3155 = arith.constant 27 : i32
    %dma_start3A_3156 = arith.constant 6912 : i32
    %dma_start3A_3157 = tpu.memref_slice %arg6[%dma_start3A_3156] : memref<8192xf32, #tpu.memory_space<vmem>> -> memref<256xf32, #tpu.memory_space<vmem>>
    %dma_start3A_3158 = arith.constant 0 : i32
    %dma_start3A_3159 = tpu.memref_slice %arg7[%arg1, %dma_start3A_3155, %dma_start3A_3158] : memref<16x32x256xf32, #tpu.memory_space<vmem_shared>> -> memref<1x1x256xf32, #tpu.memory_space<vmem_shared>>
    %dma_start3A_3160 = tpu.memref_squeeze %dma_start3A_3159 : memref<1x1x256xf32, #tpu.memory_space<vmem_shared>> -> memref<256xf32, #tpu.memory_space<vmem_shared>>
    %dma_start3A_3161 = arith.constant 0 : i32
    %dma_start3A_3162 = tpu.memref_slice %arg7[%arg1, %dma_start3A_3155, %dma_start3A_3161] : memref<16x32x256xf32, #tpu.memory_space<vmem_shared>> -> memref<1x1x256xf32, #tpu.memory_space<vmem_shared>>
    %dma_start3A_3163 = tpu.memref_squeeze %dma_start3A_3162 : memref<1x1x256xf32, #tpu.memory_space<vmem_shared>> -> memref<256xf32, #tpu.memory_space<vmem_shared>>
    %dma_start3A_3164 = arith.constant 6912 : i32
    %dma_start3A_3165 = tpu.memref_slice %arg6[%dma_start3A_3164] : memref<8192xf32, #tpu.memory_space<vmem>> -> memref<256xf32, #tpu.memory_space<vmem>>
    tpu.enqueue_dma source(%dma_start3A_3165 : memref<256xf32, #tpu.memory_space<vmem>>) target(%dma_start3A_3163 : memref<256xf32, #tpu.memory_space<vmem_shared>>) target_semaphore(%arg8 : memref<!tpu.dma_semaphore, #tpu.memory_space<semaphore_mem>>)
    %dma_start3A_3166 = arith.constant 28 : i32
    %dma_start3A_3167 = arith.constant 7168 : i32
    %dma_start3A_3168 = tpu.memref_slice %arg6[%dma_start3A_3167] : memref<8192xf32, #tpu.memory_space<vmem>> -> memref<256xf32, #tpu.memory_space<vmem>>
    %dma_start3A_3169 = arith.constant 0 : i32
    %dma_start3A_3170 = tpu.memref_slice %arg7[%arg1, %dma_start3A_3166, %dma_start3A_3169] : memref<16x32x256xf32, #tpu.memory_space<vmem_shared>> -> memref<1x1x256xf32, #tpu.memory_space<vmem_shared>>
    %dma_start3A_3171 = tpu.memref_squeeze %dma_start3A_3170 : memref<1x1x256xf32, #tpu.memory_space<vmem_shared>> -> memref<256xf32, #tpu.memory_space<vmem_shared>>
    %dma_start3A_3172 = arith.constant 0 : i32
    %dma_start3A_3173 = tpu.memref_slice %arg7[%arg1, %dma_start3A_3166, %dma_start3A_3172] : memref<16x32x256xf32, #tpu.memory_space<vmem_shared>> -> memref<1x1x256xf32, #tpu.memory_space<vmem_shared>>
    %dma_start3A_3174 = tpu.memref_squeeze %dma_start3A_3173 : memref<1x1x256xf32, #tpu.memory_space<vmem_shared>> -> memref<256xf32, #tpu.memory_space<vmem_shared>>
    %dma_start3A_3175 = arith.constant 7168 : i32
    %dma_start3A_3176 = tpu.memref_slice %arg6[%dma_start3A_3175] : memref<8192xf32, #tpu.memory_space<vmem>> -> memref<256xf32, #tpu.memory_space<vmem>>
    tpu.enqueue_dma source(%dma_start3A_3176 : memref<256xf32, #tpu.memory_space<vmem>>) target(%dma_start3A_3174 : memref<256xf32, #tpu.memory_space<vmem_shared>>) target_semaphore(%arg8 : memref<!tpu.dma_semaphore, #tpu.memory_space<semaphore_mem>>)
    %dma_start3A_3177 = arith.constant 29 : i32
    %dma_start3A_3178 = arith.constant 7424 : i32
    %dma_start3A_3179 = tpu.memref_slice %arg6[%dma_start3A_3178] : memref<8192xf32, #tpu.memory_space<vmem>> -> memref<256xf32, #tpu.memory_space<vmem>>
    %dma_start3A_3180 = arith.constant 0 : i32
    %dma_start3A_3181 = tpu.memref_slice %arg7[%arg1, %dma_start3A_3177, %dma_start3A_3180] : memref<16x32x256xf32, #tpu.memory_space<vmem_shared>> -> memref<1x1x256xf32, #tpu.memory_space<vmem_shared>>
    %dma_start3A_3182 = tpu.memref_squeeze %dma_start3A_3181 : memref<1x1x256xf32, #tpu.memory_space<vmem_shared>> -> memref<256xf32, #tpu.memory_space<vmem_shared>>
    %dma_start3A_3183 = arith.constant 0 : i32
    %dma_start3A_3184 = tpu.memref_slice %arg7[%arg1, %dma_start3A_3177, %dma_start3A_3183] : memref<16x32x256xf32, #tpu.memory_space<vmem_shared>> -> memref<1x1x256xf32, #tpu.memory_space<vmem_shared>>
    %dma_start3A_3185 = tpu.memref_squeeze %dma_start3A_3184 : memref<1x1x256xf32, #tpu.memory_space<vmem_shared>> -> memref<256xf32, #tpu.memory_space<vmem_shared>>
    %dma_start3A_3186 = arith.constant 7424 : i32
    %dma_start3A_3187 = tpu.memref_slice %arg6[%dma_start3A_3186] : memref<8192xf32, #tpu.memory_space<vmem>> -> memref<256xf32, #tpu.memory_space<vmem>>
    tpu.enqueue_dma source(%dma_start3A_3187 : memref<256xf32, #tpu.memory_space<vmem>>) target(%dma_start3A_3185 : memref<256xf32, #tpu.memory_space<vmem_shared>>) target_semaphore(%arg8 : memref<!tpu.dma_semaphore, #tpu.memory_space<semaphore_mem>>)
    %dma_start3A_3188 = arith.constant 30 : i32
    %dma_start3A_3189 = arith.constant 7680 : i32
    %dma_start3A_3190 = tpu.memref_slice %arg6[%dma_start3A_3189] : memref<8192xf32, #tpu.memory_space<vmem>> -> memref<256xf32, #tpu.memory_space<vmem>>
    %dma_start3A_3191 = arith.constant 0 : i32
    %dma_start3A_3192 = tpu.memref_slice %arg7[%arg1, %dma_start3A_3188, %dma_start3A_3191] : memref<16x32x256xf32, #tpu.memory_space<vmem_shared>> -> memref<1x1x256xf32, #tpu.memory_space<vmem_shared>>
    %dma_start3A_3193 = tpu.memref_squeeze %dma_start3A_3192 : memref<1x1x256xf32, #tpu.memory_space<vmem_shared>> -> memref<256xf32, #tpu.memory_space<vmem_shared>>
    %dma_start3A_3194 = arith.constant 0 : i32
    %dma_start3A_3195 = tpu.memref_slice %arg7[%arg1, %dma_start3A_3188, %dma_start3A_3194] : memref<16x32x256xf32, #tpu.memory_space<vmem_shared>> -> memref<1x1x256xf32, #tpu.memory_space<vmem_shared>>
    %dma_start3A_3196 = tpu.memref_squeeze %dma_start3A_3195 : memref<1x1x256xf32, #tpu.memory_space<vmem_shared>> -> memref<256xf32, #tpu.memory_space<vmem_shared>>
    %dma_start3A_3197 = arith.constant 7680 : i32
    %dma_start3A_3198 = tpu.memref_slice %arg6[%dma_start3A_3197] : memref<8192xf32, #tpu.memory_space<vmem>> -> memref<256xf32, #tpu.memory_space<vmem>>
    tpu.enqueue_dma source(%dma_start3A_3198 : memref<256xf32, #tpu.memory_space<vmem>>) target(%dma_start3A_3196 : memref<256xf32, #tpu.memory_space<vmem_shared>>) target_semaphore(%arg8 : memref<!tpu.dma_semaphore, #tpu.memory_space<semaphore_mem>>)
    %dma_start3A_3199 = arith.constant 31 : i32
    %dma_start3A_3200 = arith.constant 7936 : i32
    %dma_start3A_3201 = tpu.memref_slice %arg6[%dma_start3A_3200] : memref<8192xf32, #tpu.memory_space<vmem>> -> memref<256xf32, #tpu.memory_space<vmem>>
    %dma_start3A_3202 = arith.constant 0 : i32
    %dma_start3A_3203 = tpu.memref_slice %arg7[%arg1, %dma_start3A_3199, %dma_start3A_3202] : memref<16x32x256xf32, #tpu.memory_space<vmem_shared>> -> memref<1x1x256xf32, #tpu.memory_space<vmem_shared>>
    %dma_start3A_3204 = tpu.memref_squeeze %dma_start3A_3203 : memref<1x1x256xf32, #tpu.memory_space<vmem_shared>> -> memref<256xf32, #tpu.memory_space<vmem_shared>>
    %dma_start3A_3205 = arith.constant 0 : i32
    %dma_start3A_3206 = tpu.memref_slice %arg7[%arg1, %dma_start3A_3199, %dma_start3A_3205] : memref<16x32x256xf32, #tpu.memory_space<vmem_shared>> -> memref<1x1x256xf32, #tpu.memory_space<vmem_shared>>
    %dma_start3A_3207 = tpu.memref_squeeze %dma_start3A_3206 : memref<1x1x256xf32, #tpu.memory_space<vmem_shared>> -> memref<256xf32, #tpu.memory_space<vmem_shared>>
    %dma_start3A_3208 = arith.constant 7936 : i32
    %dma_start3A_3209 = tpu.memref_slice %arg6[%dma_start3A_3208] : memref<8192xf32, #tpu.memory_space<vmem>> -> memref<256xf32, #tpu.memory_space<vmem>>
    tpu.enqueue_dma source(%dma_start3A_3209 : memref<256xf32, #tpu.memory_space<vmem>>) target(%dma_start3A_3207 : memref<256xf32, #tpu.memory_space<vmem_shared>>) target_semaphore(%arg8 : memref<!tpu.dma_semaphore, #tpu.memory_space<semaphore_mem>>)
    %dma_wait3A = arith.constant 0 : i32
    %dma_wait3A_3210 = arith.constant 0 : i32
    %dma_wait3A_3211 = tpu.memref_slice %arg6[%dma_wait3A_3210] : memref<8192xf32, #tpu.memory_space<vmem>> -> memref<256xf32, #tpu.memory_space<vmem>>
    %dma_wait3A_3212 = arith.constant 0 : i32
    %dma_wait3A_3213 = tpu.memref_slice %arg7[%arg1, %dma_wait3A, %dma_wait3A_3212] : memref<16x32x256xf32, #tpu.memory_space<vmem_shared>> -> memref<1x1x256xf32, #tpu.memory_space<vmem_shared>>
    %dma_wait3A_3214 = tpu.memref_squeeze %dma_wait3A_3213 : memref<1x1x256xf32, #tpu.memory_space<vmem_shared>> -> memref<256xf32, #tpu.memory_space<vmem_shared>>
    %dma_wait3A_3215 = arith.constant 0 : i32
    %dma_wait3A_3216 = tpu.memref_slice %arg7[%arg1, %dma_wait3A, %dma_wait3A_3215] : memref<16x32x256xf32, #tpu.memory_space<vmem_shared>> -> memref<1x1x256xf32, #tpu.memory_space<vmem_shared>>
    %dma_wait3A_3217 = tpu.memref_squeeze %dma_wait3A_3216 : memref<1x1x256xf32, #tpu.memory_space<vmem_shared>> -> memref<256xf32, #tpu.memory_space<vmem_shared>>
    %dma_wait3A_3218 = arith.constant 0 : i32
    %dma_wait3A_3219 = tpu.memref_slice %arg6[%dma_wait3A_3218] : memref<8192xf32, #tpu.memory_space<vmem>> -> memref<256xf32, #tpu.memory_space<vmem>>
    tpu.wait_dma2 semaphore(%arg8 : memref<!tpu.dma_semaphore, #tpu.memory_space<semaphore_mem>>) src(%dma_wait3A_3219 : memref<256xf32, #tpu.memory_space<vmem>>) dst(%dma_wait3A_3217 : memref<256xf32, #tpu.memory_space<vmem_shared>>)
    %dma_wait3A_3220 = arith.constant 1 : i32
    %dma_wait3A_3221 = arith.constant 256 : i32
    %dma_wait3A_3222 = tpu.memref_slice %arg6[%dma_wait3A_3221] : memref<8192xf32, #tpu.memory_space<vmem>> -> memref<256xf32, #tpu.memory_space<vmem>>
    %dma_wait3A_3223 = arith.constant 0 : i32
    %dma_wait3A_3224 = tpu.memref_slice %arg7[%arg1, %dma_wait3A_3220, %dma_wait3A_3223] : memref<16x32x256xf32, #tpu.memory_space<vmem_shared>> -> memref<1x1x256xf32, #tpu.memory_space<vmem_shared>>
    %dma_wait3A_3225 = tpu.memref_squeeze %dma_wait3A_3224 : memref<1x1x256xf32, #tpu.memory_space<vmem_shared>> -> memref<256xf32, #tpu.memory_space<vmem_shared>>
    %dma_wait3A_3226 = arith.constant 0 : i32
    %dma_wait3A_3227 = tpu.memref_slice %arg7[%arg1, %dma_wait3A_3220, %dma_wait3A_3226] : memref<16x32x256xf32, #tpu.memory_space<vmem_shared>> -> memref<1x1x256xf32, #tpu.memory_space<vmem_shared>>
    %dma_wait3A_3228 = tpu.memref_squeeze %dma_wait3A_3227 : memref<1x1x256xf32, #tpu.memory_space<vmem_shared>> -> memref<256xf32, #tpu.memory_space<vmem_shared>>
    %dma_wait3A_3229 = arith.constant 256 : i32
    %dma_wait3A_3230 = tpu.memref_slice %arg6[%dma_wait3A_3229] : memref<8192xf32, #tpu.memory_space<vmem>> -> memref<256xf32, #tpu.memory_space<vmem>>
    tpu.wait_dma2 semaphore(%arg8 : memref<!tpu.dma_semaphore, #tpu.memory_space<semaphore_mem>>) src(%dma_wait3A_3230 : memref<256xf32, #tpu.memory_space<vmem>>) dst(%dma_wait3A_3228 : memref<256xf32, #tpu.memory_space<vmem_shared>>)
    %dma_wait3A_3231 = arith.constant 2 : i32
    %dma_wait3A_3232 = arith.constant 512 : i32
    %dma_wait3A_3233 = tpu.memref_slice %arg6[%dma_wait3A_3232] : memref<8192xf32, #tpu.memory_space<vmem>> -> memref<256xf32, #tpu.memory_space<vmem>>
    %dma_wait3A_3234 = arith.constant 0 : i32
    %dma_wait3A_3235 = tpu.memref_slice %arg7[%arg1, %dma_wait3A_3231, %dma_wait3A_3234] : memref<16x32x256xf32, #tpu.memory_space<vmem_shared>> -> memref<1x1x256xf32, #tpu.memory_space<vmem_shared>>
    %dma_wait3A_3236 = tpu.memref_squeeze %dma_wait3A_3235 : memref<1x1x256xf32, #tpu.memory_space<vmem_shared>> -> memref<256xf32, #tpu.memory_space<vmem_shared>>
    %dma_wait3A_3237 = arith.constant 0 : i32
    %dma_wait3A_3238 = tpu.memref_slice %arg7[%arg1, %dma_wait3A_3231, %dma_wait3A_3237] : memref<16x32x256xf32, #tpu.memory_space<vmem_shared>> -> memref<1x1x256xf32, #tpu.memory_space<vmem_shared>>
    %dma_wait3A_3239 = tpu.memref_squeeze %dma_wait3A_3238 : memref<1x1x256xf32, #tpu.memory_space<vmem_shared>> -> memref<256xf32, #tpu.memory_space<vmem_shared>>
    %dma_wait3A_3240 = arith.constant 512 : i32
    %dma_wait3A_3241 = tpu.memref_slice %arg6[%dma_wait3A_3240] : memref<8192xf32, #tpu.memory_space<vmem>> -> memref<256xf32, #tpu.memory_space<vmem>>
    tpu.wait_dma2 semaphore(%arg8 : memref<!tpu.dma_semaphore, #tpu.memory_space<semaphore_mem>>) src(%dma_wait3A_3241 : memref<256xf32, #tpu.memory_space<vmem>>) dst(%dma_wait3A_3239 : memref<256xf32, #tpu.memory_space<vmem_shared>>)
    %dma_wait3A_3242 = arith.constant 3 : i32
    %dma_wait3A_3243 = arith.constant 768 : i32
    %dma_wait3A_3244 = tpu.memref_slice %arg6[%dma_wait3A_3243] : memref<8192xf32, #tpu.memory_space<vmem>> -> memref<256xf32, #tpu.memory_space<vmem>>
    %dma_wait3A_3245 = arith.constant 0 : i32
    %dma_wait3A_3246 = tpu.memref_slice %arg7[%arg1, %dma_wait3A_3242, %dma_wait3A_3245] : memref<16x32x256xf32, #tpu.memory_space<vmem_shared>> -> memref<1x1x256xf32, #tpu.memory_space<vmem_shared>>
    %dma_wait3A_3247 = tpu.memref_squeeze %dma_wait3A_3246 : memref<1x1x256xf32, #tpu.memory_space<vmem_shared>> -> memref<256xf32, #tpu.memory_space<vmem_shared>>
    %dma_wait3A_3248 = arith.constant 0 : i32
    %dma_wait3A_3249 = tpu.memref_slice %arg7[%arg1, %dma_wait3A_3242, %dma_wait3A_3248] : memref<16x32x256xf32, #tpu.memory_space<vmem_shared>> -> memref<1x1x256xf32, #tpu.memory_space<vmem_shared>>
    %dma_wait3A_3250 = tpu.memref_squeeze %dma_wait3A_3249 : memref<1x1x256xf32, #tpu.memory_space<vmem_shared>> -> memref<256xf32, #tpu.memory_space<vmem_shared>>
    %dma_wait3A_3251 = arith.constant 768 : i32
    %dma_wait3A_3252 = tpu.memref_slice %arg6[%dma_wait3A_3251] : memref<8192xf32, #tpu.memory_space<vmem>> -> memref<256xf32, #tpu.memory_space<vmem>>
    tpu.wait_dma2 semaphore(%arg8 : memref<!tpu.dma_semaphore, #tpu.memory_space<semaphore_mem>>) src(%dma_wait3A_3252 : memref<256xf32, #tpu.memory_space<vmem>>) dst(%dma_wait3A_3250 : memref<256xf32, #tpu.memory_space<vmem_shared>>)
    %dma_wait3A_3253 = arith.constant 4 : i32
    %dma_wait3A_3254 = arith.constant 1024 : i32
    %dma_wait3A_3255 = tpu.memref_slice %arg6[%dma_wait3A_3254] : memref<8192xf32, #tpu.memory_space<vmem>> -> memref<256xf32, #tpu.memory_space<vmem>>
    %dma_wait3A_3256 = arith.constant 0 : i32
    %dma_wait3A_3257 = tpu.memref_slice %arg7[%arg1, %dma_wait3A_3253, %dma_wait3A_3256] : memref<16x32x256xf32, #tpu.memory_space<vmem_shared>> -> memref<1x1x256xf32, #tpu.memory_space<vmem_shared>>
    %dma_wait3A_3258 = tpu.memref_squeeze %dma_wait3A_3257 : memref<1x1x256xf32, #tpu.memory_space<vmem_shared>> -> memref<256xf32, #tpu.memory_space<vmem_shared>>
    %dma_wait3A_3259 = arith.constant 0 : i32
    %dma_wait3A_3260 = tpu.memref_slice %arg7[%arg1, %dma_wait3A_3253, %dma_wait3A_3259] : memref<16x32x256xf32, #tpu.memory_space<vmem_shared>> -> memref<1x1x256xf32, #tpu.memory_space<vmem_shared>>
    %dma_wait3A_3261 = tpu.memref_squeeze %dma_wait3A_3260 : memref<1x1x256xf32, #tpu.memory_space<vmem_shared>> -> memref<256xf32, #tpu.memory_space<vmem_shared>>
    %dma_wait3A_3262 = arith.constant 1024 : i32
    %dma_wait3A_3263 = tpu.memref_slice %arg6[%dma_wait3A_3262] : memref<8192xf32, #tpu.memory_space<vmem>> -> memref<256xf32, #tpu.memory_space<vmem>>
    tpu.wait_dma2 semaphore(%arg8 : memref<!tpu.dma_semaphore, #tpu.memory_space<semaphore_mem>>) src(%dma_wait3A_3263 : memref<256xf32, #tpu.memory_space<vmem>>) dst(%dma_wait3A_3261 : memref<256xf32, #tpu.memory_space<vmem_shared>>)
    %dma_wait3A_3264 = arith.constant 5 : i32
    %dma_wait3A_3265 = arith.constant 1280 : i32
    %dma_wait3A_3266 = tpu.memref_slice %arg6[%dma_wait3A_3265] : memref<8192xf32, #tpu.memory_space<vmem>> -> memref<256xf32, #tpu.memory_space<vmem>>
    %dma_wait3A_3267 = arith.constant 0 : i32
    %dma_wait3A_3268 = tpu.memref_slice %arg7[%arg1, %dma_wait3A_3264, %dma_wait3A_3267] : memref<16x32x256xf32, #tpu.memory_space<vmem_shared>> -> memref<1x1x256xf32, #tpu.memory_space<vmem_shared>>
    %dma_wait3A_3269 = tpu.memref_squeeze %dma_wait3A_3268 : memref<1x1x256xf32, #tpu.memory_space<vmem_shared>> -> memref<256xf32, #tpu.memory_space<vmem_shared>>
    %dma_wait3A_3270 = arith.constant 0 : i32
    %dma_wait3A_3271 = tpu.memref_slice %arg7[%arg1, %dma_wait3A_3264, %dma_wait3A_3270] : memref<16x32x256xf32, #tpu.memory_space<vmem_shared>> -> memref<1x1x256xf32, #tpu.memory_space<vmem_shared>>
    %dma_wait3A_3272 = tpu.memref_squeeze %dma_wait3A_3271 : memref<1x1x256xf32, #tpu.memory_space<vmem_shared>> -> memref<256xf32, #tpu.memory_space<vmem_shared>>
    %dma_wait3A_3273 = arith.constant 1280 : i32
    %dma_wait3A_3274 = tpu.memref_slice %arg6[%dma_wait3A_3273] : memref<8192xf32, #tpu.memory_space<vmem>> -> memref<256xf32, #tpu.memory_space<vmem>>
    tpu.wait_dma2 semaphore(%arg8 : memref<!tpu.dma_semaphore, #tpu.memory_space<semaphore_mem>>) src(%dma_wait3A_3274 : memref<256xf32, #tpu.memory_space<vmem>>) dst(%dma_wait3A_3272 : memref<256xf32, #tpu.memory_space<vmem_shared>>)
    %dma_wait3A_3275 = arith.constant 6 : i32
    %dma_wait3A_3276 = arith.constant 1536 : i32
    %dma_wait3A_3277 = tpu.memref_slice %arg6[%dma_wait3A_3276] : memref<8192xf32, #tpu.memory_space<vmem>> -> memref<256xf32, #tpu.memory_space<vmem>>
    %dma_wait3A_3278 = arith.constant 0 : i32
    %dma_wait3A_3279 = tpu.memref_slice %arg7[%arg1, %dma_wait3A_3275, %dma_wait3A_3278] : memref<16x32x256xf32, #tpu.memory_space<vmem_shared>> -> memref<1x1x256xf32, #tpu.memory_space<vmem_shared>>
    %dma_wait3A_3280 = tpu.memref_squeeze %dma_wait3A_3279 : memref<1x1x256xf32, #tpu.memory_space<vmem_shared>> -> memref<256xf32, #tpu.memory_space<vmem_shared>>
    %dma_wait3A_3281 = arith.constant 0 : i32
    %dma_wait3A_3282 = tpu.memref_slice %arg7[%arg1, %dma_wait3A_3275, %dma_wait3A_3281] : memref<16x32x256xf32, #tpu.memory_space<vmem_shared>> -> memref<1x1x256xf32, #tpu.memory_space<vmem_shared>>
    %dma_wait3A_3283 = tpu.memref_squeeze %dma_wait3A_3282 : memref<1x1x256xf32, #tpu.memory_space<vmem_shared>> -> memref<256xf32, #tpu.memory_space<vmem_shared>>
    %dma_wait3A_3284 = arith.constant 1536 : i32
    %dma_wait3A_3285 = tpu.memref_slice %arg6[%dma_wait3A_3284] : memref<8192xf32, #tpu.memory_space<vmem>> -> memref<256xf32, #tpu.memory_space<vmem>>
    tpu.wait_dma2 semaphore(%arg8 : memref<!tpu.dma_semaphore, #tpu.memory_space<semaphore_mem>>) src(%dma_wait3A_3285 : memref<256xf32, #tpu.memory_space<vmem>>) dst(%dma_wait3A_3283 : memref<256xf32, #tpu.memory_space<vmem_shared>>)
    %dma_wait3A_3286 = arith.constant 7 : i32
    %dma_wait3A_3287 = arith.constant 1792 : i32
    %dma_wait3A_3288 = tpu.memref_slice %arg6[%dma_wait3A_3287] : memref<8192xf32, #tpu.memory_space<vmem>> -> memref<256xf32, #tpu.memory_space<vmem>>
    %dma_wait3A_3289 = arith.constant 0 : i32
    %dma_wait3A_3290 = tpu.memref_slice %arg7[%arg1, %dma_wait3A_3286, %dma_wait3A_3289] : memref<16x32x256xf32, #tpu.memory_space<vmem_shared>> -> memref<1x1x256xf32, #tpu.memory_space<vmem_shared>>
    %dma_wait3A_3291 = tpu.memref_squeeze %dma_wait3A_3290 : memref<1x1x256xf32, #tpu.memory_space<vmem_shared>> -> memref<256xf32, #tpu.memory_space<vmem_shared>>
    %dma_wait3A_3292 = arith.constant 0 : i32
    %dma_wait3A_3293 = tpu.memref_slice %arg7[%arg1, %dma_wait3A_3286, %dma_wait3A_3292] : memref<16x32x256xf32, #tpu.memory_space<vmem_shared>> -> memref<1x1x256xf32, #tpu.memory_space<vmem_shared>>
    %dma_wait3A_3294 = tpu.memref_squeeze %dma_wait3A_3293 : memref<1x1x256xf32, #tpu.memory_space<vmem_shared>> -> memref<256xf32, #tpu.memory_space<vmem_shared>>
    %dma_wait3A_3295 = arith.constant 1792 : i32
    %dma_wait3A_3296 = tpu.memref_slice %arg6[%dma_wait3A_3295] : memref<8192xf32, #tpu.memory_space<vmem>> -> memref<256xf32, #tpu.memory_space<vmem>>
    tpu.wait_dma2 semaphore(%arg8 : memref<!tpu.dma_semaphore, #tpu.memory_space<semaphore_mem>>) src(%dma_wait3A_3296 : memref<256xf32, #tpu.memory_space<vmem>>) dst(%dma_wait3A_3294 : memref<256xf32, #tpu.memory_space<vmem_shared>>)
    %dma_wait3A_3297 = arith.constant 8 : i32
    %dma_wait3A_3298 = arith.constant 2048 : i32
    %dma_wait3A_3299 = tpu.memref_slice %arg6[%dma_wait3A_3298] : memref<8192xf32, #tpu.memory_space<vmem>> -> memref<256xf32, #tpu.memory_space<vmem>>
    %dma_wait3A_3300 = arith.constant 0 : i32
    %dma_wait3A_3301 = tpu.memref_slice %arg7[%arg1, %dma_wait3A_3297, %dma_wait3A_3300] : memref<16x32x256xf32, #tpu.memory_space<vmem_shared>> -> memref<1x1x256xf32, #tpu.memory_space<vmem_shared>>
    %dma_wait3A_3302 = tpu.memref_squeeze %dma_wait3A_3301 : memref<1x1x256xf32, #tpu.memory_space<vmem_shared>> -> memref<256xf32, #tpu.memory_space<vmem_shared>>
    %dma_wait3A_3303 = arith.constant 0 : i32
    %dma_wait3A_3304 = tpu.memref_slice %arg7[%arg1, %dma_wait3A_3297, %dma_wait3A_3303] : memref<16x32x256xf32, #tpu.memory_space<vmem_shared>> -> memref<1x1x256xf32, #tpu.memory_space<vmem_shared>>
    %dma_wait3A_3305 = tpu.memref_squeeze %dma_wait3A_3304 : memref<1x1x256xf32, #tpu.memory_space<vmem_shared>> -> memref<256xf32, #tpu.memory_space<vmem_shared>>
    %dma_wait3A_3306 = arith.constant 2048 : i32
    %dma_wait3A_3307 = tpu.memref_slice %arg6[%dma_wait3A_3306] : memref<8192xf32, #tpu.memory_space<vmem>> -> memref<256xf32, #tpu.memory_space<vmem>>
    tpu.wait_dma2 semaphore(%arg8 : memref<!tpu.dma_semaphore, #tpu.memory_space<semaphore_mem>>) src(%dma_wait3A_3307 : memref<256xf32, #tpu.memory_space<vmem>>) dst(%dma_wait3A_3305 : memref<256xf32, #tpu.memory_space<vmem_shared>>)
    %dma_wait3A_3308 = arith.constant 9 : i32
    %dma_wait3A_3309 = arith.constant 2304 : i32
    %dma_wait3A_3310 = tpu.memref_slice %arg6[%dma_wait3A_3309] : memref<8192xf32, #tpu.memory_space<vmem>> -> memref<256xf32, #tpu.memory_space<vmem>>
    %dma_wait3A_3311 = arith.constant 0 : i32
    %dma_wait3A_3312 = tpu.memref_slice %arg7[%arg1, %dma_wait3A_3308, %dma_wait3A_3311] : memref<16x32x256xf32, #tpu.memory_space<vmem_shared>> -> memref<1x1x256xf32, #tpu.memory_space<vmem_shared>>
    %dma_wait3A_3313 = tpu.memref_squeeze %dma_wait3A_3312 : memref<1x1x256xf32, #tpu.memory_space<vmem_shared>> -> memref<256xf32, #tpu.memory_space<vmem_shared>>
    %dma_wait3A_3314 = arith.constant 0 : i32
    %dma_wait3A_3315 = tpu.memref_slice %arg7[%arg1, %dma_wait3A_3308, %dma_wait3A_3314] : memref<16x32x256xf32, #tpu.memory_space<vmem_shared>> -> memref<1x1x256xf32, #tpu.memory_space<vmem_shared>>
    %dma_wait3A_3316 = tpu.memref_squeeze %dma_wait3A_3315 : memref<1x1x256xf32, #tpu.memory_space<vmem_shared>> -> memref<256xf32, #tpu.memory_space<vmem_shared>>
    %dma_wait3A_3317 = arith.constant 2304 : i32
    %dma_wait3A_3318 = tpu.memref_slice %arg6[%dma_wait3A_3317] : memref<8192xf32, #tpu.memory_space<vmem>> -> memref<256xf32, #tpu.memory_space<vmem>>
    tpu.wait_dma2 semaphore(%arg8 : memref<!tpu.dma_semaphore, #tpu.memory_space<semaphore_mem>>) src(%dma_wait3A_3318 : memref<256xf32, #tpu.memory_space<vmem>>) dst(%dma_wait3A_3316 : memref<256xf32, #tpu.memory_space<vmem_shared>>)
    %dma_wait3A_3319 = arith.constant 10 : i32
    %dma_wait3A_3320 = arith.constant 2560 : i32
    %dma_wait3A_3321 = tpu.memref_slice %arg6[%dma_wait3A_3320] : memref<8192xf32, #tpu.memory_space<vmem>> -> memref<256xf32, #tpu.memory_space<vmem>>
    %dma_wait3A_3322 = arith.constant 0 : i32
    %dma_wait3A_3323 = tpu.memref_slice %arg7[%arg1, %dma_wait3A_3319, %dma_wait3A_3322] : memref<16x32x256xf32, #tpu.memory_space<vmem_shared>> -> memref<1x1x256xf32, #tpu.memory_space<vmem_shared>>
    %dma_wait3A_3324 = tpu.memref_squeeze %dma_wait3A_3323 : memref<1x1x256xf32, #tpu.memory_space<vmem_shared>> -> memref<256xf32, #tpu.memory_space<vmem_shared>>
    %dma_wait3A_3325 = arith.constant 0 : i32
    %dma_wait3A_3326 = tpu.memref_slice %arg7[%arg1, %dma_wait3A_3319, %dma_wait3A_3325] : memref<16x32x256xf32, #tpu.memory_space<vmem_shared>> -> memref<1x1x256xf32, #tpu.memory_space<vmem_shared>>
    %dma_wait3A_3327 = tpu.memref_squeeze %dma_wait3A_3326 : memref<1x1x256xf32, #tpu.memory_space<vmem_shared>> -> memref<256xf32, #tpu.memory_space<vmem_shared>>
    %dma_wait3A_3328 = arith.constant 2560 : i32
    %dma_wait3A_3329 = tpu.memref_slice %arg6[%dma_wait3A_3328] : memref<8192xf32, #tpu.memory_space<vmem>> -> memref<256xf32, #tpu.memory_space<vmem>>
    tpu.wait_dma2 semaphore(%arg8 : memref<!tpu.dma_semaphore, #tpu.memory_space<semaphore_mem>>) src(%dma_wait3A_3329 : memref<256xf32, #tpu.memory_space<vmem>>) dst(%dma_wait3A_3327 : memref<256xf32, #tpu.memory_space<vmem_shared>>)
    %dma_wait3A_3330 = arith.constant 11 : i32
    %dma_wait3A_3331 = arith.constant 2816 : i32
    %dma_wait3A_3332 = tpu.memref_slice %arg6[%dma_wait3A_3331] : memref<8192xf32, #tpu.memory_space<vmem>> -> memref<256xf32, #tpu.memory_space<vmem>>
    %dma_wait3A_3333 = arith.constant 0 : i32
    %dma_wait3A_3334 = tpu.memref_slice %arg7[%arg1, %dma_wait3A_3330, %dma_wait3A_3333] : memref<16x32x256xf32, #tpu.memory_space<vmem_shared>> -> memref<1x1x256xf32, #tpu.memory_space<vmem_shared>>
    %dma_wait3A_3335 = tpu.memref_squeeze %dma_wait3A_3334 : memref<1x1x256xf32, #tpu.memory_space<vmem_shared>> -> memref<256xf32, #tpu.memory_space<vmem_shared>>
    %dma_wait3A_3336 = arith.constant 0 : i32
    %dma_wait3A_3337 = tpu.memref_slice %arg7[%arg1, %dma_wait3A_3330, %dma_wait3A_3336] : memref<16x32x256xf32, #tpu.memory_space<vmem_shared>> -> memref<1x1x256xf32, #tpu.memory_space<vmem_shared>>
    %dma_wait3A_3338 = tpu.memref_squeeze %dma_wait3A_3337 : memref<1x1x256xf32, #tpu.memory_space<vmem_shared>> -> memref<256xf32, #tpu.memory_space<vmem_shared>>
    %dma_wait3A_3339 = arith.constant 2816 : i32
    %dma_wait3A_3340 = tpu.memref_slice %arg6[%dma_wait3A_3339] : memref<8192xf32, #tpu.memory_space<vmem>> -> memref<256xf32, #tpu.memory_space<vmem>>
    tpu.wait_dma2 semaphore(%arg8 : memref<!tpu.dma_semaphore, #tpu.memory_space<semaphore_mem>>) src(%dma_wait3A_3340 : memref<256xf32, #tpu.memory_space<vmem>>) dst(%dma_wait3A_3338 : memref<256xf32, #tpu.memory_space<vmem_shared>>)
    %dma_wait3A_3341 = arith.constant 12 : i32
    %dma_wait3A_3342 = arith.constant 3072 : i32
    %dma_wait3A_3343 = tpu.memref_slice %arg6[%dma_wait3A_3342] : memref<8192xf32, #tpu.memory_space<vmem>> -> memref<256xf32, #tpu.memory_space<vmem>>
    %dma_wait3A_3344 = arith.constant 0 : i32
    %dma_wait3A_3345 = tpu.memref_slice %arg7[%arg1, %dma_wait3A_3341, %dma_wait3A_3344] : memref<16x32x256xf32, #tpu.memory_space<vmem_shared>> -> memref<1x1x256xf32, #tpu.memory_space<vmem_shared>>
    %dma_wait3A_3346 = tpu.memref_squeeze %dma_wait3A_3345 : memref<1x1x256xf32, #tpu.memory_space<vmem_shared>> -> memref<256xf32, #tpu.memory_space<vmem_shared>>
    %dma_wait3A_3347 = arith.constant 0 : i32
    %dma_wait3A_3348 = tpu.memref_slice %arg7[%arg1, %dma_wait3A_3341, %dma_wait3A_3347] : memref<16x32x256xf32, #tpu.memory_space<vmem_shared>> -> memref<1x1x256xf32, #tpu.memory_space<vmem_shared>>
    %dma_wait3A_3349 = tpu.memref_squeeze %dma_wait3A_3348 : memref<1x1x256xf32, #tpu.memory_space<vmem_shared>> -> memref<256xf32, #tpu.memory_space<vmem_shared>>
    %dma_wait3A_3350 = arith.constant 3072 : i32
    %dma_wait3A_3351 = tpu.memref_slice %arg6[%dma_wait3A_3350] : memref<8192xf32, #tpu.memory_space<vmem>> -> memref<256xf32, #tpu.memory_space<vmem>>
    tpu.wait_dma2 semaphore(%arg8 : memref<!tpu.dma_semaphore, #tpu.memory_space<semaphore_mem>>) src(%dma_wait3A_3351 : memref<256xf32, #tpu.memory_space<vmem>>) dst(%dma_wait3A_3349 : memref<256xf32, #tpu.memory_space<vmem_shared>>)
    %dma_wait3A_3352 = arith.constant 13 : i32
    %dma_wait3A_3353 = arith.constant 3328 : i32
    %dma_wait3A_3354 = tpu.memref_slice %arg6[%dma_wait3A_3353] : memref<8192xf32, #tpu.memory_space<vmem>> -> memref<256xf32, #tpu.memory_space<vmem>>
    %dma_wait3A_3355 = arith.constant 0 : i32
    %dma_wait3A_3356 = tpu.memref_slice %arg7[%arg1, %dma_wait3A_3352, %dma_wait3A_3355] : memref<16x32x256xf32, #tpu.memory_space<vmem_shared>> -> memref<1x1x256xf32, #tpu.memory_space<vmem_shared>>
    %dma_wait3A_3357 = tpu.memref_squeeze %dma_wait3A_3356 : memref<1x1x256xf32, #tpu.memory_space<vmem_shared>> -> memref<256xf32, #tpu.memory_space<vmem_shared>>
    %dma_wait3A_3358 = arith.constant 0 : i32
    %dma_wait3A_3359 = tpu.memref_slice %arg7[%arg1, %dma_wait3A_3352, %dma_wait3A_3358] : memref<16x32x256xf32, #tpu.memory_space<vmem_shared>> -> memref<1x1x256xf32, #tpu.memory_space<vmem_shared>>
    %dma_wait3A_3360 = tpu.memref_squeeze %dma_wait3A_3359 : memref<1x1x256xf32, #tpu.memory_space<vmem_shared>> -> memref<256xf32, #tpu.memory_space<vmem_shared>>
    %dma_wait3A_3361 = arith.constant 3328 : i32
    %dma_wait3A_3362 = tpu.memref_slice %arg6[%dma_wait3A_3361] : memref<8192xf32, #tpu.memory_space<vmem>> -> memref<256xf32, #tpu.memory_space<vmem>>
    tpu.wait_dma2 semaphore(%arg8 : memref<!tpu.dma_semaphore, #tpu.memory_space<semaphore_mem>>) src(%dma_wait3A_3362 : memref<256xf32, #tpu.memory_space<vmem>>) dst(%dma_wait3A_3360 : memref<256xf32, #tpu.memory_space<vmem_shared>>)
    %dma_wait3A_3363 = arith.constant 14 : i32
    %dma_wait3A_3364 = arith.constant 3584 : i32
    %dma_wait3A_3365 = tpu.memref_slice %arg6[%dma_wait3A_3364] : memref<8192xf32, #tpu.memory_space<vmem>> -> memref<256xf32, #tpu.memory_space<vmem>>
    %dma_wait3A_3366 = arith.constant 0 : i32
    %dma_wait3A_3367 = tpu.memref_slice %arg7[%arg1, %dma_wait3A_3363, %dma_wait3A_3366] : memref<16x32x256xf32, #tpu.memory_space<vmem_shared>> -> memref<1x1x256xf32, #tpu.memory_space<vmem_shared>>
    %dma_wait3A_3368 = tpu.memref_squeeze %dma_wait3A_3367 : memref<1x1x256xf32, #tpu.memory_space<vmem_shared>> -> memref<256xf32, #tpu.memory_space<vmem_shared>>
    %dma_wait3A_3369 = arith.constant 0 : i32
    %dma_wait3A_3370 = tpu.memref_slice %arg7[%arg1, %dma_wait3A_3363, %dma_wait3A_3369] : memref<16x32x256xf32, #tpu.memory_space<vmem_shared>> -> memref<1x1x256xf32, #tpu.memory_space<vmem_shared>>
    %dma_wait3A_3371 = tpu.memref_squeeze %dma_wait3A_3370 : memref<1x1x256xf32, #tpu.memory_space<vmem_shared>> -> memref<256xf32, #tpu.memory_space<vmem_shared>>
    %dma_wait3A_3372 = arith.constant 3584 : i32
    %dma_wait3A_3373 = tpu.memref_slice %arg6[%dma_wait3A_3372] : memref<8192xf32, #tpu.memory_space<vmem>> -> memref<256xf32, #tpu.memory_space<vmem>>
    tpu.wait_dma2 semaphore(%arg8 : memref<!tpu.dma_semaphore, #tpu.memory_space<semaphore_mem>>) src(%dma_wait3A_3373 : memref<256xf32, #tpu.memory_space<vmem>>) dst(%dma_wait3A_3371 : memref<256xf32, #tpu.memory_space<vmem_shared>>)
    %dma_wait3A_3374 = arith.constant 15 : i32
    %dma_wait3A_3375 = arith.constant 3840 : i32
    %dma_wait3A_3376 = tpu.memref_slice %arg6[%dma_wait3A_3375] : memref<8192xf32, #tpu.memory_space<vmem>> -> memref<256xf32, #tpu.memory_space<vmem>>
    %dma_wait3A_3377 = arith.constant 0 : i32
    %dma_wait3A_3378 = tpu.memref_slice %arg7[%arg1, %dma_wait3A_3374, %dma_wait3A_3377] : memref<16x32x256xf32, #tpu.memory_space<vmem_shared>> -> memref<1x1x256xf32, #tpu.memory_space<vmem_shared>>
    %dma_wait3A_3379 = tpu.memref_squeeze %dma_wait3A_3378 : memref<1x1x256xf32, #tpu.memory_space<vmem_shared>> -> memref<256xf32, #tpu.memory_space<vmem_shared>>
    %dma_wait3A_3380 = arith.constant 0 : i32
    %dma_wait3A_3381 = tpu.memref_slice %arg7[%arg1, %dma_wait3A_3374, %dma_wait3A_3380] : memref<16x32x256xf32, #tpu.memory_space<vmem_shared>> -> memref<1x1x256xf32, #tpu.memory_space<vmem_shared>>
    %dma_wait3A_3382 = tpu.memref_squeeze %dma_wait3A_3381 : memref<1x1x256xf32, #tpu.memory_space<vmem_shared>> -> memref<256xf32, #tpu.memory_space<vmem_shared>>
    %dma_wait3A_3383 = arith.constant 3840 : i32
    %dma_wait3A_3384 = tpu.memref_slice %arg6[%dma_wait3A_3383] : memref<8192xf32, #tpu.memory_space<vmem>> -> memref<256xf32, #tpu.memory_space<vmem>>
    tpu.wait_dma2 semaphore(%arg8 : memref<!tpu.dma_semaphore, #tpu.memory_space<semaphore_mem>>) src(%dma_wait3A_3384 : memref<256xf32, #tpu.memory_space<vmem>>) dst(%dma_wait3A_3382 : memref<256xf32, #tpu.memory_space<vmem_shared>>)
    %dma_wait3A_3385 = arith.constant 16 : i32
    %dma_wait3A_3386 = arith.constant 4096 : i32
    %dma_wait3A_3387 = tpu.memref_slice %arg6[%dma_wait3A_3386] : memref<8192xf32, #tpu.memory_space<vmem>> -> memref<256xf32, #tpu.memory_space<vmem>>
    %dma_wait3A_3388 = arith.constant 0 : i32
    %dma_wait3A_3389 = tpu.memref_slice %arg7[%arg1, %dma_wait3A_3385, %dma_wait3A_3388] : memref<16x32x256xf32, #tpu.memory_space<vmem_shared>> -> memref<1x1x256xf32, #tpu.memory_space<vmem_shared>>
    %dma_wait3A_3390 = tpu.memref_squeeze %dma_wait3A_3389 : memref<1x1x256xf32, #tpu.memory_space<vmem_shared>> -> memref<256xf32, #tpu.memory_space<vmem_shared>>
    %dma_wait3A_3391 = arith.constant 0 : i32
    %dma_wait3A_3392 = tpu.memref_slice %arg7[%arg1, %dma_wait3A_3385, %dma_wait3A_3391] : memref<16x32x256xf32, #tpu.memory_space<vmem_shared>> -> memref<1x1x256xf32, #tpu.memory_space<vmem_shared>>
    %dma_wait3A_3393 = tpu.memref_squeeze %dma_wait3A_3392 : memref<1x1x256xf32, #tpu.memory_space<vmem_shared>> -> memref<256xf32, #tpu.memory_space<vmem_shared>>
    %dma_wait3A_3394 = arith.constant 4096 : i32
    %dma_wait3A_3395 = tpu.memref_slice %arg6[%dma_wait3A_3394] : memref<8192xf32, #tpu.memory_space<vmem>> -> memref<256xf32, #tpu.memory_space<vmem>>
    tpu.wait_dma2 semaphore(%arg8 : memref<!tpu.dma_semaphore, #tpu.memory_space<semaphore_mem>>) src(%dma_wait3A_3395 : memref<256xf32, #tpu.memory_space<vmem>>) dst(%dma_wait3A_3393 : memref<256xf32, #tpu.memory_space<vmem_shared>>)
    %dma_wait3A_3396 = arith.constant 17 : i32
    %dma_wait3A_3397 = arith.constant 4352 : i32
    %dma_wait3A_3398 = tpu.memref_slice %arg6[%dma_wait3A_3397] : memref<8192xf32, #tpu.memory_space<vmem>> -> memref<256xf32, #tpu.memory_space<vmem>>
    %dma_wait3A_3399 = arith.constant 0 : i32
    %dma_wait3A_3400 = tpu.memref_slice %arg7[%arg1, %dma_wait3A_3396, %dma_wait3A_3399] : memref<16x32x256xf32, #tpu.memory_space<vmem_shared>> -> memref<1x1x256xf32, #tpu.memory_space<vmem_shared>>
    %dma_wait3A_3401 = tpu.memref_squeeze %dma_wait3A_3400 : memref<1x1x256xf32, #tpu.memory_space<vmem_shared>> -> memref<256xf32, #tpu.memory_space<vmem_shared>>
    %dma_wait3A_3402 = arith.constant 0 : i32
    %dma_wait3A_3403 = tpu.memref_slice %arg7[%arg1, %dma_wait3A_3396, %dma_wait3A_3402] : memref<16x32x256xf32, #tpu.memory_space<vmem_shared>> -> memref<1x1x256xf32, #tpu.memory_space<vmem_shared>>
    %dma_wait3A_3404 = tpu.memref_squeeze %dma_wait3A_3403 : memref<1x1x256xf32, #tpu.memory_space<vmem_shared>> -> memref<256xf32, #tpu.memory_space<vmem_shared>>
    %dma_wait3A_3405 = arith.constant 4352 : i32
    %dma_wait3A_3406 = tpu.memref_slice %arg6[%dma_wait3A_3405] : memref<8192xf32, #tpu.memory_space<vmem>> -> memref<256xf32, #tpu.memory_space<vmem>>
    tpu.wait_dma2 semaphore(%arg8 : memref<!tpu.dma_semaphore, #tpu.memory_space<semaphore_mem>>) src(%dma_wait3A_3406 : memref<256xf32, #tpu.memory_space<vmem>>) dst(%dma_wait3A_3404 : memref<256xf32, #tpu.memory_space<vmem_shared>>)
    %dma_wait3A_3407 = arith.constant 18 : i32
    %dma_wait3A_3408 = arith.constant 4608 : i32
    %dma_wait3A_3409 = tpu.memref_slice %arg6[%dma_wait3A_3408] : memref<8192xf32, #tpu.memory_space<vmem>> -> memref<256xf32, #tpu.memory_space<vmem>>
    %dma_wait3A_3410 = arith.constant 0 : i32
    %dma_wait3A_3411 = tpu.memref_slice %arg7[%arg1, %dma_wait3A_3407, %dma_wait3A_3410] : memref<16x32x256xf32, #tpu.memory_space<vmem_shared>> -> memref<1x1x256xf32, #tpu.memory_space<vmem_shared>>
    %dma_wait3A_3412 = tpu.memref_squeeze %dma_wait3A_3411 : memref<1x1x256xf32, #tpu.memory_space<vmem_shared>> -> memref<256xf32, #tpu.memory_space<vmem_shared>>
    %dma_wait3A_3413 = arith.constant 0 : i32
    %dma_wait3A_3414 = tpu.memref_slice %arg7[%arg1, %dma_wait3A_3407, %dma_wait3A_3413] : memref<16x32x256xf32, #tpu.memory_space<vmem_shared>> -> memref<1x1x256xf32, #tpu.memory_space<vmem_shared>>
    %dma_wait3A_3415 = tpu.memref_squeeze %dma_wait3A_3414 : memref<1x1x256xf32, #tpu.memory_space<vmem_shared>> -> memref<256xf32, #tpu.memory_space<vmem_shared>>
    %dma_wait3A_3416 = arith.constant 4608 : i32
    %dma_wait3A_3417 = tpu.memref_slice %arg6[%dma_wait3A_3416] : memref<8192xf32, #tpu.memory_space<vmem>> -> memref<256xf32, #tpu.memory_space<vmem>>
    tpu.wait_dma2 semaphore(%arg8 : memref<!tpu.dma_semaphore, #tpu.memory_space<semaphore_mem>>) src(%dma_wait3A_3417 : memref<256xf32, #tpu.memory_space<vmem>>) dst(%dma_wait3A_3415 : memref<256xf32, #tpu.memory_space<vmem_shared>>)
    %dma_wait3A_3418 = arith.constant 19 : i32
    %dma_wait3A_3419 = arith.constant 4864 : i32
    %dma_wait3A_3420 = tpu.memref_slice %arg6[%dma_wait3A_3419] : memref<8192xf32, #tpu.memory_space<vmem>> -> memref<256xf32, #tpu.memory_space<vmem>>
    %dma_wait3A_3421 = arith.constant 0 : i32
    %dma_wait3A_3422 = tpu.memref_slice %arg7[%arg1, %dma_wait3A_3418, %dma_wait3A_3421] : memref<16x32x256xf32, #tpu.memory_space<vmem_shared>> -> memref<1x1x256xf32, #tpu.memory_space<vmem_shared>>
    %dma_wait3A_3423 = tpu.memref_squeeze %dma_wait3A_3422 : memref<1x1x256xf32, #tpu.memory_space<vmem_shared>> -> memref<256xf32, #tpu.memory_space<vmem_shared>>
    %dma_wait3A_3424 = arith.constant 0 : i32
    %dma_wait3A_3425 = tpu.memref_slice %arg7[%arg1, %dma_wait3A_3418, %dma_wait3A_3424] : memref<16x32x256xf32, #tpu.memory_space<vmem_shared>> -> memref<1x1x256xf32, #tpu.memory_space<vmem_shared>>
    %dma_wait3A_3426 = tpu.memref_squeeze %dma_wait3A_3425 : memref<1x1x256xf32, #tpu.memory_space<vmem_shared>> -> memref<256xf32, #tpu.memory_space<vmem_shared>>
    %dma_wait3A_3427 = arith.constant 4864 : i32
    %dma_wait3A_3428 = tpu.memref_slice %arg6[%dma_wait3A_3427] : memref<8192xf32, #tpu.memory_space<vmem>> -> memref<256xf32, #tpu.memory_space<vmem>>
    tpu.wait_dma2 semaphore(%arg8 : memref<!tpu.dma_semaphore, #tpu.memory_space<semaphore_mem>>) src(%dma_wait3A_3428 : memref<256xf32, #tpu.memory_space<vmem>>) dst(%dma_wait3A_3426 : memref<256xf32, #tpu.memory_space<vmem_shared>>)
    %dma_wait3A_3429 = arith.constant 20 : i32
    %dma_wait3A_3430 = arith.constant 5120 : i32
    %dma_wait3A_3431 = tpu.memref_slice %arg6[%dma_wait3A_3430] : memref<8192xf32, #tpu.memory_space<vmem>> -> memref<256xf32, #tpu.memory_space<vmem>>
    %dma_wait3A_3432 = arith.constant 0 : i32
    %dma_wait3A_3433 = tpu.memref_slice %arg7[%arg1, %dma_wait3A_3429, %dma_wait3A_3432] : memref<16x32x256xf32, #tpu.memory_space<vmem_shared>> -> memref<1x1x256xf32, #tpu.memory_space<vmem_shared>>
    %dma_wait3A_3434 = tpu.memref_squeeze %dma_wait3A_3433 : memref<1x1x256xf32, #tpu.memory_space<vmem_shared>> -> memref<256xf32, #tpu.memory_space<vmem_shared>>
    %dma_wait3A_3435 = arith.constant 0 : i32
    %dma_wait3A_3436 = tpu.memref_slice %arg7[%arg1, %dma_wait3A_3429, %dma_wait3A_3435] : memref<16x32x256xf32, #tpu.memory_space<vmem_shared>> -> memref<1x1x256xf32, #tpu.memory_space<vmem_shared>>
    %dma_wait3A_3437 = tpu.memref_squeeze %dma_wait3A_3436 : memref<1x1x256xf32, #tpu.memory_space<vmem_shared>> -> memref<256xf32, #tpu.memory_space<vmem_shared>>
    %dma_wait3A_3438 = arith.constant 5120 : i32
    %dma_wait3A_3439 = tpu.memref_slice %arg6[%dma_wait3A_3438] : memref<8192xf32, #tpu.memory_space<vmem>> -> memref<256xf32, #tpu.memory_space<vmem>>
    tpu.wait_dma2 semaphore(%arg8 : memref<!tpu.dma_semaphore, #tpu.memory_space<semaphore_mem>>) src(%dma_wait3A_3439 : memref<256xf32, #tpu.memory_space<vmem>>) dst(%dma_wait3A_3437 : memref<256xf32, #tpu.memory_space<vmem_shared>>)
    %dma_wait3A_3440 = arith.constant 21 : i32
    %dma_wait3A_3441 = arith.constant 5376 : i32
    %dma_wait3A_3442 = tpu.memref_slice %arg6[%dma_wait3A_3441] : memref<8192xf32, #tpu.memory_space<vmem>> -> memref<256xf32, #tpu.memory_space<vmem>>
    %dma_wait3A_3443 = arith.constant 0 : i32
    %dma_wait3A_3444 = tpu.memref_slice %arg7[%arg1, %dma_wait3A_3440, %dma_wait3A_3443] : memref<16x32x256xf32, #tpu.memory_space<vmem_shared>> -> memref<1x1x256xf32, #tpu.memory_space<vmem_shared>>
    %dma_wait3A_3445 = tpu.memref_squeeze %dma_wait3A_3444 : memref<1x1x256xf32, #tpu.memory_space<vmem_shared>> -> memref<256xf32, #tpu.memory_space<vmem_shared>>
    %dma_wait3A_3446 = arith.constant 0 : i32
    %dma_wait3A_3447 = tpu.memref_slice %arg7[%arg1, %dma_wait3A_3440, %dma_wait3A_3446] : memref<16x32x256xf32, #tpu.memory_space<vmem_shared>> -> memref<1x1x256xf32, #tpu.memory_space<vmem_shared>>
    %dma_wait3A_3448 = tpu.memref_squeeze %dma_wait3A_3447 : memref<1x1x256xf32, #tpu.memory_space<vmem_shared>> -> memref<256xf32, #tpu.memory_space<vmem_shared>>
    %dma_wait3A_3449 = arith.constant 5376 : i32
    %dma_wait3A_3450 = tpu.memref_slice %arg6[%dma_wait3A_3449] : memref<8192xf32, #tpu.memory_space<vmem>> -> memref<256xf32, #tpu.memory_space<vmem>>
    tpu.wait_dma2 semaphore(%arg8 : memref<!tpu.dma_semaphore, #tpu.memory_space<semaphore_mem>>) src(%dma_wait3A_3450 : memref<256xf32, #tpu.memory_space<vmem>>) dst(%dma_wait3A_3448 : memref<256xf32, #tpu.memory_space<vmem_shared>>)
    %dma_wait3A_3451 = arith.constant 22 : i32
    %dma_wait3A_3452 = arith.constant 5632 : i32
    %dma_wait3A_3453 = tpu.memref_slice %arg6[%dma_wait3A_3452] : memref<8192xf32, #tpu.memory_space<vmem>> -> memref<256xf32, #tpu.memory_space<vmem>>
    %dma_wait3A_3454 = arith.constant 0 : i32
    %dma_wait3A_3455 = tpu.memref_slice %arg7[%arg1, %dma_wait3A_3451, %dma_wait3A_3454] : memref<16x32x256xf32, #tpu.memory_space<vmem_shared>> -> memref<1x1x256xf32, #tpu.memory_space<vmem_shared>>
    %dma_wait3A_3456 = tpu.memref_squeeze %dma_wait3A_3455 : memref<1x1x256xf32, #tpu.memory_space<vmem_shared>> -> memref<256xf32, #tpu.memory_space<vmem_shared>>
    %dma_wait3A_3457 = arith.constant 0 : i32
    %dma_wait3A_3458 = tpu.memref_slice %arg7[%arg1, %dma_wait3A_3451, %dma_wait3A_3457] : memref<16x32x256xf32, #tpu.memory_space<vmem_shared>> -> memref<1x1x256xf32, #tpu.memory_space<vmem_shared>>
    %dma_wait3A_3459 = tpu.memref_squeeze %dma_wait3A_3458 : memref<1x1x256xf32, #tpu.memory_space<vmem_shared>> -> memref<256xf32, #tpu.memory_space<vmem_shared>>
    %dma_wait3A_3460 = arith.constant 5632 : i32
    %dma_wait3A_3461 = tpu.memref_slice %arg6[%dma_wait3A_3460] : memref<8192xf32, #tpu.memory_space<vmem>> -> memref<256xf32, #tpu.memory_space<vmem>>
    tpu.wait_dma2 semaphore(%arg8 : memref<!tpu.dma_semaphore, #tpu.memory_space<semaphore_mem>>) src(%dma_wait3A_3461 : memref<256xf32, #tpu.memory_space<vmem>>) dst(%dma_wait3A_3459 : memref<256xf32, #tpu.memory_space<vmem_shared>>)
    %dma_wait3A_3462 = arith.constant 23 : i32
    %dma_wait3A_3463 = arith.constant 5888 : i32
    %dma_wait3A_3464 = tpu.memref_slice %arg6[%dma_wait3A_3463] : memref<8192xf32, #tpu.memory_space<vmem>> -> memref<256xf32, #tpu.memory_space<vmem>>
    %dma_wait3A_3465 = arith.constant 0 : i32
    %dma_wait3A_3466 = tpu.memref_slice %arg7[%arg1, %dma_wait3A_3462, %dma_wait3A_3465] : memref<16x32x256xf32, #tpu.memory_space<vmem_shared>> -> memref<1x1x256xf32, #tpu.memory_space<vmem_shared>>
    %dma_wait3A_3467 = tpu.memref_squeeze %dma_wait3A_3466 : memref<1x1x256xf32, #tpu.memory_space<vmem_shared>> -> memref<256xf32, #tpu.memory_space<vmem_shared>>
    %dma_wait3A_3468 = arith.constant 0 : i32
    %dma_wait3A_3469 = tpu.memref_slice %arg7[%arg1, %dma_wait3A_3462, %dma_wait3A_3468] : memref<16x32x256xf32, #tpu.memory_space<vmem_shared>> -> memref<1x1x256xf32, #tpu.memory_space<vmem_shared>>
    %dma_wait3A_3470 = tpu.memref_squeeze %dma_wait3A_3469 : memref<1x1x256xf32, #tpu.memory_space<vmem_shared>> -> memref<256xf32, #tpu.memory_space<vmem_shared>>
    %dma_wait3A_3471 = arith.constant 5888 : i32
    %dma_wait3A_3472 = tpu.memref_slice %arg6[%dma_wait3A_3471] : memref<8192xf32, #tpu.memory_space<vmem>> -> memref<256xf32, #tpu.memory_space<vmem>>
    tpu.wait_dma2 semaphore(%arg8 : memref<!tpu.dma_semaphore, #tpu.memory_space<semaphore_mem>>) src(%dma_wait3A_3472 : memref<256xf32, #tpu.memory_space<vmem>>) dst(%dma_wait3A_3470 : memref<256xf32, #tpu.memory_space<vmem_shared>>)
    %dma_wait3A_3473 = arith.constant 24 : i32
    %dma_wait3A_3474 = arith.constant 6144 : i32
    %dma_wait3A_3475 = tpu.memref_slice %arg6[%dma_wait3A_3474] : memref<8192xf32, #tpu.memory_space<vmem>> -> memref<256xf32, #tpu.memory_space<vmem>>
    %dma_wait3A_3476 = arith.constant 0 : i32
    %dma_wait3A_3477 = tpu.memref_slice %arg7[%arg1, %dma_wait3A_3473, %dma_wait3A_3476] : memref<16x32x256xf32, #tpu.memory_space<vmem_shared>> -> memref<1x1x256xf32, #tpu.memory_space<vmem_shared>>
    %dma_wait3A_3478 = tpu.memref_squeeze %dma_wait3A_3477 : memref<1x1x256xf32, #tpu.memory_space<vmem_shared>> -> memref<256xf32, #tpu.memory_space<vmem_shared>>
    %dma_wait3A_3479 = arith.constant 0 : i32
    %dma_wait3A_3480 = tpu.memref_slice %arg7[%arg1, %dma_wait3A_3473, %dma_wait3A_3479] : memref<16x32x256xf32, #tpu.memory_space<vmem_shared>> -> memref<1x1x256xf32, #tpu.memory_space<vmem_shared>>
    %dma_wait3A_3481 = tpu.memref_squeeze %dma_wait3A_3480 : memref<1x1x256xf32, #tpu.memory_space<vmem_shared>> -> memref<256xf32, #tpu.memory_space<vmem_shared>>
    %dma_wait3A_3482 = arith.constant 6144 : i32
    %dma_wait3A_3483 = tpu.memref_slice %arg6[%dma_wait3A_3482] : memref<8192xf32, #tpu.memory_space<vmem>> -> memref<256xf32, #tpu.memory_space<vmem>>
    tpu.wait_dma2 semaphore(%arg8 : memref<!tpu.dma_semaphore, #tpu.memory_space<semaphore_mem>>) src(%dma_wait3A_3483 : memref<256xf32, #tpu.memory_space<vmem>>) dst(%dma_wait3A_3481 : memref<256xf32, #tpu.memory_space<vmem_shared>>)
    %dma_wait3A_3484 = arith.constant 25 : i32
    %dma_wait3A_3485 = arith.constant 6400 : i32
    %dma_wait3A_3486 = tpu.memref_slice %arg6[%dma_wait3A_3485] : memref<8192xf32, #tpu.memory_space<vmem>> -> memref<256xf32, #tpu.memory_space<vmem>>
    %dma_wait3A_3487 = arith.constant 0 : i32
    %dma_wait3A_3488 = tpu.memref_slice %arg7[%arg1, %dma_wait3A_3484, %dma_wait3A_3487] : memref<16x32x256xf32, #tpu.memory_space<vmem_shared>> -> memref<1x1x256xf32, #tpu.memory_space<vmem_shared>>
    %dma_wait3A_3489 = tpu.memref_squeeze %dma_wait3A_3488 : memref<1x1x256xf32, #tpu.memory_space<vmem_shared>> -> memref<256xf32, #tpu.memory_space<vmem_shared>>
    %dma_wait3A_3490 = arith.constant 0 : i32
    %dma_wait3A_3491 = tpu.memref_slice %arg7[%arg1, %dma_wait3A_3484, %dma_wait3A_3490] : memref<16x32x256xf32, #tpu.memory_space<vmem_shared>> -> memref<1x1x256xf32, #tpu.memory_space<vmem_shared>>
    %dma_wait3A_3492 = tpu.memref_squeeze %dma_wait3A_3491 : memref<1x1x256xf32, #tpu.memory_space<vmem_shared>> -> memref<256xf32, #tpu.memory_space<vmem_shared>>
    %dma_wait3A_3493 = arith.constant 6400 : i32
    %dma_wait3A_3494 = tpu.memref_slice %arg6[%dma_wait3A_3493] : memref<8192xf32, #tpu.memory_space<vmem>> -> memref<256xf32, #tpu.memory_space<vmem>>
    tpu.wait_dma2 semaphore(%arg8 : memref<!tpu.dma_semaphore, #tpu.memory_space<semaphore_mem>>) src(%dma_wait3A_3494 : memref<256xf32, #tpu.memory_space<vmem>>) dst(%dma_wait3A_3492 : memref<256xf32, #tpu.memory_space<vmem_shared>>)
    %dma_wait3A_3495 = arith.constant 26 : i32
    %dma_wait3A_3496 = arith.constant 6656 : i32
    %dma_wait3A_3497 = tpu.memref_slice %arg6[%dma_wait3A_3496] : memref<8192xf32, #tpu.memory_space<vmem>> -> memref<256xf32, #tpu.memory_space<vmem>>
    %dma_wait3A_3498 = arith.constant 0 : i32
    %dma_wait3A_3499 = tpu.memref_slice %arg7[%arg1, %dma_wait3A_3495, %dma_wait3A_3498] : memref<16x32x256xf32, #tpu.memory_space<vmem_shared>> -> memref<1x1x256xf32, #tpu.memory_space<vmem_shared>>
    %dma_wait3A_3500 = tpu.memref_squeeze %dma_wait3A_3499 : memref<1x1x256xf32, #tpu.memory_space<vmem_shared>> -> memref<256xf32, #tpu.memory_space<vmem_shared>>
    %dma_wait3A_3501 = arith.constant 0 : i32
    %dma_wait3A_3502 = tpu.memref_slice %arg7[%arg1, %dma_wait3A_3495, %dma_wait3A_3501] : memref<16x32x256xf32, #tpu.memory_space<vmem_shared>> -> memref<1x1x256xf32, #tpu.memory_space<vmem_shared>>
    %dma_wait3A_3503 = tpu.memref_squeeze %dma_wait3A_3502 : memref<1x1x256xf32, #tpu.memory_space<vmem_shared>> -> memref<256xf32, #tpu.memory_space<vmem_shared>>
    %dma_wait3A_3504 = arith.constant 6656 : i32
    %dma_wait3A_3505 = tpu.memref_slice %arg6[%dma_wait3A_3504] : memref<8192xf32, #tpu.memory_space<vmem>> -> memref<256xf32, #tpu.memory_space<vmem>>
    tpu.wait_dma2 semaphore(%arg8 : memref<!tpu.dma_semaphore, #tpu.memory_space<semaphore_mem>>) src(%dma_wait3A_3505 : memref<256xf32, #tpu.memory_space<vmem>>) dst(%dma_wait3A_3503 : memref<256xf32, #tpu.memory_space<vmem_shared>>)
    %dma_wait3A_3506 = arith.constant 27 : i32
    %dma_wait3A_3507 = arith.constant 6912 : i32
    %dma_wait3A_3508 = tpu.memref_slice %arg6[%dma_wait3A_3507] : memref<8192xf32, #tpu.memory_space<vmem>> -> memref<256xf32, #tpu.memory_space<vmem>>
    %dma_wait3A_3509 = arith.constant 0 : i32
    %dma_wait3A_3510 = tpu.memref_slice %arg7[%arg1, %dma_wait3A_3506, %dma_wait3A_3509] : memref<16x32x256xf32, #tpu.memory_space<vmem_shared>> -> memref<1x1x256xf32, #tpu.memory_space<vmem_shared>>
    %dma_wait3A_3511 = tpu.memref_squeeze %dma_wait3A_3510 : memref<1x1x256xf32, #tpu.memory_space<vmem_shared>> -> memref<256xf32, #tpu.memory_space<vmem_shared>>
    %dma_wait3A_3512 = arith.constant 0 : i32
    %dma_wait3A_3513 = tpu.memref_slice %arg7[%arg1, %dma_wait3A_3506, %dma_wait3A_3512] : memref<16x32x256xf32, #tpu.memory_space<vmem_shared>> -> memref<1x1x256xf32, #tpu.memory_space<vmem_shared>>
    %dma_wait3A_3514 = tpu.memref_squeeze %dma_wait3A_3513 : memref<1x1x256xf32, #tpu.memory_space<vmem_shared>> -> memref<256xf32, #tpu.memory_space<vmem_shared>>
    %dma_wait3A_3515 = arith.constant 6912 : i32
    %dma_wait3A_3516 = tpu.memref_slice %arg6[%dma_wait3A_3515] : memref<8192xf32, #tpu.memory_space<vmem>> -> memref<256xf32, #tpu.memory_space<vmem>>
    tpu.wait_dma2 semaphore(%arg8 : memref<!tpu.dma_semaphore, #tpu.memory_space<semaphore_mem>>) src(%dma_wait3A_3516 : memref<256xf32, #tpu.memory_space<vmem>>) dst(%dma_wait3A_3514 : memref<256xf32, #tpu.memory_space<vmem_shared>>)
    %dma_wait3A_3517 = arith.constant 28 : i32
    %dma_wait3A_3518 = arith.constant 7168 : i32
    %dma_wait3A_3519 = tpu.memref_slice %arg6[%dma_wait3A_3518] : memref<8192xf32, #tpu.memory_space<vmem>> -> memref<256xf32, #tpu.memory_space<vmem>>
    %dma_wait3A_3520 = arith.constant 0 : i32
    %dma_wait3A_3521 = tpu.memref_slice %arg7[%arg1, %dma_wait3A_3517, %dma_wait3A_3520] : memref<16x32x256xf32, #tpu.memory_space<vmem_shared>> -> memref<1x1x256xf32, #tpu.memory_space<vmem_shared>>
    %dma_wait3A_3522 = tpu.memref_squeeze %dma_wait3A_3521 : memref<1x1x256xf32, #tpu.memory_space<vmem_shared>> -> memref<256xf32, #tpu.memory_space<vmem_shared>>
    %dma_wait3A_3523 = arith.constant 0 : i32
    %dma_wait3A_3524 = tpu.memref_slice %arg7[%arg1, %dma_wait3A_3517, %dma_wait3A_3523] : memref<16x32x256xf32, #tpu.memory_space<vmem_shared>> -> memref<1x1x256xf32, #tpu.memory_space<vmem_shared>>
    %dma_wait3A_3525 = tpu.memref_squeeze %dma_wait3A_3524 : memref<1x1x256xf32, #tpu.memory_space<vmem_shared>> -> memref<256xf32, #tpu.memory_space<vmem_shared>>
    %dma_wait3A_3526 = arith.constant 7168 : i32
    %dma_wait3A_3527 = tpu.memref_slice %arg6[%dma_wait3A_3526] : memref<8192xf32, #tpu.memory_space<vmem>> -> memref<256xf32, #tpu.memory_space<vmem>>
    tpu.wait_dma2 semaphore(%arg8 : memref<!tpu.dma_semaphore, #tpu.memory_space<semaphore_mem>>) src(%dma_wait3A_3527 : memref<256xf32, #tpu.memory_space<vmem>>) dst(%dma_wait3A_3525 : memref<256xf32, #tpu.memory_space<vmem_shared>>)
    %dma_wait3A_3528 = arith.constant 29 : i32
    %dma_wait3A_3529 = arith.constant 7424 : i32
    %dma_wait3A_3530 = tpu.memref_slice %arg6[%dma_wait3A_3529] : memref<8192xf32, #tpu.memory_space<vmem>> -> memref<256xf32, #tpu.memory_space<vmem>>
    %dma_wait3A_3531 = arith.constant 0 : i32
    %dma_wait3A_3532 = tpu.memref_slice %arg7[%arg1, %dma_wait3A_3528, %dma_wait3A_3531] : memref<16x32x256xf32, #tpu.memory_space<vmem_shared>> -> memref<1x1x256xf32, #tpu.memory_space<vmem_shared>>
    %dma_wait3A_3533 = tpu.memref_squeeze %dma_wait3A_3532 : memref<1x1x256xf32, #tpu.memory_space<vmem_shared>> -> memref<256xf32, #tpu.memory_space<vmem_shared>>
    %dma_wait3A_3534 = arith.constant 0 : i32
    %dma_wait3A_3535 = tpu.memref_slice %arg7[%arg1, %dma_wait3A_3528, %dma_wait3A_3534] : memref<16x32x256xf32, #tpu.memory_space<vmem_shared>> -> memref<1x1x256xf32, #tpu.memory_space<vmem_shared>>
    %dma_wait3A_3536 = tpu.memref_squeeze %dma_wait3A_3535 : memref<1x1x256xf32, #tpu.memory_space<vmem_shared>> -> memref<256xf32, #tpu.memory_space<vmem_shared>>
    %dma_wait3A_3537 = arith.constant 7424 : i32
    %dma_wait3A_3538 = tpu.memref_slice %arg6[%dma_wait3A_3537] : memref<8192xf32, #tpu.memory_space<vmem>> -> memref<256xf32, #tpu.memory_space<vmem>>
    tpu.wait_dma2 semaphore(%arg8 : memref<!tpu.dma_semaphore, #tpu.memory_space<semaphore_mem>>) src(%dma_wait3A_3538 : memref<256xf32, #tpu.memory_space<vmem>>) dst(%dma_wait3A_3536 : memref<256xf32, #tpu.memory_space<vmem_shared>>)
    %dma_wait3A_3539 = arith.constant 30 : i32
    %dma_wait3A_3540 = arith.constant 7680 : i32
    %dma_wait3A_3541 = tpu.memref_slice %arg6[%dma_wait3A_3540] : memref<8192xf32, #tpu.memory_space<vmem>> -> memref<256xf32, #tpu.memory_space<vmem>>
    %dma_wait3A_3542 = arith.constant 0 : i32
    %dma_wait3A_3543 = tpu.memref_slice %arg7[%arg1, %dma_wait3A_3539, %dma_wait3A_3542] : memref<16x32x256xf32, #tpu.memory_space<vmem_shared>> -> memref<1x1x256xf32, #tpu.memory_space<vmem_shared>>
    %dma_wait3A_3544 = tpu.memref_squeeze %dma_wait3A_3543 : memref<1x1x256xf32, #tpu.memory_space<vmem_shared>> -> memref<256xf32, #tpu.memory_space<vmem_shared>>
    %dma_wait3A_3545 = arith.constant 0 : i32
    %dma_wait3A_3546 = tpu.memref_slice %arg7[%arg1, %dma_wait3A_3539, %dma_wait3A_3545] : memref<16x32x256xf32, #tpu.memory_space<vmem_shared>> -> memref<1x1x256xf32, #tpu.memory_space<vmem_shared>>
    %dma_wait3A_3547 = tpu.memref_squeeze %dma_wait3A_3546 : memref<1x1x256xf32, #tpu.memory_space<vmem_shared>> -> memref<256xf32, #tpu.memory_space<vmem_shared>>
    %dma_wait3A_3548 = arith.constant 7680 : i32
    %dma_wait3A_3549 = tpu.memref_slice %arg6[%dma_wait3A_3548] : memref<8192xf32, #tpu.memory_space<vmem>> -> memref<256xf32, #tpu.memory_space<vmem>>
    tpu.wait_dma2 semaphore(%arg8 : memref<!tpu.dma_semaphore, #tpu.memory_space<semaphore_mem>>) src(%dma_wait3A_3549 : memref<256xf32, #tpu.memory_space<vmem>>) dst(%dma_wait3A_3547 : memref<256xf32, #tpu.memory_space<vmem_shared>>)
    %dma_wait3A_3550 = arith.constant 31 : i32
    %dma_wait3A_3551 = arith.constant 7936 : i32
    %dma_wait3A_3552 = tpu.memref_slice %arg6[%dma_wait3A_3551] : memref<8192xf32, #tpu.memory_space<vmem>> -> memref<256xf32, #tpu.memory_space<vmem>>
    %dma_wait3A_3553 = arith.constant 0 : i32
    %dma_wait3A_3554 = tpu.memref_slice %arg7[%arg1, %dma_wait3A_3550, %dma_wait3A_3553] : memref<16x32x256xf32, #tpu.memory_space<vmem_shared>> -> memref<1x1x256xf32, #tpu.memory_space<vmem_shared>>
    %dma_wait3A_3555 = tpu.memref_squeeze %dma_wait3A_3554 : memref<1x1x256xf32, #tpu.memory_space<vmem_shared>> -> memref<256xf32, #tpu.memory_space<vmem_shared>>
    %dma_wait3A_3556 = arith.constant 0 : i32
    %dma_wait3A_3557 = tpu.memref_slice %arg7[%arg1, %dma_wait3A_3550, %dma_wait3A_3556] : memref<16x32x256xf32, #tpu.memory_space<vmem_shared>> -> memref<1x1x256xf32, #tpu.memory_space<vmem_shared>>
    %dma_wait3A_3558 = tpu.memref_squeeze %dma_wait3A_3557 : memref<1x1x256xf32, #tpu.memory_space<vmem_shared>> -> memref<256xf32, #tpu.memory_space<vmem_shared>>
    %dma_wait3A_3559 = arith.constant 7936 : i32
    %dma_wait3A_3560 = tpu.memref_slice %arg6[%dma_wait3A_3559] : memref<8192xf32, #tpu.memory_space<vmem>> -> memref<256xf32, #tpu.memory_space<vmem>>
    tpu.wait_dma2 semaphore(%arg8 : memref<!tpu.dma_semaphore, #tpu.memory_space<semaphore_mem>>) src(%dma_wait3A_3560 : memref<256xf32, #tpu.memory_space<vmem>>) dst(%dma_wait3A_3558 : memref<256xf32, #tpu.memory_space<vmem_shared>>)
    %dma_start3A_3561 = arith.constant 0 : i32
    %dma_start3A_3562 = arith.constant 0 : i32
    %dma_start3A_3563 = arith.constant 0 : i32
    %dma_start3A_3564 = tpu.memref_slice %arg4[%dma_start3A_3561, %add3A, %dma_start3A_3562, %dma_start3A_3563] : memref<16x32x32x256xf32, #tpu.memory_space<hbm>> -> memref<1x1x32x256xf32, #tpu.memory_space<hbm>>
    %dma_start3A_3565 = tpu.memref_squeeze %dma_start3A_3564 : memref<1x1x32x256xf32, #tpu.memory_space<hbm>> -> memref<32x256xf32, #tpu.memory_space<hbm>>
    %dma_start3A_3566 = arith.constant 0 : i32
    %dma_start3A_3567 = arith.constant 0 : i32
    %dma_start3A_3568 = tpu.memref_slice %arg7[%arg1, %dma_start3A_3566, %dma_start3A_3567] : memref<16x32x256xf32, #tpu.memory_space<vmem_shared>> -> memref<1x32x256xf32, #tpu.memory_space<vmem_shared>>
    %dma_start3A_3569 = tpu.memref_squeeze %dma_start3A_3568 : memref<1x32x256xf32, #tpu.memory_space<vmem_shared>> -> memref<32x256xf32, #tpu.memory_space<vmem_shared>>
    tpu.enqueue_dma source(%dma_start3A_3569 : memref<32x256xf32, #tpu.memory_space<vmem_shared>>) target(%dma_start3A_3565 : memref<32x256xf32, #tpu.memory_space<hbm>>) target_semaphore(%arg8 : memref<!tpu.dma_semaphore, #tpu.memory_space<semaphore_mem>>)
    %dma_start3A_3570 = arith.constant 1 : i32
    %dma_start3A_3571 = arith.constant 0 : i32
    %dma_start3A_3572 = arith.constant 0 : i32
    %dma_start3A_3573 = tpu.memref_slice %arg4[%dma_start3A_3570, %add3A, %dma_start3A_3571, %dma_start3A_3572] : memref<16x32x32x256xf32, #tpu.memory_space<hbm>> -> memref<1x1x32x256xf32, #tpu.memory_space<hbm>>
    %dma_start3A_3574 = tpu.memref_squeeze %dma_start3A_3573 : memref<1x1x32x256xf32, #tpu.memory_space<hbm>> -> memref<32x256xf32, #tpu.memory_space<hbm>>
    %dma_start3A_3575 = arith.constant 0 : i32
    %dma_start3A_3576 = arith.constant 0 : i32
    %dma_start3A_3577 = tpu.memref_slice %arg7[%arg1, %dma_start3A_3575, %dma_start3A_3576] : memref<16x32x256xf32, #tpu.memory_space<vmem_shared>> -> memref<1x32x256xf32, #tpu.memory_space<vmem_shared>>
    %dma_start3A_3578 = tpu.memref_squeeze %dma_start3A_3577 : memref<1x32x256xf32, #tpu.memory_space<vmem_shared>> -> memref<32x256xf32, #tpu.memory_space<vmem_shared>>
    tpu.enqueue_dma source(%dma_start3A_3578 : memref<32x256xf32, #tpu.memory_space<vmem_shared>>) target(%dma_start3A_3574 : memref<32x256xf32, #tpu.memory_space<hbm>>) target_semaphore(%arg8 : memref<!tpu.dma_semaphore, #tpu.memory_space<semaphore_mem>>)
    %dma_start3A_3579 = arith.constant 2 : i32
    %dma_start3A_3580 = arith.constant 0 : i32
    %dma_start3A_3581 = arith.constant 0 : i32
    %dma_start3A_3582 = tpu.memref_slice %arg4[%dma_start3A_3579, %add3A, %dma_start3A_3580, %dma_start3A_3581] : memref<16x32x32x256xf32, #tpu.memory_space<hbm>> -> memref<1x1x32x256xf32, #tpu.memory_space<hbm>>
    %dma_start3A_3583 = tpu.memref_squeeze %dma_start3A_3582 : memref<1x1x32x256xf32, #tpu.memory_space<hbm>> -> memref<32x256xf32, #tpu.memory_space<hbm>>
    %dma_start3A_3584 = arith.constant 0 : i32
    %dma_start3A_3585 = arith.constant 0 : i32
    %dma_start3A_3586 = tpu.memref_slice %arg7[%arg1, %dma_start3A_3584, %dma_start3A_3585] : memref<16x32x256xf32, #tpu.memory_space<vmem_shared>> -> memref<1x32x256xf32, #tpu.memory_space<vmem_shared>>
    %dma_start3A_3587 = tpu.memref_squeeze %dma_start3A_3586 : memref<1x32x256xf32, #tpu.memory_space<vmem_shared>> -> memref<32x256xf32, #tpu.memory_space<vmem_shared>>
    tpu.enqueue_dma source(%dma_start3A_3587 : memref<32x256xf32, #tpu.memory_space<vmem_shared>>) target(%dma_start3A_3583 : memref<32x256xf32, #tpu.memory_space<hbm>>) target_semaphore(%arg8 : memref<!tpu.dma_semaphore, #tpu.memory_space<semaphore_mem>>)
    %dma_start3A_3588 = arith.constant 3 : i32
    %dma_start3A_3589 = arith.constant 0 : i32
    %dma_start3A_3590 = arith.constant 0 : i32
    %dma_start3A_3591 = tpu.memref_slice %arg4[%dma_start3A_3588, %add3A, %dma_start3A_3589, %dma_start3A_3590] : memref<16x32x32x256xf32, #tpu.memory_space<hbm>> -> memref<1x1x32x256xf32, #tpu.memory_space<hbm>>
    %dma_start3A_3592 = tpu.memref_squeeze %dma_start3A_3591 : memref<1x1x32x256xf32, #tpu.memory_space<hbm>> -> memref<32x256xf32, #tpu.memory_space<hbm>>
    %dma_start3A_3593 = arith.constant 0 : i32
    %dma_start3A_3594 = arith.constant 0 : i32
    %dma_start3A_3595 = tpu.memref_slice %arg7[%arg1, %dma_start3A_3593, %dma_start3A_3594] : memref<16x32x256xf32, #tpu.memory_space<vmem_shared>> -> memref<1x32x256xf32, #tpu.memory_space<vmem_shared>>
    %dma_start3A_3596 = tpu.memref_squeeze %dma_start3A_3595 : memref<1x32x256xf32, #tpu.memory_space<vmem_shared>> -> memref<32x256xf32, #tpu.memory_space<vmem_shared>>
    tpu.enqueue_dma source(%dma_start3A_3596 : memref<32x256xf32, #tpu.memory_space<vmem_shared>>) target(%dma_start3A_3592 : memref<32x256xf32, #tpu.memory_space<hbm>>) target_semaphore(%arg8 : memref<!tpu.dma_semaphore, #tpu.memory_space<semaphore_mem>>)
    %dma_start3A_3597 = arith.constant 4 : i32
    %dma_start3A_3598 = arith.constant 0 : i32
    %dma_start3A_3599 = arith.constant 0 : i32
    %dma_start3A_3600 = tpu.memref_slice %arg4[%dma_start3A_3597, %add3A, %dma_start3A_3598, %dma_start3A_3599] : memref<16x32x32x256xf32, #tpu.memory_space<hbm>> -> memref<1x1x32x256xf32, #tpu.memory_space<hbm>>
    %dma_start3A_3601 = tpu.memref_squeeze %dma_start3A_3600 : memref<1x1x32x256xf32, #tpu.memory_space<hbm>> -> memref<32x256xf32, #tpu.memory_space<hbm>>
    %dma_start3A_3602 = arith.constant 0 : i32
    %dma_start3A_3603 = arith.constant 0 : i32
    %dma_start3A_3604 = tpu.memref_slice %arg7[%arg1, %dma_start3A_3602, %dma_start3A_3603] : memref<16x32x256xf32, #tpu.memory_space<vmem_shared>> -> memref<1x32x256xf32, #tpu.memory_space<vmem_shared>>
    %dma_start3A_3605 = tpu.memref_squeeze %dma_start3A_3604 : memref<1x32x256xf32, #tpu.memory_space<vmem_shared>> -> memref<32x256xf32, #tpu.memory_space<vmem_shared>>
    tpu.enqueue_dma source(%dma_start3A_3605 : memref<32x256xf32, #tpu.memory_space<vmem_shared>>) target(%dma_start3A_3601 : memref<32x256xf32, #tpu.memory_space<hbm>>) target_semaphore(%arg8 : memref<!tpu.dma_semaphore, #tpu.memory_space<semaphore_mem>>)
    %dma_start3A_3606 = arith.constant 5 : i32
    %dma_start3A_3607 = arith.constant 0 : i32
    %dma_start3A_3608 = arith.constant 0 : i32
    %dma_start3A_3609 = tpu.memref_slice %arg4[%dma_start3A_3606, %add3A, %dma_start3A_3607, %dma_start3A_3608] : memref<16x32x32x256xf32, #tpu.memory_space<hbm>> -> memref<1x1x32x256xf32, #tpu.memory_space<hbm>>
    %dma_start3A_3610 = tpu.memref_squeeze %dma_start3A_3609 : memref<1x1x32x256xf32, #tpu.memory_space<hbm>> -> memref<32x256xf32, #tpu.memory_space<hbm>>
    %dma_start3A_3611 = arith.constant 0 : i32
    %dma_start3A_3612 = arith.constant 0 : i32
    %dma_start3A_3613 = tpu.memref_slice %arg7[%arg1, %dma_start3A_3611, %dma_start3A_3612] : memref<16x32x256xf32, #tpu.memory_space<vmem_shared>> -> memref<1x32x256xf32, #tpu.memory_space<vmem_shared>>
    %dma_start3A_3614 = tpu.memref_squeeze %dma_start3A_3613 : memref<1x32x256xf32, #tpu.memory_space<vmem_shared>> -> memref<32x256xf32, #tpu.memory_space<vmem_shared>>
    tpu.enqueue_dma source(%dma_start3A_3614 : memref<32x256xf32, #tpu.memory_space<vmem_shared>>) target(%dma_start3A_3610 : memref<32x256xf32, #tpu.memory_space<hbm>>) target_semaphore(%arg8 : memref<!tpu.dma_semaphore, #tpu.memory_space<semaphore_mem>>)
    %dma_start3A_3615 = arith.constant 6 : i32
    %dma_start3A_3616 = arith.constant 0 : i32
    %dma_start3A_3617 = arith.constant 0 : i32
    %dma_start3A_3618 = tpu.memref_slice %arg4[%dma_start3A_3615, %add3A, %dma_start3A_3616, %dma_start3A_3617] : memref<16x32x32x256xf32, #tpu.memory_space<hbm>> -> memref<1x1x32x256xf32, #tpu.memory_space<hbm>>
    %dma_start3A_3619 = tpu.memref_squeeze %dma_start3A_3618 : memref<1x1x32x256xf32, #tpu.memory_space<hbm>> -> memref<32x256xf32, #tpu.memory_space<hbm>>
    %dma_start3A_3620 = arith.constant 0 : i32
    %dma_start3A_3621 = arith.constant 0 : i32
    %dma_start3A_3622 = tpu.memref_slice %arg7[%arg1, %dma_start3A_3620, %dma_start3A_3621] : memref<16x32x256xf32, #tpu.memory_space<vmem_shared>> -> memref<1x32x256xf32, #tpu.memory_space<vmem_shared>>
    %dma_start3A_3623 = tpu.memref_squeeze %dma_start3A_3622 : memref<1x32x256xf32, #tpu.memory_space<vmem_shared>> -> memref<32x256xf32, #tpu.memory_space<vmem_shared>>
    tpu.enqueue_dma source(%dma_start3A_3623 : memref<32x256xf32, #tpu.memory_space<vmem_shared>>) target(%dma_start3A_3619 : memref<32x256xf32, #tpu.memory_space<hbm>>) target_semaphore(%arg8 : memref<!tpu.dma_semaphore, #tpu.memory_space<semaphore_mem>>)
    %dma_start3A_3624 = arith.constant 7 : i32
    %dma_start3A_3625 = arith.constant 0 : i32
    %dma_start3A_3626 = arith.constant 0 : i32
    %dma_start3A_3627 = tpu.memref_slice %arg4[%dma_start3A_3624, %add3A, %dma_start3A_3625, %dma_start3A_3626] : memref<16x32x32x256xf32, #tpu.memory_space<hbm>> -> memref<1x1x32x256xf32, #tpu.memory_space<hbm>>
    %dma_start3A_3628 = tpu.memref_squeeze %dma_start3A_3627 : memref<1x1x32x256xf32, #tpu.memory_space<hbm>> -> memref<32x256xf32, #tpu.memory_space<hbm>>
    %dma_start3A_3629 = arith.constant 0 : i32
    %dma_start3A_3630 = arith.constant 0 : i32
    %dma_start3A_3631 = tpu.memref_slice %arg7[%arg1, %dma_start3A_3629, %dma_start3A_3630] : memref<16x32x256xf32, #tpu.memory_space<vmem_shared>> -> memref<1x32x256xf32, #tpu.memory_space<vmem_shared>>
    %dma_start3A_3632 = tpu.memref_squeeze %dma_start3A_3631 : memref<1x32x256xf32, #tpu.memory_space<vmem_shared>> -> memref<32x256xf32, #tpu.memory_space<vmem_shared>>
    tpu.enqueue_dma source(%dma_start3A_3632 : memref<32x256xf32, #tpu.memory_space<vmem_shared>>) target(%dma_start3A_3628 : memref<32x256xf32, #tpu.memory_space<hbm>>) target_semaphore(%arg8 : memref<!tpu.dma_semaphore, #tpu.memory_space<semaphore_mem>>)
    %dma_start3A_3633 = arith.constant 8 : i32
    %dma_start3A_3634 = arith.constant 0 : i32
    %dma_start3A_3635 = arith.constant 0 : i32
    %dma_start3A_3636 = tpu.memref_slice %arg4[%dma_start3A_3633, %add3A, %dma_start3A_3634, %dma_start3A_3635] : memref<16x32x32x256xf32, #tpu.memory_space<hbm>> -> memref<1x1x32x256xf32, #tpu.memory_space<hbm>>
    %dma_start3A_3637 = tpu.memref_squeeze %dma_start3A_3636 : memref<1x1x32x256xf32, #tpu.memory_space<hbm>> -> memref<32x256xf32, #tpu.memory_space<hbm>>
    %dma_start3A_3638 = arith.constant 0 : i32
    %dma_start3A_3639 = arith.constant 0 : i32
    %dma_start3A_3640 = tpu.memref_slice %arg7[%arg1, %dma_start3A_3638, %dma_start3A_3639] : memref<16x32x256xf32, #tpu.memory_space<vmem_shared>> -> memref<1x32x256xf32, #tpu.memory_space<vmem_shared>>
    %dma_start3A_3641 = tpu.memref_squeeze %dma_start3A_3640 : memref<1x32x256xf32, #tpu.memory_space<vmem_shared>> -> memref<32x256xf32, #tpu.memory_space<vmem_shared>>
    tpu.enqueue_dma source(%dma_start3A_3641 : memref<32x256xf32, #tpu.memory_space<vmem_shared>>) target(%dma_start3A_3637 : memref<32x256xf32, #tpu.memory_space<hbm>>) target_semaphore(%arg8 : memref<!tpu.dma_semaphore, #tpu.memory_space<semaphore_mem>>)
    %dma_start3A_3642 = arith.constant 9 : i32
    %dma_start3A_3643 = arith.constant 0 : i32
    %dma_start3A_3644 = arith.constant 0 : i32
    %dma_start3A_3645 = tpu.memref_slice %arg4[%dma_start3A_3642, %add3A, %dma_start3A_3643, %dma_start3A_3644] : memref<16x32x32x256xf32, #tpu.memory_space<hbm>> -> memref<1x1x32x256xf32, #tpu.memory_space<hbm>>
    %dma_start3A_3646 = tpu.memref_squeeze %dma_start3A_3645 : memref<1x1x32x256xf32, #tpu.memory_space<hbm>> -> memref<32x256xf32, #tpu.memory_space<hbm>>
    %dma_start3A_3647 = arith.constant 0 : i32
    %dma_start3A_3648 = arith.constant 0 : i32
    %dma_start3A_3649 = tpu.memref_slice %arg7[%arg1, %dma_start3A_3647, %dma_start3A_3648] : memref<16x32x256xf32, #tpu.memory_space<vmem_shared>> -> memref<1x32x256xf32, #tpu.memory_space<vmem_shared>>
    %dma_start3A_3650 = tpu.memref_squeeze %dma_start3A_3649 : memref<1x32x256xf32, #tpu.memory_space<vmem_shared>> -> memref<32x256xf32, #tpu.memory_space<vmem_shared>>
    tpu.enqueue_dma source(%dma_start3A_3650 : memref<32x256xf32, #tpu.memory_space<vmem_shared>>) target(%dma_start3A_3646 : memref<32x256xf32, #tpu.memory_space<hbm>>) target_semaphore(%arg8 : memref<!tpu.dma_semaphore, #tpu.memory_space<semaphore_mem>>)
    %dma_start3A_3651 = arith.constant 10 : i32
    %dma_start3A_3652 = arith.constant 0 : i32
    %dma_start3A_3653 = arith.constant 0 : i32
    %dma_start3A_3654 = tpu.memref_slice %arg4[%dma_start3A_3651, %add3A, %dma_start3A_3652, %dma_start3A_3653] : memref<16x32x32x256xf32, #tpu.memory_space<hbm>> -> memref<1x1x32x256xf32, #tpu.memory_space<hbm>>
    %dma_start3A_3655 = tpu.memref_squeeze %dma_start3A_3654 : memref<1x1x32x256xf32, #tpu.memory_space<hbm>> -> memref<32x256xf32, #tpu.memory_space<hbm>>
    %dma_start3A_3656 = arith.constant 0 : i32
    %dma_start3A_3657 = arith.constant 0 : i32
    %dma_start3A_3658 = tpu.memref_slice %arg7[%arg1, %dma_start3A_3656, %dma_start3A_3657] : memref<16x32x256xf32, #tpu.memory_space<vmem_shared>> -> memref<1x32x256xf32, #tpu.memory_space<vmem_shared>>
    %dma_start3A_3659 = tpu.memref_squeeze %dma_start3A_3658 : memref<1x32x256xf32, #tpu.memory_space<vmem_shared>> -> memref<32x256xf32, #tpu.memory_space<vmem_shared>>
    tpu.enqueue_dma source(%dma_start3A_3659 : memref<32x256xf32, #tpu.memory_space<vmem_shared>>) target(%dma_start3A_3655 : memref<32x256xf32, #tpu.memory_space<hbm>>) target_semaphore(%arg8 : memref<!tpu.dma_semaphore, #tpu.memory_space<semaphore_mem>>)
    %dma_start3A_3660 = arith.constant 11 : i32
    %dma_start3A_3661 = arith.constant 0 : i32
    %dma_start3A_3662 = arith.constant 0 : i32
    %dma_start3A_3663 = tpu.memref_slice %arg4[%dma_start3A_3660, %add3A, %dma_start3A_3661, %dma_start3A_3662] : memref<16x32x32x256xf32, #tpu.memory_space<hbm>> -> memref<1x1x32x256xf32, #tpu.memory_space<hbm>>
    %dma_start3A_3664 = tpu.memref_squeeze %dma_start3A_3663 : memref<1x1x32x256xf32, #tpu.memory_space<hbm>> -> memref<32x256xf32, #tpu.memory_space<hbm>>
    %dma_start3A_3665 = arith.constant 0 : i32
    %dma_start3A_3666 = arith.constant 0 : i32
    %dma_start3A_3667 = tpu.memref_slice %arg7[%arg1, %dma_start3A_3665, %dma_start3A_3666] : memref<16x32x256xf32, #tpu.memory_space<vmem_shared>> -> memref<1x32x256xf32, #tpu.memory_space<vmem_shared>>
    %dma_start3A_3668 = tpu.memref_squeeze %dma_start3A_3667 : memref<1x32x256xf32, #tpu.memory_space<vmem_shared>> -> memref<32x256xf32, #tpu.memory_space<vmem_shared>>
    tpu.enqueue_dma source(%dma_start3A_3668 : memref<32x256xf32, #tpu.memory_space<vmem_shared>>) target(%dma_start3A_3664 : memref<32x256xf32, #tpu.memory_space<hbm>>) target_semaphore(%arg8 : memref<!tpu.dma_semaphore, #tpu.memory_space<semaphore_mem>>)
    %dma_start3A_3669 = arith.constant 12 : i32
    %dma_start3A_3670 = arith.constant 0 : i32
    %dma_start3A_3671 = arith.constant 0 : i32
    %dma_start3A_3672 = tpu.memref_slice %arg4[%dma_start3A_3669, %add3A, %dma_start3A_3670, %dma_start3A_3671] : memref<16x32x32x256xf32, #tpu.memory_space<hbm>> -> memref<1x1x32x256xf32, #tpu.memory_space<hbm>>
    %dma_start3A_3673 = tpu.memref_squeeze %dma_start3A_3672 : memref<1x1x32x256xf32, #tpu.memory_space<hbm>> -> memref<32x256xf32, #tpu.memory_space<hbm>>
    %dma_start3A_3674 = arith.constant 0 : i32
    %dma_start3A_3675 = arith.constant 0 : i32
    %dma_start3A_3676 = tpu.memref_slice %arg7[%arg1, %dma_start3A_3674, %dma_start3A_3675] : memref<16x32x256xf32, #tpu.memory_space<vmem_shared>> -> memref<1x32x256xf32, #tpu.memory_space<vmem_shared>>
    %dma_start3A_3677 = tpu.memref_squeeze %dma_start3A_3676 : memref<1x32x256xf32, #tpu.memory_space<vmem_shared>> -> memref<32x256xf32, #tpu.memory_space<vmem_shared>>
    tpu.enqueue_dma source(%dma_start3A_3677 : memref<32x256xf32, #tpu.memory_space<vmem_shared>>) target(%dma_start3A_3673 : memref<32x256xf32, #tpu.memory_space<hbm>>) target_semaphore(%arg8 : memref<!tpu.dma_semaphore, #tpu.memory_space<semaphore_mem>>)
    %dma_start3A_3678 = arith.constant 13 : i32
    %dma_start3A_3679 = arith.constant 0 : i32
    %dma_start3A_3680 = arith.constant 0 : i32
    %dma_start3A_3681 = tpu.memref_slice %arg4[%dma_start3A_3678, %add3A, %dma_start3A_3679, %dma_start3A_3680] : memref<16x32x32x256xf32, #tpu.memory_space<hbm>> -> memref<1x1x32x256xf32, #tpu.memory_space<hbm>>
    %dma_start3A_3682 = tpu.memref_squeeze %dma_start3A_3681 : memref<1x1x32x256xf32, #tpu.memory_space<hbm>> -> memref<32x256xf32, #tpu.memory_space<hbm>>
    %dma_start3A_3683 = arith.constant 0 : i32
    %dma_start3A_3684 = arith.constant 0 : i32
    %dma_start3A_3685 = tpu.memref_slice %arg7[%arg1, %dma_start3A_3683, %dma_start3A_3684] : memref<16x32x256xf32, #tpu.memory_space<vmem_shared>> -> memref<1x32x256xf32, #tpu.memory_space<vmem_shared>>
    %dma_start3A_3686 = tpu.memref_squeeze %dma_start3A_3685 : memref<1x32x256xf32, #tpu.memory_space<vmem_shared>> -> memref<32x256xf32, #tpu.memory_space<vmem_shared>>
    tpu.enqueue_dma source(%dma_start3A_3686 : memref<32x256xf32, #tpu.memory_space<vmem_shared>>) target(%dma_start3A_3682 : memref<32x256xf32, #tpu.memory_space<hbm>>) target_semaphore(%arg8 : memref<!tpu.dma_semaphore, #tpu.memory_space<semaphore_mem>>)
    %dma_start3A_3687 = arith.constant 14 : i32
    %dma_start3A_3688 = arith.constant 0 : i32
    %dma_start3A_3689 = arith.constant 0 : i32
    %dma_start3A_3690 = tpu.memref_slice %arg4[%dma_start3A_3687, %add3A, %dma_start3A_3688, %dma_start3A_3689] : memref<16x32x32x256xf32, #tpu.memory_space<hbm>> -> memref<1x1x32x256xf32, #tpu.memory_space<hbm>>
    %dma_start3A_3691 = tpu.memref_squeeze %dma_start3A_3690 : memref<1x1x32x256xf32, #tpu.memory_space<hbm>> -> memref<32x256xf32, #tpu.memory_space<hbm>>
    %dma_start3A_3692 = arith.constant 0 : i32
    %dma_start3A_3693 = arith.constant 0 : i32
    %dma_start3A_3694 = tpu.memref_slice %arg7[%arg1, %dma_start3A_3692, %dma_start3A_3693] : memref<16x32x256xf32, #tpu.memory_space<vmem_shared>> -> memref<1x32x256xf32, #tpu.memory_space<vmem_shared>>
    %dma_start3A_3695 = tpu.memref_squeeze %dma_start3A_3694 : memref<1x32x256xf32, #tpu.memory_space<vmem_shared>> -> memref<32x256xf32, #tpu.memory_space<vmem_shared>>
    tpu.enqueue_dma source(%dma_start3A_3695 : memref<32x256xf32, #tpu.memory_space<vmem_shared>>) target(%dma_start3A_3691 : memref<32x256xf32, #tpu.memory_space<hbm>>) target_semaphore(%arg8 : memref<!tpu.dma_semaphore, #tpu.memory_space<semaphore_mem>>)
    %dma_start3A_3696 = arith.constant 15 : i32
    %dma_start3A_3697 = arith.constant 0 : i32
    %dma_start3A_3698 = arith.constant 0 : i32
    %dma_start3A_3699 = tpu.memref_slice %arg4[%dma_start3A_3696, %add3A, %dma_start3A_3697, %dma_start3A_3698] : memref<16x32x32x256xf32, #tpu.memory_space<hbm>> -> memref<1x1x32x256xf32, #tpu.memory_space<hbm>>
    %dma_start3A_3700 = tpu.memref_squeeze %dma_start3A_3699 : memref<1x1x32x256xf32, #tpu.memory_space<hbm>> -> memref<32x256xf32, #tpu.memory_space<hbm>>
    %dma_start3A_3701 = arith.constant 0 : i32
    %dma_start3A_3702 = arith.constant 0 : i32
    %dma_start3A_3703 = tpu.memref_slice %arg7[%arg1, %dma_start3A_3701, %dma_start3A_3702] : memref<16x32x256xf32, #tpu.memory_space<vmem_shared>> -> memref<1x32x256xf32, #tpu.memory_space<vmem_shared>>
    %dma_start3A_3704 = tpu.memref_squeeze %dma_start3A_3703 : memref<1x32x256xf32, #tpu.memory_space<vmem_shared>> -> memref<32x256xf32, #tpu.memory_space<vmem_shared>>
    tpu.enqueue_dma source(%dma_start3A_3704 : memref<32x256xf32, #tpu.memory_space<vmem_shared>>) target(%dma_start3A_3700 : memref<32x256xf32, #tpu.memory_space<hbm>>) target_semaphore(%arg8 : memref<!tpu.dma_semaphore, #tpu.memory_space<semaphore_mem>>)
    %dma_wait3A_3705 = arith.constant 0 : i32
    %dma_wait3A_3706 = arith.constant 0 : i32
    %dma_wait3A_3707 = arith.constant 0 : i32
    %dma_wait3A_3708 = tpu.memref_slice %arg4[%dma_wait3A_3705, %add3A, %dma_wait3A_3706, %dma_wait3A_3707] : memref<16x32x32x256xf32, #tpu.memory_space<hbm>> -> memref<1x1x32x256xf32, #tpu.memory_space<hbm>>
    %dma_wait3A_3709 = tpu.memref_squeeze %dma_wait3A_3708 : memref<1x1x32x256xf32, #tpu.memory_space<hbm>> -> memref<32x256xf32, #tpu.memory_space<hbm>>
    %dma_wait3A_3710 = arith.constant 0 : i32
    %dma_wait3A_3711 = arith.constant 0 : i32
    %dma_wait3A_3712 = tpu.memref_slice %arg7[%arg1, %dma_wait3A_3710, %dma_wait3A_3711] : memref<16x32x256xf32, #tpu.memory_space<vmem_shared>> -> memref<1x32x256xf32, #tpu.memory_space<vmem_shared>>
    %dma_wait3A_3713 = tpu.memref_squeeze %dma_wait3A_3712 : memref<1x32x256xf32, #tpu.memory_space<vmem_shared>> -> memref<32x256xf32, #tpu.memory_space<vmem_shared>>
    tpu.wait_dma2 semaphore(%arg8 : memref<!tpu.dma_semaphore, #tpu.memory_space<semaphore_mem>>) src(%dma_wait3A_3713 : memref<32x256xf32, #tpu.memory_space<vmem_shared>>) dst(%dma_wait3A_3709 : memref<32x256xf32, #tpu.memory_space<hbm>>)
    %dma_wait3A_3714 = arith.constant 1 : i32
    %dma_wait3A_3715 = arith.constant 0 : i32
    %dma_wait3A_3716 = arith.constant 0 : i32
    %dma_wait3A_3717 = tpu.memref_slice %arg4[%dma_wait3A_3714, %add3A, %dma_wait3A_3715, %dma_wait3A_3716] : memref<16x32x32x256xf32, #tpu.memory_space<hbm>> -> memref<1x1x32x256xf32, #tpu.memory_space<hbm>>
    %dma_wait3A_3718 = tpu.memref_squeeze %dma_wait3A_3717 : memref<1x1x32x256xf32, #tpu.memory_space<hbm>> -> memref<32x256xf32, #tpu.memory_space<hbm>>
    %dma_wait3A_3719 = arith.constant 0 : i32
    %dma_wait3A_3720 = arith.constant 0 : i32
    %dma_wait3A_3721 = tpu.memref_slice %arg7[%arg1, %dma_wait3A_3719, %dma_wait3A_3720] : memref<16x32x256xf32, #tpu.memory_space<vmem_shared>> -> memref<1x32x256xf32, #tpu.memory_space<vmem_shared>>
    %dma_wait3A_3722 = tpu.memref_squeeze %dma_wait3A_3721 : memref<1x32x256xf32, #tpu.memory_space<vmem_shared>> -> memref<32x256xf32, #tpu.memory_space<vmem_shared>>
    tpu.wait_dma2 semaphore(%arg8 : memref<!tpu.dma_semaphore, #tpu.memory_space<semaphore_mem>>) src(%dma_wait3A_3722 : memref<32x256xf32, #tpu.memory_space<vmem_shared>>) dst(%dma_wait3A_3718 : memref<32x256xf32, #tpu.memory_space<hbm>>)
    %dma_wait3A_3723 = arith.constant 2 : i32
    %dma_wait3A_3724 = arith.constant 0 : i32
    %dma_wait3A_3725 = arith.constant 0 : i32
    %dma_wait3A_3726 = tpu.memref_slice %arg4[%dma_wait3A_3723, %add3A, %dma_wait3A_3724, %dma_wait3A_3725] : memref<16x32x32x256xf32, #tpu.memory_space<hbm>> -> memref<1x1x32x256xf32, #tpu.memory_space<hbm>>
    %dma_wait3A_3727 = tpu.memref_squeeze %dma_wait3A_3726 : memref<1x1x32x256xf32, #tpu.memory_space<hbm>> -> memref<32x256xf32, #tpu.memory_space<hbm>>
    %dma_wait3A_3728 = arith.constant 0 : i32
    %dma_wait3A_3729 = arith.constant 0 : i32
    %dma_wait3A_3730 = tpu.memref_slice %arg7[%arg1, %dma_wait3A_3728, %dma_wait3A_3729] : memref<16x32x256xf32, #tpu.memory_space<vmem_shared>> -> memref<1x32x256xf32, #tpu.memory_space<vmem_shared>>
    %dma_wait3A_3731 = tpu.memref_squeeze %dma_wait3A_3730 : memref<1x32x256xf32, #tpu.memory_space<vmem_shared>> -> memref<32x256xf32, #tpu.memory_space<vmem_shared>>
    tpu.wait_dma2 semaphore(%arg8 : memref<!tpu.dma_semaphore, #tpu.memory_space<semaphore_mem>>) src(%dma_wait3A_3731 : memref<32x256xf32, #tpu.memory_space<vmem_shared>>) dst(%dma_wait3A_3727 : memref<32x256xf32, #tpu.memory_space<hbm>>)
    %dma_wait3A_3732 = arith.constant 3 : i32
    %dma_wait3A_3733 = arith.constant 0 : i32
    %dma_wait3A_3734 = arith.constant 0 : i32
    %dma_wait3A_3735 = tpu.memref_slice %arg4[%dma_wait3A_3732, %add3A, %dma_wait3A_3733, %dma_wait3A_3734] : memref<16x32x32x256xf32, #tpu.memory_space<hbm>> -> memref<1x1x32x256xf32, #tpu.memory_space<hbm>>
    %dma_wait3A_3736 = tpu.memref_squeeze %dma_wait3A_3735 : memref<1x1x32x256xf32, #tpu.memory_space<hbm>> -> memref<32x256xf32, #tpu.memory_space<hbm>>
    %dma_wait3A_3737 = arith.constant 0 : i32
    %dma_wait3A_3738 = arith.constant 0 : i32
    %dma_wait3A_3739 = tpu.memref_slice %arg7[%arg1, %dma_wait3A_3737, %dma_wait3A_3738] : memref<16x32x256xf32, #tpu.memory_space<vmem_shared>> -> memref<1x32x256xf32, #tpu.memory_space<vmem_shared>>
    %dma_wait3A_3740 = tpu.memref_squeeze %dma_wait3A_3739 : memref<1x32x256xf32, #tpu.memory_space<vmem_shared>> -> memref<32x256xf32, #tpu.memory_space<vmem_shared>>
    tpu.wait_dma2 semaphore(%arg8 : memref<!tpu.dma_semaphore, #tpu.memory_space<semaphore_mem>>) src(%dma_wait3A_3740 : memref<32x256xf32, #tpu.memory_space<vmem_shared>>) dst(%dma_wait3A_3736 : memref<32x256xf32, #tpu.memory_space<hbm>>)
    %dma_wait3A_3741 = arith.constant 4 : i32
    %dma_wait3A_3742 = arith.constant 0 : i32
    %dma_wait3A_3743 = arith.constant 0 : i32
    %dma_wait3A_3744 = tpu.memref_slice %arg4[%dma_wait3A_3741, %add3A, %dma_wait3A_3742, %dma_wait3A_3743] : memref<16x32x32x256xf32, #tpu.memory_space<hbm>> -> memref<1x1x32x256xf32, #tpu.memory_space<hbm>>
    %dma_wait3A_3745 = tpu.memref_squeeze %dma_wait3A_3744 : memref<1x1x32x256xf32, #tpu.memory_space<hbm>> -> memref<32x256xf32, #tpu.memory_space<hbm>>
    %dma_wait3A_3746 = arith.constant 0 : i32
    %dma_wait3A_3747 = arith.constant 0 : i32
    %dma_wait3A_3748 = tpu.memref_slice %arg7[%arg1, %dma_wait3A_3746, %dma_wait3A_3747] : memref<16x32x256xf32, #tpu.memory_space<vmem_shared>> -> memref<1x32x256xf32, #tpu.memory_space<vmem_shared>>
    %dma_wait3A_3749 = tpu.memref_squeeze %dma_wait3A_3748 : memref<1x32x256xf32, #tpu.memory_space<vmem_shared>> -> memref<32x256xf32, #tpu.memory_space<vmem_shared>>
    tpu.wait_dma2 semaphore(%arg8 : memref<!tpu.dma_semaphore, #tpu.memory_space<semaphore_mem>>) src(%dma_wait3A_3749 : memref<32x256xf32, #tpu.memory_space<vmem_shared>>) dst(%dma_wait3A_3745 : memref<32x256xf32, #tpu.memory_space<hbm>>)
    %dma_wait3A_3750 = arith.constant 5 : i32
    %dma_wait3A_3751 = arith.constant 0 : i32
    %dma_wait3A_3752 = arith.constant 0 : i32
    %dma_wait3A_3753 = tpu.memref_slice %arg4[%dma_wait3A_3750, %add3A, %dma_wait3A_3751, %dma_wait3A_3752] : memref<16x32x32x256xf32, #tpu.memory_space<hbm>> -> memref<1x1x32x256xf32, #tpu.memory_space<hbm>>
    %dma_wait3A_3754 = tpu.memref_squeeze %dma_wait3A_3753 : memref<1x1x32x256xf32, #tpu.memory_space<hbm>> -> memref<32x256xf32, #tpu.memory_space<hbm>>
    %dma_wait3A_3755 = arith.constant 0 : i32
    %dma_wait3A_3756 = arith.constant 0 : i32
    %dma_wait3A_3757 = tpu.memref_slice %arg7[%arg1, %dma_wait3A_3755, %dma_wait3A_3756] : memref<16x32x256xf32, #tpu.memory_space<vmem_shared>> -> memref<1x32x256xf32, #tpu.memory_space<vmem_shared>>
    %dma_wait3A_3758 = tpu.memref_squeeze %dma_wait3A_3757 : memref<1x32x256xf32, #tpu.memory_space<vmem_shared>> -> memref<32x256xf32, #tpu.memory_space<vmem_shared>>
    tpu.wait_dma2 semaphore(%arg8 : memref<!tpu.dma_semaphore, #tpu.memory_space<semaphore_mem>>) src(%dma_wait3A_3758 : memref<32x256xf32, #tpu.memory_space<vmem_shared>>) dst(%dma_wait3A_3754 : memref<32x256xf32, #tpu.memory_space<hbm>>)
    %dma_wait3A_3759 = arith.constant 6 : i32
    %dma_wait3A_3760 = arith.constant 0 : i32
    %dma_wait3A_3761 = arith.constant 0 : i32
    %dma_wait3A_3762 = tpu.memref_slice %arg4[%dma_wait3A_3759, %add3A, %dma_wait3A_3760, %dma_wait3A_3761] : memref<16x32x32x256xf32, #tpu.memory_space<hbm>> -> memref<1x1x32x256xf32, #tpu.memory_space<hbm>>
    %dma_wait3A_3763 = tpu.memref_squeeze %dma_wait3A_3762 : memref<1x1x32x256xf32, #tpu.memory_space<hbm>> -> memref<32x256xf32, #tpu.memory_space<hbm>>
    %dma_wait3A_3764 = arith.constant 0 : i32
    %dma_wait3A_3765 = arith.constant 0 : i32
    %dma_wait3A_3766 = tpu.memref_slice %arg7[%arg1, %dma_wait3A_3764, %dma_wait3A_3765] : memref<16x32x256xf32, #tpu.memory_space<vmem_shared>> -> memref<1x32x256xf32, #tpu.memory_space<vmem_shared>>
    %dma_wait3A_3767 = tpu.memref_squeeze %dma_wait3A_3766 : memref<1x32x256xf32, #tpu.memory_space<vmem_shared>> -> memref<32x256xf32, #tpu.memory_space<vmem_shared>>
    tpu.wait_dma2 semaphore(%arg8 : memref<!tpu.dma_semaphore, #tpu.memory_space<semaphore_mem>>) src(%dma_wait3A_3767 : memref<32x256xf32, #tpu.memory_space<vmem_shared>>) dst(%dma_wait3A_3763 : memref<32x256xf32, #tpu.memory_space<hbm>>)
    %dma_wait3A_3768 = arith.constant 7 : i32
    %dma_wait3A_3769 = arith.constant 0 : i32
    %dma_wait3A_3770 = arith.constant 0 : i32
    %dma_wait3A_3771 = tpu.memref_slice %arg4[%dma_wait3A_3768, %add3A, %dma_wait3A_3769, %dma_wait3A_3770] : memref<16x32x32x256xf32, #tpu.memory_space<hbm>> -> memref<1x1x32x256xf32, #tpu.memory_space<hbm>>
    %dma_wait3A_3772 = tpu.memref_squeeze %dma_wait3A_3771 : memref<1x1x32x256xf32, #tpu.memory_space<hbm>> -> memref<32x256xf32, #tpu.memory_space<hbm>>
    %dma_wait3A_3773 = arith.constant 0 : i32
    %dma_wait3A_3774 = arith.constant 0 : i32
    %dma_wait3A_3775 = tpu.memref_slice %arg7[%arg1, %dma_wait3A_3773, %dma_wait3A_3774] : memref<16x32x256xf32, #tpu.memory_space<vmem_shared>> -> memref<1x32x256xf32, #tpu.memory_space<vmem_shared>>
    %dma_wait3A_3776 = tpu.memref_squeeze %dma_wait3A_3775 : memref<1x32x256xf32, #tpu.memory_space<vmem_shared>> -> memref<32x256xf32, #tpu.memory_space<vmem_shared>>
    tpu.wait_dma2 semaphore(%arg8 : memref<!tpu.dma_semaphore, #tpu.memory_space<semaphore_mem>>) src(%dma_wait3A_3776 : memref<32x256xf32, #tpu.memory_space<vmem_shared>>) dst(%dma_wait3A_3772 : memref<32x256xf32, #tpu.memory_space<hbm>>)
    %dma_wait3A_3777 = arith.constant 8 : i32
    %dma_wait3A_3778 = arith.constant 0 : i32
    %dma_wait3A_3779 = arith.constant 0 : i32
    %dma_wait3A_3780 = tpu.memref_slice %arg4[%dma_wait3A_3777, %add3A, %dma_wait3A_3778, %dma_wait3A_3779] : memref<16x32x32x256xf32, #tpu.memory_space<hbm>> -> memref<1x1x32x256xf32, #tpu.memory_space<hbm>>
    %dma_wait3A_3781 = tpu.memref_squeeze %dma_wait3A_3780 : memref<1x1x32x256xf32, #tpu.memory_space<hbm>> -> memref<32x256xf32, #tpu.memory_space<hbm>>
    %dma_wait3A_3782 = arith.constant 0 : i32
    %dma_wait3A_3783 = arith.constant 0 : i32
    %dma_wait3A_3784 = tpu.memref_slice %arg7[%arg1, %dma_wait3A_3782, %dma_wait3A_3783] : memref<16x32x256xf32, #tpu.memory_space<vmem_shared>> -> memref<1x32x256xf32, #tpu.memory_space<vmem_shared>>
    %dma_wait3A_3785 = tpu.memref_squeeze %dma_wait3A_3784 : memref<1x32x256xf32, #tpu.memory_space<vmem_shared>> -> memref<32x256xf32, #tpu.memory_space<vmem_shared>>
    tpu.wait_dma2 semaphore(%arg8 : memref<!tpu.dma_semaphore, #tpu.memory_space<semaphore_mem>>) src(%dma_wait3A_3785 : memref<32x256xf32, #tpu.memory_space<vmem_shared>>) dst(%dma_wait3A_3781 : memref<32x256xf32, #tpu.memory_space<hbm>>)
    %dma_wait3A_3786 = arith.constant 9 : i32
    %dma_wait3A_3787 = arith.constant 0 : i32
    %dma_wait3A_3788 = arith.constant 0 : i32
    %dma_wait3A_3789 = tpu.memref_slice %arg4[%dma_wait3A_3786, %add3A, %dma_wait3A_3787, %dma_wait3A_3788] : memref<16x32x32x256xf32, #tpu.memory_space<hbm>> -> memref<1x1x32x256xf32, #tpu.memory_space<hbm>>
    %dma_wait3A_3790 = tpu.memref_squeeze %dma_wait3A_3789 : memref<1x1x32x256xf32, #tpu.memory_space<hbm>> -> memref<32x256xf32, #tpu.memory_space<hbm>>
    %dma_wait3A_3791 = arith.constant 0 : i32
    %dma_wait3A_3792 = arith.constant 0 : i32
    %dma_wait3A_3793 = tpu.memref_slice %arg7[%arg1, %dma_wait3A_3791, %dma_wait3A_3792] : memref<16x32x256xf32, #tpu.memory_space<vmem_shared>> -> memref<1x32x256xf32, #tpu.memory_space<vmem_shared>>
    %dma_wait3A_3794 = tpu.memref_squeeze %dma_wait3A_3793 : memref<1x32x256xf32, #tpu.memory_space<vmem_shared>> -> memref<32x256xf32, #tpu.memory_space<vmem_shared>>
    tpu.wait_dma2 semaphore(%arg8 : memref<!tpu.dma_semaphore, #tpu.memory_space<semaphore_mem>>) src(%dma_wait3A_3794 : memref<32x256xf32, #tpu.memory_space<vmem_shared>>) dst(%dma_wait3A_3790 : memref<32x256xf32, #tpu.memory_space<hbm>>)
    %dma_wait3A_3795 = arith.constant 10 : i32
    %dma_wait3A_3796 = arith.constant 0 : i32
    %dma_wait3A_3797 = arith.constant 0 : i32
    %dma_wait3A_3798 = tpu.memref_slice %arg4[%dma_wait3A_3795, %add3A, %dma_wait3A_3796, %dma_wait3A_3797] : memref<16x32x32x256xf32, #tpu.memory_space<hbm>> -> memref<1x1x32x256xf32, #tpu.memory_space<hbm>>
    %dma_wait3A_3799 = tpu.memref_squeeze %dma_wait3A_3798 : memref<1x1x32x256xf32, #tpu.memory_space<hbm>> -> memref<32x256xf32, #tpu.memory_space<hbm>>
    %dma_wait3A_3800 = arith.constant 0 : i32
    %dma_wait3A_3801 = arith.constant 0 : i32
    %dma_wait3A_3802 = tpu.memref_slice %arg7[%arg1, %dma_wait3A_3800, %dma_wait3A_3801] : memref<16x32x256xf32, #tpu.memory_space<vmem_shared>> -> memref<1x32x256xf32, #tpu.memory_space<vmem_shared>>
    %dma_wait3A_3803 = tpu.memref_squeeze %dma_wait3A_3802 : memref<1x32x256xf32, #tpu.memory_space<vmem_shared>> -> memref<32x256xf32, #tpu.memory_space<vmem_shared>>
    tpu.wait_dma2 semaphore(%arg8 : memref<!tpu.dma_semaphore, #tpu.memory_space<semaphore_mem>>) src(%dma_wait3A_3803 : memref<32x256xf32, #tpu.memory_space<vmem_shared>>) dst(%dma_wait3A_3799 : memref<32x256xf32, #tpu.memory_space<hbm>>)
    %dma_wait3A_3804 = arith.constant 11 : i32
    %dma_wait3A_3805 = arith.constant 0 : i32
    %dma_wait3A_3806 = arith.constant 0 : i32
    %dma_wait3A_3807 = tpu.memref_slice %arg4[%dma_wait3A_3804, %add3A, %dma_wait3A_3805, %dma_wait3A_3806] : memref<16x32x32x256xf32, #tpu.memory_space<hbm>> -> memref<1x1x32x256xf32, #tpu.memory_space<hbm>>
    %dma_wait3A_3808 = tpu.memref_squeeze %dma_wait3A_3807 : memref<1x1x32x256xf32, #tpu.memory_space<hbm>> -> memref<32x256xf32, #tpu.memory_space<hbm>>
    %dma_wait3A_3809 = arith.constant 0 : i32
    %dma_wait3A_3810 = arith.constant 0 : i32
    %dma_wait3A_3811 = tpu.memref_slice %arg7[%arg1, %dma_wait3A_3809, %dma_wait3A_3810] : memref<16x32x256xf32, #tpu.memory_space<vmem_shared>> -> memref<1x32x256xf32, #tpu.memory_space<vmem_shared>>
    %dma_wait3A_3812 = tpu.memref_squeeze %dma_wait3A_3811 : memref<1x32x256xf32, #tpu.memory_space<vmem_shared>> -> memref<32x256xf32, #tpu.memory_space<vmem_shared>>
    tpu.wait_dma2 semaphore(%arg8 : memref<!tpu.dma_semaphore, #tpu.memory_space<semaphore_mem>>) src(%dma_wait3A_3812 : memref<32x256xf32, #tpu.memory_space<vmem_shared>>) dst(%dma_wait3A_3808 : memref<32x256xf32, #tpu.memory_space<hbm>>)
    %dma_wait3A_3813 = arith.constant 12 : i32
    %dma_wait3A_3814 = arith.constant 0 : i32
    %dma_wait3A_3815 = arith.constant 0 : i32
    %dma_wait3A_3816 = tpu.memref_slice %arg4[%dma_wait3A_3813, %add3A, %dma_wait3A_3814, %dma_wait3A_3815] : memref<16x32x32x256xf32, #tpu.memory_space<hbm>> -> memref<1x1x32x256xf32, #tpu.memory_space<hbm>>
    %dma_wait3A_3817 = tpu.memref_squeeze %dma_wait3A_3816 : memref<1x1x32x256xf32, #tpu.memory_space<hbm>> -> memref<32x256xf32, #tpu.memory_space<hbm>>
    %dma_wait3A_3818 = arith.constant 0 : i32
    %dma_wait3A_3819 = arith.constant 0 : i32
    %dma_wait3A_3820 = tpu.memref_slice %arg7[%arg1, %dma_wait3A_3818, %dma_wait3A_3819] : memref<16x32x256xf32, #tpu.memory_space<vmem_shared>> -> memref<1x32x256xf32, #tpu.memory_space<vmem_shared>>
    %dma_wait3A_3821 = tpu.memref_squeeze %dma_wait3A_3820 : memref<1x32x256xf32, #tpu.memory_space<vmem_shared>> -> memref<32x256xf32, #tpu.memory_space<vmem_shared>>
    tpu.wait_dma2 semaphore(%arg8 : memref<!tpu.dma_semaphore, #tpu.memory_space<semaphore_mem>>) src(%dma_wait3A_3821 : memref<32x256xf32, #tpu.memory_space<vmem_shared>>) dst(%dma_wait3A_3817 : memref<32x256xf32, #tpu.memory_space<hbm>>)
    %dma_wait3A_3822 = arith.constant 13 : i32
    %dma_wait3A_3823 = arith.constant 0 : i32
    %dma_wait3A_3824 = arith.constant 0 : i32
    %dma_wait3A_3825 = tpu.memref_slice %arg4[%dma_wait3A_3822, %add3A, %dma_wait3A_3823, %dma_wait3A_3824] : memref<16x32x32x256xf32, #tpu.memory_space<hbm>> -> memref<1x1x32x256xf32, #tpu.memory_space<hbm>>
    %dma_wait3A_3826 = tpu.memref_squeeze %dma_wait3A_3825 : memref<1x1x32x256xf32, #tpu.memory_space<hbm>> -> memref<32x256xf32, #tpu.memory_space<hbm>>
    %dma_wait3A_3827 = arith.constant 0 : i32
    %dma_wait3A_3828 = arith.constant 0 : i32
    %dma_wait3A_3829 = tpu.memref_slice %arg7[%arg1, %dma_wait3A_3827, %dma_wait3A_3828] : memref<16x32x256xf32, #tpu.memory_space<vmem_shared>> -> memref<1x32x256xf32, #tpu.memory_space<vmem_shared>>
    %dma_wait3A_3830 = tpu.memref_squeeze %dma_wait3A_3829 : memref<1x32x256xf32, #tpu.memory_space<vmem_shared>> -> memref<32x256xf32, #tpu.memory_space<vmem_shared>>
    tpu.wait_dma2 semaphore(%arg8 : memref<!tpu.dma_semaphore, #tpu.memory_space<semaphore_mem>>) src(%dma_wait3A_3830 : memref<32x256xf32, #tpu.memory_space<vmem_shared>>) dst(%dma_wait3A_3826 : memref<32x256xf32, #tpu.memory_space<hbm>>)
    %dma_wait3A_3831 = arith.constant 14 : i32
    %dma_wait3A_3832 = arith.constant 0 : i32
    %dma_wait3A_3833 = arith.constant 0 : i32
    %dma_wait3A_3834 = tpu.memref_slice %arg4[%dma_wait3A_3831, %add3A, %dma_wait3A_3832, %dma_wait3A_3833] : memref<16x32x32x256xf32, #tpu.memory_space<hbm>> -> memref<1x1x32x256xf32, #tpu.memory_space<hbm>>
    %dma_wait3A_3835 = tpu.memref_squeeze %dma_wait3A_3834 : memref<1x1x32x256xf32, #tpu.memory_space<hbm>> -> memref<32x256xf32, #tpu.memory_space<hbm>>
    %dma_wait3A_3836 = arith.constant 0 : i32
    %dma_wait3A_3837 = arith.constant 0 : i32
    %dma_wait3A_3838 = tpu.memref_slice %arg7[%arg1, %dma_wait3A_3836, %dma_wait3A_3837] : memref<16x32x256xf32, #tpu.memory_space<vmem_shared>> -> memref<1x32x256xf32, #tpu.memory_space<vmem_shared>>
    %dma_wait3A_3839 = tpu.memref_squeeze %dma_wait3A_3838 : memref<1x32x256xf32, #tpu.memory_space<vmem_shared>> -> memref<32x256xf32, #tpu.memory_space<vmem_shared>>
    tpu.wait_dma2 semaphore(%arg8 : memref<!tpu.dma_semaphore, #tpu.memory_space<semaphore_mem>>) src(%dma_wait3A_3839 : memref<32x256xf32, #tpu.memory_space<vmem_shared>>) dst(%dma_wait3A_3835 : memref<32x256xf32, #tpu.memory_space<hbm>>)
    %dma_wait3A_3840 = arith.constant 15 : i32
    %dma_wait3A_3841 = arith.constant 0 : i32
    %dma_wait3A_3842 = arith.constant 0 : i32
    %dma_wait3A_3843 = tpu.memref_slice %arg4[%dma_wait3A_3840, %add3A, %dma_wait3A_3841, %dma_wait3A_3842] : memref<16x32x32x256xf32, #tpu.memory_space<hbm>> -> memref<1x1x32x256xf32, #tpu.memory_space<hbm>>
    %dma_wait3A_3844 = tpu.memref_squeeze %dma_wait3A_3843 : memref<1x1x32x256xf32, #tpu.memory_space<hbm>> -> memref<32x256xf32, #tpu.memory_space<hbm>>
    %dma_wait3A_3845 = arith.constant 0 : i32
    %dma_wait3A_3846 = arith.constant 0 : i32
    %dma_wait3A_3847 = tpu.memref_slice %arg7[%arg1, %dma_wait3A_3845, %dma_wait3A_3846] : memref<16x32x256xf32, #tpu.memory_space<vmem_shared>> -> memref<1x32x256xf32, #tpu.memory_space<vmem_shared>>
    %dma_wait3A_3848 = tpu.memref_squeeze %dma_wait3A_3847 : memref<1x32x256xf32, #tpu.memory_space<vmem_shared>> -> memref<32x256xf32, #tpu.memory_space<vmem_shared>>
    tpu.wait_dma2 semaphore(%arg8 : memref<!tpu.dma_semaphore, #tpu.memory_space<semaphore_mem>>) src(%dma_wait3A_3848 : memref<32x256xf32, #tpu.memory_space<vmem_shared>>) dst(%dma_wait3A_3844 : memref<32x256xf32, #tpu.memory_space<hbm>>)
    return
  }
}

</mosaic_0001>

<sc_bundles>
// kernel: kernel.3.cloned.1.call-start
scs
__scs_entry_jumppad:
0x0: {  	(pc) =	sbr.rel $0x88, $3  }
0x1: {  	(tag) =	ssettag $0x0;
	lr =	simm.s32 $0x1  }
0x2: {  	[smem:$0x3F9F] =	sst lr;
	_ =	strace $0xD0000000  }
0x3: {  	_ = 	snop  }
0x4: {  	_ = 	snop  }
0x5: {  	_ = 	snop  }
0x6: {  	_ = 	snop  }
0x7: {  	_ = 	snop  }
__scs_overlays_trampoline_lowered:
0x8: {  	[smem:$0x3FAE] =	sst s0  }
0x9: {  	[smem:$0x3FAF] =	sst s1  }
0xa: {  	[smem:$0x3FB0] =	sst s2  }
0xb: {  	[smem:$0x3FB1] =	sst s3  }
0xc: {  	[smem:$0x3FB2] =	sst s4  }
0xd: {  	[smem:$0x3FB3] =	sst s5  }
0xe: {  	[smem:$0x3FB4] =	sst s6  }
0xf: {  	[smem:$0x3FB5] =	sst s7  }
0x10: {  	[smem:$0x3FB6] =	sst s8  }
0x11: {  	[smem:$0x3FB7] =	sst s9;
	s0 =	simm.s32 @!p0 $0x0  }
0x12: {  	s1 =	sld [smem:$0x3F9D];
	s0 =	simm.s32 @p0 $0x1  }
0x13: {  	[smem:$0x3FB8] =	sst s0;
	s0 =	simm.s32 @!p1 $0x0  }
0x14: {  	s2 =	sld [smem:$0x3F9C];
	s0 =	simm.s32 @p1 $0x1  }
0x15: {  	[smem:$0x3FB9] =	sst s0;
	s0 =	simm.s32 @!p2 $0x0  }
0x16: {  	s3 =	sld [smem:$0x3FDB];
	s0 =	simm.s32 @p2 $0x1  }
0x17: {  	s4 =	simm.s32 $0x1BF5;
	[smem:$0x3FBB] =	sst s0  }
0x18: {  	s0 =	sld [smem:$0x3F9E];
	_ =	swait.ge [sflag:s4], $0x0  }
0x19: {  	s7 =	sld [smem:$0x3F9F]  }
0x1a: {  	s8 =	sadd.s32 $0xFFFFE003, lr  }
0x1b: {  	s9 =	sadd.s32 $0xFFFFFEF7, lr;
	s5 =	simm.s32 $0xFFFFFFFF;
	p2 =	slt.u32 s8, $0xFFFFF086  }
0x1c: {  	p1 =	slt.u32 s9, $0xF7A;
	s5 =	simm.s32 @!p2 $0x0  }
0x1d: {  	s5 =	simm.s32 @p1 $0x1;
	p0 =	seq.s32 s7, s2  }
0x1e: {  	s7 =	smul.u32 @!p0 $0xF7A, s2;
	p2 =	seq.s32 @!p0 s5, $0x0  }
0x1f: {  	s9 =	smul.u32 $0xF7A, s1;
	s8 =	simm.s32 @!p0 $0x1BF5;
	p2 =	por !p2, p0  }
0x20: {  	[sflag:s8] =	ssyncset.s32 @!p0 $0xFFFFF086;
	s6 =	sadd.s32 @!p0 s3, s7;
	s7 =	simm.s32 @!p0 $0x108  }
0x21: {  	s3 =	sadd.s32 s3, s9;
	s6 =	sadd.s32 @!p0 $0x88, s6;
	s7 =	simm.s32 @p2 $0x1082  }
0x22: {  	[simem:s7], [sflag:s8] =	dma.local @!p0 [hbm:s6], $0xF7A  }
0x23: {  	s9 =	sor.u32 $0xD0000000, s2;
	s6 =	simm.s32 $0x108;
	_ =	swait.ge @!p0 [sflag:s8], $0x0  }
0x24: {  	s3 =	sadd.s32 $0x88, s3;
	s6 =	simm.s32 @!p1 $0x1082;
	[sflag:s4] =	ssyncset.s32 $0xFFFFF086  }
0x25: {  	[simem:s6], [sflag:s4] =	dma.local [hbm:s3], $0xF7A  }
0x26: {  	[smem:$0x3F9F] =	sst s1;
	(tag) =	ssettag s2;
	_ =	strace s9  }
0x27: {  	s1 =	sld [smem:$0x3FAF]  }
0x28: {  	s2 =	sld [smem:$0x3FB0]  }
0x29: {  	s4 =	sld [smem:$0x3FB2]  }
0x2a: {  	p0 =	seq.s32 s5, $0x0;
	s5 =	sld [smem:$0x3FB3]  }
0x2b: {  	s6 =	sld [smem:$0x3FB4]  }
0x2c: {  	s7 =	sld [smem:$0x3FB5]  }
0x2d: {  	s3 =	simm.s32 $0x108;
	s8 =	sld [smem:$0x3FB6]  }
0x2e: {  	s3 =	simm.s32 @!p0 $0x1082;
	s9 =	sld [smem:$0x3FB7]  }
0x2f: {  	lr =	sadd.s32 s0, s3;
	s0 =	sld [smem:$0x3FAE]  }
0x30: {  	s3 =	sld [smem:$0x3FB1]  }
0x31: {  	[smem:$0x3FBA] =	sst s10  }
0x32: {  	s10 =	sld [smem:$0x3FB8];
	_ =	sdelay $0x3  }
0x33: {  	p0 =	seq.s32 s10, $0x1;
	s10 =	sld [smem:$0x3FBA];
	_ =	sdelay $0x3  }
0x34: {  	[smem:$0x3FBA] =	sst s10  }
0x35: {  	s10 =	sld [smem:$0x3FB9];
	_ =	sdelay $0x3  }
0x36: {  	p1 =	seq.s32 s10, $0x1;
	s10 =	sld [smem:$0x3FBA];
	_ =	sdelay $0x3  }
0x37: {  	[smem:$0x3FBA] =	sst s10  }
0x38: {  	s10 =	sld [smem:$0x3FBB]  }
0x39: {  	_ = 	snop;
	(pc) =	sbr.ind lr, $3  }
0x3a: {  	_ = 	snop  }
0x3b: {  	_ = 	snop  }
0x3c: {  	p2 =	seq.s32 s10, $0x1;
	s10 =	sld [smem:$0x3FBA]  }
0x3d: {  	_ =	shalt  }
0x3e: {  	_ =	shalt  }
0x3f: {  	_ =	shalt  }
0x40: {  	_ =	shalt  }
0x41: {  	_ =	shalt  }
0x42: {  	_ =	shalt  }
0x43: {  	_ =	shalt  }
0x44: {  	_ =	shalt  }
0x45: {  	_ =	shalt  }
0x46: {  	_ =	shalt  }
0x47: {  	_ =	shalt  }
0x48: {  	_ =	shalt  }
0x49: {  	_ =	shalt  }
0x4a: {  	_ =	shalt  }
0x4b: {  	_ =	shalt  }
0x4c: {  	_ =	shalt  }
0x4d: {  	_ =	shalt  }
0x4e: {  	_ =	shalt  }
0x4f: {  	_ =	shalt  }
0x50: {  	_ =	shalt  }
0x51: {  	_ =	shalt  }
0x52: {  	_ =	shalt  }
0x53: {  	_ =	shalt  }
0x54: {  	_ =	shalt  }
0x55: {  	_ =	shalt  }
0x56: {  	_ =	shalt  }
0x57: {  	_ =	shalt  }
0x58: {  	_ =	shalt  }
0x59: {  	_ =	shalt  }
0x5a: {  	_ =	shalt  }
0x5b: {  	_ =	shalt  }
0x5c: {  	_ =	shalt  }
0x5d: {  	_ =	shalt  }
0x5e: {  	_ =	shalt  }
0x5f: {  	_ =	shalt  }
0x60: {  	_ =	shalt  }
0x61: {  	_ =	shalt  }
0x62: {  	_ =	shalt  }
0x63: {  	_ =	shalt  }
0x64: {  	_ =	shalt  }
0x65: {  	_ =	shalt  }
0x66: {  	_ =	shalt  }
0x67: {  	_ =	shalt  }
0x68: {  	_ =	shalt  }
0x69: {  	_ =	shalt  }
0x6a: {  	_ =	shalt  }
0x6b: {  	_ =	shalt  }
0x6c: {  	_ =	shalt  }
0x6d: {  	_ =	shalt  }
0x6e: {  	_ =	shalt  }
0x6f: {  	_ =	shalt  }
0x70: {  	_ =	shalt  }
0x71: {  	_ =	shalt  }
0x72: {  	_ =	shalt  }
0x73: {  	_ =	shalt  }
0x74: {  	_ =	shalt  }
0x75: {  	_ =	shalt  }
0x76: {  	_ =	shalt  }
0x77: {  	_ =	shalt  }
0x78: {  	_ =	shalt  }
0x79: {  	_ =	shalt  }
0x7a: {  	_ =	shalt  }
0x7b: {  	_ =	shalt  }
0x7c: {  	_ =	shalt  }
0x7d: {  	_ =	shalt  }
0x7e: {  	_ =	shalt  }
0x7f: {  	_ =	shalt  }
0x80: {  	_ =	shalt  }
0x81: {  	_ =	shalt  }
0x82: {  	_ =	shalt  }
0x83: {  	_ =	shalt  }
0x84: {  	_ =	shalt  }
0x85: {  	_ =	shalt  }
0x86: {  	_ =	shalt  }
0x87: {  	_ =	shalt  }
.Lfunc_end0:
.L_simem_size_0:
called_computation_lowered:
.L_overlay_start_0:
0x88: {  	s2 =	sld [smem:$0x3FD9]  }
0x89: {  	s3 =	sld [smem:$0x3FFE];
	_ =	sdelay $0x1  }
0x8a: {  	s1 =	srdreg.scid  }
0x8b: {  	s0 =	sand.u32 $0x1, s1  }
0x8c: {  	s17 =	sshll.u32 s0, $0xA;
	s2 =	sadd.s32 s3, s2  }
0x8d: {  	s2 =	sadd.s32 s2, s17  }
0x8e: {  	[smem:$0x3FC6] =	sst s2  }
0x8f: {  	_ = 	snop  }
0x90: {  	s2 =	sld [smem:$0x3FD0];
	(tm) =	ssettm $0x1  }
0x91: {  	s18 =	sld [smem:$0x3FFB];
	_ =	sdelay $0x3  }
0x92: {  	_ =	strace s18  }
0x93: {  	s3 =	sld [smem:$0x3FFC];
	_ =	sdelay $0x3  }
0x94: {  	_ =	strace s3  }
0x95: {  	s3 =	sld [smem:$0x3FFD];
	_ =	sdelay $0x3  }
0x96: {  	_ =	strace s3  }
0x97: {  	_ =	strace $0x8FFFFFFF  }
0x98: {  	s19 =	sld [smem:$0x3FDB];
	_ =	sdelay $0x1  }
0x99: {  	s4 =	simm.s32 $_scs_section_size  }
0x9a: {  	s5 =	simm.s32 $_size__tile_overlayer_lowered;
	s6 =	simm.s32 $_tile_overlayer_lowered  }
0x9b: {  	s22 =	simm.s32 $0x1BFF;
	s21 =	sshll.u32 s6, $0x1;
	s3 =	sadd.s32 s4, s19  }
0x9c: {  	s7 =	simm.s32 $0x0;
	s20 =	sshll.u32 s5, $0x1;
	s5 =	sadd.s32 s21, s3  }
0x9d: {  	[timem:s7], [sflag:s22] =	dma.local [hbm:s5], s20  }
0x9e: {  	_ =	swait.ge [sflag:s22], s20  }
0x9f: {  	s4 =	ssub.s32 $0x0, s20;
	[sflag:s22] =	ssyncset.done $0x0  }
0xa0: {  	[sflag:s22] =	ssyncadd.s32 s4;
	_ =	sdelay $0x1  }
0xa1: {  	s23 =	simm.s32 $0x1B8B  }
0xa2: {  	_ =	swait.ge [sflag:s23], $0x1  }
0xa3: {  	[sflag:s23] =	ssyncset.done $0x0  }
0xa4: {  	s25 =	simm.s32 $0x1B8E;
	s24 =	sld [smem:$0x3FFE];
	[sflag:s23] =	ssyncadd.s32 $0xFFFFFFFF  }
0xa5: {  	s26 =	simm.s32 $execute0_lowered;
	[smem:$0x3FD2] =	sst s25  }
0xa6: {  	s5 =	sshll.u32 s26, $0x1;
	_ =	strace $0x80000046;
	[dreg:$0x1] =	wrdreg $0xFFFFFFFF  }
0xa7: {  	s28 =	simm.s32 $_size_execute0_lowered;
	s3 =	sadd.s32 s3, s5;
	[dreg:$0x0] =	wrdreg $0x0  }
0xa8: {  	s5 =	sshll.u32 s28, $0x1;
	[dreg:$0x2] =	wrdreg s3  }
0xa9: {  	[dreg:$0x3] =	wrdreg s5  }
0xaa: {  	[dreg:$0x4] =	wrdreg $0xC0  }
0xab: {  	_ =	task [dreg:s7], $0x5FFFF  }
0xac: {  	[dreg:$0x1] =	wrdreg $0xFFFFFFFF  }
0xad: {  	[dreg:$0x0] =	wrdreg $0x60  }
0xae: {  	[dreg:$0x2] =	wrdreg s24  }
0xaf: {  	[dreg:$0x3] =	wrdreg s2  }
0xb0: {  	[dreg:$0x4] =	wrdreg $0x40000  }
0xb1: {  	[dreg:$0x5] =	wrdreg $0x9  }
0xb2: {  	_ =	task.clear_ibuf [dreg:s7], $0x6FFFF;
	_ =	strace $0x90000046  }
0xb3: {  	s29 =	simm.s32 $0x9;
	_ =	strace $0x80000048  }
0xb4: {  	_ =	swait.ge [sflag:s29], $0x1  }
0xb5: {  	[sflag:s29] =	ssyncadd.s32 $0xFFFFFFFF  }
0xb6: {  	_ =	strace $0x90000048  }
0xb7: {  	_ =	sfence  }
0xb8: {  	s30 =	sld [smem:$0x0];
	_ =	sdelay $0x2  }
0xb9: {  	s31 =	sshll.u32 s1, $0xD;
	s1 =	sshrl.u32 s1, $0x2  }
0xba: {  	s3 =	sand.u32 $0x4000, s31;
	s1 =	sadd.s32 s1, s30  }
0xbb: {  	s0 =	sor.u32 s3, s0;
	s1 =	sshll.u32 s1, $0x11  }
0xbc: {  	s0 =	sor.u32 s1, s0  }
0xbd: {  	s0 =	sadd.s32 $0x8F2B, s0  }
0xbe: {  	[sflag:s0] =	ssyncadd.remote.s32 $0x1  }
0xbf: {  	_ =	sfence.sel $0xFFFF  }
0xc0: {  	[dreg:$0x0] =	wrdreg $0xFFFFFFFF;
	(pc) =	sbr.abs _section_cstart, $3  }
0xc1: {  	[dreg:$0x1] =	wrdreg $0xFFFFFFFF  }
0xc2: {  	_ =	task.clear_ibuf [dreg:s7], $0x2FFFF;
	_ =	strace $0x9FFFFFFF  }
0xc3: {  	(tm) =	ssettm $0x7FFFFFFF  }
tec
execute0_lowered:
.L_overlay_start_1:
0x0: {  	(tag) =	ssettag $0x1  }
0x1: {  	s3 =	rddreg [dreg:$0x0]  }
0x2: {  	s4 =	rddreg [dreg:$0x1]  }
0x3: {  	s5 =	rddreg [dreg:$0x2];
	s2 =	simm.s32 $0x0  }
0x4: {  	s1 =	stileid.u32;
	[smem:$0x7FF] =	sst s2  }
0x5: {  	s6 =	sadd.s32 $0x800, s3;
	s7 =	sshll.u32 s1, $0xD;
	s14 =	sadd.s32 $0x600, s3  }
0x6: {  	_ =	strace $0x80000047;
	[dreg:$0x4] =	wrdreg s6;
	s3 =	sadd.s32 s7, s5  }
0x7: {  	[dreg:$0x5] =	wrdreg s14;
	s5 =	sadd.s32 $0x80, s3  }
0x8: {  	s15 =	sadd.s32 $0x100, s3;
	[dreg:$0x6] =	wrdreg s5  }
0x9: {  	s16 =	sadd.s32 $0x180, s3;
	[dreg:$0x7] =	wrdreg s15  }
0xa: {  	s17 =	sadd.s32 $0x200, s3;
	[dreg:$0x8] =	wrdreg s16  }
0xb: {  	s18 =	sadd.s32 $0x280, s3;
	[dreg:$0x9] =	wrdreg s17  }
0xc: {  	s19 =	sadd.s32 $0x300, s3;
	[dreg:$0xa] =	wrdreg s18  }
0xd: {  	s20 =	sadd.s32 $0x380, s3;
	[dreg:$0xb] =	wrdreg s19  }
0xe: {  	s21 =	sadd.s32 $0x800, s3;
	[dreg:$0xc] =	wrdreg s20  }
0xf: {  	s22 =	sadd.s32 $0x880, s3;
	[dreg:$0xd] =	wrdreg s21  }
0x10: {  	s23 =	sadd.s32 $0x900, s3;
	[dreg:$0xe] =	wrdreg s22  }
0x11: {  	s24 =	sadd.s32 $0x980, s3;
	[dreg:$0xf] =	wrdreg s23  }
0x12: {  	s25 =	sadd.s32 $0xA00, s3;
	[dreg:$0x10] =	wrdreg s24  }
0x13: {  	s26 =	sadd.s32 $0xA80, s3;
	[dreg:$0x11] =	wrdreg s25  }
0x14: {  	s29 =	sadd.s32 $0xB00, s3;
	[dreg:$0x12] =	wrdreg s26  }
0x15: {  	s30 =	sadd.s32 $0xB80, s3;
	[dreg:$0x13] =	wrdreg s29  }
0x16: {  	s31 =	sadd.s32 $0x1000, s3;
	[dreg:$0x14] =	wrdreg s30  }
0x17: {  	s0 =	sadd.s32 $0x1080, s3;
	[dreg:$0x15] =	wrdreg s31  }
0x18: {  	s6 =	sadd.s32 $0x1100, s3;
	[dreg:$0x16] =	wrdreg s0  }
0x19: {  	s7 =	sadd.s32 $0x1180, s3;
	[dreg:$0x17] =	wrdreg s6  }
0x1a: {  	s8 =	sadd.s32 $0x1200, s3;
	[dreg:$0x18] =	wrdreg s7  }
0x1b: {  	s9 =	sadd.s32 $0x1280, s3;
	[dreg:$0x19] =	wrdreg s8  }
0x1c: {  	s10 =	sadd.s32 $0x1300, s3;
	[dreg:$0x1a] =	wrdreg s9  }
0x1d: {  	s11 =	sadd.s32 $0x1380, s3;
	[dreg:$0x1b] =	wrdreg s10  }
0x1e: {  	s12 =	sadd.s32 $0x1800, s3;
	[dreg:$0x1c] =	wrdreg s11  }
0x1f: {  	s13 =	sadd.s32 $0x1880, s3;
	[dreg:$0x1d] =	wrdreg s12  }
0x20: {  	[dreg:$0x1e] =	wrdreg s13;
	s15 =	sadd.s32 $0x1900, s3  }
0x21: {  	s16 =	sadd.s32 $0x1980, s3;
	[dreg:$0x1f] =	wrdreg s15  }
0x22: {  	s8 =	sadd.s32 $0x1A00, s3;
	[smem:$0x7DA] =	sst s16  }
0x23: {  	s18 =	sadd.s32 $0x1A80, s3;
	[smem:$0x7DB] =	sst s8  }
0x24: {  	s19 =	sadd.s32 $0x1B00, s3;
	[smem:$0x7DC] =	sst s18  }
0x25: {  	s14 =	srdreg.scid;
	s21 =	sadd.s32 $0x1B80, s3;
	[smem:$0x7DD] =	sst s19  }
0x26: {  	s6 =	sand.u32 $0x1, s14;
	s14 =	simm.s32 $0x1000;
	[smem:$0x7DE] =	sst s21  }
0x27: {  	[smem:$0x7EE] =	sst s14;
	s15 =	simm.s32 $0x2000  }
0x28: {  	s17 =	sshll.u32 s1, $0x1;
	s16 =	simm.s32 $0x2100;
	[smem:$0x7EF] =	sst s15  }
0x29: {  	s5 =	sor.u32 s6, s17;
	s17 =	simm.s32 $0x2200;
	[smem:$0x7F0] =	sst s16  }
0x2a: {  	s18 =	simm.s32 $0x2300;
	[smem:$0x7F1] =	sst s17  }
0x2b: {  	s19 =	simm.s32 $0x2400;
	[smem:$0x7F2] =	sst s18  }
0x2c: {  	s21 =	simm.s32 $0x2600;
	s20 =	sshll.u32 s5, $0xA;
	[smem:$0x7F3] =	sst s19  }
0x2d: {  	[smem:$0x7F5] =	sst s21;
	s4 =	sadd.s32 s4, s20;
	s20 =	simm.s32 $0x2500  }
0x2e: {  	s22 =	sadd.s32 $0x8000, s4;
	[smem:$0x7F4] =	sst s20  }
0x2f: {  	s23 =	sadd.s32 $0x10000, s4;
	[smem:$0x7DF] =	sst s22  }
0x30: {  	s24 =	sadd.s32 $0x18000, s4;
	[smem:$0x7E0] =	sst s23  }
0x31: {  	s25 =	sadd.s32 $0x20000, s4;
	[smem:$0x7E1] =	sst s24  }
0x32: {  	s26 =	sadd.s32 $0x28000, s4;
	[smem:$0x7E2] =	sst s25  }
0x33: {  	s28 =	simm.s32 $0x1;
	s29 =	sadd.s32 $0x30000, s4;
	[smem:$0x7E3] =	sst s26  }
0x34: {  	s7 =	simm.s32 $0x2;
	s30 =	sadd.s32 $0x38000, s4;
	[smem:$0x7E4] =	sst s29  }
0x35: {  	s6 =	ssub.s32 $0x2, s6;
	s31 =	sadd.s32 $0x40000, s4;
	[smem:$0x7E5] =	sst s30  }
0x36: {  	s14 =	simm.s32 $0x3300;
	s0 =	sadd.s32 $0x48000, s4;
	[smem:$0x7E6] =	sst s31  }
0x37: {  	s5 =	sshll.u32 s5, $0x7;
	s8 =	sadd.s32 $0x50000, s4;
	[smem:$0x7E7] =	sst s0  }
0x38: {  	s15 =	simm.s32 $0x3400;
	s9 =	sadd.s32 $0x58000, s4;
	[smem:$0x7E8] =	sst s8  }
0x39: {  	s16 =	simm.s32 $0x3500;
	s10 =	sadd.s32 $0x60000, s4;
	[smem:$0x7E9] =	sst s9  }
0x3a: {  	s17 =	simm.s32 $0x3600;
	s11 =	sadd.s32 $0x68000, s4;
	[smem:$0x7EA] =	sst s10  }
0x3b: {  	s18 =	simm.s32 $0x3700;
	s12 =	sadd.s32 $0x70000, s4;
	[smem:$0x7EB] =	sst s11  }
0x3c: {  	s19 =	simm.s32 $0x3800;
	s13 =	sadd.s32 $0x78000, s4;
	[smem:$0x7EC] =	sst s12  }
0x3d: {  	s21 =	simm.s32 $0x3A00;
	[smem:$0x7ED] =	sst s13;
	s22 =	simm.s32 $0x2700  }
0x3e: {  	s20 =	simm.s32 $0x3900;
	s23 =	simm.s32 $0x2800;
	[smem:$0x7F6] =	sst s22  }
0x3f: {  	s24 =	simm.s32 $0x2900;
	s25 =	sshrl.u32 s6, $0x1;
	[smem:$0x7F7] =	sst s23  }
0x40: {  	s26 =	simm.s32 $0x2A00;
	s29 =	simm.s32 $0x2B00;
	[smem:$0x7F8] =	sst s24  }
0x41: {  	s30 =	simm.s32 $0x2C00;
	s31 =	simm.s32 $0x2D00;
	[smem:$0x7F9] =	sst s26  }
0x42: {  	s10 =	simm.s32 $0x2E00;
	s8 =	simm.s32 $0x80;
	[smem:$0x7FA] =	sst s29  }
0x43: {  	s9 =	simm.s32 $0x400;
	s11 =	simm.s32 $0x3000;
	[smem:$0x7FB] =	sst s30  }
0x44: {  	s12 =	simm.s32 $0x3100;
	s13 =	simm.s32 $0x3200;
	[smem:$0x7FC] =	sst s31  }
0x45: {  	s6 =	ssub.s32 s6, s25;
	[smem:$0x7FD] =	sst s10;
	s10 =	simm.s32 $0x2F00  }
0x46: {  	s22 =	simm.s32 $0x3B00;
	s23 =	simm.s32 $0x3C00;
	s24 =	simm.s32 $0x3D00  }
0x47: {  	s25 =	simm.s32 $0x3E00;
	s26 =	simm.s32 $0x3F00;
	s6 =	smax.u32 s6, $0x1  }
.LBB2_1:
0x48: {  	s29 =	rddreg [dreg:$0x4]  }
0x49: {  	[tilespmem:s2], [sflag:$0x2] =	stream.linear.gather [hbm4b:s29+s2], $0x1000, $0x38;
	[tilespmem:$0x6000] =	vst v63  }
0x4a: {  	_ =	swait.ge [sflag:s7], $0x1000  }
0x4b: {  	s30 =	sld [smem:$0x7EE]  }
0x4c: {  	[sflag:s7] =	ssyncset.done $0x0  }
0x4d: {  	s31 =	rddreg [dreg:$0x5];
	[sflag:s7] =	ssyncadd.s32 $0xFFFFF000  }
0x4e: {  	[tilespmem:s30], [sflag:$0x2] =	stream.linear.gather [hbm4b:s31+s2], $0x1000, $0x38;
	[tilespmem:$0x6000] =	vst v63  }
0x4f: {  	_ =	swait.ge [sflag:s7], $0x1000  }
0x50: {  	[sflag:s7] =	ssyncset.done $0x0  }
0x51: {  	[sflag:s7] =	ssyncadd.s32 $0xFFFFF000  }
0x52: {  	v7 =	vld [tilespmem:s5+$0x1000]  }
0x53: {  	v6 =	vld [tilespmem:s5+$0x1010]  }
0x54: {  	v5 =	vld [tilespmem:s5+$0x1020]  }
0x55: {  	v4 =	vld [tilespmem:s5+$0x1030]  }
0x56: {  	v3 =	vld [tilespmem:s5+$0x1040]  }
0x57: {  	v8 =	vld [tilespmem:$0x0]  }
0x58: {  	v1 =	vld [tilespmem:s5+$0x1050]  }
0x59: {  	v9 =	vld [tilespmem:$0x10]  }
0x5a: {  	v2 =	vld [tilespmem:s5+$0x1060]  }
0x5b: {  	v10 =	vld [tilespmem:$0x20]  }
0x5c: {  	v0 =	vld [tilespmem:s5+$0x1070];
	[tilespmem:$0x2000] =	vst v8  }
0x5d: {  	v14 =	vld [tilespmem:$0x30];
	[tilespmem:$0x2080] =	vst v7  }
0x5e: {  	[tilespmem:$0x2010] =	vst v9  }
0x5f: {  	v15 =	vld [tilespmem:$0x40];
	[tilespmem:$0x2090] =	vst v6  }
0x60: {  	[tilespmem:$0x2020] =	vst v10  }
0x61: {  	v16 =	vld [tilespmem:$0x50];
	[tilespmem:$0x20A0] =	vst v5  }
0x62: {  	[tilespmem:$0x2030] =	vst v14  }
0x63: {  	v17 =	vld [tilespmem:$0x60];
	[tilespmem:$0x20B0] =	vst v4  }
0x64: {  	[tilespmem:$0x2040] =	vst v15  }
0x65: {  	v18 =	vld [tilespmem:$0x70];
	[tilespmem:$0x20C0] =	vst v3  }
0x66: {  	[tilespmem:$0x2050] =	vst v16  }
0x67: {  	v19 =	vld [tilespmem:$0x80];
	[tilespmem:$0x20D0] =	vst v1  }
0x68: {  	[tilespmem:$0x2060] =	vst v17  }
0x69: {  	v20 =	vld [tilespmem:$0x90];
	[tilespmem:$0x20E0] =	vst v2  }
0x6a: {  	[tilespmem:$0x2070] =	vst v18  }
0x6b: {  	v21 =	vld [tilespmem:$0xA0];
	[tilespmem:$0x20F0] =	vst v0  }
0x6c: {  	[tilespmem:$0x2100] =	vst v19  }
0x6d: {  	v22 =	vld [tilespmem:$0xB0];
	[tilespmem:$0x2180] =	vst v7  }
0x6e: {  	[tilespmem:$0x2110] =	vst v20  }
0x6f: {  	v23 =	vld [tilespmem:$0xC0];
	[tilespmem:$0x2190] =	vst v6  }
0x70: {  	[tilespmem:$0x2120] =	vst v21  }
0x71: {  	v24 =	vld [tilespmem:$0xD0];
	[tilespmem:$0x21A0] =	vst v5  }
0x72: {  	[tilespmem:$0x2130] =	vst v22  }
0x73: {  	v25 =	vld [tilespmem:$0xE0];
	[tilespmem:$0x21B0] =	vst v4  }
0x74: {  	[tilespmem:$0x2140] =	vst v23  }
0x75: {  	v26 =	vld [tilespmem:$0xF0];
	[tilespmem:$0x21C0] =	vst v3  }
0x76: {  	[tilespmem:$0x2150] =	vst v24  }
0x77: {  	v27 =	vld [tilespmem:$0x100];
	[tilespmem:$0x21D0] =	vst v1  }
0x78: {  	[tilespmem:$0x2160] =	vst v25  }
0x79: {  	v28 =	vld [tilespmem:$0x110];
	[tilespmem:$0x21E0] =	vst v2  }
0x7a: {  	[tilespmem:$0x2170] =	vst v26  }
0x7b: {  	v29 =	vld [tilespmem:$0x120];
	[tilespmem:$0x21F0] =	vst v0  }
0x7c: {  	[tilespmem:$0x2200] =	vst v27  }
0x7d: {  	v30 =	vld [tilespmem:$0x130];
	[tilespmem:$0x2280] =	vst v7  }
0x7e: {  	[tilespmem:$0x2210] =	vst v28  }
0x7f: {  	v31 =	vld [tilespmem:$0x140];
	[tilespmem:$0x2290] =	vst v6  }
0x80: {  	[tilespmem:$0x2220] =	vst v29  }
0x81: {  	v32 =	vld [tilespmem:$0x150];
	[tilespmem:$0x22A0] =	vst v5  }
0x82: {  	[tilespmem:$0x2230] =	vst v30  }
0x83: {  	v33 =	vld [tilespmem:$0x160];
	[tilespmem:$0x22B0] =	vst v4  }
0x84: {  	[tilespmem:$0x2240] =	vst v31  }
0x85: {  	v34 =	vld [tilespmem:$0x170];
	[tilespmem:$0x22C0] =	vst v3  }
0x86: {  	[tilespmem:$0x2250] =	vst v32  }
0x87: {  	v35 =	vld [tilespmem:$0x180];
	[tilespmem:$0x22D0] =	vst v1  }
0x88: {  	[tilespmem:$0x2260] =	vst v33  }
0x89: {  	v36 =	vld [tilespmem:$0x190];
	[tilespmem:$0x22E0] =	vst v2  }
0x8a: {  	[tilespmem:$0x2270] =	vst v34  }
0x8b: {  	v37 =	vld [tilespmem:$0x1A0];
	[tilespmem:$0x22F0] =	vst v0  }
0x8c: {  	[tilespmem:$0x2300] =	vst v35  }
0x8d: {  	v38 =	vld [tilespmem:$0x1B0];
	[tilespmem:$0x2380] =	vst v7  }
0x8e: {  	[tilespmem:$0x2310] =	vst v36  }
0x8f: {  	v39 =	vld [tilespmem:$0x1C0];
	[tilespmem:$0x2390] =	vst v6  }
0x90: {  	[tilespmem:$0x2320] =	vst v37  }
0x91: {  	v40 =	vld [tilespmem:$0x1D0];
	[tilespmem:$0x23A0] =	vst v5  }
0x92: {  	[tilespmem:$0x2330] =	vst v38  }
0x93: {  	v41 =	vld [tilespmem:$0x1E0];
	[tilespmem:$0x23B0] =	vst v4  }
0x94: {  	[tilespmem:$0x2340] =	vst v39  }
0x95: {  	v42 =	vld [tilespmem:$0x1F0];
	[tilespmem:$0x23C0] =	vst v3  }
0x96: {  	[tilespmem:$0x2350] =	vst v40  }
0x97: {  	v43 =	vld [tilespmem:$0x200];
	[tilespmem:$0x23D0] =	vst v1  }
0x98: {  	[tilespmem:$0x2360] =	vst v41  }
0x99: {  	v44 =	vld [tilespmem:$0x210];
	[tilespmem:$0x23E0] =	vst v2  }
0x9a: {  	[tilespmem:$0x2370] =	vst v42  }
0x9b: {  	v45 =	vld [tilespmem:$0x220];
	[tilespmem:$0x23F0] =	vst v0  }
0x9c: {  	[tilespmem:$0x2400] =	vst v43  }
0x9d: {  	v46 =	vld [tilespmem:$0x230];
	[tilespmem:$0x2480] =	vst v7  }
0x9e: {  	[tilespmem:$0x2410] =	vst v44  }
0x9f: {  	v47 =	vld [tilespmem:$0x240];
	[tilespmem:$0x2490] =	vst v6  }
0xa0: {  	[tilespmem:$0x2420] =	vst v45  }
0xa1: {  	v48 =	vld [tilespmem:$0x250];
	[tilespmem:$0x24A0] =	vst v5  }
0xa2: {  	[tilespmem:$0x2430] =	vst v46  }
0xa3: {  	v49 =	vld [tilespmem:$0x260];
	[tilespmem:$0x24B0] =	vst v4  }
0xa4: {  	[tilespmem:$0x2440] =	vst v47  }
0xa5: {  	v50 =	vld [tilespmem:$0x270];
	[tilespmem:$0x24C0] =	vst v3  }
0xa6: {  	[tilespmem:$0x2450] =	vst v48  }
0xa7: {  	v51 =	vld [tilespmem:$0x280];
	[tilespmem:$0x24D0] =	vst v1  }
0xa8: {  	[tilespmem:$0x2460] =	vst v49  }
0xa9: {  	v52 =	vld [tilespmem:$0x290];
	[tilespmem:$0x24E0] =	vst v2  }
0xaa: {  	[tilespmem:$0x2470] =	vst v50  }
0xab: {  	v53 =	vld [tilespmem:$0x2A0];
	[tilespmem:$0x24F0] =	vst v0  }
0xac: {  	[tilespmem:$0x2500] =	vst v51  }
0xad: {  	v54 =	vld [tilespmem:$0x2B0];
	[tilespmem:$0x2580] =	vst v7  }
0xae: {  	[tilespmem:$0x2510] =	vst v52  }
0xaf: {  	v55 =	vld [tilespmem:$0x2C0];
	[tilespmem:$0x2590] =	vst v6  }
0xb0: {  	[tilespmem:$0x2520] =	vst v53  }
0xb1: {  	v56 =	vld [tilespmem:$0x2D0];
	[tilespmem:$0x25A0] =	vst v5  }
0xb2: {  	[tilespmem:$0x2530] =	vst v54  }
0xb3: {  	v57 =	vld [tilespmem:$0x2E0];
	[tilespmem:$0x25B0] =	vst v4  }
0xb4: {  	[tilespmem:$0x2540] =	vst v55  }
0xb5: {  	v58 =	vld [tilespmem:$0x2F0];
	[tilespmem:$0x25C0] =	vst v3  }
0xb6: {  	[tilespmem:$0x2550] =	vst v56  }
0xb7: {  	v59 =	vld [tilespmem:$0x300];
	[tilespmem:$0x25D0] =	vst v1  }
0xb8: {  	[tilespmem:$0x2560] =	vst v57  }
0xb9: {  	v60 =	vld [tilespmem:$0x310];
	[tilespmem:$0x25E0] =	vst v2  }
0xba: {  	[tilespmem:$0x2570] =	vst v58  }
0xbb: {  	v61 =	vld [tilespmem:$0x320];
	[tilespmem:$0x25F0] =	vst v0  }
0xbc: {  	[tilespmem:$0x2600] =	vst v59  }
0xbd: {  	v62 =	vld [tilespmem:$0x330];
	[tilespmem:$0x2680] =	vst v7  }
0xbe: {  	[tilespmem:$0x2610] =	vst v60  }
0xbf: {  	v63 =	vld [tilespmem:$0x340];
	[tilespmem:$0x2690] =	vst v6  }
0xc0: {  	[tilespmem:$0x2620] =	vst v61  }
0xc1: {  	v12 =	vld [tilespmem:$0x350];
	[tilespmem:$0x26A0] =	vst v5  }
0xc2: {  	[tilespmem:$0x2630] =	vst v62  }
0xc3: {  	v13 =	vld [tilespmem:$0x360];
	[tilespmem:$0x26B0] =	vst v4  }
0xc4: {  	[tilespmem:$0x2640] =	vst v63  }
0xc5: {  	[tilespmem:$0x26C0] =	vst v3  }
0xc6: {  	[tilespmem:$0x2650] =	vst v12  }
0xc7: {  	[tilespmem:$0x26D0] =	vst v1  }
0xc8: {  	[tilespmem:$0x2660] =	vst v13  }
0xc9: {  	[tilespmem:$0x26E0] =	vst v2  }
0xca: {  	[tilespmem:$0x26F0] =	vst v0  }
0xcb: {  	[tilespmem:$0x2780] =	vst v7  }
0xcc: {  	[tilespmem:$0x2790] =	vst v6  }
0xcd: {  	[tilespmem:$0x27A0] =	vst v5  }
0xce: {  	[tilespmem:$0x27B0] =	vst v4  }
0xcf: {  	[tilespmem:$0x27C0] =	vst v3  }
0xd0: {  	[tilespmem:$0x27D0] =	vst v1  }
0xd1: {  	[tilespmem:$0x27E0] =	vst v2  }
0xd2: {  	[tilespmem:$0x27F0] =	vst v0  }
0xd3: {  	[tilespmem:$0x2880] =	vst v7  }
0xd4: {  	[tilespmem:$0x2890] =	vst v6  }
0xd5: {  	[tilespmem:$0x28A0] =	vst v5  }
0xd6: {  	[tilespmem:$0x28B0] =	vst v4  }
0xd7: {  	[tilespmem:$0x28C0] =	vst v3  }
0xd8: {  	[tilespmem:$0x28D0] =	vst v1  }
0xd9: {  	[tilespmem:$0x28E0] =	vst v2  }
0xda: {  	[tilespmem:$0x28F0] =	vst v0  }
0xdb: {  	[tilespmem:$0x2980] =	vst v7  }
0xdc: {  	[tilespmem:$0x2990] =	vst v6  }
0xdd: {  	[tilespmem:$0x29A0] =	vst v5  }
0xde: {  	[tilespmem:$0x29B0] =	vst v4  }
0xdf: {  	[tilespmem:$0x29C0] =	vst v3  }
0xe0: {  	[tilespmem:$0x29D0] =	vst v1  }
0xe1: {  	[tilespmem:$0x29E0] =	vst v2  }
0xe2: {  	[tilespmem:$0x29F0] =	vst v0  }
0xe3: {  	[tilespmem:$0x2A80] =	vst v7  }
0xe4: {  	[tilespmem:$0x2A90] =	vst v6  }
0xe5: {  	[tilespmem:$0x2AA0] =	vst v5  }
0xe6: {  	[tilespmem:$0x2AB0] =	vst v4  }
0xe7: {  	[tilespmem:$0x2AC0] =	vst v3  }
0xe8: {  	[tilespmem:$0x2AD0] =	vst v1  }
0xe9: {  	[tilespmem:$0x2AE0] =	vst v2  }
0xea: {  	[tilespmem:$0x2AF0] =	vst v0  }
0xeb: {  	[tilespmem:$0x2B80] =	vst v7  }
0xec: {  	[tilespmem:$0x2B90] =	vst v6  }
0xed: {  	[tilespmem:$0x2BA0] =	vst v5  }
0xee: {  	[tilespmem:$0x2BB0] =	vst v4  }
0xef: {  	[tilespmem:$0x2BC0] =	vst v3  }
0xf0: {  	[tilespmem:$0x2BD0] =	vst v1  }
0xf1: {  	[tilespmem:$0x2BE0] =	vst v2  }
0xf2: {  	[tilespmem:$0x2BF0] =	vst v0  }
0xf3: {  	[tilespmem:$0x2C80] =	vst v7  }
0xf4: {  	[tilespmem:$0x2C90] =	vst v6  }
0xf5: {  	[tilespmem:$0x2CA0] =	vst v5  }
0xf6: {  	[tilespmem:$0x2CB0] =	vst v4  }
0xf7: {  	[tilespmem:$0x2CC0] =	vst v3  }
0xf8: {  	[tilespmem:$0x2CD0] =	vst v1  }
0xf9: {  	[tilespmem:$0x2CE0] =	vst v2  }
0xfa: {  	[tilespmem:$0x2CF0] =	vst v0  }
0xfb: {  	[tilespmem:$0x2D80] =	vst v7  }
0xfc: {  	[tilespmem:$0x2D90] =	vst v6  }
0xfd: {  	[tilespmem:$0x2DA0] =	vst v5  }
0xfe: {  	[tilespmem:$0x2DB0] =	vst v4  }
0xff: {  	[tilespmem:$0x2DC0] =	vst v3  }
0x100: {  	[tilespmem:$0x2DD0] =	vst v1  }
0x101: {  	[tilespmem:$0x2DE0] =	vst v2  }
0x102: {  	[tilespmem:$0x2DF0] =	vst v0  }
0x103: {  	[tilespmem:$0x2E80] =	vst v7  }
0x104: {  	[tilespmem:$0x2E90] =	vst v6  }
0x105: {  	[tilespmem:$0x2EA0] =	vst v5  }
0x106: {  	[tilespmem:$0x2EB0] =	vst v4  }
0x107: {  	[tilespmem:$0x2EC0] =	vst v3  }
0x108: {  	[tilespmem:$0x2ED0] =	vst v1  }
0x109: {  	[tilespmem:$0x2EE0] =	vst v2  }
0x10a: {  	[tilespmem:$0x2EF0] =	vst v0  }
0x10b: {  	[tilespmem:$0x2F80] =	vst v7  }
0x10c: {  	[tilespmem:$0x2F90] =	vst v6  }
0x10d: {  	[tilespmem:$0x2FA0] =	vst v5  }
0x10e: {  	[tilespmem:$0x2FB0] =	vst v4  }
0x10f: {  	[tilespmem:$0x2FC0] =	vst v3  }
0x110: {  	[tilespmem:$0x2FD0] =	vst v1  }
0x111: {  	[tilespmem:$0x2FE0] =	vst v2  }
0x112: {  	[tilespmem:$0x32E0] =	vst v2  }
0x113: {  	[tilespmem:$0x32D0] =	vst v1  }
0x114: {  	[tilespmem:$0x32C0] =	vst v3  }
0x115: {  	[tilespmem:$0x32B0] =	vst v4  }
0x116: {  	[tilespmem:$0x32A0] =	vst v5  }
0x117: {  	[tilespmem:$0x3290] =	vst v6  }
0x118: {  	[tilespmem:$0x3280] =	vst v7  }
0x119: {  	[tilespmem:$0x31F0] =	vst v0  }
0x11a: {  	[tilespmem:$0x31E0] =	vst v2  }
0x11b: {  	[tilespmem:$0x31D0] =	vst v1  }
0x11c: {  	[tilespmem:$0x31C0] =	vst v3  }
0x11d: {  	[tilespmem:$0x31B0] =	vst v4  }
0x11e: {  	[tilespmem:$0x31A0] =	vst v5  }
0x11f: {  	[tilespmem:$0x3190] =	vst v6  }
0x120: {  	[tilespmem:$0x3180] =	vst v7  }
0x121: {  	[tilespmem:$0x30F0] =	vst v0  }
0x122: {  	[tilespmem:$0x30E0] =	vst v2  }
0x123: {  	[tilespmem:$0x30D0] =	vst v1  }
0x124: {  	[tilespmem:$0x30C0] =	vst v3  }
0x125: {  	[tilespmem:$0x30B0] =	vst v4  }
0x126: {  	v14 =	vld [tilespmem:$0x370];
	[tilespmem:$0x30A0] =	vst v5  }
0x127: {  	v15 =	vld [tilespmem:$0x380];
	[tilespmem:$0x3090] =	vst v6  }
0x128: {  	v16 =	vld [tilespmem:$0x390];
	[tilespmem:$0x3080] =	vst v7  }
0x129: {  	v17 =	vld [tilespmem:$0x3A0];
	[tilespmem:$0x2FF0] =	vst v0  }
0x12a: {  	v18 =	vld [tilespmem:$0x3B0];
	[tilespmem:$0x32F0] =	vst v0  }
0x12b: {  	v19 =	vld [tilespmem:$0x3C0];
	[tilespmem:$0x2670] =	vst v14  }
0x12c: {  	v20 =	vld [tilespmem:$0x3D0];
	[tilespmem:$0x2700] =	vst v15  }
0x12d: {  	v21 =	vld [tilespmem:$0x3E0];
	[tilespmem:$0x2710] =	vst v16  }
0x12e: {  	v22 =	vld [tilespmem:$0x3F0];
	[tilespmem:$0x2720] =	vst v17  }
0x12f: {  	v23 =	vld [tilespmem:$0x400];
	[tilespmem:$0x2730] =	vst v18  }
0x130: {  	v24 =	vld [tilespmem:$0x410];
	[tilespmem:$0x2740] =	vst v19  }
0x131: {  	v25 =	vld [tilespmem:$0x420];
	[tilespmem:$0x2750] =	vst v20  }
0x132: {  	v26 =	vld [tilespmem:$0x430];
	[tilespmem:$0x2760] =	vst v21  }
0x133: {  	v27 =	vld [tilespmem:$0x440];
	[tilespmem:$0x2770] =	vst v22  }
0x134: {  	v28 =	vld [tilespmem:$0x450];
	[tilespmem:$0x2800] =	vst v23  }
0x135: {  	v29 =	vld [tilespmem:$0x460];
	[tilespmem:$0x2810] =	vst v24  }
0x136: {  	v30 =	vld [tilespmem:$0x470];
	[tilespmem:$0x2820] =	vst v25  }
0x137: {  	v31 =	vld [tilespmem:$0x480];
	[tilespmem:$0x2830] =	vst v26  }
0x138: {  	v32 =	vld [tilespmem:$0x490];
	[tilespmem:$0x2840] =	vst v27  }
0x139: {  	v33 =	vld [tilespmem:$0x4A0];
	[tilespmem:$0x2850] =	vst v28  }
0x13a: {  	v34 =	vld [tilespmem:$0x4B0];
	[tilespmem:$0x2860] =	vst v29  }
0x13b: {  	v35 =	vld [tilespmem:$0x4C0];
	[tilespmem:$0x2870] =	vst v30  }
0x13c: {  	v36 =	vld [tilespmem:$0x4D0];
	[tilespmem:$0x2900] =	vst v31  }
0x13d: {  	v37 =	vld [tilespmem:$0x4E0];
	[tilespmem:$0x2910] =	vst v32  }
0x13e: {  	v38 =	vld [tilespmem:$0x4F0];
	[tilespmem:$0x2920] =	vst v33  }
0x13f: {  	v39 =	vld [tilespmem:$0x500];
	[tilespmem:$0x2930] =	vst v34  }
0x140: {  	v40 =	vld [tilespmem:$0x510];
	[tilespmem:$0x2940] =	vst v35  }
0x141: {  	v41 =	vld [tilespmem:$0x520];
	[tilespmem:$0x2950] =	vst v36  }
0x142: {  	v42 =	vld [tilespmem:$0x530];
	[tilespmem:$0x2960] =	vst v37  }
0x143: {  	v43 =	vld [tilespmem:$0x540];
	[tilespmem:$0x2970] =	vst v38  }
0x144: {  	v44 =	vld [tilespmem:$0x550];
	[tilespmem:$0x2A00] =	vst v39  }
0x145: {  	v45 =	vld [tilespmem:$0x560];
	[tilespmem:$0x2A10] =	vst v40  }
0x146: {  	v46 =	vld [tilespmem:$0x570];
	[tilespmem:$0x2A20] =	vst v41  }
0x147: {  	v47 =	vld [tilespmem:$0x580];
	[tilespmem:$0x2A30] =	vst v42  }
0x148: {  	v48 =	vld [tilespmem:$0x590];
	[tilespmem:$0x2A40] =	vst v43  }
0x149: {  	v49 =	vld [tilespmem:$0x5A0];
	[tilespmem:$0x2A50] =	vst v44  }
0x14a: {  	v50 =	vld [tilespmem:$0x5B0];
	[tilespmem:$0x2A60] =	vst v45  }
0x14b: {  	v51 =	vld [tilespmem:$0x5C0];
	[tilespmem:$0x2A70] =	vst v46  }
0x14c: {  	v52 =	vld [tilespmem:$0x5D0];
	[tilespmem:$0x2B00] =	vst v47  }
0x14d: {  	v53 =	vld [tilespmem:$0x5E0];
	[tilespmem:$0x2B10] =	vst v48  }
0x14e: {  	v54 =	vld [tilespmem:$0x5F0];
	[tilespmem:$0x2B20] =	vst v49  }
0x14f: {  	v55 =	vld [tilespmem:$0x600];
	[tilespmem:$0x2B30] =	vst v50  }
0x150: {  	v56 =	vld [tilespmem:$0x610];
	[tilespmem:$0x2B40] =	vst v51  }
0x151: {  	v57 =	vld [tilespmem:$0x620];
	[tilespmem:$0x2B50] =	vst v52  }
0x152: {  	v58 =	vld [tilespmem:$0x630];
	[tilespmem:$0x2B60] =	vst v53  }
0x153: {  	v59 =	vld [tilespmem:$0x640];
	[tilespmem:$0x2B70] =	vst v54  }
0x154: {  	v60 =	vld [tilespmem:$0x650];
	[tilespmem:$0x2C00] =	vst v55  }
0x155: {  	v61 =	vld [tilespmem:$0x660];
	[tilespmem:$0x2C10] =	vst v56  }
0x156: {  	v62 =	vld [tilespmem:$0x670];
	[tilespmem:$0x2C20] =	vst v57  }
0x157: {  	v63 =	vld [tilespmem:$0x680];
	[tilespmem:$0x2C30] =	vst v58  }
0x158: {  	v12 =	vld [tilespmem:$0x690];
	[tilespmem:$0x2C40] =	vst v59  }
0x159: {  	v13 =	vld [tilespmem:$0x6A0];
	[tilespmem:$0x2C50] =	vst v60  }
0x15a: {  	[tilespmem:$0x2C60] =	vst v61;
	v14 =	vld [tilespmem:$0x6B0]  }
0x15b: {  	[tilespmem:$0x2C70] =	vst v62;
	v15 =	vld [tilespmem:$0x6C0]  }
0x15c: {  	[tilespmem:$0x2D00] =	vst v63;
	v16 =	vld [tilespmem:$0x6D0]  }
0x15d: {  	[tilespmem:$0x2D10] =	vst v12;
	v17 =	vld [tilespmem:$0x6E0]  }
0x15e: {  	[tilespmem:$0x2D20] =	vst v13;
	v18 =	vld [tilespmem:$0x6F0]  }
0x15f: {  	v19 =	vld [tilespmem:$0x700];
	[tilespmem:$0x2D30] =	vst v14  }
0x160: {  	v20 =	vld [tilespmem:$0x710];
	[tilespmem:$0x2D40] =	vst v15  }
0x161: {  	v21 =	vld [tilespmem:$0x720];
	[tilespmem:$0x2D50] =	vst v16  }
0x162: {  	v22 =	vld [tilespmem:$0x730];
	[tilespmem:$0x2D60] =	vst v17  }
0x163: {  	v23 =	vld [tilespmem:$0x740];
	[tilespmem:$0x2D70] =	vst v18  }
0x164: {  	v24 =	vld [tilespmem:$0x750];
	[tilespmem:$0x2E00] =	vst v19  }
0x165: {  	v25 =	vld [tilespmem:$0x760];
	[tilespmem:$0x2E10] =	vst v20  }
0x166: {  	v26 =	vld [tilespmem:$0x770];
	[tilespmem:$0x2E20] =	vst v21  }
0x167: {  	v27 =	vld [tilespmem:$0x780];
	[tilespmem:$0x2E30] =	vst v22  }
0x168: {  	v28 =	vld [tilespmem:$0x790];
	[tilespmem:$0x2E40] =	vst v23  }
0x169: {  	v29 =	vld [tilespmem:$0x7A0];
	[tilespmem:$0x2E50] =	vst v24  }
0x16a: {  	v30 =	vld [tilespmem:$0x7B0];
	[tilespmem:$0x2E60] =	vst v25  }
0x16b: {  	v31 =	vld [tilespmem:$0x7C0];
	[tilespmem:$0x2E70] =	vst v26  }
0x16c: {  	v32 =	vld [tilespmem:$0x7D0];
	[tilespmem:$0x2F00] =	vst v27  }
0x16d: {  	v33 =	vld [tilespmem:$0x7E0];
	[tilespmem:$0x2F10] =	vst v28  }
0x16e: {  	v34 =	vld [tilespmem:$0x7F0];
	[tilespmem:$0x2F20] =	vst v29  }
0x16f: {  	v35 =	vld [tilespmem:$0x960];
	[tilespmem:$0x2F30] =	vst v30  }
0x170: {  	v36 =	vld [tilespmem:$0x950];
	[tilespmem:$0x2F40] =	vst v31  }
0x171: {  	v37 =	vld [tilespmem:$0x940];
	[tilespmem:$0x2F50] =	vst v32  }
0x172: {  	v38 =	vld [tilespmem:$0x930];
	[tilespmem:$0x2F60] =	vst v33  }
0x173: {  	v39 =	vld [tilespmem:$0x920];
	[tilespmem:$0x2F70] =	vst v34  }
0x174: {  	v40 =	vld [tilespmem:$0x910];
	[tilespmem:$0x3260] =	vst v35  }
0x175: {  	v41 =	vld [tilespmem:$0x900];
	[tilespmem:$0x3250] =	vst v36  }
0x176: {  	v42 =	vld [tilespmem:$0x8F0];
	[tilespmem:$0x3240] =	vst v37  }
0x177: {  	v43 =	vld [tilespmem:$0x8E0];
	[tilespmem:$0x3230] =	vst v38  }
0x178: {  	v44 =	vld [tilespmem:$0x8D0];
	[tilespmem:$0x3220] =	vst v39  }
0x179: {  	v45 =	vld [tilespmem:$0x8C0];
	[tilespmem:$0x3210] =	vst v40  }
0x17a: {  	v46 =	vld [tilespmem:$0x8B0];
	[tilespmem:$0x3200] =	vst v41  }
0x17b: {  	v47 =	vld [tilespmem:$0x8A0];
	[tilespmem:$0x3170] =	vst v42  }
0x17c: {  	v48 =	vld [tilespmem:$0x890];
	[tilespmem:$0x3160] =	vst v43  }
0x17d: {  	v49 =	vld [tilespmem:$0x880];
	[tilespmem:$0x3150] =	vst v44  }
0x17e: {  	v50 =	vld [tilespmem:$0x870];
	[tilespmem:$0x3140] =	vst v45  }
0x17f: {  	v51 =	vld [tilespmem:$0x860];
	[tilespmem:$0x3130] =	vst v46  }
0x180: {  	v52 =	vld [tilespmem:$0x850];
	[tilespmem:$0x3120] =	vst v47  }
0x181: {  	v53 =	vld [tilespmem:$0x840];
	[tilespmem:$0x3110] =	vst v48  }
0x182: {  	v54 =	vld [tilespmem:$0x830];
	[tilespmem:$0x3100] =	vst v49  }
0x183: {  	v55 =	vld [tilespmem:$0x820];
	[tilespmem:$0x3070] =	vst v50  }
0x184: {  	v56 =	vld [tilespmem:$0x970];
	[tilespmem:$0x3060] =	vst v51  }
0x185: {  	v57 =	vld [tilespmem:$0x810];
	[tilespmem:$0x3050] =	vst v52  }
0x186: {  	v58 =	vld [tilespmem:$0x800];
	[tilespmem:$0x3040] =	vst v53  }
0x187: {  	v59 =	vld [tilespmem:$0x980];
	[tilespmem:$0x3030] =	vst v54  }
0x188: {  	[tilespmem:$0x3020] =	vst v55  }
0x189: {  	[tilespmem:$0x3270] =	vst v56  }
0x18a: {  	[tilespmem:$0x3010] =	vst v57  }
0x18b: {  	[tilespmem:$0x3000] =	vst v58  }
0x18c: {  	[tilespmem:$0x3300] =	vst v59  }
0x18d: {  	[tilespmem:$0x3380] =	vst v7  }
0x18e: {  	[tilespmem:$0x3390] =	vst v6  }
0x18f: {  	[tilespmem:$0x33A0] =	vst v5  }
0x190: {  	[tilespmem:$0x33B0] =	vst v4  }
0x191: {  	[tilespmem:$0x33C0] =	vst v3  }
0x192: {  	[tilespmem:$0x33D0] =	vst v1  }
0x193: {  	[tilespmem:$0x33E0] =	vst v2  }
0x194: {  	[tilespmem:$0x33F0] =	vst v0  }
0x195: {  	[tilespmem:$0x3480] =	vst v7  }
0x196: {  	[tilespmem:$0x3490] =	vst v6  }
0x197: {  	[tilespmem:$0x34A0] =	vst v5  }
0x198: {  	[tilespmem:$0x34B0] =	vst v4  }
0x199: {  	[tilespmem:$0x34C0] =	vst v3  }
0x19a: {  	[tilespmem:$0x34D0] =	vst v1  }
0x19b: {  	[tilespmem:$0x34E0] =	vst v2  }
0x19c: {  	[tilespmem:$0x34F0] =	vst v0  }
0x19d: {  	[tilespmem:$0x3580] =	vst v7  }
0x19e: {  	[tilespmem:$0x3590] =	vst v6  }
0x19f: {  	[tilespmem:$0x35A0] =	vst v5  }
0x1a0: {  	[tilespmem:$0x35B0] =	vst v4  }
0x1a1: {  	[tilespmem:$0x35C0] =	vst v3  }
0x1a2: {  	[tilespmem:$0x35D0] =	vst v1  }
0x1a3: {  	[tilespmem:$0x35E0] =	vst v2  }
0x1a4: {  	[tilespmem:$0x35F0] =	vst v0  }
0x1a5: {  	[tilespmem:$0x3680] =	vst v7  }
0x1a6: {  	[tilespmem:$0x3690] =	vst v6  }
0x1a7: {  	[tilespmem:$0x36A0] =	vst v5  }
0x1a8: {  	[tilespmem:$0x36B0] =	vst v4  }
0x1a9: {  	[tilespmem:$0x36C0] =	vst v3  }
0x1aa: {  	[tilespmem:$0x36D0] =	vst v1  }
0x1ab: {  	[tilespmem:$0x36E0] =	vst v2  }
0x1ac: {  	[tilespmem:$0x36F0] =	vst v0  }
0x1ad: {  	[tilespmem:$0x3780] =	vst v7  }
0x1ae: {  	[tilespmem:$0x3790] =	vst v6  }
0x1af: {  	[tilespmem:$0x37A0] =	vst v5  }
0x1b0: {  	[tilespmem:$0x37B0] =	vst v4  }
0x1b1: {  	[tilespmem:$0x37C0] =	vst v3  }
0x1b2: {  	[tilespmem:$0x37D0] =	vst v1  }
0x1b3: {  	[tilespmem:$0x37E0] =	vst v2  }
0x1b4: {  	[tilespmem:$0x37F0] =	vst v0  }
0x1b5: {  	[tilespmem:$0x3880] =	vst v7  }
0x1b6: {  	[tilespmem:$0x3890] =	vst v6  }
0x1b7: {  	[tilespmem:$0x38A0] =	vst v5  }
0x1b8: {  	[tilespmem:$0x38B0] =	vst v4  }
0x1b9: {  	[tilespmem:$0x38C0] =	vst v3  }
0x1ba: {  	[tilespmem:$0x38D0] =	vst v1  }
0x1bb: {  	[tilespmem:$0x38E0] =	vst v2  }
0x1bc: {  	[tilespmem:$0x38F0] =	vst v0  }
0x1bd: {  	[tilespmem:$0x3980] =	vst v7  }
0x1be: {  	[tilespmem:$0x3990] =	vst v6  }
0x1bf: {  	[tilespmem:$0x39A0] =	vst v5  }
0x1c0: {  	[tilespmem:$0x39B0] =	vst v4  }
0x1c1: {  	[tilespmem:$0x39C0] =	vst v3  }
0x1c2: {  	[tilespmem:$0x39D0] =	vst v1  }
0x1c3: {  	[tilespmem:$0x39E0] =	vst v2  }
0x1c4: {  	[tilespmem:$0x39F0] =	vst v0  }
0x1c5: {  	[tilespmem:$0x3A80] =	vst v7  }
0x1c6: {  	[tilespmem:$0x3A90] =	vst v6  }
0x1c7: {  	[tilespmem:$0x3AA0] =	vst v5  }
0x1c8: {  	[tilespmem:$0x3AB0] =	vst v4  }
0x1c9: {  	[tilespmem:$0x3AC0] =	vst v3  }
0x1ca: {  	[tilespmem:$0x3AD0] =	vst v1  }
0x1cb: {  	[tilespmem:$0x3AE0] =	vst v2  }
0x1cc: {  	[tilespmem:$0x3AF0] =	vst v0  }
0x1cd: {  	[tilespmem:$0x3B80] =	vst v7  }
0x1ce: {  	[tilespmem:$0x3B90] =	vst v6  }
0x1cf: {  	[tilespmem:$0x3BA0] =	vst v5  }
0x1d0: {  	[tilespmem:$0x3BB0] =	vst v4  }
0x1d1: {  	[tilespmem:$0x3BC0] =	vst v3  }
0x1d2: {  	[tilespmem:$0x3BD0] =	vst v1  }
0x1d3: {  	[tilespmem:$0x3BE0] =	vst v2  }
0x1d4: {  	[tilespmem:$0x3BF0] =	vst v0  }
0x1d5: {  	[tilespmem:$0x3C80] =	vst v7  }
0x1d6: {  	[tilespmem:$0x3C90] =	vst v6  }
0x1d7: {  	[tilespmem:$0x3CA0] =	vst v5  }
0x1d8: {  	[tilespmem:$0x3CB0] =	vst v4  }
0x1d9: {  	[tilespmem:$0x3CC0] =	vst v3  }
0x1da: {  	[tilespmem:$0x3CD0] =	vst v1  }
0x1db: {  	[tilespmem:$0x3CE0] =	vst v2  }
0x1dc: {  	[tilespmem:$0x3CF0] =	vst v0  }
0x1dd: {  	[tilespmem:$0x3D80] =	vst v7  }
0x1de: {  	[tilespmem:$0x3D90] =	vst v6  }
0x1df: {  	[tilespmem:$0x3DA0] =	vst v5  }
0x1e0: {  	[tilespmem:$0x3DB0] =	vst v4  }
0x1e1: {  	[tilespmem:$0x3DC0] =	vst v3  }
0x1e2: {  	[tilespmem:$0x3DD0] =	vst v1  }
0x1e3: {  	[tilespmem:$0x3DE0] =	vst v2  }
0x1e4: {  	[tilespmem:$0x3DF0] =	vst v0  }
0x1e5: {  	[tilespmem:$0x3E80] =	vst v7  }
0x1e6: {  	[tilespmem:$0x3E90] =	vst v6  }
0x1e7: {  	[tilespmem:$0x3EA0] =	vst v5  }
0x1e8: {  	[tilespmem:$0x3EB0] =	vst v4  }
0x1e9: {  	[tilespmem:$0x3EC0] =	vst v3  }
0x1ea: {  	[tilespmem:$0x3ED0] =	vst v1  }
0x1eb: {  	[tilespmem:$0x3F80] =	vst v7  }
0x1ec: {  	[tilespmem:$0x3EE0] =	vst v2  }
0x1ed: {  	[tilespmem:$0x3EF0] =	vst v0  }
0x1ee: {  	[tilespmem:$0x3F90] =	vst v6  }
0x1ef: {  	[tilespmem:$0x3FA0] =	vst v5  }
0x1f0: {  	[tilespmem:$0x3FB0] =	vst v4;
	v8 =	vld [tilespmem:$0x990]  }
0x1f1: {  	[tilespmem:$0x3FC0] =	vst v3;
	v60 =	vld [tilespmem:$0x9A0]  }
0x1f2: {  	[tilespmem:$0x3FD0] =	vst v1;
	v61 =	vld [tilespmem:$0x9B0]  }
0x1f3: {  	[tilespmem:$0x3FE0] =	vst v2;
	v11 =	vld [tilespmem:$0x9C0]  }
0x1f4: {  	[tilespmem:$0x3FF0] =	vst v0;
	v12 =	vld [tilespmem:$0x9D0]  }
0x1f5: {  	v62 =	vld [tilespmem:$0x9E0];
	[tilespmem:$0x3310] =	vst v8  }
0x1f6: {  	v63 =	vld [tilespmem:$0x9F0];
	[tilespmem:$0x3320] =	vst v60  }
0x1f7: {  	v16 =	vld [tilespmem:$0xA00];
	[tilespmem:$0x3330] =	vst v61  }
0x1f8: {  	v17 =	vld [tilespmem:$0xA10];
	[tilespmem:$0x3340] =	vst v11  }
0x1f9: {  	v18 =	vld [tilespmem:$0xA20];
	[tilespmem:$0x3350] =	vst v12  }
0x1fa: {  	v19 =	vld [tilespmem:$0xA30];
	[tilespmem:$0x3360] =	vst v62  }
0x1fb: {  	v20 =	vld [tilespmem:$0xA40];
	[tilespmem:$0x3370] =	vst v63  }
0x1fc: {  	v21 =	vld [tilespmem:$0xA50];
	[tilespmem:$0x3400] =	vst v16  }
0x1fd: {  	v22 =	vld [tilespmem:$0xA60];
	[tilespmem:$0x3410] =	vst v17  }
0x1fe: {  	v23 =	vld [tilespmem:$0xA70];
	[tilespmem:$0x3420] =	vst v18  }
0x1ff: {  	v24 =	vld [tilespmem:$0xA80];
	[tilespmem:$0x3430] =	vst v19  }
0x200: {  	v25 =	vld [tilespmem:$0xA90];
	[tilespmem:$0x3440] =	vst v20  }
0x201: {  	v26 =	vld [tilespmem:$0xAA0];
	[tilespmem:$0x3450] =	vst v21  }
0x202: {  	v27 =	vld [tilespmem:$0xAB0];
	[tilespmem:$0x3460] =	vst v22  }
0x203: {  	v28 =	vld [tilespmem:$0xAC0];
	[tilespmem:$0x3470] =	vst v23  }
0x204: {  	v29 =	vld [tilespmem:$0xAD0];
	[tilespmem:$0x3500] =	vst v24  }
0x205: {  	v30 =	vld [tilespmem:$0xAE0];
	[tilespmem:$0x3510] =	vst v25  }
0x206: {  	v31 =	vld [tilespmem:$0xAF0];
	[tilespmem:$0x3520] =	vst v26  }
0x207: {  	v32 =	vld [tilespmem:$0xB00];
	[tilespmem:$0x3530] =	vst v27  }
0x208: {  	v33 =	vld [tilespmem:$0xB10];
	[tilespmem:$0x3540] =	vst v28  }
0x209: {  	v34 =	vld [tilespmem:$0xB20];
	[tilespmem:$0x3550] =	vst v29  }
0x20a: {  	v35 =	vld [tilespmem:$0xB30];
	[tilespmem:$0x3560] =	vst v30  }
0x20b: {  	v36 =	vld [tilespmem:$0xB40];
	[tilespmem:$0x3570] =	vst v31  }
0x20c: {  	v37 =	vld [tilespmem:$0xB50];
	[tilespmem:$0x3600] =	vst v32  }
0x20d: {  	v38 =	vld [tilespmem:$0xB60];
	[tilespmem:$0x3610] =	vst v33  }
0x20e: {  	v39 =	vld [tilespmem:$0xB70];
	[tilespmem:$0x3620] =	vst v34  }
0x20f: {  	v40 =	vld [tilespmem:$0xB80];
	[tilespmem:$0x3630] =	vst v35  }
0x210: {  	v41 =	vld [tilespmem:$0xB90];
	[tilespmem:$0x3640] =	vst v36  }
0x211: {  	v42 =	vld [tilespmem:$0xBA0];
	[tilespmem:$0x3650] =	vst v37  }
0x212: {  	v43 =	vld [tilespmem:$0xBB0];
	[tilespmem:$0x3660] =	vst v38  }
0x213: {  	v44 =	vld [tilespmem:$0xBC0];
	[tilespmem:$0x3670] =	vst v39  }
0x214: {  	v45 =	vld [tilespmem:$0xBD0];
	[tilespmem:$0x3700] =	vst v40  }
0x215: {  	v46 =	vld [tilespmem:$0xBE0];
	[tilespmem:$0x3710] =	vst v41  }
0x216: {  	v47 =	vld [tilespmem:$0xBF0];
	[tilespmem:$0x3720] =	vst v42  }
0x217: {  	v48 =	vld [tilespmem:$0xC00];
	[tilespmem:$0x3730] =	vst v43  }
0x218: {  	v49 =	vld [tilespmem:$0xC10];
	[tilespmem:$0x3740] =	vst v44  }
0x219: {  	v50 =	vld [tilespmem:$0xC20];
	[tilespmem:$0x3750] =	vst v45  }
0x21a: {  	v51 =	vld [tilespmem:$0xC30];
	[tilespmem:$0x3760] =	vst v46  }
0x21b: {  	v52 =	vld [tilespmem:$0xC40];
	[tilespmem:$0x3770] =	vst v47  }
0x21c: {  	v53 =	vld [tilespmem:$0xC50];
	[tilespmem:$0x3800] =	vst v48  }
0x21d: {  	v54 =	vld [tilespmem:$0xC60];
	[tilespmem:$0x3810] =	vst v49  }
0x21e: {  	v55 =	vld [tilespmem:$0xC70];
	[tilespmem:$0x3820] =	vst v50  }
0x21f: {  	v56 =	vld [tilespmem:$0xC80];
	[tilespmem:$0x3830] =	vst v51  }
0x220: {  	v57 =	vld [tilespmem:$0xC90];
	[tilespmem:$0x3840] =	vst v52  }
0x221: {  	v58 =	vld [tilespmem:$0xCA0];
	[tilespmem:$0x3850] =	vst v53  }
0x222: {  	v59 =	vld [tilespmem:$0xCB0];
	[tilespmem:$0x3860] =	vst v54  }
0x223: {  	[tilespmem:$0x3870] =	vst v55;
	v60 =	vld [tilespmem:$0xCC0]  }
0x224: {  	[tilespmem:$0x3900] =	vst v56;
	v61 =	vld [tilespmem:$0xCD0]  }
0x225: {  	[tilespmem:$0x3910] =	vst v57;
	v62 =	vld [tilespmem:$0xCE0]  }
0x226: {  	[tilespmem:$0x3920] =	vst v58;
	v63 =	vld [tilespmem:$0xCF0]  }
0x227: {  	[tilespmem:$0x3930] =	vst v59;
	v16 =	vld [tilespmem:$0xD00]  }
0x228: {  	v17 =	vld [tilespmem:$0xD10];
	[tilespmem:$0x3940] =	vst v60  }
0x229: {  	v18 =	vld [tilespmem:$0xD20];
	[tilespmem:$0x3950] =	vst v61  }
0x22a: {  	v19 =	vld [tilespmem:$0xD30];
	[tilespmem:$0x3960] =	vst v62  }
0x22b: {  	v20 =	vld [tilespmem:$0xD40];
	[tilespmem:$0x3970] =	vst v63  }
0x22c: {  	v21 =	vld [tilespmem:$0xD50];
	[tilespmem:$0x3A00] =	vst v16  }
0x22d: {  	v22 =	vld [tilespmem:$0xD60];
	[tilespmem:$0x3A10] =	vst v17  }
0x22e: {  	v23 =	vld [tilespmem:$0xD70];
	[tilespmem:$0x3A20] =	vst v18  }
0x22f: {  	v24 =	vld [tilespmem:$0xD80];
	[tilespmem:$0x3A30] =	vst v19  }
0x230: {  	v25 =	vld [tilespmem:$0xD90];
	[tilespmem:$0x3A40] =	vst v20  }
0x231: {  	v26 =	vld [tilespmem:$0xDA0];
	[tilespmem:$0x3A50] =	vst v21  }
0x232: {  	v27 =	vld [tilespmem:$0xDB0];
	[tilespmem:$0x3A60] =	vst v22  }
0x233: {  	v28 =	vld [tilespmem:$0xDC0];
	[tilespmem:$0x3A70] =	vst v23  }
0x234: {  	v29 =	vld [tilespmem:$0xDD0];
	[tilespmem:$0x3B00] =	vst v24  }
0x235: {  	v30 =	vld [tilespmem:$0xDE0];
	[tilespmem:$0x3B10] =	vst v25  }
0x236: {  	v31 =	vld [tilespmem:$0xDF0];
	[tilespmem:$0x3B20] =	vst v26  }
0x237: {  	v32 =	vld [tilespmem:$0xE00];
	[tilespmem:$0x3B30] =	vst v27  }
0x238: {  	v33 =	vld [tilespmem:$0xE10];
	[tilespmem:$0x3B40] =	vst v28  }
0x239: {  	v34 =	vld [tilespmem:$0xE20];
	[tilespmem:$0x3B50] =	vst v29  }
0x23a: {  	v35 =	vld [tilespmem:$0xE30];
	[tilespmem:$0x3B60] =	vst v30  }
0x23b: {  	v36 =	vld [tilespmem:$0xE40];
	[tilespmem:$0x3B70] =	vst v31  }
0x23c: {  	v37 =	vld [tilespmem:$0xE50];
	[tilespmem:$0x3C00] =	vst v32  }
0x23d: {  	v38 =	vld [tilespmem:$0xE60];
	[tilespmem:$0x3C10] =	vst v33  }
0x23e: {  	v39 =	vld [tilespmem:$0xE70];
	[tilespmem:$0x3C20] =	vst v34  }
0x23f: {  	v40 =	vld [tilespmem:$0xE80];
	[tilespmem:$0x3C30] =	vst v35  }
0x240: {  	v41 =	vld [tilespmem:$0xE90];
	[tilespmem:$0x3C40] =	vst v36  }
0x241: {  	v42 =	vld [tilespmem:$0xEA0];
	[tilespmem:$0x3C50] =	vst v37  }
0x242: {  	v43 =	vld [tilespmem:$0xEB0];
	[tilespmem:$0x3C60] =	vst v38  }
0x243: {  	v44 =	vld [tilespmem:$0xEC0];
	[tilespmem:$0x3C70] =	vst v39  }
0x244: {  	v45 =	vld [tilespmem:$0xED0];
	[tilespmem:$0x3D00] =	vst v40  }
0x245: {  	v46 =	vld [tilespmem:$0xEE0];
	[tilespmem:$0x3D10] =	vst v41  }
0x246: {  	v47 =	vld [tilespmem:$0xEF0];
	[tilespmem:$0x3D20] =	vst v42  }
0x247: {  	v48 =	vld [tilespmem:$0xF00];
	[tilespmem:$0x3D30] =	vst v43  }
0x248: {  	v49 =	vld [tilespmem:$0xF10];
	[tilespmem:$0x3D40] =	vst v44  }
0x249: {  	v50 =	vld [tilespmem:$0xF20];
	[tilespmem:$0x3D50] =	vst v45  }
0x24a: {  	v51 =	vld [tilespmem:$0xF30];
	[tilespmem:$0x3D60] =	vst v46  }
0x24b: {  	v52 =	vld [tilespmem:$0xF40];
	[tilespmem:$0x3D70] =	vst v47  }
0x24c: {  	v53 =	vld [tilespmem:$0xF50];
	[tilespmem:$0x3E00] =	vst v48  }
0x24d: {  	v54 =	vld [tilespmem:$0xF60];
	[tilespmem:$0x3E10] =	vst v49  }
0x24e: {  	v55 =	vld [tilespmem:$0xF70];
	[tilespmem:$0x3E20] =	vst v50  }
0x24f: {  	v56 =	vld [tilespmem:$0xF80];
	[tilespmem:$0x3E30] =	vst v51  }
0x250: {  	v57 =	vld [tilespmem:$0xF90];
	[tilespmem:$0x3E40] =	vst v52  }
0x251: {  	v58 =	vld [tilespmem:$0xFA0];
	[tilespmem:$0x3E50] =	vst v53  }
0x252: {  	v59 =	vld [tilespmem:$0xFB0];
	[tilespmem:$0x3E60] =	vst v54  }
0x253: {  	[tilespmem:$0x3E70] =	vst v55;
	v60 =	vld [tilespmem:$0xFC0]  }
0x254: {  	[tilespmem:$0x3F00] =	vst v56;
	v61 =	vld [tilespmem:$0xFD0]  }
0x255: {  	[tilespmem:$0x3F10] =	vst v57;
	v62 =	vld [tilespmem:$0xFE0]  }
0x256: {  	[tilespmem:$0x3F20] =	vst v58;
	v63 =	vld [tilespmem:$0xFF0]  }
0x257: {  	[tilespmem:$0x3F30] =	vst v59  }
0x258: {  	s0 =	sld [smem:$0x7EF];
	[tilespmem:$0x3F40] =	vst v60  }
0x259: {  	s29 =	rddreg [dreg:$0x6];
	[tilespmem:$0x3F50] =	vst v61  }
0x25a: {  	s30 =	sld [smem:$0x7F0];
	[tilespmem:$0x3F60] =	vst v62  }
0x25b: {  	s31 =	rddreg [dreg:$0x7];
	[tilespmem:$0x3F70] =	vst v63  }
0x25c: {  	[spmem:s3] =	stream.strided.scatter [tilespmem:s0], [sflag:$0x1], $0x100, s9, s8, $0x38;
	[tilespmem:$0x6000] =	vst v63  }
0x25d: {  	s0 =	sld [smem:$0x7F1]  }
0x25e: {  	[spmem:s29] =	stream.strided.scatter [tilespmem:s30], [sflag:$0x1], $0x100, s9, s8, $0x38;
	[tilespmem:$0x6000] =	vst v63  }
0x25f: {  	s29 =	sld [smem:$0x7F2]  }
0x260: {  	s30 =	rddreg [dreg:$0x9]  }
0x261: {  	[spmem:s31] =	stream.strided.scatter [tilespmem:s0], [sflag:$0x1], $0x100, s9, s8, $0x38;
	[tilespmem:$0x6000] =	vst v63  }
0x262: {  	s0 =	rddreg [dreg:$0x8]  }
0x263: {  	s31 =	sld [smem:$0x7F3]  }
0x264: {  	[spmem:s0] =	stream.strided.scatter [tilespmem:s29], [sflag:$0x1], $0x100, s9, s8, $0x38;
	[tilespmem:$0x6000] =	vst v63  }
0x265: {  	s0 =	rddreg [dreg:$0xa]  }
0x266: {  	s29 =	sld [smem:$0x7F4]  }
0x267: {  	[spmem:s30] =	stream.strided.scatter [tilespmem:s31], [sflag:$0x1], $0x100, s9, s8, $0x38;
	[tilespmem:$0x6000] =	vst v63  }
0x268: {  	s30 =	rddreg [dreg:$0xb]  }
0x269: {  	s31 =	sld [smem:$0x7F5]  }
0x26a: {  	[spmem:s0] =	stream.strided.scatter [tilespmem:s29], [sflag:$0x1], $0x100, s9, s8, $0x38;
	[tilespmem:$0x6000] =	vst v63  }
0x26b: {  	s0 =	rddreg [dreg:$0xc]  }
0x26c: {  	s29 =	sld [smem:$0x7F6]  }
0x26d: {  	[spmem:s30] =	stream.strided.scatter [tilespmem:s31], [sflag:$0x1], $0x100, s9, s8, $0x38;
	[tilespmem:$0x6000] =	vst v63  }
0x26e: {  	s30 =	rddreg [dreg:$0xd]  }
0x26f: {  	s31 =	sld [smem:$0x7F7]  }
0x270: {  	[spmem:s0] =	stream.strided.scatter [tilespmem:s29], [sflag:$0x1], $0x100, s9, s8, $0x38;
	[tilespmem:$0x6000] =	vst v63  }
0x271: {  	s0 =	rddreg [dreg:$0xe]  }
0x272: {  	s29 =	sld [smem:$0x7F8]  }
0x273: {  	[spmem:s30] =	stream.strided.scatter [tilespmem:s31], [sflag:$0x1], $0x100, s9, s8, $0x38;
	[tilespmem:$0x6000] =	vst v63  }
0x274: {  	s30 =	rddreg [dreg:$0xf]  }
0x275: {  	s31 =	sld [smem:$0x7F9]  }
0x276: {  	[spmem:s0] =	stream.strided.scatter [tilespmem:s29], [sflag:$0x1], $0x100, s9, s8, $0x38;
	[tilespmem:$0x6000] =	vst v63  }
0x277: {  	s0 =	rddreg [dreg:$0x10]  }
0x278: {  	s29 =	sld [smem:$0x7FA]  }
0x279: {  	[spmem:s30] =	stream.strided.scatter [tilespmem:s31], [sflag:$0x1], $0x100, s9, s8, $0x38;
	[tilespmem:$0x6000] =	vst v63  }
0x27a: {  	s30 =	rddreg [dreg:$0x11]  }
0x27b: {  	s31 =	sld [smem:$0x7FB]  }
0x27c: {  	[spmem:s0] =	stream.strided.scatter [tilespmem:s29], [sflag:$0x1], $0x100, s9, s8, $0x38;
	[tilespmem:$0x6000] =	vst v63  }
0x27d: {  	s0 =	rddreg [dreg:$0x12]  }
0x27e: {  	s29 =	sld [smem:$0x7FC]  }
0x27f: {  	[spmem:s30] =	stream.strided.scatter [tilespmem:s31], [sflag:$0x1], $0x100, s9, s8, $0x38;
	[tilespmem:$0x6000] =	vst v63  }
0x280: {  	s30 =	rddreg [dreg:$0x13]  }
0x281: {  	s31 =	sld [smem:$0x7FD]  }
0x282: {  	[spmem:s0] =	stream.strided.scatter [tilespmem:s29], [sflag:$0x1], $0x100, s9, s8, $0x38;
	[tilespmem:$0x6000] =	vst v63  }
0x283: {  	s0 =	rddreg [dreg:$0x14]  }
0x284: {  	[spmem:s30] =	stream.strided.scatter [tilespmem:s31], [sflag:$0x1], $0x100, s9, s8, $0x38;
	[tilespmem:$0x6000] =	vst v63  }
0x285: {  	s30 =	rddreg [dreg:$0x15]  }
0x286: {  	[spmem:s0] =	stream.strided.scatter [tilespmem:s10], [sflag:$0x1], $0x100, s9, s8, $0x38;
	[tilespmem:$0x6000] =	vst v63  }
0x287: {  	s31 =	rddreg [dreg:$0x16]  }
0x288: {  	[spmem:s30] =	stream.strided.scatter [tilespmem:s11], [sflag:$0x1], $0x100, s9, s8, $0x38;
	[tilespmem:$0x6000] =	vst v63  }
0x289: {  	s30 =	rddreg [dreg:$0x17]  }
0x28a: {  	[spmem:s31] =	stream.strided.scatter [tilespmem:s12], [sflag:$0x1], $0x100, s9, s8, $0x38;
	[tilespmem:$0x6000] =	vst v63  }
0x28b: {  	s31 =	rddreg [dreg:$0x18]  }
0x28c: {  	[spmem:s30] =	stream.strided.scatter [tilespmem:s13], [sflag:$0x1], $0x100, s9, s8, $0x38;
	[tilespmem:$0x6000] =	vst v63  }
0x28d: {  	s30 =	rddreg [dreg:$0x19]  }
0x28e: {  	[spmem:s31] =	stream.strided.scatter [tilespmem:s14], [sflag:$0x1], $0x100, s9, s8, $0x38;
	[tilespmem:$0x6000] =	vst v63  }
0x28f: {  	s31 =	rddreg [dreg:$0x1a]  }
0x290: {  	[spmem:s30] =	stream.strided.scatter [tilespmem:s15], [sflag:$0x1], $0x100, s9, s8, $0x38;
	[tilespmem:$0x6000] =	vst v63  }
0x291: {  	s30 =	rddreg [dreg:$0x1b]  }
0x292: {  	[spmem:s31] =	stream.strided.scatter [tilespmem:s16], [sflag:$0x1], $0x100, s9, s8, $0x38;
	[tilespmem:$0x6000] =	vst v63  }
0x293: {  	s31 =	rddreg [dreg:$0x1c]  }
0x294: {  	[spmem:s30] =	stream.strided.scatter [tilespmem:s17], [sflag:$0x1], $0x100, s9, s8, $0x38;
	[tilespmem:$0x6000] =	vst v63  }
0x295: {  	s30 =	rddreg [dreg:$0x1d]  }
0x296: {  	[spmem:s31] =	stream.strided.scatter [tilespmem:s18], [sflag:$0x1], $0x100, s9, s8, $0x38;
	[tilespmem:$0x6000] =	vst v63  }
0x297: {  	s31 =	rddreg [dreg:$0x1e]  }
0x298: {  	[spmem:s30] =	stream.strided.scatter [tilespmem:s19], [sflag:$0x1], $0x100, s9, s8, $0x38;
	[tilespmem:$0x6000] =	vst v63  }
0x299: {  	s30 =	rddreg [dreg:$0x1f]  }
0x29a: {  	[spmem:s31] =	stream.strided.scatter [tilespmem:s20], [sflag:$0x1], $0x100, s9, s8, $0x38;
	[tilespmem:$0x6000] =	vst v63  }
0x29b: {  	s31 =	sld [smem:$0x7DA]  }
0x29c: {  	[spmem:s30] =	stream.strided.scatter [tilespmem:s21], [sflag:$0x1], $0x100, s9, s8, $0x38;
	[tilespmem:$0x6000] =	vst v63  }
0x29d: {  	s30 =	sld [smem:$0x7DB]  }
0x29e: {  	[spmem:s31] =	stream.strided.scatter [tilespmem:s22], [sflag:$0x1], $0x100, s9, s8, $0x38;
	[tilespmem:$0x6000] =	vst v63  }
0x29f: {  	s31 =	sld [smem:$0x7DC]  }
0x2a0: {  	[spmem:s30] =	stream.strided.scatter [tilespmem:s23], [sflag:$0x1], $0x100, s9, s8, $0x38;
	[tilespmem:$0x6000] =	vst v63  }
0x2a1: {  	s30 =	sld [smem:$0x7DD]  }
0x2a2: {  	[spmem:s31] =	stream.strided.scatter [tilespmem:s24], [sflag:$0x1], $0x100, s9, s8, $0x38;
	[tilespmem:$0x6000] =	vst v63  }
0x2a3: {  	s31 =	sld [smem:$0x7DE]  }
0x2a4: {  	[spmem:s30] =	stream.strided.scatter [tilespmem:s25], [sflag:$0x1], $0x100, s9, s8, $0x38;
	[tilespmem:$0x6000] =	vst v63  }
0x2a5: {  	_ = 	snop  }
0x2a6: {  	[spmem:s31] =	stream.strided.scatter [tilespmem:s26], [sflag:$0x1], $0x100, s9, s8, $0x38;
	[tilespmem:$0x6000] =	vst v63  }
0x2a7: {  	_ =	swait.ge [sflag:s28], $0x100  }
0x2a8: {  	[sflag:s28] =	ssyncset.done $0x0  }
0x2a9: {  	[sflag:s28] =	ssyncadd.s32 $0xFFFFFF00  }
0x2aa: {  	_ =	swait.ge [sflag:s28], $0x100  }
0x2ab: {  	[sflag:s28] =	ssyncset.done $0x0  }
0x2ac: {  	[sflag:s28] =	ssyncadd.s32 $0xFFFFFF00  }
0x2ad: {  	_ =	swait.ge [sflag:s28], $0x100  }
0x2ae: {  	[sflag:s28] =	ssyncset.done $0x0  }
0x2af: {  	[sflag:s28] =	ssyncadd.s32 $0xFFFFFF00  }
0x2b0: {  	_ =	swait.ge [sflag:s28], $0x100  }
0x2b1: {  	[sflag:s28] =	ssyncset.done $0x0  }
0x2b2: {  	[sflag:s28] =	ssyncadd.s32 $0xFFFFFF00  }
0x2b3: {  	_ =	swait.ge [sflag:s28], $0x100  }
0x2b4: {  	[sflag:s28] =	ssyncset.done $0x0  }
0x2b5: {  	[sflag:s28] =	ssyncadd.s32 $0xFFFFFF00  }
0x2b6: {  	_ =	swait.ge [sflag:s28], $0x100  }
0x2b7: {  	[sflag:s28] =	ssyncset.done $0x0  }
0x2b8: {  	[sflag:s28] =	ssyncadd.s32 $0xFFFFFF00  }
0x2b9: {  	_ =	swait.ge [sflag:s28], $0x100  }
0x2ba: {  	[sflag:s28] =	ssyncset.done $0x0  }
0x2bb: {  	[sflag:s28] =	ssyncadd.s32 $0xFFFFFF00  }
0x2bc: {  	_ =	swait.ge [sflag:s28], $0x100  }
0x2bd: {  	[sflag:s28] =	ssyncset.done $0x0  }
0x2be: {  	[sflag:s28] =	ssyncadd.s32 $0xFFFFFF00  }
0x2bf: {  	_ =	swait.ge [sflag:s28], $0x100  }
0x2c0: {  	[sflag:s28] =	ssyncset.done $0x0  }
0x2c1: {  	[sflag:s28] =	ssyncadd.s32 $0xFFFFFF00  }
0x2c2: {  	_ =	swait.ge [sflag:s28], $0x100  }
0x2c3: {  	[sflag:s28] =	ssyncset.done $0x0  }
0x2c4: {  	[sflag:s28] =	ssyncadd.s32 $0xFFFFFF00  }
0x2c5: {  	_ =	swait.ge [sflag:s28], $0x100  }
0x2c6: {  	[sflag:s28] =	ssyncset.done $0x0  }
0x2c7: {  	[sflag:s28] =	ssyncadd.s32 $0xFFFFFF00  }
0x2c8: {  	_ =	swait.ge [sflag:s28], $0x100  }
0x2c9: {  	[sflag:s28] =	ssyncset.done $0x0  }
0x2ca: {  	[sflag:s28] =	ssyncadd.s32 $0xFFFFFF00  }
0x2cb: {  	_ =	swait.ge [sflag:s28], $0x100  }
0x2cc: {  	[sflag:s28] =	ssyncset.done $0x0  }
0x2cd: {  	[sflag:s28] =	ssyncadd.s32 $0xFFFFFF00  }
0x2ce: {  	_ =	swait.ge [sflag:s28], $0x100  }
0x2cf: {  	[sflag:s28] =	ssyncset.done $0x0  }
0x2d0: {  	[sflag:s28] =	ssyncadd.s32 $0xFFFFFF00  }
0x2d1: {  	_ =	swait.ge [sflag:s28], $0x100  }
0x2d2: {  	[sflag:s28] =	ssyncset.done $0x0  }
0x2d3: {  	[sflag:s28] =	ssyncadd.s32 $0xFFFFFF00  }
0x2d4: {  	_ =	swait.ge [sflag:s28], $0x100  }
0x2d5: {  	[sflag:s28] =	ssyncset.done $0x0  }
0x2d6: {  	[sflag:s28] =	ssyncadd.s32 $0xFFFFFF00  }
0x2d7: {  	_ =	swait.ge [sflag:s28], $0x100  }
0x2d8: {  	[sflag:s28] =	ssyncset.done $0x0  }
0x2d9: {  	[sflag:s28] =	ssyncadd.s32 $0xFFFFFF00  }
0x2da: {  	_ =	swait.ge [sflag:s28], $0x100  }
0x2db: {  	[sflag:s28] =	ssyncset.done $0x0  }
0x2dc: {  	[sflag:s28] =	ssyncadd.s32 $0xFFFFFF00  }
0x2dd: {  	_ =	swait.ge [sflag:s28], $0x100  }
0x2de: {  	[sflag:s28] =	ssyncset.done $0x0  }
0x2df: {  	[sflag:s28] =	ssyncadd.s32 $0xFFFFFF00  }
0x2e0: {  	_ =	swait.ge [sflag:s28], $0x100  }
0x2e1: {  	[sflag:s28] =	ssyncset.done $0x0  }
0x2e2: {  	[sflag:s28] =	ssyncadd.s32 $0xFFFFFF00  }
0x2e3: {  	_ =	swait.ge [sflag:s28], $0x100  }
0x2e4: {  	[sflag:s28] =	ssyncset.done $0x0  }
0x2e5: {  	[sflag:s28] =	ssyncadd.s32 $0xFFFFFF00  }
0x2e6: {  	_ =	swait.ge [sflag:s28], $0x100  }
0x2e7: {  	[sflag:s28] =	ssyncset.done $0x0  }
0x2e8: {  	[sflag:s28] =	ssyncadd.s32 $0xFFFFFF00  }
0x2e9: {  	_ =	swait.ge [sflag:s28], $0x100  }
0x2ea: {  	[sflag:s28] =	ssyncset.done $0x0  }
0x2eb: {  	[sflag:s28] =	ssyncadd.s32 $0xFFFFFF00  }
0x2ec: {  	_ =	swait.ge [sflag:s28], $0x100  }
0x2ed: {  	[sflag:s28] =	ssyncset.done $0x0  }
0x2ee: {  	[sflag:s28] =	ssyncadd.s32 $0xFFFFFF00  }
0x2ef: {  	_ =	swait.ge [sflag:s28], $0x100  }
0x2f0: {  	[sflag:s28] =	ssyncset.done $0x0  }
0x2f1: {  	[sflag:s28] =	ssyncadd.s32 $0xFFFFFF00  }
0x2f2: {  	_ =	swait.ge [sflag:s28], $0x100  }
0x2f3: {  	[sflag:s28] =	ssyncset.done $0x0  }
0x2f4: {  	[sflag:s28] =	ssyncadd.s32 $0xFFFFFF00  }
0x2f5: {  	_ =	swait.ge [sflag:s28], $0x100  }
0x2f6: {  	[sflag:s28] =	ssyncset.done $0x0  }
0x2f7: {  	[sflag:s28] =	ssyncadd.s32 $0xFFFFFF00  }
0x2f8: {  	_ =	swait.ge [sflag:s28], $0x100  }
0x2f9: {  	[sflag:s28] =	ssyncset.done $0x0  }
0x2fa: {  	[sflag:s28] =	ssyncadd.s32 $0xFFFFFF00  }
0x2fb: {  	_ =	swait.ge [sflag:s28], $0x100  }
0x2fc: {  	[sflag:s28] =	ssyncset.done $0x0  }
0x2fd: {  	[sflag:s28] =	ssyncadd.s32 $0xFFFFFF00  }
0x2fe: {  	_ =	swait.ge [sflag:s28], $0x100  }
0x2ff: {  	[sflag:s28] =	ssyncset.done $0x0  }
0x300: {  	[sflag:s28] =	ssyncadd.s32 $0xFFFFFF00  }
0x301: {  	_ =	swait.ge [sflag:s28], $0x100  }
0x302: {  	[sflag:s28] =	ssyncset.done $0x0  }
0x303: {  	[sflag:s28] =	ssyncadd.s32 $0xFFFFFF00  }
0x304: {  	_ =	swait.ge [sflag:s28], $0x100  }
0x305: {  	s30 =	sshll.u32 s1, $0x6;
	[sflag:s28] =	ssyncset.done $0x0  }
0x306: {  	s29 =	sshrl.u32 s3, $0x3;
	s0 =	sor.u32 $0x1C01, s30;
	[sflag:s28] =	ssyncadd.s32 $0xFFFFFF00  }
0x307: {  	[hbm:s4], [sflag:s0] =	dma.local [spmem:s29], $0x400  }
0x308: {  	s31 =	sld [smem:$0x7DF];
	_ =	sdelay $0x2  }
0x309: {  	[hbm:s31], [sflag:s0] =	dma.local [spmem:s29], $0x400  }
0x30a: {  	s30 =	sld [smem:$0x7E0];
	_ =	sdelay $0x2  }
0x30b: {  	[hbm:s30], [sflag:s0] =	dma.local [spmem:s29], $0x400  }
0x30c: {  	s30 =	sld [smem:$0x7E1];
	_ =	sdelay $0x2  }
0x30d: {  	[hbm:s30], [sflag:s0] =	dma.local [spmem:s29], $0x400  }
0x30e: {  	s30 =	sld [smem:$0x7E2];
	_ =	sdelay $0x2  }
0x30f: {  	[hbm:s30], [sflag:s0] =	dma.local [spmem:s29], $0x400  }
0x310: {  	s30 =	sld [smem:$0x7E3];
	_ =	sdelay $0x2  }
0x311: {  	[hbm:s30], [sflag:s0] =	dma.local [spmem:s29], $0x400  }
0x312: {  	s30 =	sld [smem:$0x7E4];
	_ =	sdelay $0x2  }
0x313: {  	[hbm:s30], [sflag:s0] =	dma.local [spmem:s29], $0x400  }
0x314: {  	s30 =	sld [smem:$0x7E5];
	_ =	sdelay $0x2  }
0x315: {  	[hbm:s30], [sflag:s0] =	dma.local [spmem:s29], $0x400  }
0x316: {  	s30 =	sld [smem:$0x7E6];
	_ =	sdelay $0x2  }
0x317: {  	[hbm:s30], [sflag:s0] =	dma.local [spmem:s29], $0x400  }
0x318: {  	s30 =	sld [smem:$0x7E7];
	_ =	sdelay $0x2  }
0x319: {  	[hbm:s30], [sflag:s0] =	dma.local [spmem:s29], $0x400  }
0x31a: {  	s30 =	sld [smem:$0x7E8];
	_ =	sdelay $0x2  }
0x31b: {  	[hbm:s30], [sflag:s0] =	dma.local [spmem:s29], $0x400  }
0x31c: {  	s30 =	sld [smem:$0x7E9];
	_ =	sdelay $0x2  }
0x31d: {  	[hbm:s30], [sflag:s0] =	dma.local [spmem:s29], $0x400  }
0x31e: {  	s30 =	sld [smem:$0x7EA];
	_ =	sdelay $0x2  }
0x31f: {  	[hbm:s30], [sflag:s0] =	dma.local [spmem:s29], $0x400  }
0x320: {  	s30 =	sld [smem:$0x7EB];
	_ =	sdelay $0x2  }
0x321: {  	[hbm:s30], [sflag:s0] =	dma.local [spmem:s29], $0x400  }
0x322: {  	s30 =	sld [smem:$0x7EC];
	_ =	sdelay $0x2  }
0x323: {  	[hbm:s30], [sflag:s0] =	dma.local [spmem:s29], $0x400  }
0x324: {  	s30 =	sld [smem:$0x7ED];
	_ =	sdelay $0x2  }
0x325: {  	[hbm:s30], [sflag:s0] =	dma.local [spmem:s29], $0x400  }
0x326: {  	_ =	swait.ge [sflag:s28], $0x400  }
0x327: {  	[sflag:s28] =	ssyncset.done $0x0  }
0x328: {  	[sflag:s28] =	ssyncadd.s32 $0xFFFFFC00  }
0x329: {  	_ =	swait.ge [sflag:s28], $0x400  }
0x32a: {  	[sflag:s28] =	ssyncset.done $0x0  }
0x32b: {  	[sflag:s28] =	ssyncadd.s32 $0xFFFFFC00  }
0x32c: {  	_ =	swait.ge [sflag:s28], $0x400  }
0x32d: {  	[sflag:s28] =	ssyncset.done $0x0  }
0x32e: {  	[sflag:s28] =	ssyncadd.s32 $0xFFFFFC00  }
0x32f: {  	_ =	swait.ge [sflag:s28], $0x400  }
0x330: {  	[sflag:s28] =	ssyncset.done $0x0  }
0x331: {  	[sflag:s28] =	ssyncadd.s32 $0xFFFFFC00  }
0x332: {  	_ =	swait.ge [sflag:s28], $0x400  }
0x333: {  	[sflag:s28] =	ssyncset.done $0x0  }
0x334: {  	[sflag:s28] =	ssyncadd.s32 $0xFFFFFC00  }
0x335: {  	_ =	swait.ge [sflag:s28], $0x400  }
0x336: {  	[sflag:s28] =	ssyncset.done $0x0  }
0x337: {  	[sflag:s28] =	ssyncadd.s32 $0xFFFFFC00  }
0x338: {  	_ =	swait.ge [sflag:s28], $0x400  }
0x339: {  	[sflag:s28] =	ssyncset.done $0x0  }
0x33a: {  	[sflag:s28] =	ssyncadd.s32 $0xFFFFFC00  }
0x33b: {  	_ =	swait.ge [sflag:s28], $0x400  }
0x33c: {  	[sflag:s28] =	ssyncset.done $0x0  }
0x33d: {  	[sflag:s28] =	ssyncadd.s32 $0xFFFFFC00  }
0x33e: {  	_ =	swait.ge [sflag:s28], $0x400  }
0x33f: {  	[sflag:s28] =	ssyncset.done $0x0  }
0x340: {  	[sflag:s28] =	ssyncadd.s32 $0xFFFFFC00  }
0x341: {  	_ =	swait.ge [sflag:s28], $0x400  }
0x342: {  	[sflag:s28] =	ssyncset.done $0x0  }
0x343: {  	[sflag:s28] =	ssyncadd.s32 $0xFFFFFC00  }
0x344: {  	_ =	swait.ge [sflag:s28], $0x400  }
0x345: {  	[sflag:s28] =	ssyncset.done $0x0  }
0x346: {  	[sflag:s28] =	ssyncadd.s32 $0xFFFFFC00  }
0x347: {  	_ =	swait.ge [sflag:s28], $0x400  }
0x348: {  	[sflag:s28] =	ssyncset.done $0x0  }
0x349: {  	[sflag:s28] =	ssyncadd.s32 $0xFFFFFC00  }
0x34a: {  	_ =	swait.ge [sflag:s28], $0x400  }
0x34b: {  	[sflag:s28] =	ssyncset.done $0x0  }
0x34c: {  	[sflag:s28] =	ssyncadd.s32 $0xFFFFFC00  }
0x34d: {  	_ =	swait.ge [sflag:s28], $0x400  }
0x34e: {  	[sflag:s28] =	ssyncset.done $0x0  }
0x34f: {  	[sflag:s28] =	ssyncadd.s32 $0xFFFFFC00  }
0x350: {  	p0 =	sne.s32 s6, $0x1;
	_ =	swait.ge [sflag:s28], $0x400  }
.Ltmp0:
0x351: {  	[sflag:s28] =	ssyncset.done $0x0;
	(pc) =	sbr.rel @p0 .LBB2_1-.Ltmp0, $4  }
0x352: {  	[sflag:s28] =	ssyncadd.s32 $0xFFFFFC00  }
0x353: {  	_ =	swait.ge [sflag:s28], $0x400  }
0x354: {  	[sflag:s28] =	ssyncset.done $0x0  }
0x355: {  	s6 =	sadd.s32 $0xFFFFFFFF, s6;
	[sflag:s28] =	ssyncadd.s32 $0xFFFFFC00  }
0x356: {  	_ =	sfence.sel $0x180000  }
0x357: {  	[bflag:$0x0] =	sbarrier.arrive $0xFFFF  }
0x358: {  	_ =	strace $0x90000047  }
0x359: {  	[bflag:$0x2] =	sbarrier.arrive $0xFFFF  }
0x35a: {  	p0 =	sne.s32 s1, $0x0;
	s0 =	rddreg [dreg:$0x3]  }
0x35b: {  	s0 =	sadd.s32 @!p0 $0x100000, s0  }
0x35c: {  	[sflag:s0] =	ssyncadd.tile.s32 @!p0 $0x1;
	_ =	shalt  }
.Lfunc_end2:
_tile_overlayer_lowered:
.L_overlay_start_2:
0x35d: {  	(tag) =	ssettag $0x2  }
0x35e: {  	s0 =	rddreg [dreg:$0x0];
	s2 =	stileid.u32  }
0x35f: {  	s1 =	rddreg [dreg:$0x1];
	p0 =	sne.s32 s2, $0x0  }
0x360: {  	s3 =	rddreg [dreg:$0x2];
	[bflag:$0x3] =	sbarrier.arrive $0xFFFF;
	s2 =	simm.s32 @!p0 $0x1C02  }
0x361: {  	[timem:s3], [sflag:s2] =	dma.local @!p0 [hbm:s0], s1  }
0x362: {  	s0 =	simm.s32 @!p0 $0x2  }
0x363: {  	_ =	swait.ge @!p0 [sflag:s0], s1  }
0x364: {  	s1 =	ssub.s32 @!p0 $0x0, s1;
	[sflag:s0] =	ssyncset.done @!p0 $0x0  }
0x365: {  	[sflag:s0] =	ssyncadd.s32 @!p0 s1  }
0x366: {  	[bflag:$0x3] =	sbarrier.arrive $0xFFFF  }
0x367: {  	_ =	shalt  }

</sc_bundles>
